<compile_context>
chip_gen: v7x
topology: tpu7x:2x2x1
jax: 0.10.2.dev20260603
libtpu: 0.0.44.dev20260713+nightly
codegen_flags: <defaults>
</compile_context>

<pallas_src>
import functools

import jax
import jax.numpy as jnp
from jax import lax
from jax.experimental import pallas as pl
from jax.experimental.pallas import tpu as pltpu
from jax.experimental.pallas import tpu_sc as plsc

N = 10000
E = 160000
R = 8
IN = 256
H = 512
OUT = 256
G = 64

NC = 2
NS = 16
NW = NC * NS
ROWS = 160
CH = 64
N_PAD = ROWS * CH
NB = R * CH
BPW = NB // NW
KB = 32
GB = 8
ZR = 40
CW = 128
D1 = IN + CW
P_MAX = E + NB * 2 * KB
P_ALLOC = P_MAX + GB * KB

_f32 = jnp.float32
_i32 = jnp.int32


@functools.lru_cache(maxsize=None)
def _make_sc_agg(D):
  mesh = plsc.VectorSubcoreMesh(
      core_axis_name="c", subcore_axis_name="s", num_cores=NC, num_subcores=NS)

  def body(table, gidx, sidx, tb16, base16, agg,
           m_v, gi_b, si_b, rows_a, rows_b, acc_v, zz_sh, sem_a, sem_b):
    c = lax.axis_index("c")
    s = lax.axis_index("s")
    w = c * NS + s

    @pl.loop(0, ROWS)
    def _zz(i):
      @pl.loop(0, D // 16)
      def _zl(l):
        acc_v[i, pl.ds(l * 16, 16)] = jnp.zeros((16,), _f32)

    pltpu.sync_copy(acc_v.at[pl.ds(0, ZR)], zz_sh)
    plsc.subcore_barrier()

    def zero_acc():
      for z in range(ROWS // ZR):
        pltpu.sync_copy(zz_sh, acc_v.at[pl.ds(z * ZR, ZR)])

    mofs = pl.multiple_of(w * 16, 16)
    pltpu.sync_copy(tb16.at[pl.ds(mofs, 16)], m_v)
    tb = m_v[...][0]
    pltpu.sync_copy(base16.at[pl.ds(mofs, 16)], m_v)
    base = m_v[...][0]

    def stage(t):
      e0 = pl.multiple_of(base + t * KB, KB)
      pltpu.sync_copy(gidx.at[pl.ds(e0, GB * KB)], gi_b)
      pltpu.sync_copy(sidx.at[pl.ds(e0, GB * KB)], si_b)

    ABL_NO_GATHER = True

    def start_gather(t, buf, sm):
      if ABL_NO_GATHER:
        return None
      rem = lax.rem(t, GB)
      return pltpu.async_copy(table.at[gi_b.at[pl.ds(rem * KB, KB)]], buf, sm)

    def load_si(t):
      rem = lax.rem(t, GB)
      return (si_b[pl.ds(rem * KB, 16)], si_b[pl.ds(rem * KB + 16, 16)])

    def rmw_and_flush(sv0, sv1, buf):
      d0 = jnp.bitwise_and(sv0, 255)
      d1 = jnp.bitwise_and(sv1, 255)
      if True:
        d = d0[0]
        for l in range(D // 16):
          sl = pl.ds(l * 16, 16)
          plsc.addupdate(acc_v.at[d, sl], buf[0, sl])
      else:
        for jj in range(16):
          d = d0[jj]
          for l in range(D // 16):
            sl = pl.ds(l * 16, 16)
            plsc.addupdate(acc_v.at[d, sl], buf[jj, sl])
        for jj in range(16):
          d = d1[jj]
          for l in range(D // 16):
            sl = pl.ds(l * 16, 16)
            plsc.addupdate(acc_v.at[d, sl], buf[16 + jj, sl])

      row0 = lax.shift_right_logical(sv0[0], 8) - 1

      @pl.when(row0 >= 0)
      def _flush():
        pltpu.sync_copy(acc_v,
                        agg.at[pl.ds(pl.multiple_of(row0, 32), ROWS)])
        zero_acc()

    @pl.when(tb > 0)
    def _pro():
      stage(0)
      start_gather(0, rows_a, sem_a)

    @pl.loop(0, lax.div(tb, 2) * 0)
    def _pair(u):
      t0 = u * 2
      t1 = t0 + 1
      if not ABL_NO_GATHER:
        pltpu.make_async_copy(table.at[gi_b.at[pl.ds(0, KB)]],
                              rows_a, sem_a).wait()
      svA0, svA1 = load_si(t0)
      svB0, svB1 = load_si(t1)
      start_gather(t1, rows_b, sem_b)
      rmw_and_flush(svA0, svA1, rows_a)
      if not ABL_NO_GATHER:
        pltpu.make_async_copy(table.at[gi_b.at[pl.ds(0, KB)]],
                              rows_b, sem_b).wait()

      @pl.when(t1 + 1 < tb)
      def _next():
        @pl.when(lax.rem(t1 + 1, GB) == 0)
        def _st():
          stage(t1 + 1)
        start_gather(t1 + 1, rows_a, sem_a)

      rmw_and_flush(svB0, svB1, rows_b)

  return pl.kernel(
      body,
      out_type=jax.ShapeDtypeStruct((R * N_PAD, D), _f32),
      mesh=mesh,
      scratch_types=[
          pltpu.VMEM((16,), _i32),
          pltpu.VMEM((GB * KB,), _i32),
          pltpu.VMEM((GB * KB,), _i32),
          pltpu.VMEM((KB, D), _f32),
          pltpu.VMEM((KB, D), _f32),
          pltpu.VMEM((ROWS, D), _f32),
          pltpu.VMEM_SHARED((ZR, D), _f32),
          pltpu.SemaphoreType.DMA,
          pltpu.SemaphoreType.DMA,
      ],
  )



BN = 512
NBLK = N_PAD // BN


def _tc1_body(agg, xa, wr, wroot, b, out, cnt_out):
  i = pl.program_id(0)
  acc = jnp.dot(xa[:, :IN], wroot[...], preferred_element_type=_f32)
  for r in range(R):
    blk = agg[r]
    c = jnp.sum(blk[:, IN:], axis=1, keepdims=True) * (1.0 / CW)
    scale = 1.0 / jnp.maximum(c, 1.0)
    acc = acc + jnp.dot(blk[:, :IN] * scale, wr[r], preferred_element_type=_f32)
    cnt_out[r] = jnp.broadcast_to(c, (BN, CW))
  h = jnp.maximum(acc + b[...], 0.0)
  rowid = i * BN + lax.broadcasted_iota(_i32, (BN, 1), 0)
  out[...] = jnp.where(rowid < N, h, 0.0)


_tc1 = pl.pallas_call(
    _tc1_body,
    grid=(NBLK,),
    in_specs=[
        pl.BlockSpec((R, BN, D1), lambda i: (0, i, 0)),
        pl.BlockSpec((BN, D1), lambda i: (i, 0)),
        pl.BlockSpec((R, IN, H), lambda i: (0, 0, 0)),
        pl.BlockSpec((IN, H), lambda i: (0, 0)),
        pl.BlockSpec((1, H), lambda i: (0, 0)),
    ],
    out_specs=[
        pl.BlockSpec((BN, H), lambda i: (i, 0)),
        pl.BlockSpec((R, BN, CW), lambda i: (0, i, 0)),
    ],
    out_shape=[
        jax.ShapeDtypeStruct((N_PAD, H), _f32),
        jax.ShapeDtypeStruct((R, N_PAD, CW), _f32),
    ],
)


def _tc2_body(agg, cnt, h1, bt3, wr, wroot, b, wlin, blin, out, psum, pcnt):
  i = pl.program_id(0)

  @pl.when(i == 0)
  def _init():
    psum[...] = jnp.zeros((G, H), _f32)
    pcnt[...] = jnp.zeros((G, 128), _f32)

  acc = jnp.dot(h1[...], wroot[...], preferred_element_type=_f32)
  for r in range(R):
    c = jnp.sum(cnt[r], axis=1, keepdims=True) * (1.0 / CW)
    scale = 1.0 / jnp.maximum(c, 1.0)
    acc = acc + jnp.dot(agg[r] * scale, wr[r], preferred_element_type=_f32)
  h2 = jnp.maximum(acc + b[...], 0.0)

  bt = bt3[...].reshape(1, BN)
  oh = (jnp.broadcast_to(bt, (G, BN))
        == lax.broadcasted_iota(_i32, (G, BN), 0)).astype(_f32)
  psum[...] = psum[...] + jnp.dot(oh, h2, preferred_element_type=_f32)
  pcnt[...] = pcnt[...] + jnp.broadcast_to(
      jnp.sum(oh, axis=1, keepdims=True), (G, 128))

  @pl.when(i == NBLK - 1)
  def _fin():
    pooled = psum[...] / jnp.maximum(pcnt[...][:, 0:1], 1.0)
    out[...] = jnp.dot(pooled, wlin[...], preferred_element_type=_f32) + blin[...]


_tc2 = pl.pallas_call(
    _tc2_body,
    grid=(NBLK,),
    in_specs=[
        pl.BlockSpec((R, BN, H), lambda i: (0, i, 0)),
        pl.BlockSpec((R, BN, CW), lambda i: (0, i, 0)),
        pl.BlockSpec((BN, H), lambda i: (i, 0)),
        pl.BlockSpec((1, 1, BN), lambda i: (i, 0, 0)),
        pl.BlockSpec((R, H, H), lambda i: (0, 0, 0)),
        pl.BlockSpec((H, H), lambda i: (0, 0)),
        pl.BlockSpec((1, H), lambda i: (0, 0)),
        pl.BlockSpec((H, OUT), lambda i: (0, 0)),
        pl.BlockSpec((1, OUT), lambda i: (0, 0)),
    ],
    out_specs=pl.BlockSpec((G, OUT), lambda i: (0, 0)),
    out_shape=jax.ShapeDtypeStruct((G, OUT), _f32),
    scratch_shapes=[pltpu.VMEM((G, H), _f32), pltpu.VMEM((G, 128), _f32)],
    compiler_params=pltpu.CompilerParams(
        dimension_semantics=("arbitrary",)),
)


def _preprocess(edge_index, edge_type):
  src = edge_index[0].astype(_i32)
  dst = edge_index[1].astype(_i32)
  et = edge_type.astype(_i32)
  bucket = et * CH + dst // ROWS
  if True:
    order = jnp.arange(E, dtype=_i32)
  else:
    order = jnp.argsort(bucket)
  b_s = bucket[order]
  src_s = src[order]
  dst_s = dst[order]
  starts = jnp.searchsorted(b_s, jnp.arange(NB + 1, dtype=_i32)).astype(_i32)
  lens = starts[1:] - starts[:-1]
  nbat = jnp.maximum((lens + (2 * KB - 1)) // (2 * KB), 1) * 2
  plen = nbat * KB
  pofs = jnp.concatenate([jnp.zeros((1,), _i32),
                          jnp.cumsum(plen)]).astype(_i32)
  pos = pofs[b_s] + jnp.arange(E, dtype=_i32) - starts[b_s]
  gidx = jnp.full((P_ALLOC,), N, _i32).at[pos].set(src_s)
  sidx = jnp.zeros((P_ALLOC,), _i32).at[pos].set(dst_s % ROWS)
  barange = jnp.arange(NB, dtype=_i32)
  rows0 = (barange // CH) * N_PAD + (barange % CH) * ROWS
  glast = pofs[1:] // KB - 1
  sidx = sidx.at[glast * KB].add((rows0 + 1) * 256)
  widx = jnp.arange(NW, dtype=_i32)
  wstart = pofs[widx * BPW]
  wend = pofs[(widx + 1) * BPW]
  idx16 = widx * 16
  tb16 = jnp.zeros((NW * 16,), _i32).at[idx16].set((wend - wstart) // KB)
  base16 = jnp.zeros((NW * 16,), _i32).at[idx16].set(wstart)
  return gidx, sidx, tb16, base16


def kernel(x, edge_index, edge_type, batch, W_rel1, W_root1, b1,
           W_rel2, W_root2, b2, W_lin, b_lin):
  gidx, sidx, tb16, base16 = _preprocess(edge_index, edge_type)

  xaug = jnp.zeros((N_PAD, D1), _f32)
  xaug = xaug.at[:N, :IN].set(x)
  xaug = xaug.at[:N, IN:].set(1.0)

  agg1 = _make_sc_agg(D1)(xaug, gidx, sidx, tb16, base16)
  agg1 = agg1.reshape(R, N_PAD, D1)

  h1, cnt = _tc1(agg1, xaug, W_rel1, W_root1, b1.reshape(1, H))

  agg2 = _make_sc_agg(H)(h1, gidx, sidx, tb16, base16)
  agg2 = agg2.reshape(R, N_PAD, H)

  batch_pad = jnp.concatenate(
      [batch.astype(_i32), jnp.full((N_PAD - N,), 127, _i32)]
  ).reshape(NBLK, 1, BN)

  return _tc2(agg2, cnt, h1, batch_pad, W_rel2, W_root2, b2.reshape(1, H),
              W_lin, b_lin.reshape(1, OUT))

# --- scband reference (transcript-rebuilt; emitter-appended) ---
"""Pipeline reference for scband-rgcnencoder-75411035783277 (READ-ONLY COPY).

The authoritative reference and input builder live on the scoring server;
editing this copy changes nothing except your own understanding.
"""

import jax, jax.numpy as jnp
import numpy as np

N = 10000
E = 160000
R = 8
IN = 256
H = 512
OUT = 256
G = 64


def setup_inputs(seed: int = 0) -> dict:
    key = jax.random.key(seed)
    ks = jax.random.split(key, 12)
    x = jax.random.normal(ks[0], (N, IN), dtype=jnp.float32)
    edge_index = jax.random.randint(ks[1], (2, E), 0, N, dtype=jnp.int32)
    edge_type = jax.random.randint(ks[2], (E,), 0, R, dtype=jnp.int32)
    batch = jnp.sort(jax.random.randint(ks[3], (N,), 0, G, dtype=jnp.int32))
    # RGCNConv layer 1 params (relation weights, root weight, bias)
    W_rel1 = jax.random.normal(ks[4], (R, IN, H), dtype=jnp.float32) / np.sqrt(IN)
    W_root1 = jax.random.normal(ks[5], (IN, H), dtype=jnp.float32) / np.sqrt(IN)
    b1 = jnp.zeros((H,), dtype=jnp.float32)
    # RGCNConv layer 2 params
    W_rel2 = jax.random.normal(ks[6], (R, H, H), dtype=jnp.float32) / np.sqrt(H)
    W_root2 = jax.random.normal(ks[7], (H, H), dtype=jnp.float32) / np.sqrt(H)
    b2 = jnp.zeros((H,), dtype=jnp.float32)
    # final Linear
    W_lin = jax.random.normal(ks[8], (H, OUT), dtype=jnp.float32) / np.sqrt(H)
    b_lin = jnp.zeros((OUT,), dtype=jnp.float32)
    return {"x": x, "edge_index": edge_index, "edge_type": edge_type, "batch": batch,
            "W_rel1": W_rel1, "W_root1": W_root1, "b1": b1,
            "W_rel2": W_rel2, "W_root2": W_root2, "b2": b2,
            "W_lin": W_lin, "b_lin": b_lin}


def _rgcn_conv(x, edge_index, edge_type, W_rel, W_root, b):
    # PyG RGCNConv: out_i = x_i @ W_root + b + sum_r mean_{j in N_r(i)} x_j @ W_r
    src = edge_index[0]
    dst = edge_index[1]
    # transform all nodes under every relation: [R, N, out]
    h = jnp.einsum('ni,rio->rno', x, W_rel)
    # gather per-edge messages using (relation, src) indexing
    msg = h[edge_type, src]  # [E, out]
    # mean aggregation per (dst, relation) pair, then sum over relations
    seg = dst * R + edge_type
    summed = jax.ops.segment_sum(msg, seg, num_segments=N * R)
    cnt = jax.ops.segment_sum(jnp.ones((E,), dtype=x.dtype), seg, num_segments=N * R)
    mean = summed / jnp.maximum(cnt, 1.0)[:, None]
    agg = mean.reshape(N, R, -1).sum(axis=1)
    return agg + x @ W_root + b


def reference(x, edge_index, edge_type, batch,
              W_rel1, W_root1, b1, W_rel2, W_root2, b2, W_lin, b_lin):
    h = _rgcn_conv(x, edge_index, edge_type, W_rel1, W_root1, b1)
    h = jax.nn.relu(h)
    # dropout p=0.2 is identity in eval mode
    h = _rgcn_conv(h, edge_index, edge_type, W_rel2, W_root2, b2)
    h = jax.nn.relu(h)
    # global_mean_pool over batch assignment
    sums = jax.ops.segment_sum(h, batch, num_segments=G)
    cnts = jax.ops.segment_sum(jnp.ones((N,), dtype=h.dtype), batch, num_segments=G)
    pooled = sums / jnp.maximum(cnts, 1.0)[:, None]
    out = pooled @ W_lin + b_lin
    return out

if __name__ == "__main__":
    import jax
    _d = setup_inputs()
    print(jax.jit(kernel)(*tuple(_d.values())))

</pallas_src>

<mosaic_0001>
#map = affine_map<(d0, d1) -> (0, 0)>
#map1 = affine_map<(d0, d1) -> (0)>
module attributes {stable_mosaic.version = 14 : i64} {
  func.func @body(%arg0: i32, %arg1: i32, %arg2: memref<10240x384xf32, #tpu.memory_space<hbm>>, %arg3: memref<193024xi32, #tpu.memory_space<hbm>>, %arg4: memref<193024xi32, #tpu.memory_space<hbm>>, %arg5: memref<512xi32, #tpu.memory_space<hbm>>, %arg6: memref<512xi32, #tpu.memory_space<hbm>>, %arg7: memref<81920x384xf32, #tpu.memory_space<hbm>>, %arg8: memref<16xi32, #tpu.memory_space<vmem>>, %arg9: memref<256xi32, #tpu.memory_space<vmem>>, %arg10: memref<256xi32, #tpu.memory_space<vmem>>, %arg11: memref<32x384xf32, #tpu.memory_space<vmem>>, %arg12: memref<32x384xf32, #tpu.memory_space<vmem>>, %arg13: memref<160x384xf32, #tpu.memory_space<vmem>>, %arg14: memref<40x384xf32, #tpu.memory_space<vmem_shared>>, %arg15: memref<!tpu.dma_semaphore, #tpu.memory_space<semaphore_mem>>, %arg16: memref<!tpu.dma_semaphore, #tpu.memory_space<semaphore_mem>>) attributes {dimension_semantics = [#tpu.dimension_semantics<core_parallel>, #tpu.dimension_semantics<subcore_parallel>], iteration_bounds = array<i64: 2, 16>, scalar_prefetch = 0 : i64, scratch_operands = 9 : i64, tpu.core_type = #tpu.core_type<sc_vector_subcore>, window_params = [{transform_indices = #map}, {transform_indices = #map1}, {transform_indices = #map1}, {transform_indices = #map1}, {transform_indices = #map1}, {transform_indices = #map}]} {
    %mul3A = arith.constant 16 : i32
    %mul3A_0 = arith.muli %arg0, %mul3A : i32
    %add3A = arith.addi %mul3A_0, %arg1 : i32
    %scan3A = arith.constant 0 : i32
    %scan3A_1 = arith.constant 160 : i32
    %scan3A_2 = arith.addi %scan3A, %scan3A_1 : i32
    %scan3A_3 = arith.constant 1 : i32
    scf.for %scan3A_36 = %scan3A to %scan3A_2 step %scan3A_3  : i32 {
      %mul3A_37 = arith.constant 1 : i32
      %mul3A_38 = arith.muli %scan3A_36, %mul3A_37 : i32
      %add3A_39 = arith.constant 0 : i32
      %add3A_40 = arith.addi %add3A_39, %mul3A_38 : i32
      %scan3A_41 = arith.constant 0 : i32
      %scan3A_42 = arith.constant 24 : i32
      %scan3A_43 = arith.addi %scan3A_41, %scan3A_42 : i32
      %scan3A_44 = arith.constant 1 : i32
      scf.for %scan3A_46 = %scan3A_41 to %scan3A_43 step %scan3A_44  : i32 {
        %mul3A_47 = arith.constant 1 : i32
        %mul3A_48 = arith.muli %scan3A_46, %mul3A_47 : i32
        %add3A_49 = arith.constant 0 : i32
        %add3A_50 = arith.addi %add3A_49, %mul3A_48 : i32
        %broadcast_in_dim3A = arith.constant 0.000000e+00 : f32
        %broadcast_in_dim3A_51 = vector.broadcast %broadcast_in_dim3A : f32 to vector<16xf32>
        %mul3A_52 = arith.constant 16 : i32
        %mul3A_53 = arith.muli %add3A_50, %mul3A_52 : i32
        %swap3A = arith.index_cast %add3A_40 : i32 to index
        %swap3A_54 = arith.index_cast %mul3A_53 : i32 to index
        %swap3A_55 = tpu.vector_load %arg13[%swap3A, %swap3A_54] {strides = array<i32>} : memref<160x384xf32, #tpu.memory_space<vmem>>, vector<1x16xf32>,
        %swap3A_56 = vector.shape_cast %swap3A_55 : vector<1x16xf32> to vector<16xf32>
        %swap3A_57 = vector.shape_cast %broadcast_in_dim3A_51 : vector<16xf32> to vector<1x16xf32>
        tpu.vector_store %arg13[%swap3A, %swap3A_54], %swap3A_57 {strides = array<i32>} : memref<160x384xf32, #tpu.memory_space<vmem>>, vector<1x16xf32>,
      }
      %scan3A_45 = arith.constant 24 : i32
    }
    %scan3A_4 = arith.constant 160 : i32
    "tpu.region"() ({
      %run_scoped3A = tpu.sem_alloc : memref<!tpu.dma_semaphore, #tpu.memory_space<semaphore_mem>>
      %dma_start3A = arith.constant 0 : i32
      %dma_start3A_36 = arith.constant 0 : i32
      %dma_start3A_37 = tpu.memref_slice %arg13[%dma_start3A, %dma_start3A_36] : memref<160x384xf32, #tpu.memory_space<vmem>> -> memref<40x384xf32, #tpu.memory_space<vmem>>
      %dma_start3A_38 = arith.constant 0 : i32
      %dma_start3A_39 = arith.constant 0 : i32
      %dma_start3A_40 = tpu.memref_slice %arg13[%dma_start3A_38, %dma_start3A_39] : memref<160x384xf32, #tpu.memory_space<vmem>> -> memref<40x384xf32, #tpu.memory_space<vmem>>
      tpu.enqueue_dma source(%dma_start3A_40 : memref<40x384xf32, #tpu.memory_space<vmem>>) target(%arg14 : memref<40x384xf32, #tpu.memory_space<vmem_shared>>) target_semaphore(%run_scoped3A : memref<!tpu.dma_semaphore, #tpu.memory_space<semaphore_mem>>)
      %dma_wait3A = arith.constant 0 : i32
      %dma_wait3A_41 = arith.constant 0 : i32
      %dma_wait3A_42 = tpu.memref_slice %arg13[%dma_wait3A, %dma_wait3A_41] : memref<160x384xf32, #tpu.memory_space<vmem>> -> memref<40x384xf32, #tpu.memory_space<vmem>>
      %dma_wait3A_43 = arith.constant 0 : i32
      %dma_wait3A_44 = arith.constant 0 : i32
      %dma_wait3A_45 = tpu.memref_slice %arg13[%dma_wait3A_43, %dma_wait3A_44] : memref<160x384xf32, #tpu.memory_space<vmem>> -> memref<40x384xf32, #tpu.memory_space<vmem>>
      tpu.wait_dma2 semaphore(%run_scoped3A : memref<!tpu.dma_semaphore, #tpu.memory_space<semaphore_mem>>) src(%dma_wait3A_45 : memref<40x384xf32, #tpu.memory_space<vmem>>) dst(%arg14 : memref<40x384xf32, #tpu.memory_space<vmem_shared>>)
      tpu.yield
    }) : () -> ()
    %barrier3A = arith.constant 0 : index
    tpu.barrier barrier_id(%barrier3A)
    %mul3A_5 = arith.constant 16 : i32
    %mul3A_6 = arith.muli %add3A, %mul3A_5 : i32
    %multiple_of3A = tpu.assume_multiple %mul3A_6, 16 : i32
    "tpu.region"() ({
      %run_scoped3A = tpu.sem_alloc : memref<!tpu.dma_semaphore, #tpu.memory_space<semaphore_mem>>
      %dma_start3A = tpu.memref_slice %arg5[%multiple_of3A] : memref<512xi32, #tpu.memory_space<hbm>> -> memref<16xi32, #tpu.memory_space<hbm>>
      %dma_start3A_36 = tpu.memref_slice %arg5[%multiple_of3A] : memref<512xi32, #tpu.memory_space<hbm>> -> memref<16xi32, #tpu.memory_space<hbm>>
      tpu.enqueue_dma source(%dma_start3A_36 : memref<16xi32, #tpu.memory_space<hbm>>) target(%arg8 : memref<16xi32, #tpu.memory_space<vmem>>) target_semaphore(%run_scoped3A : memref<!tpu.dma_semaphore, #tpu.memory_space<semaphore_mem>>)
      %dma_wait3A = tpu.memref_slice %arg5[%multiple_of3A] : memref<512xi32, #tpu.memory_space<hbm>> -> memref<16xi32, #tpu.memory_space<hbm>>
      %dma_wait3A_37 = tpu.memref_slice %arg5[%multiple_of3A] : memref<512xi32, #tpu.memory_space<hbm>> -> memref<16xi32, #tpu.memory_space<hbm>>
      tpu.wait_dma2 semaphore(%run_scoped3A : memref<!tpu.dma_semaphore, #tpu.memory_space<semaphore_mem>>) src(%dma_wait3A_37 : memref<16xi32, #tpu.memory_space<hbm>>) dst(%arg8 : memref<16xi32, #tpu.memory_space<vmem>>)
      tpu.yield
    }) : () -> ()
    %get3A = arith.constant 0 : index
    %get3A_7 = tpu.vector_load %arg8[%get3A] {strides = array<i32>} : memref<16xi32, #tpu.memory_space<vmem>>, vector<16xi32>,
    %get3A_8 = vector.shape_cast %get3A_7 : vector<16xi32> to vector<16xi32>
    %slice3A = vector.extract_strided_slice %get3A_8 {offsets = [0], sizes = [1], strides = [1]} : vector<16xi32> to vector<1xi32>
    %squeeze3A = vector.extract %slice3A[0] : i32 from vector<1xi32>
    "tpu.region"() ({
      %run_scoped3A = tpu.sem_alloc : memref<!tpu.dma_semaphore, #tpu.memory_space<semaphore_mem>>
      %dma_start3A = tpu.memref_slice %arg6[%multiple_of3A] : memref<512xi32, #tpu.memory_space<hbm>> -> memref<16xi32, #tpu.memory_space<hbm>>
      %dma_start3A_36 = tpu.memref_slice %arg6[%multiple_of3A] : memref<512xi32, #tpu.memory_space<hbm>> -> memref<16xi32, #tpu.memory_space<hbm>>
      tpu.enqueue_dma source(%dma_start3A_36 : memref<16xi32, #tpu.memory_space<hbm>>) target(%arg8 : memref<16xi32, #tpu.memory_space<vmem>>) target_semaphore(%run_scoped3A : memref<!tpu.dma_semaphore, #tpu.memory_space<semaphore_mem>>)
      %dma_wait3A = tpu.memref_slice %arg6[%multiple_of3A] : memref<512xi32, #tpu.memory_space<hbm>> -> memref<16xi32, #tpu.memory_space<hbm>>
      %dma_wait3A_37 = tpu.memref_slice %arg6[%multiple_of3A] : memref<512xi32, #tpu.memory_space<hbm>> -> memref<16xi32, #tpu.memory_space<hbm>>
      tpu.wait_dma2 semaphore(%run_scoped3A : memref<!tpu.dma_semaphore, #tpu.memory_space<semaphore_mem>>) src(%dma_wait3A_37 : memref<16xi32, #tpu.memory_space<hbm>>) dst(%arg8 : memref<16xi32, #tpu.memory_space<vmem>>)
      tpu.yield
    }) : () -> ()
    %get3A_9 = arith.constant 0 : index
    %get3A_10 = tpu.vector_load %arg8[%get3A_9] {strides = array<i32>} : memref<16xi32, #tpu.memory_space<vmem>>, vector<16xi32>,
    %get3A_11 = vector.shape_cast %get3A_10 : vector<16xi32> to vector<16xi32>
    %slice3A_12 = vector.extract_strided_slice %get3A_11 {offsets = [0], sizes = [1], strides = [1]} : vector<16xi32> to vector<1xi32>
    %squeeze3A_13 = vector.extract %slice3A_12[0] : i32 from vector<1xi32>
    %gt3A = arith.constant 0 : i32
    %gt3A_14 = arith.cmpi sgt, %squeeze3A, %gt3A : i32
    %convert_element_type3A = arith.extui %gt3A_14 : i1 to i32
    %cond3A = arith.constant 0 : i32
    %cond3A_15 = arith.cmpi ne, %convert_element_type3A, %cond3A : i32
    scf.if %cond3A_15 {
      %add3A_36 = arith.constant 0 : i32
      %add3A_37 = arith.addi %squeeze3A_13, %add3A_36 : i32
      %multiple_of3A_38 = tpu.assume_multiple %add3A_37, 32 : i32
      "tpu.region"() ({
        %run_scoped3A = tpu.sem_alloc : memref<!tpu.dma_semaphore, #tpu.memory_space<semaphore_mem>>
        %dma_start3A = tpu.memref_slice %arg3[%multiple_of3A_38] : memref<193024xi32, #tpu.memory_space<hbm>> -> memref<256xi32, #tpu.memory_space<hbm>>
        %dma_start3A_39 = tpu.memref_slice %arg3[%multiple_of3A_38] : memref<193024xi32, #tpu.memory_space<hbm>> -> memref<256xi32, #tpu.memory_space<hbm>>
        tpu.enqueue_dma source(%dma_start3A_39 : memref<256xi32, #tpu.memory_space<hbm>>) target(%arg9 : memref<256xi32, #tpu.memory_space<vmem>>) target_semaphore(%run_scoped3A : memref<!tpu.dma_semaphore, #tpu.memory_space<semaphore_mem>>)
        %dma_wait3A = tpu.memref_slice %arg3[%multiple_of3A_38] : memref<193024xi32, #tpu.memory_space<hbm>> -> memref<256xi32, #tpu.memory_space<hbm>>
        %dma_wait3A_40 = tpu.memref_slice %arg3[%multiple_of3A_38] : memref<193024xi32, #tpu.memory_space<hbm>> -> memref<256xi32, #tpu.memory_space<hbm>>
        tpu.wait_dma2 semaphore(%run_scoped3A : memref<!tpu.dma_semaphore, #tpu.memory_space<semaphore_mem>>) src(%dma_wait3A_40 : memref<256xi32, #tpu.memory_space<hbm>>) dst(%arg9 : memref<256xi32, #tpu.memory_space<vmem>>)
        tpu.yield
      }) : () -> ()
      "tpu.region"() ({
        %run_scoped3A = tpu.sem_alloc : memref<!tpu.dma_semaphore, #tpu.memory_space<semaphore_mem>>
        %dma_start3A = tpu.memref_slice %arg4[%multiple_of3A_38] : memref<193024xi32, #tpu.memory_space<hbm>> -> memref<256xi32, #tpu.memory_space<hbm>>
        %dma_start3A_39 = tpu.memref_slice %arg4[%multiple_of3A_38] : memref<193024xi32, #tpu.memory_space<hbm>> -> memref<256xi32, #tpu.memory_space<hbm>>
        tpu.enqueue_dma source(%dma_start3A_39 : memref<256xi32, #tpu.memory_space<hbm>>) target(%arg10 : memref<256xi32, #tpu.memory_space<vmem>>) target_semaphore(%run_scoped3A : memref<!tpu.dma_semaphore, #tpu.memory_space<semaphore_mem>>)
        %dma_wait3A = tpu.memref_slice %arg4[%multiple_of3A_38] : memref<193024xi32, #tpu.memory_space<hbm>> -> memref<256xi32, #tpu.memory_space<hbm>>
        %dma_wait3A_40 = tpu.memref_slice %arg4[%multiple_of3A_38] : memref<193024xi32, #tpu.memory_space<hbm>> -> memref<256xi32, #tpu.memory_space<hbm>>
        tpu.wait_dma2 semaphore(%run_scoped3A : memref<!tpu.dma_semaphore, #tpu.memory_space<semaphore_mem>>) src(%dma_wait3A_40 : memref<256xi32, #tpu.memory_space<hbm>>) dst(%arg10 : memref<256xi32, #tpu.memory_space<vmem>>)
        tpu.yield
      }) : () -> ()
    } else {
    }
    %div3A = arith.constant 2 : i32
    %div3A_16 = arith.divsi %squeeze3A, %div3A : i32
    %mul3A_17 = arith.constant 0 : i32
    %mul3A_18 = arith.muli %div3A_16, %mul3A_17 : i32
    %sub3A = arith.constant 0 : i32
    %sub3A_19 = arith.subi %mul3A_18, %sub3A : i32
    %sub3A_20 = arith.constant 1 : i32
    %sub3A_21 = arith.constant 1 : i32
    %sub3A_22 = arith.subi %sub3A_20, %sub3A_21 : i32
    %add3A_23 = arith.addi %sub3A_19, %sub3A_22 : i32
    %div3A_24 = arith.constant 1 : i32
    %div3A_25 = arith.divsi %add3A_23, %div3A_24 : i32
    %while3A = arith.constant 1 : i32
    %while3A_26 = arith.constant 0 : i32
    %while3A_27 = arith.constant 0 : i32
    %while3A_28 = arith.subi %div3A_25, %while3A_27 : i32
    %while3A_29 = arith.addi %while3A_27, %while3A_28 : i32
    %while3A_30 = arith.constant 1 : i32
    %while3A_31 = arith.divsi %while3A_28, %while3A_30 : i32
    %while3A_32 = arith.muli %while3A_31, %while3A_30 : i32
    %while3A_33 = arith.addi %while3A_27, %while3A_32 : i32
    %while3A_34 = arith.constant 1 : i32
    scf.for %while3A_36 = %while3A_27 to %while3A_33 step %while3A_34  : i32 {
      %mul3A_37 = arith.muli %while3A_36, %while3A : i32
      %add3A_38 = arith.addi %while3A_26, %mul3A_37 : i32
      %mul3A_39 = arith.constant 2 : i32
      %mul3A_40 = arith.muli %add3A_38, %mul3A_39 : i32
      %add3A_41 = arith.constant 1 : i32
      %add3A_42 = arith.addi %mul3A_40, %add3A_41 : i32
      %rem3A = arith.constant 8 : i32
      %rem3A_43 = arith.remsi %mul3A_40, %rem3A : i32
      %mul3A_44 = arith.constant 32 : i32
      %mul3A_45 = arith.muli %rem3A_43, %mul3A_44 : i32
      %get3A_46 = arith.index_cast %mul3A_45 : i32 to index
      %get3A_47 = tpu.vector_load %arg10[%get3A_46] {strides = array<i32>} : memref<256xi32, #tpu.memory_space<vmem>>, vector<16xi32>,
      %get3A_48 = vector.shape_cast %get3A_47 : vector<16xi32> to vector<16xi32>
      %mul3A_49 = arith.constant 32 : i32
      %mul3A_50 = arith.muli %rem3A_43, %mul3A_49 : i32
      %add3A_51 = arith.constant 16 : i32
      %add3A_52 = arith.addi %mul3A_50, %add3A_51 : i32
      %get3A_53 = arith.index_cast %add3A_52 : i32 to index
      %get3A_54 = tpu.vector_load %arg10[%get3A_53] {strides = array<i32>} : memref<256xi32, #tpu.memory_space<vmem>>, vector<16xi32>,
      %get3A_55 = vector.shape_cast %get3A_54 : vector<16xi32> to vector<16xi32>
      %rem3A_56 = arith.constant 8 : i32
      %rem3A_57 = arith.remsi %add3A_42, %rem3A_56 : i32
      %mul3A_58 = arith.constant 32 : i32
      %mul3A_59 = arith.muli %rem3A_57, %mul3A_58 : i32
      %get3A_60 = arith.index_cast %mul3A_59 : i32 to index
      %get3A_61 = tpu.vector_load %arg10[%get3A_60] {strides = array<i32>} : memref<256xi32, #tpu.memory_space<vmem>>, vector<16xi32>,
      %get3A_62 = vector.shape_cast %get3A_61 : vector<16xi32> to vector<16xi32>
      %mul3A_63 = arith.constant 32 : i32
      %mul3A_64 = arith.muli %rem3A_57, %mul3A_63 : i32
      %add3A_65 = arith.constant 16 : i32
      %add3A_66 = arith.addi %mul3A_64, %add3A_65 : i32
      %get3A_67 = arith.index_cast %add3A_66 : i32 to index
      %get3A_68 = tpu.vector_load %arg10[%get3A_67] {strides = array<i32>} : memref<256xi32, #tpu.memory_space<vmem>>, vector<16xi32>,
      %get3A_69 = vector.shape_cast %get3A_68 : vector<16xi32> to vector<16xi32>
      %and3A = arith.constant 255 : i32
      %and3A_70 = vector.broadcast %and3A : i32 to vector<16xi32>
      %and3A_71 = arith.andi %get3A_48, %and3A_70 : vector<16xi32>
      %and3A_72 = arith.constant 255 : i32
      %and3A_73 = vector.broadcast %and3A_72 : i32 to vector<16xi32>
      %and3A_74 = arith.andi %get3A_55, %and3A_73 : vector<16xi32>
      %slice3A_75 = vector.extract_strided_slice %and3A_71 {offsets = [0], sizes = [1], strides = [1]} : vector<16xi32> to vector<1xi32>
      %squeeze3A_76 = vector.extract %slice3A_75[0] : i32 from vector<1xi32>
      %get3A_77 = arith.constant 0 : i32
      %get3A_78 = arith.index_cast %get3A_77 : i32 to index
      %get3A_79 = arith.constant 0 : index
      %get3A_80 = tpu.vector_load %arg11[%get3A_78, %get3A_79] {strides = array<i32>} : memref<32x384xf32, #tpu.memory_space<vmem>>, vector<1x16xf32>,
      %get3A_81 = vector.shape_cast %get3A_80 : vector<1x16xf32> to vector<16xf32>
      %swap3A = arith.index_cast %squeeze3A_76 : i32 to index
      %swap3A_82 = arith.constant 0 : index
      %swap3A_83 = tpu.vector_load %arg13[%swap3A, %swap3A_82] {strides = array<i32>} : memref<160x384xf32, #tpu.memory_space<vmem>>, vector<1x16xf32>,
      %swap3A_84 = vector.shape_cast %swap3A_83 : vector<1x16xf32> to vector<16xf32>
      %swap3A_85 = vector.shape_cast %get3A_81 : vector<16xf32> to vector<1x16xf32>
      tpu.vector_store %arg13[%swap3A, %swap3A_82], %swap3A_85 {add = true, strides = array<i32>} : memref<160x384xf32, #tpu.memory_space<vmem>>, vector<1x16xf32>,
      %get3A_86 = arith.constant 0 : i32
      %get3A_87 = arith.index_cast %get3A_86 : i32 to index
      %get3A_88 = arith.constant 16 : index
      %get3A_89 = tpu.vector_load %arg11[%get3A_87, %get3A_88] {strides = array<i32>} : memref<32x384xf32, #tpu.memory_space<vmem>>, vector<1x16xf32>,
      %get3A_90 = vector.shape_cast %get3A_89 : vector<1x16xf32> to vector<16xf32>
      %swap3A_91 = arith.index_cast %squeeze3A_76 : i32 to index
      %swap3A_92 = arith.constant 16 : index
      %swap3A_93 = tpu.vector_load %arg13[%swap3A_91, %swap3A_92] {strides = array<i32>} : memref<160x384xf32, #tpu.memory_space<vmem>>, vector<1x16xf32>,
      %swap3A_94 = vector.shape_cast %swap3A_93 : vector<1x16xf32> to vector<16xf32>
      %swap3A_95 = vector.shape_cast %get3A_90 : vector<16xf32> to vector<1x16xf32>
      tpu.vector_store %arg13[%swap3A_91, %swap3A_92], %swap3A_95 {add = true, strides = array<i32>} : memref<160x384xf32, #tpu.memory_space<vmem>>, vector<1x16xf32>,
      %get3A_96 = arith.constant 0 : i32
      %get3A_97 = arith.index_cast %get3A_96 : i32 to index
      %get3A_98 = arith.constant 32 : index
      %get3A_99 = tpu.vector_load %arg11[%get3A_97, %get3A_98] {strides = array<i32>} : memref<32x384xf32, #tpu.memory_space<vmem>>, vector<1x16xf32>,
      %get3A_100 = vector.shape_cast %get3A_99 : vector<1x16xf32> to vector<16xf32>
      %swap3A_101 = arith.index_cast %squeeze3A_76 : i32 to index
      %swap3A_102 = arith.constant 32 : index
      %swap3A_103 = tpu.vector_load %arg13[%swap3A_101, %swap3A_102] {strides = array<i32>} : memref<160x384xf32, #tpu.memory_space<vmem>>, vector<1x16xf32>,
      %swap3A_104 = vector.shape_cast %swap3A_103 : vector<1x16xf32> to vector<16xf32>
      %swap3A_105 = vector.shape_cast %get3A_100 : vector<16xf32> to vector<1x16xf32>
      tpu.vector_store %arg13[%swap3A_101, %swap3A_102], %swap3A_105 {add = true, strides = array<i32>} : memref<160x384xf32, #tpu.memory_space<vmem>>, vector<1x16xf32>,
      %get3A_106 = arith.constant 0 : i32
      %get3A_107 = arith.index_cast %get3A_106 : i32 to index
      %get3A_108 = arith.constant 48 : index
      %get3A_109 = tpu.vector_load %arg11[%get3A_107, %get3A_108] {strides = array<i32>} : memref<32x384xf32, #tpu.memory_space<vmem>>, vector<1x16xf32>,
      %get3A_110 = vector.shape_cast %get3A_109 : vector<1x16xf32> to vector<16xf32>
      %swap3A_111 = arith.index_cast %squeeze3A_76 : i32 to index
      %swap3A_112 = arith.constant 48 : index
      %swap3A_113 = tpu.vector_load %arg13[%swap3A_111, %swap3A_112] {strides = array<i32>} : memref<160x384xf32, #tpu.memory_space<vmem>>, vector<1x16xf32>,
      %swap3A_114 = vector.shape_cast %swap3A_113 : vector<1x16xf32> to vector<16xf32>
      %swap3A_115 = vector.shape_cast %get3A_110 : vector<16xf32> to vector<1x16xf32>
      tpu.vector_store %arg13[%swap3A_111, %swap3A_112], %swap3A_115 {add = true, strides = array<i32>} : memref<160x384xf32, #tpu.memory_space<vmem>>, vector<1x16xf32>,
      %get3A_116 = arith.constant 0 : i32
      %get3A_117 = arith.index_cast %get3A_116 : i32 to index
      %get3A_118 = arith.constant 64 : index
      %get3A_119 = tpu.vector_load %arg11[%get3A_117, %get3A_118] {strides = array<i32>} : memref<32x384xf32, #tpu.memory_space<vmem>>, vector<1x16xf32>,
      %get3A_120 = vector.shape_cast %get3A_119 : vector<1x16xf32> to vector<16xf32>
      %swap3A_121 = arith.index_cast %squeeze3A_76 : i32 to index
      %swap3A_122 = arith.constant 64 : index
      %swap3A_123 = tpu.vector_load %arg13[%swap3A_121, %swap3A_122] {strides = array<i32>} : memref<160x384xf32, #tpu.memory_space<vmem>>, vector<1x16xf32>,
      %swap3A_124 = vector.shape_cast %swap3A_123 : vector<1x16xf32> to vector<16xf32>
      %swap3A_125 = vector.shape_cast %get3A_120 : vector<16xf32> to vector<1x16xf32>
      tpu.vector_store %arg13[%swap3A_121, %swap3A_122], %swap3A_125 {add = true, strides = array<i32>} : memref<160x384xf32, #tpu.memory_space<vmem>>, vector<1x16xf32>,
      %get3A_126 = arith.constant 0 : i32
      %get3A_127 = arith.index_cast %get3A_126 : i32 to index
      %get3A_128 = arith.constant 80 : index
      %get3A_129 = tpu.vector_load %arg11[%get3A_127, %get3A_128] {strides = array<i32>} : memref<32x384xf32, #tpu.memory_space<vmem>>, vector<1x16xf32>,
      %get3A_130 = vector.shape_cast %get3A_129 : vector<1x16xf32> to vector<16xf32>
      %swap3A_131 = arith.index_cast %squeeze3A_76 : i32 to index
      %swap3A_132 = arith.constant 80 : index
      %swap3A_133 = tpu.vector_load %arg13[%swap3A_131, %swap3A_132] {strides = array<i32>} : memref<160x384xf32, #tpu.memory_space<vmem>>, vector<1x16xf32>,
      %swap3A_134 = vector.shape_cast %swap3A_133 : vector<1x16xf32> to vector<16xf32>
      %swap3A_135 = vector.shape_cast %get3A_130 : vector<16xf32> to vector<1x16xf32>
      tpu.vector_store %arg13[%swap3A_131, %swap3A_132], %swap3A_135 {add = true, strides = array<i32>} : memref<160x384xf32, #tpu.memory_space<vmem>>, vector<1x16xf32>,
      %get3A_136 = arith.constant 0 : i32
      %get3A_137 = arith.index_cast %get3A_136 : i32 to index
      %get3A_138 = arith.constant 96 : index
      %get3A_139 = tpu.vector_load %arg11[%get3A_137, %get3A_138] {strides = array<i32>} : memref<32x384xf32, #tpu.memory_space<vmem>>, vector<1x16xf32>,
      %get3A_140 = vector.shape_cast %get3A_139 : vector<1x16xf32> to vector<16xf32>
      %swap3A_141 = arith.index_cast %squeeze3A_76 : i32 to index
      %swap3A_142 = arith.constant 96 : index
      %swap3A_143 = tpu.vector_load %arg13[%swap3A_141, %swap3A_142] {strides = array<i32>} : memref<160x384xf32, #tpu.memory_space<vmem>>, vector<1x16xf32>,
      %swap3A_144 = vector.shape_cast %swap3A_143 : vector<1x16xf32> to vector<16xf32>
      %swap3A_145 = vector.shape_cast %get3A_140 : vector<16xf32> to vector<1x16xf32>
      tpu.vector_store %arg13[%swap3A_141, %swap3A_142], %swap3A_145 {add = true, strides = array<i32>} : memref<160x384xf32, #tpu.memory_space<vmem>>, vector<1x16xf32>,
      %get3A_146 = arith.constant 0 : i32
      %get3A_147 = arith.index_cast %get3A_146 : i32 to index
      %get3A_148 = arith.constant 112 : index
      %get3A_149 = tpu.vector_load %arg11[%get3A_147, %get3A_148] {strides = array<i32>} : memref<32x384xf32, #tpu.memory_space<vmem>>, vector<1x16xf32>,
      %get3A_150 = vector.shape_cast %get3A_149 : vector<1x16xf32> to vector<16xf32>
      %swap3A_151 = arith.index_cast %squeeze3A_76 : i32 to index
      %swap3A_152 = arith.constant 112 : index
      %swap3A_153 = tpu.vector_load %arg13[%swap3A_151, %swap3A_152] {strides = array<i32>} : memref<160x384xf32, #tpu.memory_space<vmem>>, vector<1x16xf32>,
      %swap3A_154 = vector.shape_cast %swap3A_153 : vector<1x16xf32> to vector<16xf32>
      %swap3A_155 = vector.shape_cast %get3A_150 : vector<16xf32> to vector<1x16xf32>
      tpu.vector_store %arg13[%swap3A_151, %swap3A_152], %swap3A_155 {add = true, strides = array<i32>} : memref<160x384xf32, #tpu.memory_space<vmem>>, vector<1x16xf32>,
      %get3A_156 = arith.constant 0 : i32
      %get3A_157 = arith.index_cast %get3A_156 : i32 to index
      %get3A_158 = arith.constant 128 : index
      %get3A_159 = tpu.vector_load %arg11[%get3A_157, %get3A_158] {strides = array<i32>} : memref<32x384xf32, #tpu.memory_space<vmem>>, vector<1x16xf32>,
      %get3A_160 = vector.shape_cast %get3A_159 : vector<1x16xf32> to vector<16xf32>
      %swap3A_161 = arith.index_cast %squeeze3A_76 : i32 to index
      %swap3A_162 = arith.constant 128 : index
      %swap3A_163 = tpu.vector_load %arg13[%swap3A_161, %swap3A_162] {strides = array<i32>} : memref<160x384xf32, #tpu.memory_space<vmem>>, vector<1x16xf32>,
      %swap3A_164 = vector.shape_cast %swap3A_163 : vector<1x16xf32> to vector<16xf32>
      %swap3A_165 = vector.shape_cast %get3A_160 : vector<16xf32> to vector<1x16xf32>
      tpu.vector_store %arg13[%swap3A_161, %swap3A_162], %swap3A_165 {add = true, strides = array<i32>} : memref<160x384xf32, #tpu.memory_space<vmem>>, vector<1x16xf32>,
      %get3A_166 = arith.constant 0 : i32
      %get3A_167 = arith.index_cast %get3A_166 : i32 to index
      %get3A_168 = arith.constant 144 : index
      %get3A_169 = tpu.vector_load %arg11[%get3A_167, %get3A_168] {strides = array<i32>} : memref<32x384xf32, #tpu.memory_space<vmem>>, vector<1x16xf32>,
      %get3A_170 = vector.shape_cast %get3A_169 : vector<1x16xf32> to vector<16xf32>
      %swap3A_171 = arith.index_cast %squeeze3A_76 : i32 to index
      %swap3A_172 = arith.constant 144 : index
      %swap3A_173 = tpu.vector_load %arg13[%swap3A_171, %swap3A_172] {strides = array<i32>} : memref<160x384xf32, #tpu.memory_space<vmem>>, vector<1x16xf32>,
      %swap3A_174 = vector.shape_cast %swap3A_173 : vector<1x16xf32> to vector<16xf32>
      %swap3A_175 = vector.shape_cast %get3A_170 : vector<16xf32> to vector<1x16xf32>
      tpu.vector_store %arg13[%swap3A_171, %swap3A_172], %swap3A_175 {add = true, strides = array<i32>} : memref<160x384xf32, #tpu.memory_space<vmem>>, vector<1x16xf32>,
      %get3A_176 = arith.constant 0 : i32
      %get3A_177 = arith.index_cast %get3A_176 : i32 to index
      %get3A_178 = arith.constant 160 : index
      %get3A_179 = tpu.vector_load %arg11[%get3A_177, %get3A_178] {strides = array<i32>} : memref<32x384xf32, #tpu.memory_space<vmem>>, vector<1x16xf32>,
      %get3A_180 = vector.shape_cast %get3A_179 : vector<1x16xf32> to vector<16xf32>
      %swap3A_181 = arith.index_cast %squeeze3A_76 : i32 to index
      %swap3A_182 = arith.constant 160 : index
      %swap3A_183 = tpu.vector_load %arg13[%swap3A_181, %swap3A_182] {strides = array<i32>} : memref<160x384xf32, #tpu.memory_space<vmem>>, vector<1x16xf32>,
      %swap3A_184 = vector.shape_cast %swap3A_183 : vector<1x16xf32> to vector<16xf32>
      %swap3A_185 = vector.shape_cast %get3A_180 : vector<16xf32> to vector<1x16xf32>
      tpu.vector_store %arg13[%swap3A_181, %swap3A_182], %swap3A_185 {add = true, strides = array<i32>} : memref<160x384xf32, #tpu.memory_space<vmem>>, vector<1x16xf32>,
      %get3A_186 = arith.constant 0 : i32
      %get3A_187 = arith.index_cast %get3A_186 : i32 to index
      %get3A_188 = arith.constant 176 : index
      %get3A_189 = tpu.vector_load %arg11[%get3A_187, %get3A_188] {strides = array<i32>} : memref<32x384xf32, #tpu.memory_space<vmem>>, vector<1x16xf32>,
      %get3A_190 = vector.shape_cast %get3A_189 : vector<1x16xf32> to vector<16xf32>
      %swap3A_191 = arith.index_cast %squeeze3A_76 : i32 to index
      %swap3A_192 = arith.constant 176 : index
      %swap3A_193 = tpu.vector_load %arg13[%swap3A_191, %swap3A_192] {strides = array<i32>} : memref<160x384xf32, #tpu.memory_space<vmem>>, vector<1x16xf32>,
      %swap3A_194 = vector.shape_cast %swap3A_193 : vector<1x16xf32> to vector<16xf32>
      %swap3A_195 = vector.shape_cast %get3A_190 : vector<16xf32> to vector<1x16xf32>
      tpu.vector_store %arg13[%swap3A_191, %swap3A_192], %swap3A_195 {add = true, strides = array<i32>} : memref<160x384xf32, #tpu.memory_space<vmem>>, vector<1x16xf32>,
      %get3A_196 = arith.constant 0 : i32
      %get3A_197 = arith.index_cast %get3A_196 : i32 to index
      %get3A_198 = arith.constant 192 : index
      %get3A_199 = tpu.vector_load %arg11[%get3A_197, %get3A_198] {strides = array<i32>} : memref<32x384xf32, #tpu.memory_space<vmem>>, vector<1x16xf32>,
      %get3A_200 = vector.shape_cast %get3A_199 : vector<1x16xf32> to vector<16xf32>
      %swap3A_201 = arith.index_cast %squeeze3A_76 : i32 to index
      %swap3A_202 = arith.constant 192 : index
      %swap3A_203 = tpu.vector_load %arg13[%swap3A_201, %swap3A_202] {strides = array<i32>} : memref<160x384xf32, #tpu.memory_space<vmem>>, vector<1x16xf32>,
      %swap3A_204 = vector.shape_cast %swap3A_203 : vector<1x16xf32> to vector<16xf32>
      %swap3A_205 = vector.shape_cast %get3A_200 : vector<16xf32> to vector<1x16xf32>
      tpu.vector_store %arg13[%swap3A_201, %swap3A_202], %swap3A_205 {add = true, strides = array<i32>} : memref<160x384xf32, #tpu.memory_space<vmem>>, vector<1x16xf32>,
      %get3A_206 = arith.constant 0 : i32
      %get3A_207 = arith.index_cast %get3A_206 : i32 to index
      %get3A_208 = arith.constant 208 : index
      %get3A_209 = tpu.vector_load %arg11[%get3A_207, %get3A_208] {strides = array<i32>} : memref<32x384xf32, #tpu.memory_space<vmem>>, vector<1x16xf32>,
      %get3A_210 = vector.shape_cast %get3A_209 : vector<1x16xf32> to vector<16xf32>
      %swap3A_211 = arith.index_cast %squeeze3A_76 : i32 to index
      %swap3A_212 = arith.constant 208 : index
      %swap3A_213 = tpu.vector_load %arg13[%swap3A_211, %swap3A_212] {strides = array<i32>} : memref<160x384xf32, #tpu.memory_space<vmem>>, vector<1x16xf32>,
      %swap3A_214 = vector.shape_cast %swap3A_213 : vector<1x16xf32> to vector<16xf32>
      %swap3A_215 = vector.shape_cast %get3A_210 : vector<16xf32> to vector<1x16xf32>
      tpu.vector_store %arg13[%swap3A_211, %swap3A_212], %swap3A_215 {add = true, strides = array<i32>} : memref<160x384xf32, #tpu.memory_space<vmem>>, vector<1x16xf32>,
      %get3A_216 = arith.constant 0 : i32
      %get3A_217 = arith.index_cast %get3A_216 : i32 to index
      %get3A_218 = arith.constant 224 : index
      %get3A_219 = tpu.vector_load %arg11[%get3A_217, %get3A_218] {strides = array<i32>} : memref<32x384xf32, #tpu.memory_space<vmem>>, vector<1x16xf32>,
      %get3A_220 = vector.shape_cast %get3A_219 : vector<1x16xf32> to vector<16xf32>
      %swap3A_221 = arith.index_cast %squeeze3A_76 : i32 to index
      %swap3A_222 = arith.constant 224 : index
      %swap3A_223 = tpu.vector_load %arg13[%swap3A_221, %swap3A_222] {strides = array<i32>} : memref<160x384xf32, #tpu.memory_space<vmem>>, vector<1x16xf32>,
      %swap3A_224 = vector.shape_cast %swap3A_223 : vector<1x16xf32> to vector<16xf32>
      %swap3A_225 = vector.shape_cast %get3A_220 : vector<16xf32> to vector<1x16xf32>
      tpu.vector_store %arg13[%swap3A_221, %swap3A_222], %swap3A_225 {add = true, strides = array<i32>} : memref<160x384xf32, #tpu.memory_space<vmem>>, vector<1x16xf32>,
      %get3A_226 = arith.constant 0 : i32
      %get3A_227 = arith.index_cast %get3A_226 : i32 to index
      %get3A_228 = arith.constant 240 : index
      %get3A_229 = tpu.vector_load %arg11[%get3A_227, %get3A_228] {strides = array<i32>} : memref<32x384xf32, #tpu.memory_space<vmem>>, vector<1x16xf32>,
      %get3A_230 = vector.shape_cast %get3A_229 : vector<1x16xf32> to vector<16xf32>
      %swap3A_231 = arith.index_cast %squeeze3A_76 : i32 to index
      %swap3A_232 = arith.constant 240 : index
      %swap3A_233 = tpu.vector_load %arg13[%swap3A_231, %swap3A_232] {strides = array<i32>} : memref<160x384xf32, #tpu.memory_space<vmem>>, vector<1x16xf32>,
      %swap3A_234 = vector.shape_cast %swap3A_233 : vector<1x16xf32> to vector<16xf32>
      %swap3A_235 = vector.shape_cast %get3A_230 : vector<16xf32> to vector<1x16xf32>
      tpu.vector_store %arg13[%swap3A_231, %swap3A_232], %swap3A_235 {add = true, strides = array<i32>} : memref<160x384xf32, #tpu.memory_space<vmem>>, vector<1x16xf32>,
      %get3A_236 = arith.constant 0 : i32
      %get3A_237 = arith.index_cast %get3A_236 : i32 to index
      %get3A_238 = arith.constant 256 : index
      %get3A_239 = tpu.vector_load %arg11[%get3A_237, %get3A_238] {strides = array<i32>} : memref<32x384xf32, #tpu.memory_space<vmem>>, vector<1x16xf32>,
      %get3A_240 = vector.shape_cast %get3A_239 : vector<1x16xf32> to vector<16xf32>
      %swap3A_241 = arith.index_cast %squeeze3A_76 : i32 to index
      %swap3A_242 = arith.constant 256 : index
      %swap3A_243 = tpu.vector_load %arg13[%swap3A_241, %swap3A_242] {strides = array<i32>} : memref<160x384xf32, #tpu.memory_space<vmem>>, vector<1x16xf32>,
      %swap3A_244 = vector.shape_cast %swap3A_243 : vector<1x16xf32> to vector<16xf32>
      %swap3A_245 = vector.shape_cast %get3A_240 : vector<16xf32> to vector<1x16xf32>
      tpu.vector_store %arg13[%swap3A_241, %swap3A_242], %swap3A_245 {add = true, strides = array<i32>} : memref<160x384xf32, #tpu.memory_space<vmem>>, vector<1x16xf32>,
      %get3A_246 = arith.constant 0 : i32
      %get3A_247 = arith.index_cast %get3A_246 : i32 to index
      %get3A_248 = arith.constant 272 : index
      %get3A_249 = tpu.vector_load %arg11[%get3A_247, %get3A_248] {strides = array<i32>} : memref<32x384xf32, #tpu.memory_space<vmem>>, vector<1x16xf32>,
      %get3A_250 = vector.shape_cast %get3A_249 : vector<1x16xf32> to vector<16xf32>
      %swap3A_251 = arith.index_cast %squeeze3A_76 : i32 to index
      %swap3A_252 = arith.constant 272 : index
      %swap3A_253 = tpu.vector_load %arg13[%swap3A_251, %swap3A_252] {strides = array<i32>} : memref<160x384xf32, #tpu.memory_space<vmem>>, vector<1x16xf32>,
      %swap3A_254 = vector.shape_cast %swap3A_253 : vector<1x16xf32> to vector<16xf32>
      %swap3A_255 = vector.shape_cast %get3A_250 : vector<16xf32> to vector<1x16xf32>
      tpu.vector_store %arg13[%swap3A_251, %swap3A_252], %swap3A_255 {add = true, strides = array<i32>} : memref<160x384xf32, #tpu.memory_space<vmem>>, vector<1x16xf32>,
      %get3A_256 = arith.constant 0 : i32
      %get3A_257 = arith.index_cast %get3A_256 : i32 to index
      %get3A_258 = arith.constant 288 : index
      %get3A_259 = tpu.vector_load %arg11[%get3A_257, %get3A_258] {strides = array<i32>} : memref<32x384xf32, #tpu.memory_space<vmem>>, vector<1x16xf32>,
      %get3A_260 = vector.shape_cast %get3A_259 : vector<1x16xf32> to vector<16xf32>
      %swap3A_261 = arith.index_cast %squeeze3A_76 : i32 to index
      %swap3A_262 = arith.constant 288 : index
      %swap3A_263 = tpu.vector_load %arg13[%swap3A_261, %swap3A_262] {strides = array<i32>} : memref<160x384xf32, #tpu.memory_space<vmem>>, vector<1x16xf32>,
      %swap3A_264 = vector.shape_cast %swap3A_263 : vector<1x16xf32> to vector<16xf32>
      %swap3A_265 = vector.shape_cast %get3A_260 : vector<16xf32> to vector<1x16xf32>
      tpu.vector_store %arg13[%swap3A_261, %swap3A_262], %swap3A_265 {add = true, strides = array<i32>} : memref<160x384xf32, #tpu.memory_space<vmem>>, vector<1x16xf32>,
      %get3A_266 = arith.constant 0 : i32
      %get3A_267 = arith.index_cast %get3A_266 : i32 to index
      %get3A_268 = arith.constant 304 : index
      %get3A_269 = tpu.vector_load %arg11[%get3A_267, %get3A_268] {strides = array<i32>} : memref<32x384xf32, #tpu.memory_space<vmem>>, vector<1x16xf32>,
      %get3A_270 = vector.shape_cast %get3A_269 : vector<1x16xf32> to vector<16xf32>
      %swap3A_271 = arith.index_cast %squeeze3A_76 : i32 to index
      %swap3A_272 = arith.constant 304 : index
      %swap3A_273 = tpu.vector_load %arg13[%swap3A_271, %swap3A_272] {strides = array<i32>} : memref<160x384xf32, #tpu.memory_space<vmem>>, vector<1x16xf32>,
      %swap3A_274 = vector.shape_cast %swap3A_273 : vector<1x16xf32> to vector<16xf32>
      %swap3A_275 = vector.shape_cast %get3A_270 : vector<16xf32> to vector<1x16xf32>
      tpu.vector_store %arg13[%swap3A_271, %swap3A_272], %swap3A_275 {add = true, strides = array<i32>} : memref<160x384xf32, #tpu.memory_space<vmem>>, vector<1x16xf32>,
      %get3A_276 = arith.constant 0 : i32
      %get3A_277 = arith.index_cast %get3A_276 : i32 to index
      %get3A_278 = arith.constant 320 : index
      %get3A_279 = tpu.vector_load %arg11[%get3A_277, %get3A_278] {strides = array<i32>} : memref<32x384xf32, #tpu.memory_space<vmem>>, vector<1x16xf32>,
      %get3A_280 = vector.shape_cast %get3A_279 : vector<1x16xf32> to vector<16xf32>
      %swap3A_281 = arith.index_cast %squeeze3A_76 : i32 to index
      %swap3A_282 = arith.constant 320 : index
      %swap3A_283 = tpu.vector_load %arg13[%swap3A_281, %swap3A_282] {strides = array<i32>} : memref<160x384xf32, #tpu.memory_space<vmem>>, vector<1x16xf32>,
      %swap3A_284 = vector.shape_cast %swap3A_283 : vector<1x16xf32> to vector<16xf32>
      %swap3A_285 = vector.shape_cast %get3A_280 : vector<16xf32> to vector<1x16xf32>
      tpu.vector_store %arg13[%swap3A_281, %swap3A_282], %swap3A_285 {add = true, strides = array<i32>} : memref<160x384xf32, #tpu.memory_space<vmem>>, vector<1x16xf32>,
      %get3A_286 = arith.constant 0 : i32
      %get3A_287 = arith.index_cast %get3A_286 : i32 to index
      %get3A_288 = arith.constant 336 : index
      %get3A_289 = tpu.vector_load %arg11[%get3A_287, %get3A_288] {strides = array<i32>} : memref<32x384xf32, #tpu.memory_space<vmem>>, vector<1x16xf32>,
      %get3A_290 = vector.shape_cast %get3A_289 : vector<1x16xf32> to vector<16xf32>
      %swap3A_291 = arith.index_cast %squeeze3A_76 : i32 to index
      %swap3A_292 = arith.constant 336 : index
      %swap3A_293 = tpu.vector_load %arg13[%swap3A_291, %swap3A_292] {strides = array<i32>} : memref<160x384xf32, #tpu.memory_space<vmem>>, vector<1x16xf32>,
      %swap3A_294 = vector.shape_cast %swap3A_293 : vector<1x16xf32> to vector<16xf32>
      %swap3A_295 = vector.shape_cast %get3A_290 : vector<16xf32> to vector<1x16xf32>
      tpu.vector_store %arg13[%swap3A_291, %swap3A_292], %swap3A_295 {add = true, strides = array<i32>} : memref<160x384xf32, #tpu.memory_space<vmem>>, vector<1x16xf32>,
      %get3A_296 = arith.constant 0 : i32
      %get3A_297 = arith.index_cast %get3A_296 : i32 to index
      %get3A_298 = arith.constant 352 : index
      %get3A_299 = tpu.vector_load %arg11[%get3A_297, %get3A_298] {strides = array<i32>} : memref<32x384xf32, #tpu.memory_space<vmem>>, vector<1x16xf32>,
      %get3A_300 = vector.shape_cast %get3A_299 : vector<1x16xf32> to vector<16xf32>
      %swap3A_301 = arith.index_cast %squeeze3A_76 : i32 to index
      %swap3A_302 = arith.constant 352 : index
      %swap3A_303 = tpu.vector_load %arg13[%swap3A_301, %swap3A_302] {strides = array<i32>} : memref<160x384xf32, #tpu.memory_space<vmem>>, vector<1x16xf32>,
      %swap3A_304 = vector.shape_cast %swap3A_303 : vector<1x16xf32> to vector<16xf32>
      %swap3A_305 = vector.shape_cast %get3A_300 : vector<16xf32> to vector<1x16xf32>
      tpu.vector_store %arg13[%swap3A_301, %swap3A_302], %swap3A_305 {add = true, strides = array<i32>} : memref<160x384xf32, #tpu.memory_space<vmem>>, vector<1x16xf32>,
      %get3A_306 = arith.constant 0 : i32
      %get3A_307 = arith.index_cast %get3A_306 : i32 to index
      %get3A_308 = arith.constant 368 : index
      %get3A_309 = tpu.vector_load %arg11[%get3A_307, %get3A_308] {strides = array<i32>} : memref<32x384xf32, #tpu.memory_space<vmem>>, vector<1x16xf32>,
      %get3A_310 = vector.shape_cast %get3A_309 : vector<1x16xf32> to vector<16xf32>
      %swap3A_311 = arith.index_cast %squeeze3A_76 : i32 to index
      %swap3A_312 = arith.constant 368 : index
      %swap3A_313 = tpu.vector_load %arg13[%swap3A_311, %swap3A_312] {strides = array<i32>} : memref<160x384xf32, #tpu.memory_space<vmem>>, vector<1x16xf32>,
      %swap3A_314 = vector.shape_cast %swap3A_313 : vector<1x16xf32> to vector<16xf32>
      %swap3A_315 = vector.shape_cast %get3A_310 : vector<16xf32> to vector<1x16xf32>
      tpu.vector_store %arg13[%swap3A_311, %swap3A_312], %swap3A_315 {add = true, strides = array<i32>} : memref<160x384xf32, #tpu.memory_space<vmem>>, vector<1x16xf32>,
      %slice3A_316 = vector.extract_strided_slice %get3A_48 {offsets = [0], sizes = [1], strides = [1]} : vector<16xi32> to vector<1xi32>
      %squeeze3A_317 = vector.extract %slice3A_316[0] : i32 from vector<1xi32>
      %shift_right_logical3A = arith.constant 8 : i32
      %shift_right_logical3A_318 = arith.shrui %squeeze3A_317, %shift_right_logical3A : i32
      %sub3A_319 = arith.constant 1 : i32
      %sub3A_320 = arith.subi %shift_right_logical3A_318, %sub3A_319 : i32
      %ge3A = arith.constant 0 : i32
      %ge3A_321 = arith.cmpi sge, %sub3A_320, %ge3A : i32
      %convert_element_type3A_322 = arith.extui %ge3A_321 : i1 to i32
      %cond3A_323 = arith.constant 0 : i32
      %cond3A_324 = arith.cmpi ne, %convert_element_type3A_322, %cond3A_323 : i32
      scf.if %cond3A_324 {
        %multiple_of3A_589 = tpu.assume_multiple %sub3A_320, 32 : i32
        "tpu.region"() ({
          %run_scoped3A = tpu.sem_alloc : memref<!tpu.dma_semaphore, #tpu.memory_space<semaphore_mem>>
          %dma_start3A = arith.constant 0 : i32
          %dma_start3A_590 = tpu.memref_slice %arg7[%multiple_of3A_589, %dma_start3A] : memref<81920x384xf32, #tpu.memory_space<hbm>> -> memref<160x384xf32, #tpu.memory_space<hbm>>
          %dma_start3A_591 = arith.constant 0 : i32
          %dma_start3A_592 = tpu.memref_slice %arg7[%multiple_of3A_589, %dma_start3A_591] : memref<81920x384xf32, #tpu.memory_space<hbm>> -> memref<160x384xf32, #tpu.memory_space<hbm>>
          tpu.enqueue_dma source(%arg13 : memref<160x384xf32, #tpu.memory_space<vmem>>) target(%dma_start3A_592 : memref<160x384xf32, #tpu.memory_space<hbm>>) target_semaphore(%run_scoped3A : memref<!tpu.dma_semaphore, #tpu.memory_space<semaphore_mem>>)
          %dma_wait3A = arith.constant 0 : i32
          %dma_wait3A_593 = tpu.memref_slice %arg7[%multiple_of3A_589, %dma_wait3A] : memref<81920x384xf32, #tpu.memory_space<hbm>> -> memref<160x384xf32, #tpu.memory_space<hbm>>
          %dma_wait3A_594 = arith.constant 0 : i32
          %dma_wait3A_595 = tpu.memref_slice %arg7[%multiple_of3A_589, %dma_wait3A_594] : memref<81920x384xf32, #tpu.memory_space<hbm>> -> memref<160x384xf32, #tpu.memory_space<hbm>>
          tpu.wait_dma2 semaphore(%run_scoped3A : memref<!tpu.dma_semaphore, #tpu.memory_space<semaphore_mem>>) src(%arg13 : memref<160x384xf32, #tpu.memory_space<vmem>>) dst(%dma_wait3A_595 : memref<160x384xf32, #tpu.memory_space<hbm>>)
          tpu.yield
        }) : () -> ()
        "tpu.region"() ({
          %run_scoped3A = tpu.sem_alloc : memref<!tpu.dma_semaphore, #tpu.memory_space<semaphore_mem>>
          %dma_start3A = arith.constant 0 : i32
          %dma_start3A_590 = arith.constant 0 : i32
          %dma_start3A_591 = tpu.memref_slice %arg13[%dma_start3A, %dma_start3A_590] : memref<160x384xf32, #tpu.memory_space<vmem>> -> memref<40x384xf32, #tpu.memory_space<vmem>>
          %dma_start3A_592 = arith.constant 0 : i32
          %dma_start3A_593 = arith.constant 0 : i32
          %dma_start3A_594 = tpu.memref_slice %arg13[%dma_start3A_592, %dma_start3A_593] : memref<160x384xf32, #tpu.memory_space<vmem>> -> memref<40x384xf32, #tpu.memory_space<vmem>>
          tpu.enqueue_dma source(%arg14 : memref<40x384xf32, #tpu.memory_space<vmem_shared>>) target(%dma_start3A_594 : memref<40x384xf32, #tpu.memory_space<vmem>>) target_semaphore(%run_scoped3A : memref<!tpu.dma_semaphore, #tpu.memory_space<semaphore_mem>>)
          %dma_wait3A = arith.constant 0 : i32
          %dma_wait3A_595 = arith.constant 0 : i32
          %dma_wait3A_596 = tpu.memref_slice %arg13[%dma_wait3A, %dma_wait3A_595] : memref<160x384xf32, #tpu.memory_space<vmem>> -> memref<40x384xf32, #tpu.memory_space<vmem>>
          %dma_wait3A_597 = arith.constant 0 : i32
          %dma_wait3A_598 = arith.constant 0 : i32
          %dma_wait3A_599 = tpu.memref_slice %arg13[%dma_wait3A_597, %dma_wait3A_598] : memref<160x384xf32, #tpu.memory_space<vmem>> -> memref<40x384xf32, #tpu.memory_space<vmem>>
          tpu.wait_dma2 semaphore(%run_scoped3A : memref<!tpu.dma_semaphore, #tpu.memory_space<semaphore_mem>>) src(%arg14 : memref<40x384xf32, #tpu.memory_space<vmem_shared>>) dst(%dma_wait3A_599 : memref<40x384xf32, #tpu.memory_space<vmem>>)
          tpu.yield
        }) : () -> ()
        "tpu.region"() ({
          %run_scoped3A = tpu.sem_alloc : memref<!tpu.dma_semaphore, #tpu.memory_space<semaphore_mem>>
          %dma_start3A = arith.constant 40 : i32
          %dma_start3A_590 = arith.constant 0 : i32
          %dma_start3A_591 = tpu.memref_slice %arg13[%dma_start3A, %dma_start3A_590] : memref<160x384xf32, #tpu.memory_space<vmem>> -> memref<40x384xf32, #tpu.memory_space<vmem>>
          %dma_start3A_592 = arith.constant 40 : i32
          %dma_start3A_593 = arith.constant 0 : i32
          %dma_start3A_594 = tpu.memref_slice %arg13[%dma_start3A_592, %dma_start3A_593] : memref<160x384xf32, #tpu.memory_space<vmem>> -> memref<40x384xf32, #tpu.memory_space<vmem>>
          tpu.enqueue_dma source(%arg14 : memref<40x384xf32, #tpu.memory_space<vmem_shared>>) target(%dma_start3A_594 : memref<40x384xf32, #tpu.memory_space<vmem>>) target_semaphore(%run_scoped3A : memref<!tpu.dma_semaphore, #tpu.memory_space<semaphore_mem>>)
          %dma_wait3A = arith.constant 40 : i32
          %dma_wait3A_595 = arith.constant 0 : i32
          %dma_wait3A_596 = tpu.memref_slice %arg13[%dma_wait3A, %dma_wait3A_595] : memref<160x384xf32, #tpu.memory_space<vmem>> -> memref<40x384xf32, #tpu.memory_space<vmem>>
          %dma_wait3A_597 = arith.constant 40 : i32
          %dma_wait3A_598 = arith.constant 0 : i32
          %dma_wait3A_599 = tpu.memref_slice %arg13[%dma_wait3A_597, %dma_wait3A_598] : memref<160x384xf32, #tpu.memory_space<vmem>> -> memref<40x384xf32, #tpu.memory_space<vmem>>
          tpu.wait_dma2 semaphore(%run_scoped3A : memref<!tpu.dma_semaphore, #tpu.memory_space<semaphore_mem>>) src(%arg14 : memref<40x384xf32, #tpu.memory_space<vmem_shared>>) dst(%dma_wait3A_599 : memref<40x384xf32, #tpu.memory_space<vmem>>)
          tpu.yield
        }) : () -> ()
        "tpu.region"() ({
          %run_scoped3A = tpu.sem_alloc : memref<!tpu.dma_semaphore, #tpu.memory_space<semaphore_mem>>
          %dma_start3A = arith.constant 80 : i32
          %dma_start3A_590 = arith.constant 0 : i32
          %dma_start3A_591 = tpu.memref_slice %arg13[%dma_start3A, %dma_start3A_590] : memref<160x384xf32, #tpu.memory_space<vmem>> -> memref<40x384xf32, #tpu.memory_space<vmem>>
          %dma_start3A_592 = arith.constant 80 : i32
          %dma_start3A_593 = arith.constant 0 : i32
          %dma_start3A_594 = tpu.memref_slice %arg13[%dma_start3A_592, %dma_start3A_593] : memref<160x384xf32, #tpu.memory_space<vmem>> -> memref<40x384xf32, #tpu.memory_space<vmem>>
          tpu.enqueue_dma source(%arg14 : memref<40x384xf32, #tpu.memory_space<vmem_shared>>) target(%dma_start3A_594 : memref<40x384xf32, #tpu.memory_space<vmem>>) target_semaphore(%run_scoped3A : memref<!tpu.dma_semaphore, #tpu.memory_space<semaphore_mem>>)
          %dma_wait3A = arith.constant 80 : i32
          %dma_wait3A_595 = arith.constant 0 : i32
          %dma_wait3A_596 = tpu.memref_slice %arg13[%dma_wait3A, %dma_wait3A_595] : memref<160x384xf32, #tpu.memory_space<vmem>> -> memref<40x384xf32, #tpu.memory_space<vmem>>
          %dma_wait3A_597 = arith.constant 80 : i32
          %dma_wait3A_598 = arith.constant 0 : i32
          %dma_wait3A_599 = tpu.memref_slice %arg13[%dma_wait3A_597, %dma_wait3A_598] : memref<160x384xf32, #tpu.memory_space<vmem>> -> memref<40x384xf32, #tpu.memory_space<vmem>>
          tpu.wait_dma2 semaphore(%run_scoped3A : memref<!tpu.dma_semaphore, #tpu.memory_space<semaphore_mem>>) src(%arg14 : memref<40x384xf32, #tpu.memory_space<vmem_shared>>) dst(%dma_wait3A_599 : memref<40x384xf32, #tpu.memory_space<vmem>>)
          tpu.yield
        }) : () -> ()
        "tpu.region"() ({
          %run_scoped3A = tpu.sem_alloc : memref<!tpu.dma_semaphore, #tpu.memory_space<semaphore_mem>>
          %dma_start3A = arith.constant 120 : i32
          %dma_start3A_590 = arith.constant 0 : i32
          %dma_start3A_591 = tpu.memref_slice %arg13[%dma_start3A, %dma_start3A_590] : memref<160x384xf32, #tpu.memory_space<vmem>> -> memref<40x384xf32, #tpu.memory_space<vmem>>
          %dma_start3A_592 = arith.constant 120 : i32
          %dma_start3A_593 = arith.constant 0 : i32
          %dma_start3A_594 = tpu.memref_slice %arg13[%dma_start3A_592, %dma_start3A_593] : memref<160x384xf32, #tpu.memory_space<vmem>> -> memref<40x384xf32, #tpu.memory_space<vmem>>
          tpu.enqueue_dma source(%arg14 : memref<40x384xf32, #tpu.memory_space<vmem_shared>>) target(%dma_start3A_594 : memref<40x384xf32, #tpu.memory_space<vmem>>) target_semaphore(%run_scoped3A : memref<!tpu.dma_semaphore, #tpu.memory_space<semaphore_mem>>)
          %dma_wait3A = arith.constant 120 : i32
          %dma_wait3A_595 = arith.constant 0 : i32
          %dma_wait3A_596 = tpu.memref_slice %arg13[%dma_wait3A, %dma_wait3A_595] : memref<160x384xf32, #tpu.memory_space<vmem>> -> memref<40x384xf32, #tpu.memory_space<vmem>>
          %dma_wait3A_597 = arith.constant 120 : i32
          %dma_wait3A_598 = arith.constant 0 : i32
          %dma_wait3A_599 = tpu.memref_slice %arg13[%dma_wait3A_597, %dma_wait3A_598] : memref<160x384xf32, #tpu.memory_space<vmem>> -> memref<40x384xf32, #tpu.memory_space<vmem>>
          tpu.wait_dma2 semaphore(%run_scoped3A : memref<!tpu.dma_semaphore, #tpu.memory_space<semaphore_mem>>) src(%arg14 : memref<40x384xf32, #tpu.memory_space<vmem_shared>>) dst(%dma_wait3A_599 : memref<40x384xf32, #tpu.memory_space<vmem>>)
          tpu.yield
        }) : () -> ()
      } else {
      }
      %add3A_325 = arith.constant 1 : i32
      %add3A_326 = arith.addi %add3A_42, %add3A_325 : i32
      %lt3A = arith.cmpi slt, %add3A_326, %squeeze3A : i32
      %convert_element_type3A_327 = arith.extui %lt3A : i1 to i32
      %cond3A_328 = arith.constant 0 : i32
      %cond3A_329 = arith.cmpi ne, %convert_element_type3A_327, %cond3A_328 : i32
      scf.if %cond3A_329 {
        %add3A_589 = arith.constant 1 : i32
        %add3A_590 = arith.addi %add3A_42, %add3A_589 : i32
        %rem3A_591 = arith.constant 8 : i32
        %rem3A_592 = arith.remsi %add3A_590, %rem3A_591 : i32
        %eq3A = arith.constant 0 : i32
        %eq3A_593 = arith.cmpi eq, %rem3A_592, %eq3A : i32
        %convert_element_type3A_594 = arith.extui %eq3A_593 : i1 to i32
        %cond3A_595 = arith.constant 0 : i32
        %cond3A_596 = arith.cmpi ne, %convert_element_type3A_594, %cond3A_595 : i32
        scf.if %cond3A_596 {
          %add3A_599 = arith.constant 1 : i32
          %add3A_600 = arith.addi %add3A_42, %add3A_599 : i32
          %mul3A_601 = arith.constant 32 : i32
          %mul3A_602 = arith.muli %add3A_600, %mul3A_601 : i32
          %add3A_603 = arith.addi %squeeze3A_13, %mul3A_602 : i32
          %multiple_of3A_604 = tpu.assume_multiple %add3A_603, 32 : i32
          "tpu.region"() ({
            %run_scoped3A = tpu.sem_alloc : memref<!tpu.dma_semaphore, #tpu.memory_space<semaphore_mem>>
            %dma_start3A = tpu.memref_slice %arg3[%multiple_of3A_604] : memref<193024xi32, #tpu.memory_space<hbm>> -> memref<256xi32, #tpu.memory_space<hbm>>
            %dma_start3A_605 = tpu.memref_slice %arg3[%multiple_of3A_604] : memref<193024xi32, #tpu.memory_space<hbm>> -> memref<256xi32, #tpu.memory_space<hbm>>
            tpu.enqueue_dma source(%dma_start3A_605 : memref<256xi32, #tpu.memory_space<hbm>>) target(%arg9 : memref<256xi32, #tpu.memory_space<vmem>>) target_semaphore(%run_scoped3A : memref<!tpu.dma_semaphore, #tpu.memory_space<semaphore_mem>>)
            %dma_wait3A = tpu.memref_slice %arg3[%multiple_of3A_604] : memref<193024xi32, #tpu.memory_space<hbm>> -> memref<256xi32, #tpu.memory_space<hbm>>
            %dma_wait3A_606 = tpu.memref_slice %arg3[%multiple_of3A_604] : memref<193024xi32, #tpu.memory_space<hbm>> -> memref<256xi32, #tpu.memory_space<hbm>>
            tpu.wait_dma2 semaphore(%run_scoped3A : memref<!tpu.dma_semaphore, #tpu.memory_space<semaphore_mem>>) src(%dma_wait3A_606 : memref<256xi32, #tpu.memory_space<hbm>>) dst(%arg9 : memref<256xi32, #tpu.memory_space<vmem>>)
            tpu.yield
          }) : () -> ()
          "tpu.region"() ({
            %run_scoped3A = tpu.sem_alloc : memref<!tpu.dma_semaphore, #tpu.memory_space<semaphore_mem>>
            %dma_start3A = tpu.memref_slice %arg4[%multiple_of3A_604] : memref<193024xi32, #tpu.memory_space<hbm>> -> memref<256xi32, #tpu.memory_space<hbm>>
            %dma_start3A_605 = tpu.memref_slice %arg4[%multiple_of3A_604] : memref<193024xi32, #tpu.memory_space<hbm>> -> memref<256xi32, #tpu.memory_space<hbm>>
            tpu.enqueue_dma source(%dma_start3A_605 : memref<256xi32, #tpu.memory_space<hbm>>) target(%arg10 : memref<256xi32, #tpu.memory_space<vmem>>) target_semaphore(%run_scoped3A : memref<!tpu.dma_semaphore, #tpu.memory_space<semaphore_mem>>)
            %dma_wait3A = tpu.memref_slice %arg4[%multiple_of3A_604] : memref<193024xi32, #tpu.memory_space<hbm>> -> memref<256xi32, #tpu.memory_space<hbm>>
            %dma_wait3A_606 = tpu.memref_slice %arg4[%multiple_of3A_604] : memref<193024xi32, #tpu.memory_space<hbm>> -> memref<256xi32, #tpu.memory_space<hbm>>
            tpu.wait_dma2 semaphore(%run_scoped3A : memref<!tpu.dma_semaphore, #tpu.memory_space<semaphore_mem>>) src(%dma_wait3A_606 : memref<256xi32, #tpu.memory_space<hbm>>) dst(%arg10 : memref<256xi32, #tpu.memory_space<vmem>>)
            tpu.yield
          }) : () -> ()
        } else {
        }
        %add3A_597 = arith.constant 1 : i32
        %add3A_598 = arith.addi %add3A_42, %add3A_597 : i32
      } else {
      }
      %and3A_330 = arith.constant 255 : i32
      %and3A_331 = vector.broadcast %and3A_330 : i32 to vector<16xi32>
      %and3A_332 = arith.andi %get3A_62, %and3A_331 : vector<16xi32>
      %and3A_333 = arith.constant 255 : i32
      %and3A_334 = vector.broadcast %and3A_333 : i32 to vector<16xi32>
      %and3A_335 = arith.andi %get3A_69, %and3A_334 : vector<16xi32>
      %slice3A_336 = vector.extract_strided_slice %and3A_332 {offsets = [0], sizes = [1], strides = [1]} : vector<16xi32> to vector<1xi32>
      %squeeze3A_337 = vector.extract %slice3A_336[0] : i32 from vector<1xi32>
      %get3A_338 = arith.constant 0 : i32
      %get3A_339 = arith.index_cast %get3A_338 : i32 to index
      %get3A_340 = arith.constant 0 : index
      %get3A_341 = tpu.vector_load %arg12[%get3A_339, %get3A_340] {strides = array<i32>} : memref<32x384xf32, #tpu.memory_space<vmem>>, vector<1x16xf32>,
      %get3A_342 = vector.shape_cast %get3A_341 : vector<1x16xf32> to vector<16xf32>
      %swap3A_343 = arith.index_cast %squeeze3A_337 : i32 to index
      %swap3A_344 = arith.constant 0 : index
      %swap3A_345 = tpu.vector_load %arg13[%swap3A_343, %swap3A_344] {strides = array<i32>} : memref<160x384xf32, #tpu.memory_space<vmem>>, vector<1x16xf32>,
      %swap3A_346 = vector.shape_cast %swap3A_345 : vector<1x16xf32> to vector<16xf32>
      %swap3A_347 = vector.shape_cast %get3A_342 : vector<16xf32> to vector<1x16xf32>
      tpu.vector_store %arg13[%swap3A_343, %swap3A_344], %swap3A_347 {add = true, strides = array<i32>} : memref<160x384xf32, #tpu.memory_space<vmem>>, vector<1x16xf32>,
      %get3A_348 = arith.constant 0 : i32
      %get3A_349 = arith.index_cast %get3A_348 : i32 to index
      %get3A_350 = arith.constant 16 : index
      %get3A_351 = tpu.vector_load %arg12[%get3A_349, %get3A_350] {strides = array<i32>} : memref<32x384xf32, #tpu.memory_space<vmem>>, vector<1x16xf32>,
      %get3A_352 = vector.shape_cast %get3A_351 : vector<1x16xf32> to vector<16xf32>
      %swap3A_353 = arith.index_cast %squeeze3A_337 : i32 to index
      %swap3A_354 = arith.constant 16 : index
      %swap3A_355 = tpu.vector_load %arg13[%swap3A_353, %swap3A_354] {strides = array<i32>} : memref<160x384xf32, #tpu.memory_space<vmem>>, vector<1x16xf32>,
      %swap3A_356 = vector.shape_cast %swap3A_355 : vector<1x16xf32> to vector<16xf32>
      %swap3A_357 = vector.shape_cast %get3A_352 : vector<16xf32> to vector<1x16xf32>
      tpu.vector_store %arg13[%swap3A_353, %swap3A_354], %swap3A_357 {add = true, strides = array<i32>} : memref<160x384xf32, #tpu.memory_space<vmem>>, vector<1x16xf32>,
      %get3A_358 = arith.constant 0 : i32
      %get3A_359 = arith.index_cast %get3A_358 : i32 to index
      %get3A_360 = arith.constant 32 : index
      %get3A_361 = tpu.vector_load %arg12[%get3A_359, %get3A_360] {strides = array<i32>} : memref<32x384xf32, #tpu.memory_space<vmem>>, vector<1x16xf32>,
      %get3A_362 = vector.shape_cast %get3A_361 : vector<1x16xf32> to vector<16xf32>
      %swap3A_363 = arith.index_cast %squeeze3A_337 : i32 to index
      %swap3A_364 = arith.constant 32 : index
      %swap3A_365 = tpu.vector_load %arg13[%swap3A_363, %swap3A_364] {strides = array<i32>} : memref<160x384xf32, #tpu.memory_space<vmem>>, vector<1x16xf32>,
      %swap3A_366 = vector.shape_cast %swap3A_365 : vector<1x16xf32> to vector<16xf32>
      %swap3A_367 = vector.shape_cast %get3A_362 : vector<16xf32> to vector<1x16xf32>
      tpu.vector_store %arg13[%swap3A_363, %swap3A_364], %swap3A_367 {add = true, strides = array<i32>} : memref<160x384xf32, #tpu.memory_space<vmem>>, vector<1x16xf32>,
      %get3A_368 = arith.constant 0 : i32
      %get3A_369 = arith.index_cast %get3A_368 : i32 to index
      %get3A_370 = arith.constant 48 : index
      %get3A_371 = tpu.vector_load %arg12[%get3A_369, %get3A_370] {strides = array<i32>} : memref<32x384xf32, #tpu.memory_space<vmem>>, vector<1x16xf32>,
      %get3A_372 = vector.shape_cast %get3A_371 : vector<1x16xf32> to vector<16xf32>
      %swap3A_373 = arith.index_cast %squeeze3A_337 : i32 to index
      %swap3A_374 = arith.constant 48 : index
      %swap3A_375 = tpu.vector_load %arg13[%swap3A_373, %swap3A_374] {strides = array<i32>} : memref<160x384xf32, #tpu.memory_space<vmem>>, vector<1x16xf32>,
      %swap3A_376 = vector.shape_cast %swap3A_375 : vector<1x16xf32> to vector<16xf32>
      %swap3A_377 = vector.shape_cast %get3A_372 : vector<16xf32> to vector<1x16xf32>
      tpu.vector_store %arg13[%swap3A_373, %swap3A_374], %swap3A_377 {add = true, strides = array<i32>} : memref<160x384xf32, #tpu.memory_space<vmem>>, vector<1x16xf32>,
      %get3A_378 = arith.constant 0 : i32
      %get3A_379 = arith.index_cast %get3A_378 : i32 to index
      %get3A_380 = arith.constant 64 : index
      %get3A_381 = tpu.vector_load %arg12[%get3A_379, %get3A_380] {strides = array<i32>} : memref<32x384xf32, #tpu.memory_space<vmem>>, vector<1x16xf32>,
      %get3A_382 = vector.shape_cast %get3A_381 : vector<1x16xf32> to vector<16xf32>
      %swap3A_383 = arith.index_cast %squeeze3A_337 : i32 to index
      %swap3A_384 = arith.constant 64 : index
      %swap3A_385 = tpu.vector_load %arg13[%swap3A_383, %swap3A_384] {strides = array<i32>} : memref<160x384xf32, #tpu.memory_space<vmem>>, vector<1x16xf32>,
      %swap3A_386 = vector.shape_cast %swap3A_385 : vector<1x16xf32> to vector<16xf32>
      %swap3A_387 = vector.shape_cast %get3A_382 : vector<16xf32> to vector<1x16xf32>
      tpu.vector_store %arg13[%swap3A_383, %swap3A_384], %swap3A_387 {add = true, strides = array<i32>} : memref<160x384xf32, #tpu.memory_space<vmem>>, vector<1x16xf32>,
      %get3A_388 = arith.constant 0 : i32
      %get3A_389 = arith.index_cast %get3A_388 : i32 to index
      %get3A_390 = arith.constant 80 : index
      %get3A_391 = tpu.vector_load %arg12[%get3A_389, %get3A_390] {strides = array<i32>} : memref<32x384xf32, #tpu.memory_space<vmem>>, vector<1x16xf32>,
      %get3A_392 = vector.shape_cast %get3A_391 : vector<1x16xf32> to vector<16xf32>
      %swap3A_393 = arith.index_cast %squeeze3A_337 : i32 to index
      %swap3A_394 = arith.constant 80 : index
      %swap3A_395 = tpu.vector_load %arg13[%swap3A_393, %swap3A_394] {strides = array<i32>} : memref<160x384xf32, #tpu.memory_space<vmem>>, vector<1x16xf32>,
      %swap3A_396 = vector.shape_cast %swap3A_395 : vector<1x16xf32> to vector<16xf32>
      %swap3A_397 = vector.shape_cast %get3A_392 : vector<16xf32> to vector<1x16xf32>
      tpu.vector_store %arg13[%swap3A_393, %swap3A_394], %swap3A_397 {add = true, strides = array<i32>} : memref<160x384xf32, #tpu.memory_space<vmem>>, vector<1x16xf32>,
      %get3A_398 = arith.constant 0 : i32
      %get3A_399 = arith.index_cast %get3A_398 : i32 to index
      %get3A_400 = arith.constant 96 : index
      %get3A_401 = tpu.vector_load %arg12[%get3A_399, %get3A_400] {strides = array<i32>} : memref<32x384xf32, #tpu.memory_space<vmem>>, vector<1x16xf32>,
      %get3A_402 = vector.shape_cast %get3A_401 : vector<1x16xf32> to vector<16xf32>
      %swap3A_403 = arith.index_cast %squeeze3A_337 : i32 to index
      %swap3A_404 = arith.constant 96 : index
      %swap3A_405 = tpu.vector_load %arg13[%swap3A_403, %swap3A_404] {strides = array<i32>} : memref<160x384xf32, #tpu.memory_space<vmem>>, vector<1x16xf32>,
      %swap3A_406 = vector.shape_cast %swap3A_405 : vector<1x16xf32> to vector<16xf32>
      %swap3A_407 = vector.shape_cast %get3A_402 : vector<16xf32> to vector<1x16xf32>
      tpu.vector_store %arg13[%swap3A_403, %swap3A_404], %swap3A_407 {add = true, strides = array<i32>} : memref<160x384xf32, #tpu.memory_space<vmem>>, vector<1x16xf32>,
      %get3A_408 = arith.constant 0 : i32
      %get3A_409 = arith.index_cast %get3A_408 : i32 to index
      %get3A_410 = arith.constant 112 : index
      %get3A_411 = tpu.vector_load %arg12[%get3A_409, %get3A_410] {strides = array<i32>} : memref<32x384xf32, #tpu.memory_space<vmem>>, vector<1x16xf32>,
      %get3A_412 = vector.shape_cast %get3A_411 : vector<1x16xf32> to vector<16xf32>
      %swap3A_413 = arith.index_cast %squeeze3A_337 : i32 to index
      %swap3A_414 = arith.constant 112 : index
      %swap3A_415 = tpu.vector_load %arg13[%swap3A_413, %swap3A_414] {strides = array<i32>} : memref<160x384xf32, #tpu.memory_space<vmem>>, vector<1x16xf32>,
      %swap3A_416 = vector.shape_cast %swap3A_415 : vector<1x16xf32> to vector<16xf32>
      %swap3A_417 = vector.shape_cast %get3A_412 : vector<16xf32> to vector<1x16xf32>
      tpu.vector_store %arg13[%swap3A_413, %swap3A_414], %swap3A_417 {add = true, strides = array<i32>} : memref<160x384xf32, #tpu.memory_space<vmem>>, vector<1x16xf32>,
      %get3A_418 = arith.constant 0 : i32
      %get3A_419 = arith.index_cast %get3A_418 : i32 to index
      %get3A_420 = arith.constant 128 : index
      %get3A_421 = tpu.vector_load %arg12[%get3A_419, %get3A_420] {strides = array<i32>} : memref<32x384xf32, #tpu.memory_space<vmem>>, vector<1x16xf32>,
      %get3A_422 = vector.shape_cast %get3A_421 : vector<1x16xf32> to vector<16xf32>
      %swap3A_423 = arith.index_cast %squeeze3A_337 : i32 to index
      %swap3A_424 = arith.constant 128 : index
      %swap3A_425 = tpu.vector_load %arg13[%swap3A_423, %swap3A_424] {strides = array<i32>} : memref<160x384xf32, #tpu.memory_space<vmem>>, vector<1x16xf32>,
      %swap3A_426 = vector.shape_cast %swap3A_425 : vector<1x16xf32> to vector<16xf32>
      %swap3A_427 = vector.shape_cast %get3A_422 : vector<16xf32> to vector<1x16xf32>
      tpu.vector_store %arg13[%swap3A_423, %swap3A_424], %swap3A_427 {add = true, strides = array<i32>} : memref<160x384xf32, #tpu.memory_space<vmem>>, vector<1x16xf32>,
      %get3A_428 = arith.constant 0 : i32
      %get3A_429 = arith.index_cast %get3A_428 : i32 to index
      %get3A_430 = arith.constant 144 : index
      %get3A_431 = tpu.vector_load %arg12[%get3A_429, %get3A_430] {strides = array<i32>} : memref<32x384xf32, #tpu.memory_space<vmem>>, vector<1x16xf32>,
      %get3A_432 = vector.shape_cast %get3A_431 : vector<1x16xf32> to vector<16xf32>
      %swap3A_433 = arith.index_cast %squeeze3A_337 : i32 to index
      %swap3A_434 = arith.constant 144 : index
      %swap3A_435 = tpu.vector_load %arg13[%swap3A_433, %swap3A_434] {strides = array<i32>} : memref<160x384xf32, #tpu.memory_space<vmem>>, vector<1x16xf32>,
      %swap3A_436 = vector.shape_cast %swap3A_435 : vector<1x16xf32> to vector<16xf32>
      %swap3A_437 = vector.shape_cast %get3A_432 : vector<16xf32> to vector<1x16xf32>
      tpu.vector_store %arg13[%swap3A_433, %swap3A_434], %swap3A_437 {add = true, strides = array<i32>} : memref<160x384xf32, #tpu.memory_space<vmem>>, vector<1x16xf32>,
      %get3A_438 = arith.constant 0 : i32
      %get3A_439 = arith.index_cast %get3A_438 : i32 to index
      %get3A_440 = arith.constant 160 : index
      %get3A_441 = tpu.vector_load %arg12[%get3A_439, %get3A_440] {strides = array<i32>} : memref<32x384xf32, #tpu.memory_space<vmem>>, vector<1x16xf32>,
      %get3A_442 = vector.shape_cast %get3A_441 : vector<1x16xf32> to vector<16xf32>
      %swap3A_443 = arith.index_cast %squeeze3A_337 : i32 to index
      %swap3A_444 = arith.constant 160 : index
      %swap3A_445 = tpu.vector_load %arg13[%swap3A_443, %swap3A_444] {strides = array<i32>} : memref<160x384xf32, #tpu.memory_space<vmem>>, vector<1x16xf32>,
      %swap3A_446 = vector.shape_cast %swap3A_445 : vector<1x16xf32> to vector<16xf32>
      %swap3A_447 = vector.shape_cast %get3A_442 : vector<16xf32> to vector<1x16xf32>
      tpu.vector_store %arg13[%swap3A_443, %swap3A_444], %swap3A_447 {add = true, strides = array<i32>} : memref<160x384xf32, #tpu.memory_space<vmem>>, vector<1x16xf32>,
      %get3A_448 = arith.constant 0 : i32
      %get3A_449 = arith.index_cast %get3A_448 : i32 to index
      %get3A_450 = arith.constant 176 : index
      %get3A_451 = tpu.vector_load %arg12[%get3A_449, %get3A_450] {strides = array<i32>} : memref<32x384xf32, #tpu.memory_space<vmem>>, vector<1x16xf32>,
      %get3A_452 = vector.shape_cast %get3A_451 : vector<1x16xf32> to vector<16xf32>
      %swap3A_453 = arith.index_cast %squeeze3A_337 : i32 to index
      %swap3A_454 = arith.constant 176 : index
      %swap3A_455 = tpu.vector_load %arg13[%swap3A_453, %swap3A_454] {strides = array<i32>} : memref<160x384xf32, #tpu.memory_space<vmem>>, vector<1x16xf32>,
      %swap3A_456 = vector.shape_cast %swap3A_455 : vector<1x16xf32> to vector<16xf32>
      %swap3A_457 = vector.shape_cast %get3A_452 : vector<16xf32> to vector<1x16xf32>
      tpu.vector_store %arg13[%swap3A_453, %swap3A_454], %swap3A_457 {add = true, strides = array<i32>} : memref<160x384xf32, #tpu.memory_space<vmem>>, vector<1x16xf32>,
      %get3A_458 = arith.constant 0 : i32
      %get3A_459 = arith.index_cast %get3A_458 : i32 to index
      %get3A_460 = arith.constant 192 : index
      %get3A_461 = tpu.vector_load %arg12[%get3A_459, %get3A_460] {strides = array<i32>} : memref<32x384xf32, #tpu.memory_space<vmem>>, vector<1x16xf32>,
      %get3A_462 = vector.shape_cast %get3A_461 : vector<1x16xf32> to vector<16xf32>
      %swap3A_463 = arith.index_cast %squeeze3A_337 : i32 to index
      %swap3A_464 = arith.constant 192 : index
      %swap3A_465 = tpu.vector_load %arg13[%swap3A_463, %swap3A_464] {strides = array<i32>} : memref<160x384xf32, #tpu.memory_space<vmem>>, vector<1x16xf32>,
      %swap3A_466 = vector.shape_cast %swap3A_465 : vector<1x16xf32> to vector<16xf32>
      %swap3A_467 = vector.shape_cast %get3A_462 : vector<16xf32> to vector<1x16xf32>
      tpu.vector_store %arg13[%swap3A_463, %swap3A_464], %swap3A_467 {add = true, strides = array<i32>} : memref<160x384xf32, #tpu.memory_space<vmem>>, vector<1x16xf32>,
      %get3A_468 = arith.constant 0 : i32
      %get3A_469 = arith.index_cast %get3A_468 : i32 to index
      %get3A_470 = arith.constant 208 : index
      %get3A_471 = tpu.vector_load %arg12[%get3A_469, %get3A_470] {strides = array<i32>} : memref<32x384xf32, #tpu.memory_space<vmem>>, vector<1x16xf32>,
      %get3A_472 = vector.shape_cast %get3A_471 : vector<1x16xf32> to vector<16xf32>
      %swap3A_473 = arith.index_cast %squeeze3A_337 : i32 to index
      %swap3A_474 = arith.constant 208 : index
      %swap3A_475 = tpu.vector_load %arg13[%swap3A_473, %swap3A_474] {strides = array<i32>} : memref<160x384xf32, #tpu.memory_space<vmem>>, vector<1x16xf32>,
      %swap3A_476 = vector.shape_cast %swap3A_475 : vector<1x16xf32> to vector<16xf32>
      %swap3A_477 = vector.shape_cast %get3A_472 : vector<16xf32> to vector<1x16xf32>
      tpu.vector_store %arg13[%swap3A_473, %swap3A_474], %swap3A_477 {add = true, strides = array<i32>} : memref<160x384xf32, #tpu.memory_space<vmem>>, vector<1x16xf32>,
      %get3A_478 = arith.constant 0 : i32
      %get3A_479 = arith.index_cast %get3A_478 : i32 to index
      %get3A_480 = arith.constant 224 : index
      %get3A_481 = tpu.vector_load %arg12[%get3A_479, %get3A_480] {strides = array<i32>} : memref<32x384xf32, #tpu.memory_space<vmem>>, vector<1x16xf32>,
      %get3A_482 = vector.shape_cast %get3A_481 : vector<1x16xf32> to vector<16xf32>
      %swap3A_483 = arith.index_cast %squeeze3A_337 : i32 to index
      %swap3A_484 = arith.constant 224 : index
      %swap3A_485 = tpu.vector_load %arg13[%swap3A_483, %swap3A_484] {strides = array<i32>} : memref<160x384xf32, #tpu.memory_space<vmem>>, vector<1x16xf32>,
      %swap3A_486 = vector.shape_cast %swap3A_485 : vector<1x16xf32> to vector<16xf32>
      %swap3A_487 = vector.shape_cast %get3A_482 : vector<16xf32> to vector<1x16xf32>
      tpu.vector_store %arg13[%swap3A_483, %swap3A_484], %swap3A_487 {add = true, strides = array<i32>} : memref<160x384xf32, #tpu.memory_space<vmem>>, vector<1x16xf32>,
      %get3A_488 = arith.constant 0 : i32
      %get3A_489 = arith.index_cast %get3A_488 : i32 to index
      %get3A_490 = arith.constant 240 : index
      %get3A_491 = tpu.vector_load %arg12[%get3A_489, %get3A_490] {strides = array<i32>} : memref<32x384xf32, #tpu.memory_space<vmem>>, vector<1x16xf32>,
      %get3A_492 = vector.shape_cast %get3A_491 : vector<1x16xf32> to vector<16xf32>
      %swap3A_493 = arith.index_cast %squeeze3A_337 : i32 to index
      %swap3A_494 = arith.constant 240 : index
      %swap3A_495 = tpu.vector_load %arg13[%swap3A_493, %swap3A_494] {strides = array<i32>} : memref<160x384xf32, #tpu.memory_space<vmem>>, vector<1x16xf32>,
      %swap3A_496 = vector.shape_cast %swap3A_495 : vector<1x16xf32> to vector<16xf32>
      %swap3A_497 = vector.shape_cast %get3A_492 : vector<16xf32> to vector<1x16xf32>
      tpu.vector_store %arg13[%swap3A_493, %swap3A_494], %swap3A_497 {add = true, strides = array<i32>} : memref<160x384xf32, #tpu.memory_space<vmem>>, vector<1x16xf32>,
      %get3A_498 = arith.constant 0 : i32
      %get3A_499 = arith.index_cast %get3A_498 : i32 to index
      %get3A_500 = arith.constant 256 : index
      %get3A_501 = tpu.vector_load %arg12[%get3A_499, %get3A_500] {strides = array<i32>} : memref<32x384xf32, #tpu.memory_space<vmem>>, vector<1x16xf32>,
      %get3A_502 = vector.shape_cast %get3A_501 : vector<1x16xf32> to vector<16xf32>
      %swap3A_503 = arith.index_cast %squeeze3A_337 : i32 to index
      %swap3A_504 = arith.constant 256 : index
      %swap3A_505 = tpu.vector_load %arg13[%swap3A_503, %swap3A_504] {strides = array<i32>} : memref<160x384xf32, #tpu.memory_space<vmem>>, vector<1x16xf32>,
      %swap3A_506 = vector.shape_cast %swap3A_505 : vector<1x16xf32> to vector<16xf32>
      %swap3A_507 = vector.shape_cast %get3A_502 : vector<16xf32> to vector<1x16xf32>
      tpu.vector_store %arg13[%swap3A_503, %swap3A_504], %swap3A_507 {add = true, strides = array<i32>} : memref<160x384xf32, #tpu.memory_space<vmem>>, vector<1x16xf32>,
      %get3A_508 = arith.constant 0 : i32
      %get3A_509 = arith.index_cast %get3A_508 : i32 to index
      %get3A_510 = arith.constant 272 : index
      %get3A_511 = tpu.vector_load %arg12[%get3A_509, %get3A_510] {strides = array<i32>} : memref<32x384xf32, #tpu.memory_space<vmem>>, vector<1x16xf32>,
      %get3A_512 = vector.shape_cast %get3A_511 : vector<1x16xf32> to vector<16xf32>
      %swap3A_513 = arith.index_cast %squeeze3A_337 : i32 to index
      %swap3A_514 = arith.constant 272 : index
      %swap3A_515 = tpu.vector_load %arg13[%swap3A_513, %swap3A_514] {strides = array<i32>} : memref<160x384xf32, #tpu.memory_space<vmem>>, vector<1x16xf32>,
      %swap3A_516 = vector.shape_cast %swap3A_515 : vector<1x16xf32> to vector<16xf32>
      %swap3A_517 = vector.shape_cast %get3A_512 : vector<16xf32> to vector<1x16xf32>
      tpu.vector_store %arg13[%swap3A_513, %swap3A_514], %swap3A_517 {add = true, strides = array<i32>} : memref<160x384xf32, #tpu.memory_space<vmem>>, vector<1x16xf32>,
      %get3A_518 = arith.constant 0 : i32
      %get3A_519 = arith.index_cast %get3A_518 : i32 to index
      %get3A_520 = arith.constant 288 : index
      %get3A_521 = tpu.vector_load %arg12[%get3A_519, %get3A_520] {strides = array<i32>} : memref<32x384xf32, #tpu.memory_space<vmem>>, vector<1x16xf32>,
      %get3A_522 = vector.shape_cast %get3A_521 : vector<1x16xf32> to vector<16xf32>
      %swap3A_523 = arith.index_cast %squeeze3A_337 : i32 to index
      %swap3A_524 = arith.constant 288 : index
      %swap3A_525 = tpu.vector_load %arg13[%swap3A_523, %swap3A_524] {strides = array<i32>} : memref<160x384xf32, #tpu.memory_space<vmem>>, vector<1x16xf32>,
      %swap3A_526 = vector.shape_cast %swap3A_525 : vector<1x16xf32> to vector<16xf32>
      %swap3A_527 = vector.shape_cast %get3A_522 : vector<16xf32> to vector<1x16xf32>
      tpu.vector_store %arg13[%swap3A_523, %swap3A_524], %swap3A_527 {add = true, strides = array<i32>} : memref<160x384xf32, #tpu.memory_space<vmem>>, vector<1x16xf32>,
      %get3A_528 = arith.constant 0 : i32
      %get3A_529 = arith.index_cast %get3A_528 : i32 to index
      %get3A_530 = arith.constant 304 : index
      %get3A_531 = tpu.vector_load %arg12[%get3A_529, %get3A_530] {strides = array<i32>} : memref<32x384xf32, #tpu.memory_space<vmem>>, vector<1x16xf32>,
      %get3A_532 = vector.shape_cast %get3A_531 : vector<1x16xf32> to vector<16xf32>
      %swap3A_533 = arith.index_cast %squeeze3A_337 : i32 to index
      %swap3A_534 = arith.constant 304 : index
      %swap3A_535 = tpu.vector_load %arg13[%swap3A_533, %swap3A_534] {strides = array<i32>} : memref<160x384xf32, #tpu.memory_space<vmem>>, vector<1x16xf32>,
      %swap3A_536 = vector.shape_cast %swap3A_535 : vector<1x16xf32> to vector<16xf32>
      %swap3A_537 = vector.shape_cast %get3A_532 : vector<16xf32> to vector<1x16xf32>
      tpu.vector_store %arg13[%swap3A_533, %swap3A_534], %swap3A_537 {add = true, strides = array<i32>} : memref<160x384xf32, #tpu.memory_space<vmem>>, vector<1x16xf32>,
      %get3A_538 = arith.constant 0 : i32
      %get3A_539 = arith.index_cast %get3A_538 : i32 to index
      %get3A_540 = arith.constant 320 : index
      %get3A_541 = tpu.vector_load %arg12[%get3A_539, %get3A_540] {strides = array<i32>} : memref<32x384xf32, #tpu.memory_space<vmem>>, vector<1x16xf32>,
      %get3A_542 = vector.shape_cast %get3A_541 : vector<1x16xf32> to vector<16xf32>
      %swap3A_543 = arith.index_cast %squeeze3A_337 : i32 to index
      %swap3A_544 = arith.constant 320 : index
      %swap3A_545 = tpu.vector_load %arg13[%swap3A_543, %swap3A_544] {strides = array<i32>} : memref<160x384xf32, #tpu.memory_space<vmem>>, vector<1x16xf32>,
      %swap3A_546 = vector.shape_cast %swap3A_545 : vector<1x16xf32> to vector<16xf32>
      %swap3A_547 = vector.shape_cast %get3A_542 : vector<16xf32> to vector<1x16xf32>
      tpu.vector_store %arg13[%swap3A_543, %swap3A_544], %swap3A_547 {add = true, strides = array<i32>} : memref<160x384xf32, #tpu.memory_space<vmem>>, vector<1x16xf32>,
      %get3A_548 = arith.constant 0 : i32
      %get3A_549 = arith.index_cast %get3A_548 : i32 to index
      %get3A_550 = arith.constant 336 : index
      %get3A_551 = tpu.vector_load %arg12[%get3A_549, %get3A_550] {strides = array<i32>} : memref<32x384xf32, #tpu.memory_space<vmem>>, vector<1x16xf32>,
      %get3A_552 = vector.shape_cast %get3A_551 : vector<1x16xf32> to vector<16xf32>
      %swap3A_553 = arith.index_cast %squeeze3A_337 : i32 to index
      %swap3A_554 = arith.constant 336 : index
      %swap3A_555 = tpu.vector_load %arg13[%swap3A_553, %swap3A_554] {strides = array<i32>} : memref<160x384xf32, #tpu.memory_space<vmem>>, vector<1x16xf32>,
      %swap3A_556 = vector.shape_cast %swap3A_555 : vector<1x16xf32> to vector<16xf32>
      %swap3A_557 = vector.shape_cast %get3A_552 : vector<16xf32> to vector<1x16xf32>
      tpu.vector_store %arg13[%swap3A_553, %swap3A_554], %swap3A_557 {add = true, strides = array<i32>} : memref<160x384xf32, #tpu.memory_space<vmem>>, vector<1x16xf32>,
      %get3A_558 = arith.constant 0 : i32
      %get3A_559 = arith.index_cast %get3A_558 : i32 to index
      %get3A_560 = arith.constant 352 : index
      %get3A_561 = tpu.vector_load %arg12[%get3A_559, %get3A_560] {strides = array<i32>} : memref<32x384xf32, #tpu.memory_space<vmem>>, vector<1x16xf32>,
      %get3A_562 = vector.shape_cast %get3A_561 : vector<1x16xf32> to vector<16xf32>
      %swap3A_563 = arith.index_cast %squeeze3A_337 : i32 to index
      %swap3A_564 = arith.constant 352 : index
      %swap3A_565 = tpu.vector_load %arg13[%swap3A_563, %swap3A_564] {strides = array<i32>} : memref<160x384xf32, #tpu.memory_space<vmem>>, vector<1x16xf32>,
      %swap3A_566 = vector.shape_cast %swap3A_565 : vector<1x16xf32> to vector<16xf32>
      %swap3A_567 = vector.shape_cast %get3A_562 : vector<16xf32> to vector<1x16xf32>
      tpu.vector_store %arg13[%swap3A_563, %swap3A_564], %swap3A_567 {add = true, strides = array<i32>} : memref<160x384xf32, #tpu.memory_space<vmem>>, vector<1x16xf32>,
      %get3A_568 = arith.constant 0 : i32
      %get3A_569 = arith.index_cast %get3A_568 : i32 to index
      %get3A_570 = arith.constant 368 : index
      %get3A_571 = tpu.vector_load %arg12[%get3A_569, %get3A_570] {strides = array<i32>} : memref<32x384xf32, #tpu.memory_space<vmem>>, vector<1x16xf32>,
      %get3A_572 = vector.shape_cast %get3A_571 : vector<1x16xf32> to vector<16xf32>
      %swap3A_573 = arith.index_cast %squeeze3A_337 : i32 to index
      %swap3A_574 = arith.constant 368 : index
      %swap3A_575 = tpu.vector_load %arg13[%swap3A_573, %swap3A_574] {strides = array<i32>} : memref<160x384xf32, #tpu.memory_space<vmem>>, vector<1x16xf32>,
      %swap3A_576 = vector.shape_cast %swap3A_575 : vector<1x16xf32> to vector<16xf32>
      %swap3A_577 = vector.shape_cast %get3A_572 : vector<16xf32> to vector<1x16xf32>
      tpu.vector_store %arg13[%swap3A_573, %swap3A_574], %swap3A_577 {add = true, strides = array<i32>} : memref<160x384xf32, #tpu.memory_space<vmem>>, vector<1x16xf32>,
      %slice3A_578 = vector.extract_strided_slice %get3A_62 {offsets = [0], sizes = [1], strides = [1]} : vector<16xi32> to vector<1xi32>
      %squeeze3A_579 = vector.extract %slice3A_578[0] : i32 from vector<1xi32>
      %shift_right_logical3A_580 = arith.constant 8 : i32
      %shift_right_logical3A_581 = arith.shrui %squeeze3A_579, %shift_right_logical3A_580 : i32
      %sub3A_582 = arith.constant 1 : i32
      %sub3A_583 = arith.subi %shift_right_logical3A_581, %sub3A_582 : i32
      %ge3A_584 = arith.constant 0 : i32
      %ge3A_585 = arith.cmpi sge, %sub3A_583, %ge3A_584 : i32
      %convert_element_type3A_586 = arith.extui %ge3A_585 : i1 to i32
      %cond3A_587 = arith.constant 0 : i32
      %cond3A_588 = arith.cmpi ne, %convert_element_type3A_586, %cond3A_587 : i32
      scf.if %cond3A_588 {
        %multiple_of3A_589 = tpu.assume_multiple %sub3A_583, 32 : i32
        "tpu.region"() ({
          %run_scoped3A = tpu.sem_alloc : memref<!tpu.dma_semaphore, #tpu.memory_space<semaphore_mem>>
          %dma_start3A = arith.constant 0 : i32
          %dma_start3A_590 = tpu.memref_slice %arg7[%multiple_of3A_589, %dma_start3A] : memref<81920x384xf32, #tpu.memory_space<hbm>> -> memref<160x384xf32, #tpu.memory_space<hbm>>
          %dma_start3A_591 = arith.constant 0 : i32
          %dma_start3A_592 = tpu.memref_slice %arg7[%multiple_of3A_589, %dma_start3A_591] : memref<81920x384xf32, #tpu.memory_space<hbm>> -> memref<160x384xf32, #tpu.memory_space<hbm>>
          tpu.enqueue_dma source(%arg13 : memref<160x384xf32, #tpu.memory_space<vmem>>) target(%dma_start3A_592 : memref<160x384xf32, #tpu.memory_space<hbm>>) target_semaphore(%run_scoped3A : memref<!tpu.dma_semaphore, #tpu.memory_space<semaphore_mem>>)
          %dma_wait3A = arith.constant 0 : i32
          %dma_wait3A_593 = tpu.memref_slice %arg7[%multiple_of3A_589, %dma_wait3A] : memref<81920x384xf32, #tpu.memory_space<hbm>> -> memref<160x384xf32, #tpu.memory_space<hbm>>
          %dma_wait3A_594 = arith.constant 0 : i32
          %dma_wait3A_595 = tpu.memref_slice %arg7[%multiple_of3A_589, %dma_wait3A_594] : memref<81920x384xf32, #tpu.memory_space<hbm>> -> memref<160x384xf32, #tpu.memory_space<hbm>>
          tpu.wait_dma2 semaphore(%run_scoped3A : memref<!tpu.dma_semaphore, #tpu.memory_space<semaphore_mem>>) src(%arg13 : memref<160x384xf32, #tpu.memory_space<vmem>>) dst(%dma_wait3A_595 : memref<160x384xf32, #tpu.memory_space<hbm>>)
          tpu.yield
        }) : () -> ()
        "tpu.region"() ({
          %run_scoped3A = tpu.sem_alloc : memref<!tpu.dma_semaphore, #tpu.memory_space<semaphore_mem>>
          %dma_start3A = arith.constant 0 : i32
          %dma_start3A_590 = arith.constant 0 : i32
          %dma_start3A_591 = tpu.memref_slice %arg13[%dma_start3A, %dma_start3A_590] : memref<160x384xf32, #tpu.memory_space<vmem>> -> memref<40x384xf32, #tpu.memory_space<vmem>>
          %dma_start3A_592 = arith.constant 0 : i32
          %dma_start3A_593 = arith.constant 0 : i32
          %dma_start3A_594 = tpu.memref_slice %arg13[%dma_start3A_592, %dma_start3A_593] : memref<160x384xf32, #tpu.memory_space<vmem>> -> memref<40x384xf32, #tpu.memory_space<vmem>>
          tpu.enqueue_dma source(%arg14 : memref<40x384xf32, #tpu.memory_space<vmem_shared>>) target(%dma_start3A_594 : memref<40x384xf32, #tpu.memory_space<vmem>>) target_semaphore(%run_scoped3A : memref<!tpu.dma_semaphore, #tpu.memory_space<semaphore_mem>>)
          %dma_wait3A = arith.constant 0 : i32
          %dma_wait3A_595 = arith.constant 0 : i32
          %dma_wait3A_596 = tpu.memref_slice %arg13[%dma_wait3A, %dma_wait3A_595] : memref<160x384xf32, #tpu.memory_space<vmem>> -> memref<40x384xf32, #tpu.memory_space<vmem>>
          %dma_wait3A_597 = arith.constant 0 : i32
          %dma_wait3A_598 = arith.constant 0 : i32
          %dma_wait3A_599 = tpu.memref_slice %arg13[%dma_wait3A_597, %dma_wait3A_598] : memref<160x384xf32, #tpu.memory_space<vmem>> -> memref<40x384xf32, #tpu.memory_space<vmem>>
          tpu.wait_dma2 semaphore(%run_scoped3A : memref<!tpu.dma_semaphore, #tpu.memory_space<semaphore_mem>>) src(%arg14 : memref<40x384xf32, #tpu.memory_space<vmem_shared>>) dst(%dma_wait3A_599 : memref<40x384xf32, #tpu.memory_space<vmem>>)
          tpu.yield
        }) : () -> ()
        "tpu.region"() ({
          %run_scoped3A = tpu.sem_alloc : memref<!tpu.dma_semaphore, #tpu.memory_space<semaphore_mem>>
          %dma_start3A = arith.constant 40 : i32
          %dma_start3A_590 = arith.constant 0 : i32
          %dma_start3A_591 = tpu.memref_slice %arg13[%dma_start3A, %dma_start3A_590] : memref<160x384xf32, #tpu.memory_space<vmem>> -> memref<40x384xf32, #tpu.memory_space<vmem>>
          %dma_start3A_592 = arith.constant 40 : i32
          %dma_start3A_593 = arith.constant 0 : i32
          %dma_start3A_594 = tpu.memref_slice %arg13[%dma_start3A_592, %dma_start3A_593] : memref<160x384xf32, #tpu.memory_space<vmem>> -> memref<40x384xf32, #tpu.memory_space<vmem>>
          tpu.enqueue_dma source(%arg14 : memref<40x384xf32, #tpu.memory_space<vmem_shared>>) target(%dma_start3A_594 : memref<40x384xf32, #tpu.memory_space<vmem>>) target_semaphore(%run_scoped3A : memref<!tpu.dma_semaphore, #tpu.memory_space<semaphore_mem>>)
          %dma_wait3A = arith.constant 40 : i32
          %dma_wait3A_595 = arith.constant 0 : i32
          %dma_wait3A_596 = tpu.memref_slice %arg13[%dma_wait3A, %dma_wait3A_595] : memref<160x384xf32, #tpu.memory_space<vmem>> -> memref<40x384xf32, #tpu.memory_space<vmem>>
          %dma_wait3A_597 = arith.constant 40 : i32
          %dma_wait3A_598 = arith.constant 0 : i32
          %dma_wait3A_599 = tpu.memref_slice %arg13[%dma_wait3A_597, %dma_wait3A_598] : memref<160x384xf32, #tpu.memory_space<vmem>> -> memref<40x384xf32, #tpu.memory_space<vmem>>
          tpu.wait_dma2 semaphore(%run_scoped3A : memref<!tpu.dma_semaphore, #tpu.memory_space<semaphore_mem>>) src(%arg14 : memref<40x384xf32, #tpu.memory_space<vmem_shared>>) dst(%dma_wait3A_599 : memref<40x384xf32, #tpu.memory_space<vmem>>)
          tpu.yield
        }) : () -> ()
        "tpu.region"() ({
          %run_scoped3A = tpu.sem_alloc : memref<!tpu.dma_semaphore, #tpu.memory_space<semaphore_mem>>
          %dma_start3A = arith.constant 80 : i32
          %dma_start3A_590 = arith.constant 0 : i32
          %dma_start3A_591 = tpu.memref_slice %arg13[%dma_start3A, %dma_start3A_590] : memref<160x384xf32, #tpu.memory_space<vmem>> -> memref<40x384xf32, #tpu.memory_space<vmem>>
          %dma_start3A_592 = arith.constant 80 : i32
          %dma_start3A_593 = arith.constant 0 : i32
          %dma_start3A_594 = tpu.memref_slice %arg13[%dma_start3A_592, %dma_start3A_593] : memref<160x384xf32, #tpu.memory_space<vmem>> -> memref<40x384xf32, #tpu.memory_space<vmem>>
          tpu.enqueue_dma source(%arg14 : memref<40x384xf32, #tpu.memory_space<vmem_shared>>) target(%dma_start3A_594 : memref<40x384xf32, #tpu.memory_space<vmem>>) target_semaphore(%run_scoped3A : memref<!tpu.dma_semaphore, #tpu.memory_space<semaphore_mem>>)
          %dma_wait3A = arith.constant 80 : i32
          %dma_wait3A_595 = arith.constant 0 : i32
          %dma_wait3A_596 = tpu.memref_slice %arg13[%dma_wait3A, %dma_wait3A_595] : memref<160x384xf32, #tpu.memory_space<vmem>> -> memref<40x384xf32, #tpu.memory_space<vmem>>
          %dma_wait3A_597 = arith.constant 80 : i32
          %dma_wait3A_598 = arith.constant 0 : i32
          %dma_wait3A_599 = tpu.memref_slice %arg13[%dma_wait3A_597, %dma_wait3A_598] : memref<160x384xf32, #tpu.memory_space<vmem>> -> memref<40x384xf32, #tpu.memory_space<vmem>>
          tpu.wait_dma2 semaphore(%run_scoped3A : memref<!tpu.dma_semaphore, #tpu.memory_space<semaphore_mem>>) src(%arg14 : memref<40x384xf32, #tpu.memory_space<vmem_shared>>) dst(%dma_wait3A_599 : memref<40x384xf32, #tpu.memory_space<vmem>>)
          tpu.yield
        }) : () -> ()
        "tpu.region"() ({
          %run_scoped3A = tpu.sem_alloc : memref<!tpu.dma_semaphore, #tpu.memory_space<semaphore_mem>>
          %dma_start3A = arith.constant 120 : i32
          %dma_start3A_590 = arith.constant 0 : i32
          %dma_start3A_591 = tpu.memref_slice %arg13[%dma_start3A, %dma_start3A_590] : memref<160x384xf32, #tpu.memory_space<vmem>> -> memref<40x384xf32, #tpu.memory_space<vmem>>
          %dma_start3A_592 = arith.constant 120 : i32
          %dma_start3A_593 = arith.constant 0 : i32
          %dma_start3A_594 = tpu.memref_slice %arg13[%dma_start3A_592, %dma_start3A_593] : memref<160x384xf32, #tpu.memory_space<vmem>> -> memref<40x384xf32, #tpu.memory_space<vmem>>
          tpu.enqueue_dma source(%arg14 : memref<40x384xf32, #tpu.memory_space<vmem_shared>>) target(%dma_start3A_594 : memref<40x384xf32, #tpu.memory_space<vmem>>) target_semaphore(%run_scoped3A : memref<!tpu.dma_semaphore, #tpu.memory_space<semaphore_mem>>)
          %dma_wait3A = arith.constant 120 : i32
          %dma_wait3A_595 = arith.constant 0 : i32
          %dma_wait3A_596 = tpu.memref_slice %arg13[%dma_wait3A, %dma_wait3A_595] : memref<160x384xf32, #tpu.memory_space<vmem>> -> memref<40x384xf32, #tpu.memory_space<vmem>>
          %dma_wait3A_597 = arith.constant 120 : i32
          %dma_wait3A_598 = arith.constant 0 : i32
          %dma_wait3A_599 = tpu.memref_slice %arg13[%dma_wait3A_597, %dma_wait3A_598] : memref<160x384xf32, #tpu.memory_space<vmem>> -> memref<40x384xf32, #tpu.memory_space<vmem>>
          tpu.wait_dma2 semaphore(%run_scoped3A : memref<!tpu.dma_semaphore, #tpu.memory_space<semaphore_mem>>) src(%arg14 : memref<40x384xf32, #tpu.memory_space<vmem_shared>>) dst(%dma_wait3A_599 : memref<40x384xf32, #tpu.memory_space<vmem>>)
          tpu.yield
        }) : () -> ()
      } else {
      }
    }
    %while3A_35 = arith.constant 1 : i32
    scf.for %while3A_36 = %while3A_33 to %while3A_29 step %while3A_35  : i32 {
      %mul3A_37 = arith.muli %while3A_36, %while3A : i32
      %add3A_38 = arith.addi %while3A_26, %mul3A_37 : i32
      %mul3A_39 = arith.constant 2 : i32
      %mul3A_40 = arith.muli %add3A_38, %mul3A_39 : i32
      %add3A_41 = arith.constant 1 : i32
      %add3A_42 = arith.addi %mul3A_40, %add3A_41 : i32
      %rem3A = arith.constant 8 : i32
      %rem3A_43 = arith.remsi %mul3A_40, %rem3A : i32
      %mul3A_44 = arith.constant 32 : i32
      %mul3A_45 = arith.muli %rem3A_43, %mul3A_44 : i32
      %get3A_46 = arith.index_cast %mul3A_45 : i32 to index
      %get3A_47 = tpu.vector_load %arg10[%get3A_46] {strides = array<i32>} : memref<256xi32, #tpu.memory_space<vmem>>, vector<16xi32>,
      %get3A_48 = vector.shape_cast %get3A_47 : vector<16xi32> to vector<16xi32>
      %mul3A_49 = arith.constant 32 : i32
      %mul3A_50 = arith.muli %rem3A_43, %mul3A_49 : i32
      %add3A_51 = arith.constant 16 : i32
      %add3A_52 = arith.addi %mul3A_50, %add3A_51 : i32
      %get3A_53 = arith.index_cast %add3A_52 : i32 to index
      %get3A_54 = tpu.vector_load %arg10[%get3A_53] {strides = array<i32>} : memref<256xi32, #tpu.memory_space<vmem>>, vector<16xi32>,
      %get3A_55 = vector.shape_cast %get3A_54 : vector<16xi32> to vector<16xi32>
      %rem3A_56 = arith.constant 8 : i32
      %rem3A_57 = arith.remsi %add3A_42, %rem3A_56 : i32
      %mul3A_58 = arith.constant 32 : i32
      %mul3A_59 = arith.muli %rem3A_57, %mul3A_58 : i32
      %get3A_60 = arith.index_cast %mul3A_59 : i32 to index
      %get3A_61 = tpu.vector_load %arg10[%get3A_60] {strides = array<i32>} : memref<256xi32, #tpu.memory_space<vmem>>, vector<16xi32>,
      %get3A_62 = vector.shape_cast %get3A_61 : vector<16xi32> to vector<16xi32>
      %mul3A_63 = arith.constant 32 : i32
      %mul3A_64 = arith.muli %rem3A_57, %mul3A_63 : i32
      %add3A_65 = arith.constant 16 : i32
      %add3A_66 = arith.addi %mul3A_64, %add3A_65 : i32
      %get3A_67 = arith.index_cast %add3A_66 : i32 to index
      %get3A_68 = tpu.vector_load %arg10[%get3A_67] {strides = array<i32>} : memref<256xi32, #tpu.memory_space<vmem>>, vector<16xi32>,
      %get3A_69 = vector.shape_cast %get3A_68 : vector<16xi32> to vector<16xi32>
      %and3A = arith.constant 255 : i32
      %and3A_70 = vector.broadcast %and3A : i32 to vector<16xi32>
      %and3A_71 = arith.andi %get3A_48, %and3A_70 : vector<16xi32>
      %and3A_72 = arith.constant 255 : i32
      %and3A_73 = vector.broadcast %and3A_72 : i32 to vector<16xi32>
      %and3A_74 = arith.andi %get3A_55, %and3A_73 : vector<16xi32>
      %slice3A_75 = vector.extract_strided_slice %and3A_71 {offsets = [0], sizes = [1], strides = [1]} : vector<16xi32> to vector<1xi32>
      %squeeze3A_76 = vector.extract %slice3A_75[0] : i32 from vector<1xi32>
      %get3A_77 = arith.constant 0 : i32
      %get3A_78 = arith.index_cast %get3A_77 : i32 to index
      %get3A_79 = arith.constant 0 : index
      %get3A_80 = tpu.vector_load %arg11[%get3A_78, %get3A_79] {strides = array<i32>} : memref<32x384xf32, #tpu.memory_space<vmem>>, vector<1x16xf32>,
      %get3A_81 = vector.shape_cast %get3A_80 : vector<1x16xf32> to vector<16xf32>
      %swap3A = arith.index_cast %squeeze3A_76 : i32 to index
      %swap3A_82 = arith.constant 0 : index
      %swap3A_83 = tpu.vector_load %arg13[%swap3A, %swap3A_82] {strides = array<i32>} : memref<160x384xf32, #tpu.memory_space<vmem>>, vector<1x16xf32>,
      %swap3A_84 = vector.shape_cast %swap3A_83 : vector<1x16xf32> to vector<16xf32>
      %swap3A_85 = vector.shape_cast %get3A_81 : vector<16xf32> to vector<1x16xf32>
      tpu.vector_store %arg13[%swap3A, %swap3A_82], %swap3A_85 {add = true, strides = array<i32>} : memref<160x384xf32, #tpu.memory_space<vmem>>, vector<1x16xf32>,
      %get3A_86 = arith.constant 0 : i32
      %get3A_87 = arith.index_cast %get3A_86 : i32 to index
      %get3A_88 = arith.constant 16 : index
      %get3A_89 = tpu.vector_load %arg11[%get3A_87, %get3A_88] {strides = array<i32>} : memref<32x384xf32, #tpu.memory_space<vmem>>, vector<1x16xf32>,
      %get3A_90 = vector.shape_cast %get3A_89 : vector<1x16xf32> to vector<16xf32>
      %swap3A_91 = arith.index_cast %squeeze3A_76 : i32 to index
      %swap3A_92 = arith.constant 16 : index
      %swap3A_93 = tpu.vector_load %arg13[%swap3A_91, %swap3A_92] {strides = array<i32>} : memref<160x384xf32, #tpu.memory_space<vmem>>, vector<1x16xf32>,
      %swap3A_94 = vector.shape_cast %swap3A_93 : vector<1x16xf32> to vector<16xf32>
      %swap3A_95 = vector.shape_cast %get3A_90 : vector<16xf32> to vector<1x16xf32>
      tpu.vector_store %arg13[%swap3A_91, %swap3A_92], %swap3A_95 {add = true, strides = array<i32>} : memref<160x384xf32, #tpu.memory_space<vmem>>, vector<1x16xf32>,
      %get3A_96 = arith.constant 0 : i32
      %get3A_97 = arith.index_cast %get3A_96 : i32 to index
      %get3A_98 = arith.constant 32 : index
      %get3A_99 = tpu.vector_load %arg11[%get3A_97, %get3A_98] {strides = array<i32>} : memref<32x384xf32, #tpu.memory_space<vmem>>, vector<1x16xf32>,
      %get3A_100 = vector.shape_cast %get3A_99 : vector<1x16xf32> to vector<16xf32>
      %swap3A_101 = arith.index_cast %squeeze3A_76 : i32 to index
      %swap3A_102 = arith.constant 32 : index
      %swap3A_103 = tpu.vector_load %arg13[%swap3A_101, %swap3A_102] {strides = array<i32>} : memref<160x384xf32, #tpu.memory_space<vmem>>, vector<1x16xf32>,
      %swap3A_104 = vector.shape_cast %swap3A_103 : vector<1x16xf32> to vector<16xf32>
      %swap3A_105 = vector.shape_cast %get3A_100 : vector<16xf32> to vector<1x16xf32>
      tpu.vector_store %arg13[%swap3A_101, %swap3A_102], %swap3A_105 {add = true, strides = array<i32>} : memref<160x384xf32, #tpu.memory_space<vmem>>, vector<1x16xf32>,
      %get3A_106 = arith.constant 0 : i32
      %get3A_107 = arith.index_cast %get3A_106 : i32 to index
      %get3A_108 = arith.constant 48 : index
      %get3A_109 = tpu.vector_load %arg11[%get3A_107, %get3A_108] {strides = array<i32>} : memref<32x384xf32, #tpu.memory_space<vmem>>, vector<1x16xf32>,
      %get3A_110 = vector.shape_cast %get3A_109 : vector<1x16xf32> to vector<16xf32>
      %swap3A_111 = arith.index_cast %squeeze3A_76 : i32 to index
      %swap3A_112 = arith.constant 48 : index
      %swap3A_113 = tpu.vector_load %arg13[%swap3A_111, %swap3A_112] {strides = array<i32>} : memref<160x384xf32, #tpu.memory_space<vmem>>, vector<1x16xf32>,
      %swap3A_114 = vector.shape_cast %swap3A_113 : vector<1x16xf32> to vector<16xf32>
      %swap3A_115 = vector.shape_cast %get3A_110 : vector<16xf32> to vector<1x16xf32>
      tpu.vector_store %arg13[%swap3A_111, %swap3A_112], %swap3A_115 {add = true, strides = array<i32>} : memref<160x384xf32, #tpu.memory_space<vmem>>, vector<1x16xf32>,
      %get3A_116 = arith.constant 0 : i32
      %get3A_117 = arith.index_cast %get3A_116 : i32 to index
      %get3A_118 = arith.constant 64 : index
      %get3A_119 = tpu.vector_load %arg11[%get3A_117, %get3A_118] {strides = array<i32>} : memref<32x384xf32, #tpu.memory_space<vmem>>, vector<1x16xf32>,
      %get3A_120 = vector.shape_cast %get3A_119 : vector<1x16xf32> to vector<16xf32>
      %swap3A_121 = arith.index_cast %squeeze3A_76 : i32 to index
      %swap3A_122 = arith.constant 64 : index
      %swap3A_123 = tpu.vector_load %arg13[%swap3A_121, %swap3A_122] {strides = array<i32>} : memref<160x384xf32, #tpu.memory_space<vmem>>, vector<1x16xf32>,
      %swap3A_124 = vector.shape_cast %swap3A_123 : vector<1x16xf32> to vector<16xf32>
      %swap3A_125 = vector.shape_cast %get3A_120 : vector<16xf32> to vector<1x16xf32>
      tpu.vector_store %arg13[%swap3A_121, %swap3A_122], %swap3A_125 {add = true, strides = array<i32>} : memref<160x384xf32, #tpu.memory_space<vmem>>, vector<1x16xf32>,
      %get3A_126 = arith.constant 0 : i32
      %get3A_127 = arith.index_cast %get3A_126 : i32 to index
      %get3A_128 = arith.constant 80 : index
      %get3A_129 = tpu.vector_load %arg11[%get3A_127, %get3A_128] {strides = array<i32>} : memref<32x384xf32, #tpu.memory_space<vmem>>, vector<1x16xf32>,
      %get3A_130 = vector.shape_cast %get3A_129 : vector<1x16xf32> to vector<16xf32>
      %swap3A_131 = arith.index_cast %squeeze3A_76 : i32 to index
      %swap3A_132 = arith.constant 80 : index
      %swap3A_133 = tpu.vector_load %arg13[%swap3A_131, %swap3A_132] {strides = array<i32>} : memref<160x384xf32, #tpu.memory_space<vmem>>, vector<1x16xf32>,
      %swap3A_134 = vector.shape_cast %swap3A_133 : vector<1x16xf32> to vector<16xf32>
      %swap3A_135 = vector.shape_cast %get3A_130 : vector<16xf32> to vector<1x16xf32>
      tpu.vector_store %arg13[%swap3A_131, %swap3A_132], %swap3A_135 {add = true, strides = array<i32>} : memref<160x384xf32, #tpu.memory_space<vmem>>, vector<1x16xf32>,
      %get3A_136 = arith.constant 0 : i32
      %get3A_137 = arith.index_cast %get3A_136 : i32 to index
      %get3A_138 = arith.constant 96 : index
      %get3A_139 = tpu.vector_load %arg11[%get3A_137, %get3A_138] {strides = array<i32>} : memref<32x384xf32, #tpu.memory_space<vmem>>, vector<1x16xf32>,
      %get3A_140 = vector.shape_cast %get3A_139 : vector<1x16xf32> to vector<16xf32>
      %swap3A_141 = arith.index_cast %squeeze3A_76 : i32 to index
      %swap3A_142 = arith.constant 96 : index
      %swap3A_143 = tpu.vector_load %arg13[%swap3A_141, %swap3A_142] {strides = array<i32>} : memref<160x384xf32, #tpu.memory_space<vmem>>, vector<1x16xf32>,
      %swap3A_144 = vector.shape_cast %swap3A_143 : vector<1x16xf32> to vector<16xf32>
      %swap3A_145 = vector.shape_cast %get3A_140 : vector<16xf32> to vector<1x16xf32>
      tpu.vector_store %arg13[%swap3A_141, %swap3A_142], %swap3A_145 {add = true, strides = array<i32>} : memref<160x384xf32, #tpu.memory_space<vmem>>, vector<1x16xf32>,
      %get3A_146 = arith.constant 0 : i32
      %get3A_147 = arith.index_cast %get3A_146 : i32 to index
      %get3A_148 = arith.constant 112 : index
      %get3A_149 = tpu.vector_load %arg11[%get3A_147, %get3A_148] {strides = array<i32>} : memref<32x384xf32, #tpu.memory_space<vmem>>, vector<1x16xf32>,
      %get3A_150 = vector.shape_cast %get3A_149 : vector<1x16xf32> to vector<16xf32>
      %swap3A_151 = arith.index_cast %squeeze3A_76 : i32 to index
      %swap3A_152 = arith.constant 112 : index
      %swap3A_153 = tpu.vector_load %arg13[%swap3A_151, %swap3A_152] {strides = array<i32>} : memref<160x384xf32, #tpu.memory_space<vmem>>, vector<1x16xf32>,
      %swap3A_154 = vector.shape_cast %swap3A_153 : vector<1x16xf32> to vector<16xf32>
      %swap3A_155 = vector.shape_cast %get3A_150 : vector<16xf32> to vector<1x16xf32>
      tpu.vector_store %arg13[%swap3A_151, %swap3A_152], %swap3A_155 {add = true, strides = array<i32>} : memref<160x384xf32, #tpu.memory_space<vmem>>, vector<1x16xf32>,
      %get3A_156 = arith.constant 0 : i32
      %get3A_157 = arith.index_cast %get3A_156 : i32 to index
      %get3A_158 = arith.constant 128 : index
      %get3A_159 = tpu.vector_load %arg11[%get3A_157, %get3A_158] {strides = array<i32>} : memref<32x384xf32, #tpu.memory_space<vmem>>, vector<1x16xf32>,
      %get3A_160 = vector.shape_cast %get3A_159 : vector<1x16xf32> to vector<16xf32>
      %swap3A_161 = arith.index_cast %squeeze3A_76 : i32 to index
      %swap3A_162 = arith.constant 128 : index
      %swap3A_163 = tpu.vector_load %arg13[%swap3A_161, %swap3A_162] {strides = array<i32>} : memref<160x384xf32, #tpu.memory_space<vmem>>, vector<1x16xf32>,
      %swap3A_164 = vector.shape_cast %swap3A_163 : vector<1x16xf32> to vector<16xf32>
      %swap3A_165 = vector.shape_cast %get3A_160 : vector<16xf32> to vector<1x16xf32>
      tpu.vector_store %arg13[%swap3A_161, %swap3A_162], %swap3A_165 {add = true, strides = array<i32>} : memref<160x384xf32, #tpu.memory_space<vmem>>, vector<1x16xf32>,
      %get3A_166 = arith.constant 0 : i32
      %get3A_167 = arith.index_cast %get3A_166 : i32 to index
      %get3A_168 = arith.constant 144 : index
      %get3A_169 = tpu.vector_load %arg11[%get3A_167, %get3A_168] {strides = array<i32>} : memref<32x384xf32, #tpu.memory_space<vmem>>, vector<1x16xf32>,
      %get3A_170 = vector.shape_cast %get3A_169 : vector<1x16xf32> to vector<16xf32>
      %swap3A_171 = arith.index_cast %squeeze3A_76 : i32 to index
      %swap3A_172 = arith.constant 144 : index
      %swap3A_173 = tpu.vector_load %arg13[%swap3A_171, %swap3A_172] {strides = array<i32>} : memref<160x384xf32, #tpu.memory_space<vmem>>, vector<1x16xf32>,
      %swap3A_174 = vector.shape_cast %swap3A_173 : vector<1x16xf32> to vector<16xf32>
      %swap3A_175 = vector.shape_cast %get3A_170 : vector<16xf32> to vector<1x16xf32>
      tpu.vector_store %arg13[%swap3A_171, %swap3A_172], %swap3A_175 {add = true, strides = array<i32>} : memref<160x384xf32, #tpu.memory_space<vmem>>, vector<1x16xf32>,
      %get3A_176 = arith.constant 0 : i32
      %get3A_177 = arith.index_cast %get3A_176 : i32 to index
      %get3A_178 = arith.constant 160 : index
      %get3A_179 = tpu.vector_load %arg11[%get3A_177, %get3A_178] {strides = array<i32>} : memref<32x384xf32, #tpu.memory_space<vmem>>, vector<1x16xf32>,
      %get3A_180 = vector.shape_cast %get3A_179 : vector<1x16xf32> to vector<16xf32>
      %swap3A_181 = arith.index_cast %squeeze3A_76 : i32 to index
      %swap3A_182 = arith.constant 160 : index
      %swap3A_183 = tpu.vector_load %arg13[%swap3A_181, %swap3A_182] {strides = array<i32>} : memref<160x384xf32, #tpu.memory_space<vmem>>, vector<1x16xf32>,
      %swap3A_184 = vector.shape_cast %swap3A_183 : vector<1x16xf32> to vector<16xf32>
      %swap3A_185 = vector.shape_cast %get3A_180 : vector<16xf32> to vector<1x16xf32>
      tpu.vector_store %arg13[%swap3A_181, %swap3A_182], %swap3A_185 {add = true, strides = array<i32>} : memref<160x384xf32, #tpu.memory_space<vmem>>, vector<1x16xf32>,
      %get3A_186 = arith.constant 0 : i32
      %get3A_187 = arith.index_cast %get3A_186 : i32 to index
      %get3A_188 = arith.constant 176 : index
      %get3A_189 = tpu.vector_load %arg11[%get3A_187, %get3A_188] {strides = array<i32>} : memref<32x384xf32, #tpu.memory_space<vmem>>, vector<1x16xf32>,
      %get3A_190 = vector.shape_cast %get3A_189 : vector<1x16xf32> to vector<16xf32>
      %swap3A_191 = arith.index_cast %squeeze3A_76 : i32 to index
      %swap3A_192 = arith.constant 176 : index
      %swap3A_193 = tpu.vector_load %arg13[%swap3A_191, %swap3A_192] {strides = array<i32>} : memref<160x384xf32, #tpu.memory_space<vmem>>, vector<1x16xf32>,
      %swap3A_194 = vector.shape_cast %swap3A_193 : vector<1x16xf32> to vector<16xf32>
      %swap3A_195 = vector.shape_cast %get3A_190 : vector<16xf32> to vector<1x16xf32>
      tpu.vector_store %arg13[%swap3A_191, %swap3A_192], %swap3A_195 {add = true, strides = array<i32>} : memref<160x384xf32, #tpu.memory_space<vmem>>, vector<1x16xf32>,
      %get3A_196 = arith.constant 0 : i32
      %get3A_197 = arith.index_cast %get3A_196 : i32 to index
      %get3A_198 = arith.constant 192 : index
      %get3A_199 = tpu.vector_load %arg11[%get3A_197, %get3A_198] {strides = array<i32>} : memref<32x384xf32, #tpu.memory_space<vmem>>, vector<1x16xf32>,
      %get3A_200 = vector.shape_cast %get3A_199 : vector<1x16xf32> to vector<16xf32>
      %swap3A_201 = arith.index_cast %squeeze3A_76 : i32 to index
      %swap3A_202 = arith.constant 192 : index
      %swap3A_203 = tpu.vector_load %arg13[%swap3A_201, %swap3A_202] {strides = array<i32>} : memref<160x384xf32, #tpu.memory_space<vmem>>, vector<1x16xf32>,
      %swap3A_204 = vector.shape_cast %swap3A_203 : vector<1x16xf32> to vector<16xf32>
      %swap3A_205 = vector.shape_cast %get3A_200 : vector<16xf32> to vector<1x16xf32>
      tpu.vector_store %arg13[%swap3A_201, %swap3A_202], %swap3A_205 {add = true, strides = array<i32>} : memref<160x384xf32, #tpu.memory_space<vmem>>, vector<1x16xf32>,
      %get3A_206 = arith.constant 0 : i32
      %get3A_207 = arith.index_cast %get3A_206 : i32 to index
      %get3A_208 = arith.constant 208 : index
      %get3A_209 = tpu.vector_load %arg11[%get3A_207, %get3A_208] {strides = array<i32>} : memref<32x384xf32, #tpu.memory_space<vmem>>, vector<1x16xf32>,
      %get3A_210 = vector.shape_cast %get3A_209 : vector<1x16xf32> to vector<16xf32>
      %swap3A_211 = arith.index_cast %squeeze3A_76 : i32 to index
      %swap3A_212 = arith.constant 208 : index
      %swap3A_213 = tpu.vector_load %arg13[%swap3A_211, %swap3A_212] {strides = array<i32>} : memref<160x384xf32, #tpu.memory_space<vmem>>, vector<1x16xf32>,
      %swap3A_214 = vector.shape_cast %swap3A_213 : vector<1x16xf32> to vector<16xf32>
      %swap3A_215 = vector.shape_cast %get3A_210 : vector<16xf32> to vector<1x16xf32>
      tpu.vector_store %arg13[%swap3A_211, %swap3A_212], %swap3A_215 {add = true, strides = array<i32>} : memref<160x384xf32, #tpu.memory_space<vmem>>, vector<1x16xf32>,
      %get3A_216 = arith.constant 0 : i32
      %get3A_217 = arith.index_cast %get3A_216 : i32 to index
      %get3A_218 = arith.constant 224 : index
      %get3A_219 = tpu.vector_load %arg11[%get3A_217, %get3A_218] {strides = array<i32>} : memref<32x384xf32, #tpu.memory_space<vmem>>, vector<1x16xf32>,
      %get3A_220 = vector.shape_cast %get3A_219 : vector<1x16xf32> to vector<16xf32>
      %swap3A_221 = arith.index_cast %squeeze3A_76 : i32 to index
      %swap3A_222 = arith.constant 224 : index
      %swap3A_223 = tpu.vector_load %arg13[%swap3A_221, %swap3A_222] {strides = array<i32>} : memref<160x384xf32, #tpu.memory_space<vmem>>, vector<1x16xf32>,
      %swap3A_224 = vector.shape_cast %swap3A_223 : vector<1x16xf32> to vector<16xf32>
      %swap3A_225 = vector.shape_cast %get3A_220 : vector<16xf32> to vector<1x16xf32>
      tpu.vector_store %arg13[%swap3A_221, %swap3A_222], %swap3A_225 {add = true, strides = array<i32>} : memref<160x384xf32, #tpu.memory_space<vmem>>, vector<1x16xf32>,
      %get3A_226 = arith.constant 0 : i32
      %get3A_227 = arith.index_cast %get3A_226 : i32 to index
      %get3A_228 = arith.constant 240 : index
      %get3A_229 = tpu.vector_load %arg11[%get3A_227, %get3A_228] {strides = array<i32>} : memref<32x384xf32, #tpu.memory_space<vmem>>, vector<1x16xf32>,
      %get3A_230 = vector.shape_cast %get3A_229 : vector<1x16xf32> to vector<16xf32>
      %swap3A_231 = arith.index_cast %squeeze3A_76 : i32 to index
      %swap3A_232 = arith.constant 240 : index
      %swap3A_233 = tpu.vector_load %arg13[%swap3A_231, %swap3A_232] {strides = array<i32>} : memref<160x384xf32, #tpu.memory_space<vmem>>, vector<1x16xf32>,
      %swap3A_234 = vector.shape_cast %swap3A_233 : vector<1x16xf32> to vector<16xf32>
      %swap3A_235 = vector.shape_cast %get3A_230 : vector<16xf32> to vector<1x16xf32>
      tpu.vector_store %arg13[%swap3A_231, %swap3A_232], %swap3A_235 {add = true, strides = array<i32>} : memref<160x384xf32, #tpu.memory_space<vmem>>, vector<1x16xf32>,
      %get3A_236 = arith.constant 0 : i32
      %get3A_237 = arith.index_cast %get3A_236 : i32 to index
      %get3A_238 = arith.constant 256 : index
      %get3A_239 = tpu.vector_load %arg11[%get3A_237, %get3A_238] {strides = array<i32>} : memref<32x384xf32, #tpu.memory_space<vmem>>, vector<1x16xf32>,
      %get3A_240 = vector.shape_cast %get3A_239 : vector<1x16xf32> to vector<16xf32>
      %swap3A_241 = arith.index_cast %squeeze3A_76 : i32 to index
      %swap3A_242 = arith.constant 256 : index
      %swap3A_243 = tpu.vector_load %arg13[%swap3A_241, %swap3A_242] {strides = array<i32>} : memref<160x384xf32, #tpu.memory_space<vmem>>, vector<1x16xf32>,
      %swap3A_244 = vector.shape_cast %swap3A_243 : vector<1x16xf32> to vector<16xf32>
      %swap3A_245 = vector.shape_cast %get3A_240 : vector<16xf32> to vector<1x16xf32>
      tpu.vector_store %arg13[%swap3A_241, %swap3A_242], %swap3A_245 {add = true, strides = array<i32>} : memref<160x384xf32, #tpu.memory_space<vmem>>, vector<1x16xf32>,
      %get3A_246 = arith.constant 0 : i32
      %get3A_247 = arith.index_cast %get3A_246 : i32 to index
      %get3A_248 = arith.constant 272 : index
      %get3A_249 = tpu.vector_load %arg11[%get3A_247, %get3A_248] {strides = array<i32>} : memref<32x384xf32, #tpu.memory_space<vmem>>, vector<1x16xf32>,
      %get3A_250 = vector.shape_cast %get3A_249 : vector<1x16xf32> to vector<16xf32>
      %swap3A_251 = arith.index_cast %squeeze3A_76 : i32 to index
      %swap3A_252 = arith.constant 272 : index
      %swap3A_253 = tpu.vector_load %arg13[%swap3A_251, %swap3A_252] {strides = array<i32>} : memref<160x384xf32, #tpu.memory_space<vmem>>, vector<1x16xf32>,
      %swap3A_254 = vector.shape_cast %swap3A_253 : vector<1x16xf32> to vector<16xf32>
      %swap3A_255 = vector.shape_cast %get3A_250 : vector<16xf32> to vector<1x16xf32>
      tpu.vector_store %arg13[%swap3A_251, %swap3A_252], %swap3A_255 {add = true, strides = array<i32>} : memref<160x384xf32, #tpu.memory_space<vmem>>, vector<1x16xf32>,
      %get3A_256 = arith.constant 0 : i32
      %get3A_257 = arith.index_cast %get3A_256 : i32 to index
      %get3A_258 = arith.constant 288 : index
      %get3A_259 = tpu.vector_load %arg11[%get3A_257, %get3A_258] {strides = array<i32>} : memref<32x384xf32, #tpu.memory_space<vmem>>, vector<1x16xf32>,
      %get3A_260 = vector.shape_cast %get3A_259 : vector<1x16xf32> to vector<16xf32>
      %swap3A_261 = arith.index_cast %squeeze3A_76 : i32 to index
      %swap3A_262 = arith.constant 288 : index
      %swap3A_263 = tpu.vector_load %arg13[%swap3A_261, %swap3A_262] {strides = array<i32>} : memref<160x384xf32, #tpu.memory_space<vmem>>, vector<1x16xf32>,
      %swap3A_264 = vector.shape_cast %swap3A_263 : vector<1x16xf32> to vector<16xf32>
      %swap3A_265 = vector.shape_cast %get3A_260 : vector<16xf32> to vector<1x16xf32>
      tpu.vector_store %arg13[%swap3A_261, %swap3A_262], %swap3A_265 {add = true, strides = array<i32>} : memref<160x384xf32, #tpu.memory_space<vmem>>, vector<1x16xf32>,
      %get3A_266 = arith.constant 0 : i32
      %get3A_267 = arith.index_cast %get3A_266 : i32 to index
      %get3A_268 = arith.constant 304 : index
      %get3A_269 = tpu.vector_load %arg11[%get3A_267, %get3A_268] {strides = array<i32>} : memref<32x384xf32, #tpu.memory_space<vmem>>, vector<1x16xf32>,
      %get3A_270 = vector.shape_cast %get3A_269 : vector<1x16xf32> to vector<16xf32>
      %swap3A_271 = arith.index_cast %squeeze3A_76 : i32 to index
      %swap3A_272 = arith.constant 304 : index
      %swap3A_273 = tpu.vector_load %arg13[%swap3A_271, %swap3A_272] {strides = array<i32>} : memref<160x384xf32, #tpu.memory_space<vmem>>, vector<1x16xf32>,
      %swap3A_274 = vector.shape_cast %swap3A_273 : vector<1x16xf32> to vector<16xf32>
      %swap3A_275 = vector.shape_cast %get3A_270 : vector<16xf32> to vector<1x16xf32>
      tpu.vector_store %arg13[%swap3A_271, %swap3A_272], %swap3A_275 {add = true, strides = array<i32>} : memref<160x384xf32, #tpu.memory_space<vmem>>, vector<1x16xf32>,
      %get3A_276 = arith.constant 0 : i32
      %get3A_277 = arith.index_cast %get3A_276 : i32 to index
      %get3A_278 = arith.constant 320 : index
      %get3A_279 = tpu.vector_load %arg11[%get3A_277, %get3A_278] {strides = array<i32>} : memref<32x384xf32, #tpu.memory_space<vmem>>, vector<1x16xf32>,
      %get3A_280 = vector.shape_cast %get3A_279 : vector<1x16xf32> to vector<16xf32>
      %swap3A_281 = arith.index_cast %squeeze3A_76 : i32 to index
      %swap3A_282 = arith.constant 320 : index
      %swap3A_283 = tpu.vector_load %arg13[%swap3A_281, %swap3A_282] {strides = array<i32>} : memref<160x384xf32, #tpu.memory_space<vmem>>, vector<1x16xf32>,
      %swap3A_284 = vector.shape_cast %swap3A_283 : vector<1x16xf32> to vector<16xf32>
      %swap3A_285 = vector.shape_cast %get3A_280 : vector<16xf32> to vector<1x16xf32>
      tpu.vector_store %arg13[%swap3A_281, %swap3A_282], %swap3A_285 {add = true, strides = array<i32>} : memref<160x384xf32, #tpu.memory_space<vmem>>, vector<1x16xf32>,
      %get3A_286 = arith.constant 0 : i32
      %get3A_287 = arith.index_cast %get3A_286 : i32 to index
      %get3A_288 = arith.constant 336 : index
      %get3A_289 = tpu.vector_load %arg11[%get3A_287, %get3A_288] {strides = array<i32>} : memref<32x384xf32, #tpu.memory_space<vmem>>, vector<1x16xf32>,
      %get3A_290 = vector.shape_cast %get3A_289 : vector<1x16xf32> to vector<16xf32>
      %swap3A_291 = arith.index_cast %squeeze3A_76 : i32 to index
      %swap3A_292 = arith.constant 336 : index
      %swap3A_293 = tpu.vector_load %arg13[%swap3A_291, %swap3A_292] {strides = array<i32>} : memref<160x384xf32, #tpu.memory_space<vmem>>, vector<1x16xf32>,
      %swap3A_294 = vector.shape_cast %swap3A_293 : vector<1x16xf32> to vector<16xf32>
      %swap3A_295 = vector.shape_cast %get3A_290 : vector<16xf32> to vector<1x16xf32>
      tpu.vector_store %arg13[%swap3A_291, %swap3A_292], %swap3A_295 {add = true, strides = array<i32>} : memref<160x384xf32, #tpu.memory_space<vmem>>, vector<1x16xf32>,
      %get3A_296 = arith.constant 0 : i32
      %get3A_297 = arith.index_cast %get3A_296 : i32 to index
      %get3A_298 = arith.constant 352 : index
      %get3A_299 = tpu.vector_load %arg11[%get3A_297, %get3A_298] {strides = array<i32>} : memref<32x384xf32, #tpu.memory_space<vmem>>, vector<1x16xf32>,
      %get3A_300 = vector.shape_cast %get3A_299 : vector<1x16xf32> to vector<16xf32>
      %swap3A_301 = arith.index_cast %squeeze3A_76 : i32 to index
      %swap3A_302 = arith.constant 352 : index
      %swap3A_303 = tpu.vector_load %arg13[%swap3A_301, %swap3A_302] {strides = array<i32>} : memref<160x384xf32, #tpu.memory_space<vmem>>, vector<1x16xf32>,
      %swap3A_304 = vector.shape_cast %swap3A_303 : vector<1x16xf32> to vector<16xf32>
      %swap3A_305 = vector.shape_cast %get3A_300 : vector<16xf32> to vector<1x16xf32>
      tpu.vector_store %arg13[%swap3A_301, %swap3A_302], %swap3A_305 {add = true, strides = array<i32>} : memref<160x384xf32, #tpu.memory_space<vmem>>, vector<1x16xf32>,
      %get3A_306 = arith.constant 0 : i32
      %get3A_307 = arith.index_cast %get3A_306 : i32 to index
      %get3A_308 = arith.constant 368 : index
      %get3A_309 = tpu.vector_load %arg11[%get3A_307, %get3A_308] {strides = array<i32>} : memref<32x384xf32, #tpu.memory_space<vmem>>, vector<1x16xf32>,
      %get3A_310 = vector.shape_cast %get3A_309 : vector<1x16xf32> to vector<16xf32>
      %swap3A_311 = arith.index_cast %squeeze3A_76 : i32 to index
      %swap3A_312 = arith.constant 368 : index
      %swap3A_313 = tpu.vector_load %arg13[%swap3A_311, %swap3A_312] {strides = array<i32>} : memref<160x384xf32, #tpu.memory_space<vmem>>, vector<1x16xf32>,
      %swap3A_314 = vector.shape_cast %swap3A_313 : vector<1x16xf32> to vector<16xf32>
      %swap3A_315 = vector.shape_cast %get3A_310 : vector<16xf32> to vector<1x16xf32>
      tpu.vector_store %arg13[%swap3A_311, %swap3A_312], %swap3A_315 {add = true, strides = array<i32>} : memref<160x384xf32, #tpu.memory_space<vmem>>, vector<1x16xf32>,
      %slice3A_316 = vector.extract_strided_slice %get3A_48 {offsets = [0], sizes = [1], strides = [1]} : vector<16xi32> to vector<1xi32>
      %squeeze3A_317 = vector.extract %slice3A_316[0] : i32 from vector<1xi32>
      %shift_right_logical3A = arith.constant 8 : i32
      %shift_right_logical3A_318 = arith.shrui %squeeze3A_317, %shift_right_logical3A : i32
      %sub3A_319 = arith.constant 1 : i32
      %sub3A_320 = arith.subi %shift_right_logical3A_318, %sub3A_319 : i32
      %ge3A = arith.constant 0 : i32
      %ge3A_321 = arith.cmpi sge, %sub3A_320, %ge3A : i32
      %convert_element_type3A_322 = arith.extui %ge3A_321 : i1 to i32
      %cond3A_323 = arith.constant 0 : i32
      %cond3A_324 = arith.cmpi ne, %convert_element_type3A_322, %cond3A_323 : i32
      scf.if %cond3A_324 {
        %multiple_of3A_589 = tpu.assume_multiple %sub3A_320, 32 : i32
        "tpu.region"() ({
          %run_scoped3A = tpu.sem_alloc : memref<!tpu.dma_semaphore, #tpu.memory_space<semaphore_mem>>
          %dma_start3A = arith.constant 0 : i32
          %dma_start3A_590 = tpu.memref_slice %arg7[%multiple_of3A_589, %dma_start3A] : memref<81920x384xf32, #tpu.memory_space<hbm>> -> memref<160x384xf32, #tpu.memory_space<hbm>>
          %dma_start3A_591 = arith.constant 0 : i32
          %dma_start3A_592 = tpu.memref_slice %arg7[%multiple_of3A_589, %dma_start3A_591] : memref<81920x384xf32, #tpu.memory_space<hbm>> -> memref<160x384xf32, #tpu.memory_space<hbm>>
          tpu.enqueue_dma source(%arg13 : memref<160x384xf32, #tpu.memory_space<vmem>>) target(%dma_start3A_592 : memref<160x384xf32, #tpu.memory_space<hbm>>) target_semaphore(%run_scoped3A : memref<!tpu.dma_semaphore, #tpu.memory_space<semaphore_mem>>)
          %dma_wait3A = arith.constant 0 : i32
          %dma_wait3A_593 = tpu.memref_slice %arg7[%multiple_of3A_589, %dma_wait3A] : memref<81920x384xf32, #tpu.memory_space<hbm>> -> memref<160x384xf32, #tpu.memory_space<hbm>>
          %dma_wait3A_594 = arith.constant 0 : i32
          %dma_wait3A_595 = tpu.memref_slice %arg7[%multiple_of3A_589, %dma_wait3A_594] : memref<81920x384xf32, #tpu.memory_space<hbm>> -> memref<160x384xf32, #tpu.memory_space<hbm>>
          tpu.wait_dma2 semaphore(%run_scoped3A : memref<!tpu.dma_semaphore, #tpu.memory_space<semaphore_mem>>) src(%arg13 : memref<160x384xf32, #tpu.memory_space<vmem>>) dst(%dma_wait3A_595 : memref<160x384xf32, #tpu.memory_space<hbm>>)
          tpu.yield
        }) : () -> ()
        "tpu.region"() ({
          %run_scoped3A = tpu.sem_alloc : memref<!tpu.dma_semaphore, #tpu.memory_space<semaphore_mem>>
          %dma_start3A = arith.constant 0 : i32
          %dma_start3A_590 = arith.constant 0 : i32
          %dma_start3A_591 = tpu.memref_slice %arg13[%dma_start3A, %dma_start3A_590] : memref<160x384xf32, #tpu.memory_space<vmem>> -> memref<40x384xf32, #tpu.memory_space<vmem>>
          %dma_start3A_592 = arith.constant 0 : i32
          %dma_start3A_593 = arith.constant 0 : i32
          %dma_start3A_594 = tpu.memref_slice %arg13[%dma_start3A_592, %dma_start3A_593] : memref<160x384xf32, #tpu.memory_space<vmem>> -> memref<40x384xf32, #tpu.memory_space<vmem>>
          tpu.enqueue_dma source(%arg14 : memref<40x384xf32, #tpu.memory_space<vmem_shared>>) target(%dma_start3A_594 : memref<40x384xf32, #tpu.memory_space<vmem>>) target_semaphore(%run_scoped3A : memref<!tpu.dma_semaphore, #tpu.memory_space<semaphore_mem>>)
          %dma_wait3A = arith.constant 0 : i32
          %dma_wait3A_595 = arith.constant 0 : i32
          %dma_wait3A_596 = tpu.memref_slice %arg13[%dma_wait3A, %dma_wait3A_595] : memref<160x384xf32, #tpu.memory_space<vmem>> -> memref<40x384xf32, #tpu.memory_space<vmem>>
          %dma_wait3A_597 = arith.constant 0 : i32
          %dma_wait3A_598 = arith.constant 0 : i32
          %dma_wait3A_599 = tpu.memref_slice %arg13[%dma_wait3A_597, %dma_wait3A_598] : memref<160x384xf32, #tpu.memory_space<vmem>> -> memref<40x384xf32, #tpu.memory_space<vmem>>
          tpu.wait_dma2 semaphore(%run_scoped3A : memref<!tpu.dma_semaphore, #tpu.memory_space<semaphore_mem>>) src(%arg14 : memref<40x384xf32, #tpu.memory_space<vmem_shared>>) dst(%dma_wait3A_599 : memref<40x384xf32, #tpu.memory_space<vmem>>)
          tpu.yield
        }) : () -> ()
        "tpu.region"() ({
          %run_scoped3A = tpu.sem_alloc : memref<!tpu.dma_semaphore, #tpu.memory_space<semaphore_mem>>
          %dma_start3A = arith.constant 40 : i32
          %dma_start3A_590 = arith.constant 0 : i32
          %dma_start3A_591 = tpu.memref_slice %arg13[%dma_start3A, %dma_start3A_590] : memref<160x384xf32, #tpu.memory_space<vmem>> -> memref<40x384xf32, #tpu.memory_space<vmem>>
          %dma_start3A_592 = arith.constant 40 : i32
          %dma_start3A_593 = arith.constant 0 : i32
          %dma_start3A_594 = tpu.memref_slice %arg13[%dma_start3A_592, %dma_start3A_593] : memref<160x384xf32, #tpu.memory_space<vmem>> -> memref<40x384xf32, #tpu.memory_space<vmem>>
          tpu.enqueue_dma source(%arg14 : memref<40x384xf32, #tpu.memory_space<vmem_shared>>) target(%dma_start3A_594 : memref<40x384xf32, #tpu.memory_space<vmem>>) target_semaphore(%run_scoped3A : memref<!tpu.dma_semaphore, #tpu.memory_space<semaphore_mem>>)
          %dma_wait3A = arith.constant 40 : i32
          %dma_wait3A_595 = arith.constant 0 : i32
          %dma_wait3A_596 = tpu.memref_slice %arg13[%dma_wait3A, %dma_wait3A_595] : memref<160x384xf32, #tpu.memory_space<vmem>> -> memref<40x384xf32, #tpu.memory_space<vmem>>
          %dma_wait3A_597 = arith.constant 40 : i32
          %dma_wait3A_598 = arith.constant 0 : i32
          %dma_wait3A_599 = tpu.memref_slice %arg13[%dma_wait3A_597, %dma_wait3A_598] : memref<160x384xf32, #tpu.memory_space<vmem>> -> memref<40x384xf32, #tpu.memory_space<vmem>>
          tpu.wait_dma2 semaphore(%run_scoped3A : memref<!tpu.dma_semaphore, #tpu.memory_space<semaphore_mem>>) src(%arg14 : memref<40x384xf32, #tpu.memory_space<vmem_shared>>) dst(%dma_wait3A_599 : memref<40x384xf32, #tpu.memory_space<vmem>>)
          tpu.yield
        }) : () -> ()
        "tpu.region"() ({
          %run_scoped3A = tpu.sem_alloc : memref<!tpu.dma_semaphore, #tpu.memory_space<semaphore_mem>>
          %dma_start3A = arith.constant 80 : i32
          %dma_start3A_590 = arith.constant 0 : i32
          %dma_start3A_591 = tpu.memref_slice %arg13[%dma_start3A, %dma_start3A_590] : memref<160x384xf32, #tpu.memory_space<vmem>> -> memref<40x384xf32, #tpu.memory_space<vmem>>
          %dma_start3A_592 = arith.constant 80 : i32
          %dma_start3A_593 = arith.constant 0 : i32
          %dma_start3A_594 = tpu.memref_slice %arg13[%dma_start3A_592, %dma_start3A_593] : memref<160x384xf32, #tpu.memory_space<vmem>> -> memref<40x384xf32, #tpu.memory_space<vmem>>
          tpu.enqueue_dma source(%arg14 : memref<40x384xf32, #tpu.memory_space<vmem_shared>>) target(%dma_start3A_594 : memref<40x384xf32, #tpu.memory_space<vmem>>) target_semaphore(%run_scoped3A : memref<!tpu.dma_semaphore, #tpu.memory_space<semaphore_mem>>)
          %dma_wait3A = arith.constant 80 : i32
          %dma_wait3A_595 = arith.constant 0 : i32
          %dma_wait3A_596 = tpu.memref_slice %arg13[%dma_wait3A, %dma_wait3A_595] : memref<160x384xf32, #tpu.memory_space<vmem>> -> memref<40x384xf32, #tpu.memory_space<vmem>>
          %dma_wait3A_597 = arith.constant 80 : i32
          %dma_wait3A_598 = arith.constant 0 : i32
          %dma_wait3A_599 = tpu.memref_slice %arg13[%dma_wait3A_597, %dma_wait3A_598] : memref<160x384xf32, #tpu.memory_space<vmem>> -> memref<40x384xf32, #tpu.memory_space<vmem>>
          tpu.wait_dma2 semaphore(%run_scoped3A : memref<!tpu.dma_semaphore, #tpu.memory_space<semaphore_mem>>) src(%arg14 : memref<40x384xf32, #tpu.memory_space<vmem_shared>>) dst(%dma_wait3A_599 : memref<40x384xf32, #tpu.memory_space<vmem>>)
          tpu.yield
        }) : () -> ()
        "tpu.region"() ({
          %run_scoped3A = tpu.sem_alloc : memref<!tpu.dma_semaphore, #tpu.memory_space<semaphore_mem>>
          %dma_start3A = arith.constant 120 : i32
          %dma_start3A_590 = arith.constant 0 : i32
          %dma_start3A_591 = tpu.memref_slice %arg13[%dma_start3A, %dma_start3A_590] : memref<160x384xf32, #tpu.memory_space<vmem>> -> memref<40x384xf32, #tpu.memory_space<vmem>>
          %dma_start3A_592 = arith.constant 120 : i32
          %dma_start3A_593 = arith.constant 0 : i32
          %dma_start3A_594 = tpu.memref_slice %arg13[%dma_start3A_592, %dma_start3A_593] : memref<160x384xf32, #tpu.memory_space<vmem>> -> memref<40x384xf32, #tpu.memory_space<vmem>>
          tpu.enqueue_dma source(%arg14 : memref<40x384xf32, #tpu.memory_space<vmem_shared>>) target(%dma_start3A_594 : memref<40x384xf32, #tpu.memory_space<vmem>>) target_semaphore(%run_scoped3A : memref<!tpu.dma_semaphore, #tpu.memory_space<semaphore_mem>>)
          %dma_wait3A = arith.constant 120 : i32
          %dma_wait3A_595 = arith.constant 0 : i32
          %dma_wait3A_596 = tpu.memref_slice %arg13[%dma_wait3A, %dma_wait3A_595] : memref<160x384xf32, #tpu.memory_space<vmem>> -> memref<40x384xf32, #tpu.memory_space<vmem>>
          %dma_wait3A_597 = arith.constant 120 : i32
          %dma_wait3A_598 = arith.constant 0 : i32
          %dma_wait3A_599 = tpu.memref_slice %arg13[%dma_wait3A_597, %dma_wait3A_598] : memref<160x384xf32, #tpu.memory_space<vmem>> -> memref<40x384xf32, #tpu.memory_space<vmem>>
          tpu.wait_dma2 semaphore(%run_scoped3A : memref<!tpu.dma_semaphore, #tpu.memory_space<semaphore_mem>>) src(%arg14 : memref<40x384xf32, #tpu.memory_space<vmem_shared>>) dst(%dma_wait3A_599 : memref<40x384xf32, #tpu.memory_space<vmem>>)
          tpu.yield
        }) : () -> ()
      } else {
      }
      %add3A_325 = arith.constant 1 : i32
      %add3A_326 = arith.addi %add3A_42, %add3A_325 : i32
      %lt3A = arith.cmpi slt, %add3A_326, %squeeze3A : i32
      %convert_element_type3A_327 = arith.extui %lt3A : i1 to i32
      %cond3A_328 = arith.constant 0 : i32
      %cond3A_329 = arith.cmpi ne, %convert_element_type3A_327, %cond3A_328 : i32
      scf.if %cond3A_329 {
        %add3A_589 = arith.constant 1 : i32
        %add3A_590 = arith.addi %add3A_42, %add3A_589 : i32
        %rem3A_591 = arith.constant 8 : i32
        %rem3A_592 = arith.remsi %add3A_590, %rem3A_591 : i32
        %eq3A = arith.constant 0 : i32
        %eq3A_593 = arith.cmpi eq, %rem3A_592, %eq3A : i32
        %convert_element_type3A_594 = arith.extui %eq3A_593 : i1 to i32
        %cond3A_595 = arith.constant 0 : i32
        %cond3A_596 = arith.cmpi ne, %convert_element_type3A_594, %cond3A_595 : i32
        scf.if %cond3A_596 {
          %add3A_599 = arith.constant 1 : i32
          %add3A_600 = arith.addi %add3A_42, %add3A_599 : i32
          %mul3A_601 = arith.constant 32 : i32
          %mul3A_602 = arith.muli %add3A_600, %mul3A_601 : i32
          %add3A_603 = arith.addi %squeeze3A_13, %mul3A_602 : i32
          %multiple_of3A_604 = tpu.assume_multiple %add3A_603, 32 : i32
          "tpu.region"() ({
            %run_scoped3A = tpu.sem_alloc : memref<!tpu.dma_semaphore, #tpu.memory_space<semaphore_mem>>
            %dma_start3A = tpu.memref_slice %arg3[%multiple_of3A_604] : memref<193024xi32, #tpu.memory_space<hbm>> -> memref<256xi32, #tpu.memory_space<hbm>>
            %dma_start3A_605 = tpu.memref_slice %arg3[%multiple_of3A_604] : memref<193024xi32, #tpu.memory_space<hbm>> -> memref<256xi32, #tpu.memory_space<hbm>>
            tpu.enqueue_dma source(%dma_start3A_605 : memref<256xi32, #tpu.memory_space<hbm>>) target(%arg9 : memref<256xi32, #tpu.memory_space<vmem>>) target_semaphore(%run_scoped3A : memref<!tpu.dma_semaphore, #tpu.memory_space<semaphore_mem>>)
            %dma_wait3A = tpu.memref_slice %arg3[%multiple_of3A_604] : memref<193024xi32, #tpu.memory_space<hbm>> -> memref<256xi32, #tpu.memory_space<hbm>>
            %dma_wait3A_606 = tpu.memref_slice %arg3[%multiple_of3A_604] : memref<193024xi32, #tpu.memory_space<hbm>> -> memref<256xi32, #tpu.memory_space<hbm>>
            tpu.wait_dma2 semaphore(%run_scoped3A : memref<!tpu.dma_semaphore, #tpu.memory_space<semaphore_mem>>) src(%dma_wait3A_606 : memref<256xi32, #tpu.memory_space<hbm>>) dst(%arg9 : memref<256xi32, #tpu.memory_space<vmem>>)
            tpu.yield
          }) : () -> ()
          "tpu.region"() ({
            %run_scoped3A = tpu.sem_alloc : memref<!tpu.dma_semaphore, #tpu.memory_space<semaphore_mem>>
            %dma_start3A = tpu.memref_slice %arg4[%multiple_of3A_604] : memref<193024xi32, #tpu.memory_space<hbm>> -> memref<256xi32, #tpu.memory_space<hbm>>
            %dma_start3A_605 = tpu.memref_slice %arg4[%multiple_of3A_604] : memref<193024xi32, #tpu.memory_space<hbm>> -> memref<256xi32, #tpu.memory_space<hbm>>
            tpu.enqueue_dma source(%dma_start3A_605 : memref<256xi32, #tpu.memory_space<hbm>>) target(%arg10 : memref<256xi32, #tpu.memory_space<vmem>>) target_semaphore(%run_scoped3A : memref<!tpu.dma_semaphore, #tpu.memory_space<semaphore_mem>>)
            %dma_wait3A = tpu.memref_slice %arg4[%multiple_of3A_604] : memref<193024xi32, #tpu.memory_space<hbm>> -> memref<256xi32, #tpu.memory_space<hbm>>
            %dma_wait3A_606 = tpu.memref_slice %arg4[%multiple_of3A_604] : memref<193024xi32, #tpu.memory_space<hbm>> -> memref<256xi32, #tpu.memory_space<hbm>>
            tpu.wait_dma2 semaphore(%run_scoped3A : memref<!tpu.dma_semaphore, #tpu.memory_space<semaphore_mem>>) src(%dma_wait3A_606 : memref<256xi32, #tpu.memory_space<hbm>>) dst(%arg10 : memref<256xi32, #tpu.memory_space<vmem>>)
            tpu.yield
          }) : () -> ()
        } else {
        }
        %add3A_597 = arith.constant 1 : i32
        %add3A_598 = arith.addi %add3A_42, %add3A_597 : i32
      } else {
      }
      %and3A_330 = arith.constant 255 : i32
      %and3A_331 = vector.broadcast %and3A_330 : i32 to vector<16xi32>
      %and3A_332 = arith.andi %get3A_62, %and3A_331 : vector<16xi32>
      %and3A_333 = arith.constant 255 : i32
      %and3A_334 = vector.broadcast %and3A_333 : i32 to vector<16xi32>
      %and3A_335 = arith.andi %get3A_69, %and3A_334 : vector<16xi32>
      %slice3A_336 = vector.extract_strided_slice %and3A_332 {offsets = [0], sizes = [1], strides = [1]} : vector<16xi32> to vector<1xi32>
      %squeeze3A_337 = vector.extract %slice3A_336[0] : i32 from vector<1xi32>
      %get3A_338 = arith.constant 0 : i32
      %get3A_339 = arith.index_cast %get3A_338 : i32 to index
      %get3A_340 = arith.constant 0 : index
      %get3A_341 = tpu.vector_load %arg12[%get3A_339, %get3A_340] {strides = array<i32>} : memref<32x384xf32, #tpu.memory_space<vmem>>, vector<1x16xf32>,
      %get3A_342 = vector.shape_cast %get3A_341 : vector<1x16xf32> to vector<16xf32>
      %swap3A_343 = arith.index_cast %squeeze3A_337 : i32 to index
      %swap3A_344 = arith.constant 0 : index
      %swap3A_345 = tpu.vector_load %arg13[%swap3A_343, %swap3A_344] {strides = array<i32>} : memref<160x384xf32, #tpu.memory_space<vmem>>, vector<1x16xf32>,
      %swap3A_346 = vector.shape_cast %swap3A_345 : vector<1x16xf32> to vector<16xf32>
      %swap3A_347 = vector.shape_cast %get3A_342 : vector<16xf32> to vector<1x16xf32>
      tpu.vector_store %arg13[%swap3A_343, %swap3A_344], %swap3A_347 {add = true, strides = array<i32>} : memref<160x384xf32, #tpu.memory_space<vmem>>, vector<1x16xf32>,
      %get3A_348 = arith.constant 0 : i32
      %get3A_349 = arith.index_cast %get3A_348 : i32 to index
      %get3A_350 = arith.constant 16 : index
      %get3A_351 = tpu.vector_load %arg12[%get3A_349, %get3A_350] {strides = array<i32>} : memref<32x384xf32, #tpu.memory_space<vmem>>, vector<1x16xf32>,
      %get3A_352 = vector.shape_cast %get3A_351 : vector<1x16xf32> to vector<16xf32>
      %swap3A_353 = arith.index_cast %squeeze3A_337 : i32 to index
      %swap3A_354 = arith.constant 16 : index
      %swap3A_355 = tpu.vector_load %arg13[%swap3A_353, %swap3A_354] {strides = array<i32>} : memref<160x384xf32, #tpu.memory_space<vmem>>, vector<1x16xf32>,
      %swap3A_356 = vector.shape_cast %swap3A_355 : vector<1x16xf32> to vector<16xf32>
      %swap3A_357 = vector.shape_cast %get3A_352 : vector<16xf32> to vector<1x16xf32>
      tpu.vector_store %arg13[%swap3A_353, %swap3A_354], %swap3A_357 {add = true, strides = array<i32>} : memref<160x384xf32, #tpu.memory_space<vmem>>, vector<1x16xf32>,
      %get3A_358 = arith.constant 0 : i32
      %get3A_359 = arith.index_cast %get3A_358 : i32 to index
      %get3A_360 = arith.constant 32 : index
      %get3A_361 = tpu.vector_load %arg12[%get3A_359, %get3A_360] {strides = array<i32>} : memref<32x384xf32, #tpu.memory_space<vmem>>, vector<1x16xf32>,
      %get3A_362 = vector.shape_cast %get3A_361 : vector<1x16xf32> to vector<16xf32>
      %swap3A_363 = arith.index_cast %squeeze3A_337 : i32 to index
      %swap3A_364 = arith.constant 32 : index
      %swap3A_365 = tpu.vector_load %arg13[%swap3A_363, %swap3A_364] {strides = array<i32>} : memref<160x384xf32, #tpu.memory_space<vmem>>, vector<1x16xf32>,
      %swap3A_366 = vector.shape_cast %swap3A_365 : vector<1x16xf32> to vector<16xf32>
      %swap3A_367 = vector.shape_cast %get3A_362 : vector<16xf32> to vector<1x16xf32>
      tpu.vector_store %arg13[%swap3A_363, %swap3A_364], %swap3A_367 {add = true, strides = array<i32>} : memref<160x384xf32, #tpu.memory_space<vmem>>, vector<1x16xf32>,
      %get3A_368 = arith.constant 0 : i32
      %get3A_369 = arith.index_cast %get3A_368 : i32 to index
      %get3A_370 = arith.constant 48 : index
      %get3A_371 = tpu.vector_load %arg12[%get3A_369, %get3A_370] {strides = array<i32>} : memref<32x384xf32, #tpu.memory_space<vmem>>, vector<1x16xf32>,
      %get3A_372 = vector.shape_cast %get3A_371 : vector<1x16xf32> to vector<16xf32>
      %swap3A_373 = arith.index_cast %squeeze3A_337 : i32 to index
      %swap3A_374 = arith.constant 48 : index
      %swap3A_375 = tpu.vector_load %arg13[%swap3A_373, %swap3A_374] {strides = array<i32>} : memref<160x384xf32, #tpu.memory_space<vmem>>, vector<1x16xf32>,
      %swap3A_376 = vector.shape_cast %swap3A_375 : vector<1x16xf32> to vector<16xf32>
      %swap3A_377 = vector.shape_cast %get3A_372 : vector<16xf32> to vector<1x16xf32>
      tpu.vector_store %arg13[%swap3A_373, %swap3A_374], %swap3A_377 {add = true, strides = array<i32>} : memref<160x384xf32, #tpu.memory_space<vmem>>, vector<1x16xf32>,
      %get3A_378 = arith.constant 0 : i32
      %get3A_379 = arith.index_cast %get3A_378 : i32 to index
      %get3A_380 = arith.constant 64 : index
      %get3A_381 = tpu.vector_load %arg12[%get3A_379, %get3A_380] {strides = array<i32>} : memref<32x384xf32, #tpu.memory_space<vmem>>, vector<1x16xf32>,
      %get3A_382 = vector.shape_cast %get3A_381 : vector<1x16xf32> to vector<16xf32>
      %swap3A_383 = arith.index_cast %squeeze3A_337 : i32 to index
      %swap3A_384 = arith.constant 64 : index
      %swap3A_385 = tpu.vector_load %arg13[%swap3A_383, %swap3A_384] {strides = array<i32>} : memref<160x384xf32, #tpu.memory_space<vmem>>, vector<1x16xf32>,
      %swap3A_386 = vector.shape_cast %swap3A_385 : vector<1x16xf32> to vector<16xf32>
      %swap3A_387 = vector.shape_cast %get3A_382 : vector<16xf32> to vector<1x16xf32>
      tpu.vector_store %arg13[%swap3A_383, %swap3A_384], %swap3A_387 {add = true, strides = array<i32>} : memref<160x384xf32, #tpu.memory_space<vmem>>, vector<1x16xf32>,
      %get3A_388 = arith.constant 0 : i32
      %get3A_389 = arith.index_cast %get3A_388 : i32 to index
      %get3A_390 = arith.constant 80 : index
      %get3A_391 = tpu.vector_load %arg12[%get3A_389, %get3A_390] {strides = array<i32>} : memref<32x384xf32, #tpu.memory_space<vmem>>, vector<1x16xf32>,
      %get3A_392 = vector.shape_cast %get3A_391 : vector<1x16xf32> to vector<16xf32>
      %swap3A_393 = arith.index_cast %squeeze3A_337 : i32 to index
      %swap3A_394 = arith.constant 80 : index
      %swap3A_395 = tpu.vector_load %arg13[%swap3A_393, %swap3A_394] {strides = array<i32>} : memref<160x384xf32, #tpu.memory_space<vmem>>, vector<1x16xf32>,
      %swap3A_396 = vector.shape_cast %swap3A_395 : vector<1x16xf32> to vector<16xf32>
      %swap3A_397 = vector.shape_cast %get3A_392 : vector<16xf32> to vector<1x16xf32>
      tpu.vector_store %arg13[%swap3A_393, %swap3A_394], %swap3A_397 {add = true, strides = array<i32>} : memref<160x384xf32, #tpu.memory_space<vmem>>, vector<1x16xf32>,
      %get3A_398 = arith.constant 0 : i32
      %get3A_399 = arith.index_cast %get3A_398 : i32 to index
      %get3A_400 = arith.constant 96 : index
      %get3A_401 = tpu.vector_load %arg12[%get3A_399, %get3A_400] {strides = array<i32>} : memref<32x384xf32, #tpu.memory_space<vmem>>, vector<1x16xf32>,
      %get3A_402 = vector.shape_cast %get3A_401 : vector<1x16xf32> to vector<16xf32>
      %swap3A_403 = arith.index_cast %squeeze3A_337 : i32 to index
      %swap3A_404 = arith.constant 96 : index
      %swap3A_405 = tpu.vector_load %arg13[%swap3A_403, %swap3A_404] {strides = array<i32>} : memref<160x384xf32, #tpu.memory_space<vmem>>, vector<1x16xf32>,
      %swap3A_406 = vector.shape_cast %swap3A_405 : vector<1x16xf32> to vector<16xf32>
      %swap3A_407 = vector.shape_cast %get3A_402 : vector<16xf32> to vector<1x16xf32>
      tpu.vector_store %arg13[%swap3A_403, %swap3A_404], %swap3A_407 {add = true, strides = array<i32>} : memref<160x384xf32, #tpu.memory_space<vmem>>, vector<1x16xf32>,
      %get3A_408 = arith.constant 0 : i32
      %get3A_409 = arith.index_cast %get3A_408 : i32 to index
      %get3A_410 = arith.constant 112 : index
      %get3A_411 = tpu.vector_load %arg12[%get3A_409, %get3A_410] {strides = array<i32>} : memref<32x384xf32, #tpu.memory_space<vmem>>, vector<1x16xf32>,
      %get3A_412 = vector.shape_cast %get3A_411 : vector<1x16xf32> to vector<16xf32>
      %swap3A_413 = arith.index_cast %squeeze3A_337 : i32 to index
      %swap3A_414 = arith.constant 112 : index
      %swap3A_415 = tpu.vector_load %arg13[%swap3A_413, %swap3A_414] {strides = array<i32>} : memref<160x384xf32, #tpu.memory_space<vmem>>, vector<1x16xf32>,
      %swap3A_416 = vector.shape_cast %swap3A_415 : vector<1x16xf32> to vector<16xf32>
      %swap3A_417 = vector.shape_cast %get3A_412 : vector<16xf32> to vector<1x16xf32>
      tpu.vector_store %arg13[%swap3A_413, %swap3A_414], %swap3A_417 {add = true, strides = array<i32>} : memref<160x384xf32, #tpu.memory_space<vmem>>, vector<1x16xf32>,
      %get3A_418 = arith.constant 0 : i32
      %get3A_419 = arith.index_cast %get3A_418 : i32 to index
      %get3A_420 = arith.constant 128 : index
      %get3A_421 = tpu.vector_load %arg12[%get3A_419, %get3A_420] {strides = array<i32>} : memref<32x384xf32, #tpu.memory_space<vmem>>, vector<1x16xf32>,
      %get3A_422 = vector.shape_cast %get3A_421 : vector<1x16xf32> to vector<16xf32>
      %swap3A_423 = arith.index_cast %squeeze3A_337 : i32 to index
      %swap3A_424 = arith.constant 128 : index
      %swap3A_425 = tpu.vector_load %arg13[%swap3A_423, %swap3A_424] {strides = array<i32>} : memref<160x384xf32, #tpu.memory_space<vmem>>, vector<1x16xf32>,
      %swap3A_426 = vector.shape_cast %swap3A_425 : vector<1x16xf32> to vector<16xf32>
      %swap3A_427 = vector.shape_cast %get3A_422 : vector<16xf32> to vector<1x16xf32>
      tpu.vector_store %arg13[%swap3A_423, %swap3A_424], %swap3A_427 {add = true, strides = array<i32>} : memref<160x384xf32, #tpu.memory_space<vmem>>, vector<1x16xf32>,
      %get3A_428 = arith.constant 0 : i32
      %get3A_429 = arith.index_cast %get3A_428 : i32 to index
      %get3A_430 = arith.constant 144 : index
      %get3A_431 = tpu.vector_load %arg12[%get3A_429, %get3A_430] {strides = array<i32>} : memref<32x384xf32, #tpu.memory_space<vmem>>, vector<1x16xf32>,
      %get3A_432 = vector.shape_cast %get3A_431 : vector<1x16xf32> to vector<16xf32>
      %swap3A_433 = arith.index_cast %squeeze3A_337 : i32 to index
      %swap3A_434 = arith.constant 144 : index
      %swap3A_435 = tpu.vector_load %arg13[%swap3A_433, %swap3A_434] {strides = array<i32>} : memref<160x384xf32, #tpu.memory_space<vmem>>, vector<1x16xf32>,
      %swap3A_436 = vector.shape_cast %swap3A_435 : vector<1x16xf32> to vector<16xf32>
      %swap3A_437 = vector.shape_cast %get3A_432 : vector<16xf32> to vector<1x16xf32>
      tpu.vector_store %arg13[%swap3A_433, %swap3A_434], %swap3A_437 {add = true, strides = array<i32>} : memref<160x384xf32, #tpu.memory_space<vmem>>, vector<1x16xf32>,
      %get3A_438 = arith.constant 0 : i32
      %get3A_439 = arith.index_cast %get3A_438 : i32 to index
      %get3A_440 = arith.constant 160 : index
      %get3A_441 = tpu.vector_load %arg12[%get3A_439, %get3A_440] {strides = array<i32>} : memref<32x384xf32, #tpu.memory_space<vmem>>, vector<1x16xf32>,
      %get3A_442 = vector.shape_cast %get3A_441 : vector<1x16xf32> to vector<16xf32>
      %swap3A_443 = arith.index_cast %squeeze3A_337 : i32 to index
      %swap3A_444 = arith.constant 160 : index
      %swap3A_445 = tpu.vector_load %arg13[%swap3A_443, %swap3A_444] {strides = array<i32>} : memref<160x384xf32, #tpu.memory_space<vmem>>, vector<1x16xf32>,
      %swap3A_446 = vector.shape_cast %swap3A_445 : vector<1x16xf32> to vector<16xf32>
      %swap3A_447 = vector.shape_cast %get3A_442 : vector<16xf32> to vector<1x16xf32>
      tpu.vector_store %arg13[%swap3A_443, %swap3A_444], %swap3A_447 {add = true, strides = array<i32>} : memref<160x384xf32, #tpu.memory_space<vmem>>, vector<1x16xf32>,
      %get3A_448 = arith.constant 0 : i32
      %get3A_449 = arith.index_cast %get3A_448 : i32 to index
      %get3A_450 = arith.constant 176 : index
      %get3A_451 = tpu.vector_load %arg12[%get3A_449, %get3A_450] {strides = array<i32>} : memref<32x384xf32, #tpu.memory_space<vmem>>, vector<1x16xf32>,
      %get3A_452 = vector.shape_cast %get3A_451 : vector<1x16xf32> to vector<16xf32>
      %swap3A_453 = arith.index_cast %squeeze3A_337 : i32 to index
      %swap3A_454 = arith.constant 176 : index
      %swap3A_455 = tpu.vector_load %arg13[%swap3A_453, %swap3A_454] {strides = array<i32>} : memref<160x384xf32, #tpu.memory_space<vmem>>, vector<1x16xf32>,
      %swap3A_456 = vector.shape_cast %swap3A_455 : vector<1x16xf32> to vector<16xf32>
      %swap3A_457 = vector.shape_cast %get3A_452 : vector<16xf32> to vector<1x16xf32>
      tpu.vector_store %arg13[%swap3A_453, %swap3A_454], %swap3A_457 {add = true, strides = array<i32>} : memref<160x384xf32, #tpu.memory_space<vmem>>, vector<1x16xf32>,
      %get3A_458 = arith.constant 0 : i32
      %get3A_459 = arith.index_cast %get3A_458 : i32 to index
      %get3A_460 = arith.constant 192 : index
      %get3A_461 = tpu.vector_load %arg12[%get3A_459, %get3A_460] {strides = array<i32>} : memref<32x384xf32, #tpu.memory_space<vmem>>, vector<1x16xf32>,
      %get3A_462 = vector.shape_cast %get3A_461 : vector<1x16xf32> to vector<16xf32>
      %swap3A_463 = arith.index_cast %squeeze3A_337 : i32 to index
      %swap3A_464 = arith.constant 192 : index
      %swap3A_465 = tpu.vector_load %arg13[%swap3A_463, %swap3A_464] {strides = array<i32>} : memref<160x384xf32, #tpu.memory_space<vmem>>, vector<1x16xf32>,
      %swap3A_466 = vector.shape_cast %swap3A_465 : vector<1x16xf32> to vector<16xf32>
      %swap3A_467 = vector.shape_cast %get3A_462 : vector<16xf32> to vector<1x16xf32>
      tpu.vector_store %arg13[%swap3A_463, %swap3A_464], %swap3A_467 {add = true, strides = array<i32>} : memref<160x384xf32, #tpu.memory_space<vmem>>, vector<1x16xf32>,
      %get3A_468 = arith.constant 0 : i32
      %get3A_469 = arith.index_cast %get3A_468 : i32 to index
      %get3A_470 = arith.constant 208 : index
      %get3A_471 = tpu.vector_load %arg12[%get3A_469, %get3A_470] {strides = array<i32>} : memref<32x384xf32, #tpu.memory_space<vmem>>, vector<1x16xf32>,
      %get3A_472 = vector.shape_cast %get3A_471 : vector<1x16xf32> to vector<16xf32>
      %swap3A_473 = arith.index_cast %squeeze3A_337 : i32 to index
      %swap3A_474 = arith.constant 208 : index
      %swap3A_475 = tpu.vector_load %arg13[%swap3A_473, %swap3A_474] {strides = array<i32>} : memref<160x384xf32, #tpu.memory_space<vmem>>, vector<1x16xf32>,
      %swap3A_476 = vector.shape_cast %swap3A_475 : vector<1x16xf32> to vector<16xf32>
      %swap3A_477 = vector.shape_cast %get3A_472 : vector<16xf32> to vector<1x16xf32>
      tpu.vector_store %arg13[%swap3A_473, %swap3A_474], %swap3A_477 {add = true, strides = array<i32>} : memref<160x384xf32, #tpu.memory_space<vmem>>, vector<1x16xf32>,
      %get3A_478 = arith.constant 0 : i32
      %get3A_479 = arith.index_cast %get3A_478 : i32 to index
      %get3A_480 = arith.constant 224 : index
      %get3A_481 = tpu.vector_load %arg12[%get3A_479, %get3A_480] {strides = array<i32>} : memref<32x384xf32, #tpu.memory_space<vmem>>, vector<1x16xf32>,
      %get3A_482 = vector.shape_cast %get3A_481 : vector<1x16xf32> to vector<16xf32>
      %swap3A_483 = arith.index_cast %squeeze3A_337 : i32 to index
      %swap3A_484 = arith.constant 224 : index
      %swap3A_485 = tpu.vector_load %arg13[%swap3A_483, %swap3A_484] {strides = array<i32>} : memref<160x384xf32, #tpu.memory_space<vmem>>, vector<1x16xf32>,
      %swap3A_486 = vector.shape_cast %swap3A_485 : vector<1x16xf32> to vector<16xf32>
      %swap3A_487 = vector.shape_cast %get3A_482 : vector<16xf32> to vector<1x16xf32>
      tpu.vector_store %arg13[%swap3A_483, %swap3A_484], %swap3A_487 {add = true, strides = array<i32>} : memref<160x384xf32, #tpu.memory_space<vmem>>, vector<1x16xf32>,
      %get3A_488 = arith.constant 0 : i32
      %get3A_489 = arith.index_cast %get3A_488 : i32 to index
      %get3A_490 = arith.constant 240 : index
      %get3A_491 = tpu.vector_load %arg12[%get3A_489, %get3A_490] {strides = array<i32>} : memref<32x384xf32, #tpu.memory_space<vmem>>, vector<1x16xf32>,
      %get3A_492 = vector.shape_cast %get3A_491 : vector<1x16xf32> to vector<16xf32>
      %swap3A_493 = arith.index_cast %squeeze3A_337 : i32 to index
      %swap3A_494 = arith.constant 240 : index
      %swap3A_495 = tpu.vector_load %arg13[%swap3A_493, %swap3A_494] {strides = array<i32>} : memref<160x384xf32, #tpu.memory_space<vmem>>, vector<1x16xf32>,
      %swap3A_496 = vector.shape_cast %swap3A_495 : vector<1x16xf32> to vector<16xf32>
      %swap3A_497 = vector.shape_cast %get3A_492 : vector<16xf32> to vector<1x16xf32>
      tpu.vector_store %arg13[%swap3A_493, %swap3A_494], %swap3A_497 {add = true, strides = array<i32>} : memref<160x384xf32, #tpu.memory_space<vmem>>, vector<1x16xf32>,
      %get3A_498 = arith.constant 0 : i32
      %get3A_499 = arith.index_cast %get3A_498 : i32 to index
      %get3A_500 = arith.constant 256 : index
      %get3A_501 = tpu.vector_load %arg12[%get3A_499, %get3A_500] {strides = array<i32>} : memref<32x384xf32, #tpu.memory_space<vmem>>, vector<1x16xf32>,
      %get3A_502 = vector.shape_cast %get3A_501 : vector<1x16xf32> to vector<16xf32>
      %swap3A_503 = arith.index_cast %squeeze3A_337 : i32 to index
      %swap3A_504 = arith.constant 256 : index
      %swap3A_505 = tpu.vector_load %arg13[%swap3A_503, %swap3A_504] {strides = array<i32>} : memref<160x384xf32, #tpu.memory_space<vmem>>, vector<1x16xf32>,
      %swap3A_506 = vector.shape_cast %swap3A_505 : vector<1x16xf32> to vector<16xf32>
      %swap3A_507 = vector.shape_cast %get3A_502 : vector<16xf32> to vector<1x16xf32>
      tpu.vector_store %arg13[%swap3A_503, %swap3A_504], %swap3A_507 {add = true, strides = array<i32>} : memref<160x384xf32, #tpu.memory_space<vmem>>, vector<1x16xf32>,
      %get3A_508 = arith.constant 0 : i32
      %get3A_509 = arith.index_cast %get3A_508 : i32 to index
      %get3A_510 = arith.constant 272 : index
      %get3A_511 = tpu.vector_load %arg12[%get3A_509, %get3A_510] {strides = array<i32>} : memref<32x384xf32, #tpu.memory_space<vmem>>, vector<1x16xf32>,
      %get3A_512 = vector.shape_cast %get3A_511 : vector<1x16xf32> to vector<16xf32>
      %swap3A_513 = arith.index_cast %squeeze3A_337 : i32 to index
      %swap3A_514 = arith.constant 272 : index
      %swap3A_515 = tpu.vector_load %arg13[%swap3A_513, %swap3A_514] {strides = array<i32>} : memref<160x384xf32, #tpu.memory_space<vmem>>, vector<1x16xf32>,
      %swap3A_516 = vector.shape_cast %swap3A_515 : vector<1x16xf32> to vector<16xf32>
      %swap3A_517 = vector.shape_cast %get3A_512 : vector<16xf32> to vector<1x16xf32>
      tpu.vector_store %arg13[%swap3A_513, %swap3A_514], %swap3A_517 {add = true, strides = array<i32>} : memref<160x384xf32, #tpu.memory_space<vmem>>, vector<1x16xf32>,
      %get3A_518 = arith.constant 0 : i32
      %get3A_519 = arith.index_cast %get3A_518 : i32 to index
      %get3A_520 = arith.constant 288 : index
      %get3A_521 = tpu.vector_load %arg12[%get3A_519, %get3A_520] {strides = array<i32>} : memref<32x384xf32, #tpu.memory_space<vmem>>, vector<1x16xf32>,
      %get3A_522 = vector.shape_cast %get3A_521 : vector<1x16xf32> to vector<16xf32>
      %swap3A_523 = arith.index_cast %squeeze3A_337 : i32 to index
      %swap3A_524 = arith.constant 288 : index
      %swap3A_525 = tpu.vector_load %arg13[%swap3A_523, %swap3A_524] {strides = array<i32>} : memref<160x384xf32, #tpu.memory_space<vmem>>, vector<1x16xf32>,
      %swap3A_526 = vector.shape_cast %swap3A_525 : vector<1x16xf32> to vector<16xf32>
      %swap3A_527 = vector.shape_cast %get3A_522 : vector<16xf32> to vector<1x16xf32>
      tpu.vector_store %arg13[%swap3A_523, %swap3A_524], %swap3A_527 {add = true, strides = array<i32>} : memref<160x384xf32, #tpu.memory_space<vmem>>, vector<1x16xf32>,
      %get3A_528 = arith.constant 0 : i32
      %get3A_529 = arith.index_cast %get3A_528 : i32 to index
      %get3A_530 = arith.constant 304 : index
      %get3A_531 = tpu.vector_load %arg12[%get3A_529, %get3A_530] {strides = array<i32>} : memref<32x384xf32, #tpu.memory_space<vmem>>, vector<1x16xf32>,
      %get3A_532 = vector.shape_cast %get3A_531 : vector<1x16xf32> to vector<16xf32>
      %swap3A_533 = arith.index_cast %squeeze3A_337 : i32 to index
      %swap3A_534 = arith.constant 304 : index
      %swap3A_535 = tpu.vector_load %arg13[%swap3A_533, %swap3A_534] {strides = array<i32>} : memref<160x384xf32, #tpu.memory_space<vmem>>, vector<1x16xf32>,
      %swap3A_536 = vector.shape_cast %swap3A_535 : vector<1x16xf32> to vector<16xf32>
      %swap3A_537 = vector.shape_cast %get3A_532 : vector<16xf32> to vector<1x16xf32>
      tpu.vector_store %arg13[%swap3A_533, %swap3A_534], %swap3A_537 {add = true, strides = array<i32>} : memref<160x384xf32, #tpu.memory_space<vmem>>, vector<1x16xf32>,
      %get3A_538 = arith.constant 0 : i32
      %get3A_539 = arith.index_cast %get3A_538 : i32 to index
      %get3A_540 = arith.constant 320 : index
      %get3A_541 = tpu.vector_load %arg12[%get3A_539, %get3A_540] {strides = array<i32>} : memref<32x384xf32, #tpu.memory_space<vmem>>, vector<1x16xf32>,
      %get3A_542 = vector.shape_cast %get3A_541 : vector<1x16xf32> to vector<16xf32>
      %swap3A_543 = arith.index_cast %squeeze3A_337 : i32 to index
      %swap3A_544 = arith.constant 320 : index
      %swap3A_545 = tpu.vector_load %arg13[%swap3A_543, %swap3A_544] {strides = array<i32>} : memref<160x384xf32, #tpu.memory_space<vmem>>, vector<1x16xf32>,
      %swap3A_546 = vector.shape_cast %swap3A_545 : vector<1x16xf32> to vector<16xf32>
      %swap3A_547 = vector.shape_cast %get3A_542 : vector<16xf32> to vector<1x16xf32>
      tpu.vector_store %arg13[%swap3A_543, %swap3A_544], %swap3A_547 {add = true, strides = array<i32>} : memref<160x384xf32, #tpu.memory_space<vmem>>, vector<1x16xf32>,
      %get3A_548 = arith.constant 0 : i32
      %get3A_549 = arith.index_cast %get3A_548 : i32 to index
      %get3A_550 = arith.constant 336 : index
      %get3A_551 = tpu.vector_load %arg12[%get3A_549, %get3A_550] {strides = array<i32>} : memref<32x384xf32, #tpu.memory_space<vmem>>, vector<1x16xf32>,
      %get3A_552 = vector.shape_cast %get3A_551 : vector<1x16xf32> to vector<16xf32>
      %swap3A_553 = arith.index_cast %squeeze3A_337 : i32 to index
      %swap3A_554 = arith.constant 336 : index
      %swap3A_555 = tpu.vector_load %arg13[%swap3A_553, %swap3A_554] {strides = array<i32>} : memref<160x384xf32, #tpu.memory_space<vmem>>, vector<1x16xf32>,
      %swap3A_556 = vector.shape_cast %swap3A_555 : vector<1x16xf32> to vector<16xf32>
      %swap3A_557 = vector.shape_cast %get3A_552 : vector<16xf32> to vector<1x16xf32>
      tpu.vector_store %arg13[%swap3A_553, %swap3A_554], %swap3A_557 {add = true, strides = array<i32>} : memref<160x384xf32, #tpu.memory_space<vmem>>, vector<1x16xf32>,
      %get3A_558 = arith.constant 0 : i32
      %get3A_559 = arith.index_cast %get3A_558 : i32 to index
      %get3A_560 = arith.constant 352 : index
      %get3A_561 = tpu.vector_load %arg12[%get3A_559, %get3A_560] {strides = array<i32>} : memref<32x384xf32, #tpu.memory_space<vmem>>, vector<1x16xf32>,
      %get3A_562 = vector.shape_cast %get3A_561 : vector<1x16xf32> to vector<16xf32>
      %swap3A_563 = arith.index_cast %squeeze3A_337 : i32 to index
      %swap3A_564 = arith.constant 352 : index
      %swap3A_565 = tpu.vector_load %arg13[%swap3A_563, %swap3A_564] {strides = array<i32>} : memref<160x384xf32, #tpu.memory_space<vmem>>, vector<1x16xf32>,
      %swap3A_566 = vector.shape_cast %swap3A_565 : vector<1x16xf32> to vector<16xf32>
      %swap3A_567 = vector.shape_cast %get3A_562 : vector<16xf32> to vector<1x16xf32>
      tpu.vector_store %arg13[%swap3A_563, %swap3A_564], %swap3A_567 {add = true, strides = array<i32>} : memref<160x384xf32, #tpu.memory_space<vmem>>, vector<1x16xf32>,
      %get3A_568 = arith.constant 0 : i32
      %get3A_569 = arith.index_cast %get3A_568 : i32 to index
      %get3A_570 = arith.constant 368 : index
      %get3A_571 = tpu.vector_load %arg12[%get3A_569, %get3A_570] {strides = array<i32>} : memref<32x384xf32, #tpu.memory_space<vmem>>, vector<1x16xf32>,
      %get3A_572 = vector.shape_cast %get3A_571 : vector<1x16xf32> to vector<16xf32>
      %swap3A_573 = arith.index_cast %squeeze3A_337 : i32 to index
      %swap3A_574 = arith.constant 368 : index
      %swap3A_575 = tpu.vector_load %arg13[%swap3A_573, %swap3A_574] {strides = array<i32>} : memref<160x384xf32, #tpu.memory_space<vmem>>, vector<1x16xf32>,
      %swap3A_576 = vector.shape_cast %swap3A_575 : vector<1x16xf32> to vector<16xf32>
      %swap3A_577 = vector.shape_cast %get3A_572 : vector<16xf32> to vector<1x16xf32>
      tpu.vector_store %arg13[%swap3A_573, %swap3A_574], %swap3A_577 {add = true, strides = array<i32>} : memref<160x384xf32, #tpu.memory_space<vmem>>, vector<1x16xf32>,
      %slice3A_578 = vector.extract_strided_slice %get3A_62 {offsets = [0], sizes = [1], strides = [1]} : vector<16xi32> to vector<1xi32>
      %squeeze3A_579 = vector.extract %slice3A_578[0] : i32 from vector<1xi32>
      %shift_right_logical3A_580 = arith.constant 8 : i32
      %shift_right_logical3A_581 = arith.shrui %squeeze3A_579, %shift_right_logical3A_580 : i32
      %sub3A_582 = arith.constant 1 : i32
      %sub3A_583 = arith.subi %shift_right_logical3A_581, %sub3A_582 : i32
      %ge3A_584 = arith.constant 0 : i32
      %ge3A_585 = arith.cmpi sge, %sub3A_583, %ge3A_584 : i32
      %convert_element_type3A_586 = arith.extui %ge3A_585 : i1 to i32
      %cond3A_587 = arith.constant 0 : i32
      %cond3A_588 = arith.cmpi ne, %convert_element_type3A_586, %cond3A_587 : i32
      scf.if %cond3A_588 {
        %multiple_of3A_589 = tpu.assume_multiple %sub3A_583, 32 : i32
        "tpu.region"() ({
          %run_scoped3A = tpu.sem_alloc : memref<!tpu.dma_semaphore, #tpu.memory_space<semaphore_mem>>
          %dma_start3A = arith.constant 0 : i32
          %dma_start3A_590 = tpu.memref_slice %arg7[%multiple_of3A_589, %dma_start3A] : memref<81920x384xf32, #tpu.memory_space<hbm>> -> memref<160x384xf32, #tpu.memory_space<hbm>>
          %dma_start3A_591 = arith.constant 0 : i32
          %dma_start3A_592 = tpu.memref_slice %arg7[%multiple_of3A_589, %dma_start3A_591] : memref<81920x384xf32, #tpu.memory_space<hbm>> -> memref<160x384xf32, #tpu.memory_space<hbm>>
          tpu.enqueue_dma source(%arg13 : memref<160x384xf32, #tpu.memory_space<vmem>>) target(%dma_start3A_592 : memref<160x384xf32, #tpu.memory_space<hbm>>) target_semaphore(%run_scoped3A : memref<!tpu.dma_semaphore, #tpu.memory_space<semaphore_mem>>)
          %dma_wait3A = arith.constant 0 : i32
          %dma_wait3A_593 = tpu.memref_slice %arg7[%multiple_of3A_589, %dma_wait3A] : memref<81920x384xf32, #tpu.memory_space<hbm>> -> memref<160x384xf32, #tpu.memory_space<hbm>>
          %dma_wait3A_594 = arith.constant 0 : i32
          %dma_wait3A_595 = tpu.memref_slice %arg7[%multiple_of3A_589, %dma_wait3A_594] : memref<81920x384xf32, #tpu.memory_space<hbm>> -> memref<160x384xf32, #tpu.memory_space<hbm>>
          tpu.wait_dma2 semaphore(%run_scoped3A : memref<!tpu.dma_semaphore, #tpu.memory_space<semaphore_mem>>) src(%arg13 : memref<160x384xf32, #tpu.memory_space<vmem>>) dst(%dma_wait3A_595 : memref<160x384xf32, #tpu.memory_space<hbm>>)
          tpu.yield
        }) : () -> ()
        "tpu.region"() ({
          %run_scoped3A = tpu.sem_alloc : memref<!tpu.dma_semaphore, #tpu.memory_space<semaphore_mem>>
          %dma_start3A = arith.constant 0 : i32
          %dma_start3A_590 = arith.constant 0 : i32
          %dma_start3A_591 = tpu.memref_slice %arg13[%dma_start3A, %dma_start3A_590] : memref<160x384xf32, #tpu.memory_space<vmem>> -> memref<40x384xf32, #tpu.memory_space<vmem>>
          %dma_start3A_592 = arith.constant 0 : i32
          %dma_start3A_593 = arith.constant 0 : i32
          %dma_start3A_594 = tpu.memref_slice %arg13[%dma_start3A_592, %dma_start3A_593] : memref<160x384xf32, #tpu.memory_space<vmem>> -> memref<40x384xf32, #tpu.memory_space<vmem>>
          tpu.enqueue_dma source(%arg14 : memref<40x384xf32, #tpu.memory_space<vmem_shared>>) target(%dma_start3A_594 : memref<40x384xf32, #tpu.memory_space<vmem>>) target_semaphore(%run_scoped3A : memref<!tpu.dma_semaphore, #tpu.memory_space<semaphore_mem>>)
          %dma_wait3A = arith.constant 0 : i32
          %dma_wait3A_595 = arith.constant 0 : i32
          %dma_wait3A_596 = tpu.memref_slice %arg13[%dma_wait3A, %dma_wait3A_595] : memref<160x384xf32, #tpu.memory_space<vmem>> -> memref<40x384xf32, #tpu.memory_space<vmem>>
          %dma_wait3A_597 = arith.constant 0 : i32
          %dma_wait3A_598 = arith.constant 0 : i32
          %dma_wait3A_599 = tpu.memref_slice %arg13[%dma_wait3A_597, %dma_wait3A_598] : memref<160x384xf32, #tpu.memory_space<vmem>> -> memref<40x384xf32, #tpu.memory_space<vmem>>
          tpu.wait_dma2 semaphore(%run_scoped3A : memref<!tpu.dma_semaphore, #tpu.memory_space<semaphore_mem>>) src(%arg14 : memref<40x384xf32, #tpu.memory_space<vmem_shared>>) dst(%dma_wait3A_599 : memref<40x384xf32, #tpu.memory_space<vmem>>)
          tpu.yield
        }) : () -> ()
        "tpu.region"() ({
          %run_scoped3A = tpu.sem_alloc : memref<!tpu.dma_semaphore, #tpu.memory_space<semaphore_mem>>
          %dma_start3A = arith.constant 40 : i32
          %dma_start3A_590 = arith.constant 0 : i32
          %dma_start3A_591 = tpu.memref_slice %arg13[%dma_start3A, %dma_start3A_590] : memref<160x384xf32, #tpu.memory_space<vmem>> -> memref<40x384xf32, #tpu.memory_space<vmem>>
          %dma_start3A_592 = arith.constant 40 : i32
          %dma_start3A_593 = arith.constant 0 : i32
          %dma_start3A_594 = tpu.memref_slice %arg13[%dma_start3A_592, %dma_start3A_593] : memref<160x384xf32, #tpu.memory_space<vmem>> -> memref<40x384xf32, #tpu.memory_space<vmem>>
          tpu.enqueue_dma source(%arg14 : memref<40x384xf32, #tpu.memory_space<vmem_shared>>) target(%dma_start3A_594 : memref<40x384xf32, #tpu.memory_space<vmem>>) target_semaphore(%run_scoped3A : memref<!tpu.dma_semaphore, #tpu.memory_space<semaphore_mem>>)
          %dma_wait3A = arith.constant 40 : i32
          %dma_wait3A_595 = arith.constant 0 : i32
          %dma_wait3A_596 = tpu.memref_slice %arg13[%dma_wait3A, %dma_wait3A_595] : memref<160x384xf32, #tpu.memory_space<vmem>> -> memref<40x384xf32, #tpu.memory_space<vmem>>
          %dma_wait3A_597 = arith.constant 40 : i32
          %dma_wait3A_598 = arith.constant 0 : i32
          %dma_wait3A_599 = tpu.memref_slice %arg13[%dma_wait3A_597, %dma_wait3A_598] : memref<160x384xf32, #tpu.memory_space<vmem>> -> memref<40x384xf32, #tpu.memory_space<vmem>>
          tpu.wait_dma2 semaphore(%run_scoped3A : memref<!tpu.dma_semaphore, #tpu.memory_space<semaphore_mem>>) src(%arg14 : memref<40x384xf32, #tpu.memory_space<vmem_shared>>) dst(%dma_wait3A_599 : memref<40x384xf32, #tpu.memory_space<vmem>>)
          tpu.yield
        }) : () -> ()
        "tpu.region"() ({
          %run_scoped3A = tpu.sem_alloc : memref<!tpu.dma_semaphore, #tpu.memory_space<semaphore_mem>>
          %dma_start3A = arith.constant 80 : i32
          %dma_start3A_590 = arith.constant 0 : i32
          %dma_start3A_591 = tpu.memref_slice %arg13[%dma_start3A, %dma_start3A_590] : memref<160x384xf32, #tpu.memory_space<vmem>> -> memref<40x384xf32, #tpu.memory_space<vmem>>
          %dma_start3A_592 = arith.constant 80 : i32
          %dma_start3A_593 = arith.constant 0 : i32
          %dma_start3A_594 = tpu.memref_slice %arg13[%dma_start3A_592, %dma_start3A_593] : memref<160x384xf32, #tpu.memory_space<vmem>> -> memref<40x384xf32, #tpu.memory_space<vmem>>
          tpu.enqueue_dma source(%arg14 : memref<40x384xf32, #tpu.memory_space<vmem_shared>>) target(%dma_start3A_594 : memref<40x384xf32, #tpu.memory_space<vmem>>) target_semaphore(%run_scoped3A : memref<!tpu.dma_semaphore, #tpu.memory_space<semaphore_mem>>)
          %dma_wait3A = arith.constant 80 : i32
          %dma_wait3A_595 = arith.constant 0 : i32
          %dma_wait3A_596 = tpu.memref_slice %arg13[%dma_wait3A, %dma_wait3A_595] : memref<160x384xf32, #tpu.memory_space<vmem>> -> memref<40x384xf32, #tpu.memory_space<vmem>>
          %dma_wait3A_597 = arith.constant 80 : i32
          %dma_wait3A_598 = arith.constant 0 : i32
          %dma_wait3A_599 = tpu.memref_slice %arg13[%dma_wait3A_597, %dma_wait3A_598] : memref<160x384xf32, #tpu.memory_space<vmem>> -> memref<40x384xf32, #tpu.memory_space<vmem>>
          tpu.wait_dma2 semaphore(%run_scoped3A : memref<!tpu.dma_semaphore, #tpu.memory_space<semaphore_mem>>) src(%arg14 : memref<40x384xf32, #tpu.memory_space<vmem_shared>>) dst(%dma_wait3A_599 : memref<40x384xf32, #tpu.memory_space<vmem>>)
          tpu.yield
        }) : () -> ()
        "tpu.region"() ({
          %run_scoped3A = tpu.sem_alloc : memref<!tpu.dma_semaphore, #tpu.memory_space<semaphore_mem>>
          %dma_start3A = arith.constant 120 : i32
          %dma_start3A_590 = arith.constant 0 : i32
          %dma_start3A_591 = tpu.memref_slice %arg13[%dma_start3A, %dma_start3A_590] : memref<160x384xf32, #tpu.memory_space<vmem>> -> memref<40x384xf32, #tpu.memory_space<vmem>>
          %dma_start3A_592 = arith.constant 120 : i32
          %dma_start3A_593 = arith.constant 0 : i32
          %dma_start3A_594 = tpu.memref_slice %arg13[%dma_start3A_592, %dma_start3A_593] : memref<160x384xf32, #tpu.memory_space<vmem>> -> memref<40x384xf32, #tpu.memory_space<vmem>>
          tpu.enqueue_dma source(%arg14 : memref<40x384xf32, #tpu.memory_space<vmem_shared>>) target(%dma_start3A_594 : memref<40x384xf32, #tpu.memory_space<vmem>>) target_semaphore(%run_scoped3A : memref<!tpu.dma_semaphore, #tpu.memory_space<semaphore_mem>>)
          %dma_wait3A = arith.constant 120 : i32
          %dma_wait3A_595 = arith.constant 0 : i32
          %dma_wait3A_596 = tpu.memref_slice %arg13[%dma_wait3A, %dma_wait3A_595] : memref<160x384xf32, #tpu.memory_space<vmem>> -> memref<40x384xf32, #tpu.memory_space<vmem>>
          %dma_wait3A_597 = arith.constant 120 : i32
          %dma_wait3A_598 = arith.constant 0 : i32
          %dma_wait3A_599 = tpu.memref_slice %arg13[%dma_wait3A_597, %dma_wait3A_598] : memref<160x384xf32, #tpu.memory_space<vmem>> -> memref<40x384xf32, #tpu.memory_space<vmem>>
          tpu.wait_dma2 semaphore(%run_scoped3A : memref<!tpu.dma_semaphore, #tpu.memory_space<semaphore_mem>>) src(%arg14 : memref<40x384xf32, #tpu.memory_space<vmem_shared>>) dst(%dma_wait3A_599 : memref<40x384xf32, #tpu.memory_space<vmem>>)
          tpu.yield
        }) : () -> ()
      } else {
      }
    }
    return
  }
}

#map = affine_map<(d0, d1) -> (0, 0)>
#map1 = affine_map<(d0, d1) -> (0)>
module attributes {stable_mosaic.version = 14 : i64} {
  func.func @body(%arg0: i32, %arg1: i32, %arg2: memref<10240x512xf32, #tpu.memory_space<hbm>>, %arg3: memref<193024xi32, #tpu.memory_space<hbm>>, %arg4: memref<193024xi32, #tpu.memory_space<hbm>>, %arg5: memref<512xi32, #tpu.memory_space<hbm>>, %arg6: memref<512xi32, #tpu.memory_space<hbm>>, %arg7: memref<81920x512xf32, #tpu.memory_space<hbm>>, %arg8: memref<16xi32, #tpu.memory_space<vmem>>, %arg9: memref<256xi32, #tpu.memory_space<vmem>>, %arg10: memref<256xi32, #tpu.memory_space<vmem>>, %arg11: memref<32x512xf32, #tpu.memory_space<vmem>>, %arg12: memref<32x512xf32, #tpu.memory_space<vmem>>, %arg13: memref<160x512xf32, #tpu.memory_space<vmem>>, %arg14: memref<40x512xf32, #tpu.memory_space<vmem_shared>>, %arg15: memref<!tpu.dma_semaphore, #tpu.memory_space<semaphore_mem>>, %arg16: memref<!tpu.dma_semaphore, #tpu.memory_space<semaphore_mem>>) attributes {dimension_semantics = [#tpu.dimension_semantics<core_parallel>, #tpu.dimension_semantics<subcore_parallel>], iteration_bounds = array<i64: 2, 16>, scalar_prefetch = 0 : i64, scratch_operands = 9 : i64, tpu.core_type = #tpu.core_type<sc_vector_subcore>, window_params = [{transform_indices = #map}, {transform_indices = #map1}, {transform_indices = #map1}, {transform_indices = #map1}, {transform_indices = #map1}, {transform_indices = #map}]} {
    %mul3A = arith.constant 16 : i32
    %mul3A_0 = arith.muli %arg0, %mul3A : i32
    %add3A = arith.addi %mul3A_0, %arg1 : i32
    %scan3A = arith.constant 0 : i32
    %scan3A_1 = arith.constant 160 : i32
    %scan3A_2 = arith.addi %scan3A, %scan3A_1 : i32
    %scan3A_3 = arith.constant 1 : i32
    scf.for %scan3A_36 = %scan3A to %scan3A_2 step %scan3A_3  : i32 {
      %mul3A_37 = arith.constant 1 : i32
      %mul3A_38 = arith.muli %scan3A_36, %mul3A_37 : i32
      %add3A_39 = arith.constant 0 : i32
      %add3A_40 = arith.addi %add3A_39, %mul3A_38 : i32
      %scan3A_41 = arith.constant 0 : i32
      %scan3A_42 = arith.constant 32 : i32
      %scan3A_43 = arith.addi %scan3A_41, %scan3A_42 : i32
      %scan3A_44 = arith.constant 1 : i32
      scf.for %scan3A_46 = %scan3A_41 to %scan3A_43 step %scan3A_44  : i32 {
        %mul3A_47 = arith.constant 1 : i32
        %mul3A_48 = arith.muli %scan3A_46, %mul3A_47 : i32
        %add3A_49 = arith.constant 0 : i32
        %add3A_50 = arith.addi %add3A_49, %mul3A_48 : i32
        %broadcast_in_dim3A = arith.constant 0.000000e+00 : f32
        %broadcast_in_dim3A_51 = vector.broadcast %broadcast_in_dim3A : f32 to vector<16xf32>
        %mul3A_52 = arith.constant 16 : i32
        %mul3A_53 = arith.muli %add3A_50, %mul3A_52 : i32
        %swap3A = arith.index_cast %add3A_40 : i32 to index
        %swap3A_54 = arith.index_cast %mul3A_53 : i32 to index
        %swap3A_55 = tpu.vector_load %arg13[%swap3A, %swap3A_54] {strides = array<i32>} : memref<160x512xf32, #tpu.memory_space<vmem>>, vector<1x16xf32>,
        %swap3A_56 = vector.shape_cast %swap3A_55 : vector<1x16xf32> to vector<16xf32>
        %swap3A_57 = vector.shape_cast %broadcast_in_dim3A_51 : vector<16xf32> to vector<1x16xf32>
        tpu.vector_store %arg13[%swap3A, %swap3A_54], %swap3A_57 {strides = array<i32>} : memref<160x512xf32, #tpu.memory_space<vmem>>, vector<1x16xf32>,
      }
      %scan3A_45 = arith.constant 32 : i32
    }
    %scan3A_4 = arith.constant 160 : i32
    "tpu.region"() ({
      %run_scoped3A = tpu.sem_alloc : memref<!tpu.dma_semaphore, #tpu.memory_space<semaphore_mem>>
      %dma_start3A = arith.constant 0 : i32
      %dma_start3A_36 = arith.constant 0 : i32
      %dma_start3A_37 = tpu.memref_slice %arg13[%dma_start3A, %dma_start3A_36] : memref<160x512xf32, #tpu.memory_space<vmem>> -> memref<40x512xf32, #tpu.memory_space<vmem>>
      %dma_start3A_38 = arith.constant 0 : i32
      %dma_start3A_39 = arith.constant 0 : i32
      %dma_start3A_40 = tpu.memref_slice %arg13[%dma_start3A_38, %dma_start3A_39] : memref<160x512xf32, #tpu.memory_space<vmem>> -> memref<40x512xf32, #tpu.memory_space<vmem>>
      tpu.enqueue_dma source(%dma_start3A_40 : memref<40x512xf32, #tpu.memory_space<vmem>>) target(%arg14 : memref<40x512xf32, #tpu.memory_space<vmem_shared>>) target_semaphore(%run_scoped3A : memref<!tpu.dma_semaphore, #tpu.memory_space<semaphore_mem>>)
      %dma_wait3A = arith.constant 0 : i32
      %dma_wait3A_41 = arith.constant 0 : i32
      %dma_wait3A_42 = tpu.memref_slice %arg13[%dma_wait3A, %dma_wait3A_41] : memref<160x512xf32, #tpu.memory_space<vmem>> -> memref<40x512xf32, #tpu.memory_space<vmem>>
      %dma_wait3A_43 = arith.constant 0 : i32
      %dma_wait3A_44 = arith.constant 0 : i32
      %dma_wait3A_45 = tpu.memref_slice %arg13[%dma_wait3A_43, %dma_wait3A_44] : memref<160x512xf32, #tpu.memory_space<vmem>> -> memref<40x512xf32, #tpu.memory_space<vmem>>
      tpu.wait_dma2 semaphore(%run_scoped3A : memref<!tpu.dma_semaphore, #tpu.memory_space<semaphore_mem>>) src(%dma_wait3A_45 : memref<40x512xf32, #tpu.memory_space<vmem>>) dst(%arg14 : memref<40x512xf32, #tpu.memory_space<vmem_shared>>)
      tpu.yield
    }) : () -> ()
    %barrier3A = arith.constant 0 : index
    tpu.barrier barrier_id(%barrier3A)
    %mul3A_5 = arith.constant 16 : i32
    %mul3A_6 = arith.muli %add3A, %mul3A_5 : i32
    %multiple_of3A = tpu.assume_multiple %mul3A_6, 16 : i32
    "tpu.region"() ({
      %run_scoped3A = tpu.sem_alloc : memref<!tpu.dma_semaphore, #tpu.memory_space<semaphore_mem>>
      %dma_start3A = tpu.memref_slice %arg5[%multiple_of3A] : memref<512xi32, #tpu.memory_space<hbm>> -> memref<16xi32, #tpu.memory_space<hbm>>
      %dma_start3A_36 = tpu.memref_slice %arg5[%multiple_of3A] : memref<512xi32, #tpu.memory_space<hbm>> -> memref<16xi32, #tpu.memory_space<hbm>>
      tpu.enqueue_dma source(%dma_start3A_36 : memref<16xi32, #tpu.memory_space<hbm>>) target(%arg8 : memref<16xi32, #tpu.memory_space<vmem>>) target_semaphore(%run_scoped3A : memref<!tpu.dma_semaphore, #tpu.memory_space<semaphore_mem>>)
      %dma_wait3A = tpu.memref_slice %arg5[%multiple_of3A] : memref<512xi32, #tpu.memory_space<hbm>> -> memref<16xi32, #tpu.memory_space<hbm>>
      %dma_wait3A_37 = tpu.memref_slice %arg5[%multiple_of3A] : memref<512xi32, #tpu.memory_space<hbm>> -> memref<16xi32, #tpu.memory_space<hbm>>
      tpu.wait_dma2 semaphore(%run_scoped3A : memref<!tpu.dma_semaphore, #tpu.memory_space<semaphore_mem>>) src(%dma_wait3A_37 : memref<16xi32, #tpu.memory_space<hbm>>) dst(%arg8 : memref<16xi32, #tpu.memory_space<vmem>>)
      tpu.yield
    }) : () -> ()
    %get3A = arith.constant 0 : index
    %get3A_7 = tpu.vector_load %arg8[%get3A] {strides = array<i32>} : memref<16xi32, #tpu.memory_space<vmem>>, vector<16xi32>,
    %get3A_8 = vector.shape_cast %get3A_7 : vector<16xi32> to vector<16xi32>
    %slice3A = vector.extract_strided_slice %get3A_8 {offsets = [0], sizes = [1], strides = [1]} : vector<16xi32> to vector<1xi32>
    %squeeze3A = vector.extract %slice3A[0] : i32 from vector<1xi32>
    "tpu.region"() ({
      %run_scoped3A = tpu.sem_alloc : memref<!tpu.dma_semaphore, #tpu.memory_space<semaphore_mem>>
      %dma_start3A = tpu.memref_slice %arg6[%multiple_of3A] : memref<512xi32, #tpu.memory_space<hbm>> -> memref<16xi32, #tpu.memory_space<hbm>>
      %dma_start3A_36 = tpu.memref_slice %arg6[%multiple_of3A] : memref<512xi32, #tpu.memory_space<hbm>> -> memref<16xi32, #tpu.memory_space<hbm>>
      tpu.enqueue_dma source(%dma_start3A_36 : memref<16xi32, #tpu.memory_space<hbm>>) target(%arg8 : memref<16xi32, #tpu.memory_space<vmem>>) target_semaphore(%run_scoped3A : memref<!tpu.dma_semaphore, #tpu.memory_space<semaphore_mem>>)
      %dma_wait3A = tpu.memref_slice %arg6[%multiple_of3A] : memref<512xi32, #tpu.memory_space<hbm>> -> memref<16xi32, #tpu.memory_space<hbm>>
      %dma_wait3A_37 = tpu.memref_slice %arg6[%multiple_of3A] : memref<512xi32, #tpu.memory_space<hbm>> -> memref<16xi32, #tpu.memory_space<hbm>>
      tpu.wait_dma2 semaphore(%run_scoped3A : memref<!tpu.dma_semaphore, #tpu.memory_space<semaphore_mem>>) src(%dma_wait3A_37 : memref<16xi32, #tpu.memory_space<hbm>>) dst(%arg8 : memref<16xi32, #tpu.memory_space<vmem>>)
      tpu.yield
    }) : () -> ()
    %get3A_9 = arith.constant 0 : index
    %get3A_10 = tpu.vector_load %arg8[%get3A_9] {strides = array<i32>} : memref<16xi32, #tpu.memory_space<vmem>>, vector<16xi32>,
    %get3A_11 = vector.shape_cast %get3A_10 : vector<16xi32> to vector<16xi32>
    %slice3A_12 = vector.extract_strided_slice %get3A_11 {offsets = [0], sizes = [1], strides = [1]} : vector<16xi32> to vector<1xi32>
    %squeeze3A_13 = vector.extract %slice3A_12[0] : i32 from vector<1xi32>
    %gt3A = arith.constant 0 : i32
    %gt3A_14 = arith.cmpi sgt, %squeeze3A, %gt3A : i32
    %convert_element_type3A = arith.extui %gt3A_14 : i1 to i32
    %cond3A = arith.constant 0 : i32
    %cond3A_15 = arith.cmpi ne, %convert_element_type3A, %cond3A : i32
    scf.if %cond3A_15 {
      %add3A_36 = arith.constant 0 : i32
      %add3A_37 = arith.addi %squeeze3A_13, %add3A_36 : i32
      %multiple_of3A_38 = tpu.assume_multiple %add3A_37, 32 : i32
      "tpu.region"() ({
        %run_scoped3A = tpu.sem_alloc : memref<!tpu.dma_semaphore, #tpu.memory_space<semaphore_mem>>
        %dma_start3A = tpu.memref_slice %arg3[%multiple_of3A_38] : memref<193024xi32, #tpu.memory_space<hbm>> -> memref<256xi32, #tpu.memory_space<hbm>>
        %dma_start3A_39 = tpu.memref_slice %arg3[%multiple_of3A_38] : memref<193024xi32, #tpu.memory_space<hbm>> -> memref<256xi32, #tpu.memory_space<hbm>>
        tpu.enqueue_dma source(%dma_start3A_39 : memref<256xi32, #tpu.memory_space<hbm>>) target(%arg9 : memref<256xi32, #tpu.memory_space<vmem>>) target_semaphore(%run_scoped3A : memref<!tpu.dma_semaphore, #tpu.memory_space<semaphore_mem>>)
        %dma_wait3A = tpu.memref_slice %arg3[%multiple_of3A_38] : memref<193024xi32, #tpu.memory_space<hbm>> -> memref<256xi32, #tpu.memory_space<hbm>>
        %dma_wait3A_40 = tpu.memref_slice %arg3[%multiple_of3A_38] : memref<193024xi32, #tpu.memory_space<hbm>> -> memref<256xi32, #tpu.memory_space<hbm>>
        tpu.wait_dma2 semaphore(%run_scoped3A : memref<!tpu.dma_semaphore, #tpu.memory_space<semaphore_mem>>) src(%dma_wait3A_40 : memref<256xi32, #tpu.memory_space<hbm>>) dst(%arg9 : memref<256xi32, #tpu.memory_space<vmem>>)
        tpu.yield
      }) : () -> ()
      "tpu.region"() ({
        %run_scoped3A = tpu.sem_alloc : memref<!tpu.dma_semaphore, #tpu.memory_space<semaphore_mem>>
        %dma_start3A = tpu.memref_slice %arg4[%multiple_of3A_38] : memref<193024xi32, #tpu.memory_space<hbm>> -> memref<256xi32, #tpu.memory_space<hbm>>
        %dma_start3A_39 = tpu.memref_slice %arg4[%multiple_of3A_38] : memref<193024xi32, #tpu.memory_space<hbm>> -> memref<256xi32, #tpu.memory_space<hbm>>
        tpu.enqueue_dma source(%dma_start3A_39 : memref<256xi32, #tpu.memory_space<hbm>>) target(%arg10 : memref<256xi32, #tpu.memory_space<vmem>>) target_semaphore(%run_scoped3A : memref<!tpu.dma_semaphore, #tpu.memory_space<semaphore_mem>>)
        %dma_wait3A = tpu.memref_slice %arg4[%multiple_of3A_38] : memref<193024xi32, #tpu.memory_space<hbm>> -> memref<256xi32, #tpu.memory_space<hbm>>
        %dma_wait3A_40 = tpu.memref_slice %arg4[%multiple_of3A_38] : memref<193024xi32, #tpu.memory_space<hbm>> -> memref<256xi32, #tpu.memory_space<hbm>>
        tpu.wait_dma2 semaphore(%run_scoped3A : memref<!tpu.dma_semaphore, #tpu.memory_space<semaphore_mem>>) src(%dma_wait3A_40 : memref<256xi32, #tpu.memory_space<hbm>>) dst(%arg10 : memref<256xi32, #tpu.memory_space<vmem>>)
        tpu.yield
      }) : () -> ()
    } else {
    }
    %div3A = arith.constant 2 : i32
    %div3A_16 = arith.divsi %squeeze3A, %div3A : i32
    %mul3A_17 = arith.constant 0 : i32
    %mul3A_18 = arith.muli %div3A_16, %mul3A_17 : i32
    %sub3A = arith.constant 0 : i32
    %sub3A_19 = arith.subi %mul3A_18, %sub3A : i32
    %sub3A_20 = arith.constant 1 : i32
    %sub3A_21 = arith.constant 1 : i32
    %sub3A_22 = arith.subi %sub3A_20, %sub3A_21 : i32
    %add3A_23 = arith.addi %sub3A_19, %sub3A_22 : i32
    %div3A_24 = arith.constant 1 : i32
    %div3A_25 = arith.divsi %add3A_23, %div3A_24 : i32
    %while3A = arith.constant 1 : i32
    %while3A_26 = arith.constant 0 : i32
    %while3A_27 = arith.constant 0 : i32
    %while3A_28 = arith.subi %div3A_25, %while3A_27 : i32
    %while3A_29 = arith.addi %while3A_27, %while3A_28 : i32
    %while3A_30 = arith.constant 1 : i32
    %while3A_31 = arith.divsi %while3A_28, %while3A_30 : i32
    %while3A_32 = arith.muli %while3A_31, %while3A_30 : i32
    %while3A_33 = arith.addi %while3A_27, %while3A_32 : i32
    %while3A_34 = arith.constant 1 : i32
    scf.for %while3A_36 = %while3A_27 to %while3A_33 step %while3A_34  : i32 {
      %mul3A_37 = arith.muli %while3A_36, %while3A : i32
      %add3A_38 = arith.addi %while3A_26, %mul3A_37 : i32
      %mul3A_39 = arith.constant 2 : i32
      %mul3A_40 = arith.muli %add3A_38, %mul3A_39 : i32
      %add3A_41 = arith.constant 1 : i32
      %add3A_42 = arith.addi %mul3A_40, %add3A_41 : i32
      %rem3A = arith.constant 8 : i32
      %rem3A_43 = arith.remsi %mul3A_40, %rem3A : i32
      %mul3A_44 = arith.constant 32 : i32
      %mul3A_45 = arith.muli %rem3A_43, %mul3A_44 : i32
      %get3A_46 = arith.index_cast %mul3A_45 : i32 to index
      %get3A_47 = tpu.vector_load %arg10[%get3A_46] {strides = array<i32>} : memref<256xi32, #tpu.memory_space<vmem>>, vector<16xi32>,
      %get3A_48 = vector.shape_cast %get3A_47 : vector<16xi32> to vector<16xi32>
      %mul3A_49 = arith.constant 32 : i32
      %mul3A_50 = arith.muli %rem3A_43, %mul3A_49 : i32
      %add3A_51 = arith.constant 16 : i32
      %add3A_52 = arith.addi %mul3A_50, %add3A_51 : i32
      %get3A_53 = arith.index_cast %add3A_52 : i32 to index
      %get3A_54 = tpu.vector_load %arg10[%get3A_53] {strides = array<i32>} : memref<256xi32, #tpu.memory_space<vmem>>, vector<16xi32>,
      %get3A_55 = vector.shape_cast %get3A_54 : vector<16xi32> to vector<16xi32>
      %rem3A_56 = arith.constant 8 : i32
      %rem3A_57 = arith.remsi %add3A_42, %rem3A_56 : i32
      %mul3A_58 = arith.constant 32 : i32
      %mul3A_59 = arith.muli %rem3A_57, %mul3A_58 : i32
      %get3A_60 = arith.index_cast %mul3A_59 : i32 to index
      %get3A_61 = tpu.vector_load %arg10[%get3A_60] {strides = array<i32>} : memref<256xi32, #tpu.memory_space<vmem>>, vector<16xi32>,
      %get3A_62 = vector.shape_cast %get3A_61 : vector<16xi32> to vector<16xi32>
      %mul3A_63 = arith.constant 32 : i32
      %mul3A_64 = arith.muli %rem3A_57, %mul3A_63 : i32
      %add3A_65 = arith.constant 16 : i32
      %add3A_66 = arith.addi %mul3A_64, %add3A_65 : i32
      %get3A_67 = arith.index_cast %add3A_66 : i32 to index
      %get3A_68 = tpu.vector_load %arg10[%get3A_67] {strides = array<i32>} : memref<256xi32, #tpu.memory_space<vmem>>, vector<16xi32>,
      %get3A_69 = vector.shape_cast %get3A_68 : vector<16xi32> to vector<16xi32>
      %and3A = arith.constant 255 : i32
      %and3A_70 = vector.broadcast %and3A : i32 to vector<16xi32>
      %and3A_71 = arith.andi %get3A_48, %and3A_70 : vector<16xi32>
      %and3A_72 = arith.constant 255 : i32
      %and3A_73 = vector.broadcast %and3A_72 : i32 to vector<16xi32>
      %and3A_74 = arith.andi %get3A_55, %and3A_73 : vector<16xi32>
      %slice3A_75 = vector.extract_strided_slice %and3A_71 {offsets = [0], sizes = [1], strides = [1]} : vector<16xi32> to vector<1xi32>
      %squeeze3A_76 = vector.extract %slice3A_75[0] : i32 from vector<1xi32>
      %get3A_77 = arith.constant 0 : i32
      %get3A_78 = arith.index_cast %get3A_77 : i32 to index
      %get3A_79 = arith.constant 0 : index
      %get3A_80 = tpu.vector_load %arg11[%get3A_78, %get3A_79] {strides = array<i32>} : memref<32x512xf32, #tpu.memory_space<vmem>>, vector<1x16xf32>,
      %get3A_81 = vector.shape_cast %get3A_80 : vector<1x16xf32> to vector<16xf32>
      %swap3A = arith.index_cast %squeeze3A_76 : i32 to index
      %swap3A_82 = arith.constant 0 : index
      %swap3A_83 = tpu.vector_load %arg13[%swap3A, %swap3A_82] {strides = array<i32>} : memref<160x512xf32, #tpu.memory_space<vmem>>, vector<1x16xf32>,
      %swap3A_84 = vector.shape_cast %swap3A_83 : vector<1x16xf32> to vector<16xf32>
      %swap3A_85 = vector.shape_cast %get3A_81 : vector<16xf32> to vector<1x16xf32>
      tpu.vector_store %arg13[%swap3A, %swap3A_82], %swap3A_85 {add = true, strides = array<i32>} : memref<160x512xf32, #tpu.memory_space<vmem>>, vector<1x16xf32>,
      %get3A_86 = arith.constant 0 : i32
      %get3A_87 = arith.index_cast %get3A_86 : i32 to index
      %get3A_88 = arith.constant 16 : index
      %get3A_89 = tpu.vector_load %arg11[%get3A_87, %get3A_88] {strides = array<i32>} : memref<32x512xf32, #tpu.memory_space<vmem>>, vector<1x16xf32>,
      %get3A_90 = vector.shape_cast %get3A_89 : vector<1x16xf32> to vector<16xf32>
      %swap3A_91 = arith.index_cast %squeeze3A_76 : i32 to index
      %swap3A_92 = arith.constant 16 : index
      %swap3A_93 = tpu.vector_load %arg13[%swap3A_91, %swap3A_92] {strides = array<i32>} : memref<160x512xf32, #tpu.memory_space<vmem>>, vector<1x16xf32>,
      %swap3A_94 = vector.shape_cast %swap3A_93 : vector<1x16xf32> to vector<16xf32>
      %swap3A_95 = vector.shape_cast %get3A_90 : vector<16xf32> to vector<1x16xf32>
      tpu.vector_store %arg13[%swap3A_91, %swap3A_92], %swap3A_95 {add = true, strides = array<i32>} : memref<160x512xf32, #tpu.memory_space<vmem>>, vector<1x16xf32>,
      %get3A_96 = arith.constant 0 : i32
      %get3A_97 = arith.index_cast %get3A_96 : i32 to index
      %get3A_98 = arith.constant 32 : index
      %get3A_99 = tpu.vector_load %arg11[%get3A_97, %get3A_98] {strides = array<i32>} : memref<32x512xf32, #tpu.memory_space<vmem>>, vector<1x16xf32>,
      %get3A_100 = vector.shape_cast %get3A_99 : vector<1x16xf32> to vector<16xf32>
      %swap3A_101 = arith.index_cast %squeeze3A_76 : i32 to index
      %swap3A_102 = arith.constant 32 : index
      %swap3A_103 = tpu.vector_load %arg13[%swap3A_101, %swap3A_102] {strides = array<i32>} : memref<160x512xf32, #tpu.memory_space<vmem>>, vector<1x16xf32>,
      %swap3A_104 = vector.shape_cast %swap3A_103 : vector<1x16xf32> to vector<16xf32>
      %swap3A_105 = vector.shape_cast %get3A_100 : vector<16xf32> to vector<1x16xf32>
      tpu.vector_store %arg13[%swap3A_101, %swap3A_102], %swap3A_105 {add = true, strides = array<i32>} : memref<160x512xf32, #tpu.memory_space<vmem>>, vector<1x16xf32>,
      %get3A_106 = arith.constant 0 : i32
      %get3A_107 = arith.index_cast %get3A_106 : i32 to index
      %get3A_108 = arith.constant 48 : index
      %get3A_109 = tpu.vector_load %arg11[%get3A_107, %get3A_108] {strides = array<i32>} : memref<32x512xf32, #tpu.memory_space<vmem>>, vector<1x16xf32>,
      %get3A_110 = vector.shape_cast %get3A_109 : vector<1x16xf32> to vector<16xf32>
      %swap3A_111 = arith.index_cast %squeeze3A_76 : i32 to index
      %swap3A_112 = arith.constant 48 : index
      %swap3A_113 = tpu.vector_load %arg13[%swap3A_111, %swap3A_112] {strides = array<i32>} : memref<160x512xf32, #tpu.memory_space<vmem>>, vector<1x16xf32>,
      %swap3A_114 = vector.shape_cast %swap3A_113 : vector<1x16xf32> to vector<16xf32>
      %swap3A_115 = vector.shape_cast %get3A_110 : vector<16xf32> to vector<1x16xf32>
      tpu.vector_store %arg13[%swap3A_111, %swap3A_112], %swap3A_115 {add = true, strides = array<i32>} : memref<160x512xf32, #tpu.memory_space<vmem>>, vector<1x16xf32>,
      %get3A_116 = arith.constant 0 : i32
      %get3A_117 = arith.index_cast %get3A_116 : i32 to index
      %get3A_118 = arith.constant 64 : index
      %get3A_119 = tpu.vector_load %arg11[%get3A_117, %get3A_118] {strides = array<i32>} : memref<32x512xf32, #tpu.memory_space<vmem>>, vector<1x16xf32>,
      %get3A_120 = vector.shape_cast %get3A_119 : vector<1x16xf32> to vector<16xf32>
      %swap3A_121 = arith.index_cast %squeeze3A_76 : i32 to index
      %swap3A_122 = arith.constant 64 : index
      %swap3A_123 = tpu.vector_load %arg13[%swap3A_121, %swap3A_122] {strides = array<i32>} : memref<160x512xf32, #tpu.memory_space<vmem>>, vector<1x16xf32>,
      %swap3A_124 = vector.shape_cast %swap3A_123 : vector<1x16xf32> to vector<16xf32>
      %swap3A_125 = vector.shape_cast %get3A_120 : vector<16xf32> to vector<1x16xf32>
      tpu.vector_store %arg13[%swap3A_121, %swap3A_122], %swap3A_125 {add = true, strides = array<i32>} : memref<160x512xf32, #tpu.memory_space<vmem>>, vector<1x16xf32>,
      %get3A_126 = arith.constant 0 : i32
      %get3A_127 = arith.index_cast %get3A_126 : i32 to index
      %get3A_128 = arith.constant 80 : index
      %get3A_129 = tpu.vector_load %arg11[%get3A_127, %get3A_128] {strides = array<i32>} : memref<32x512xf32, #tpu.memory_space<vmem>>, vector<1x16xf32>,
      %get3A_130 = vector.shape_cast %get3A_129 : vector<1x16xf32> to vector<16xf32>
      %swap3A_131 = arith.index_cast %squeeze3A_76 : i32 to index
      %swap3A_132 = arith.constant 80 : index
      %swap3A_133 = tpu.vector_load %arg13[%swap3A_131, %swap3A_132] {strides = array<i32>} : memref<160x512xf32, #tpu.memory_space<vmem>>, vector<1x16xf32>,
      %swap3A_134 = vector.shape_cast %swap3A_133 : vector<1x16xf32> to vector<16xf32>
      %swap3A_135 = vector.shape_cast %get3A_130 : vector<16xf32> to vector<1x16xf32>
      tpu.vector_store %arg13[%swap3A_131, %swap3A_132], %swap3A_135 {add = true, strides = array<i32>} : memref<160x512xf32, #tpu.memory_space<vmem>>, vector<1x16xf32>,
      %get3A_136 = arith.constant 0 : i32
      %get3A_137 = arith.index_cast %get3A_136 : i32 to index
      %get3A_138 = arith.constant 96 : index
      %get3A_139 = tpu.vector_load %arg11[%get3A_137, %get3A_138] {strides = array<i32>} : memref<32x512xf32, #tpu.memory_space<vmem>>, vector<1x16xf32>,
      %get3A_140 = vector.shape_cast %get3A_139 : vector<1x16xf32> to vector<16xf32>
      %swap3A_141 = arith.index_cast %squeeze3A_76 : i32 to index
      %swap3A_142 = arith.constant 96 : index
      %swap3A_143 = tpu.vector_load %arg13[%swap3A_141, %swap3A_142] {strides = array<i32>} : memref<160x512xf32, #tpu.memory_space<vmem>>, vector<1x16xf32>,
      %swap3A_144 = vector.shape_cast %swap3A_143 : vector<1x16xf32> to vector<16xf32>
      %swap3A_145 = vector.shape_cast %get3A_140 : vector<16xf32> to vector<1x16xf32>
      tpu.vector_store %arg13[%swap3A_141, %swap3A_142], %swap3A_145 {add = true, strides = array<i32>} : memref<160x512xf32, #tpu.memory_space<vmem>>, vector<1x16xf32>,
      %get3A_146 = arith.constant 0 : i32
      %get3A_147 = arith.index_cast %get3A_146 : i32 to index
      %get3A_148 = arith.constant 112 : index
      %get3A_149 = tpu.vector_load %arg11[%get3A_147, %get3A_148] {strides = array<i32>} : memref<32x512xf32, #tpu.memory_space<vmem>>, vector<1x16xf32>,
      %get3A_150 = vector.shape_cast %get3A_149 : vector<1x16xf32> to vector<16xf32>
      %swap3A_151 = arith.index_cast %squeeze3A_76 : i32 to index
      %swap3A_152 = arith.constant 112 : index
      %swap3A_153 = tpu.vector_load %arg13[%swap3A_151, %swap3A_152] {strides = array<i32>} : memref<160x512xf32, #tpu.memory_space<vmem>>, vector<1x16xf32>,
      %swap3A_154 = vector.shape_cast %swap3A_153 : vector<1x16xf32> to vector<16xf32>
      %swap3A_155 = vector.shape_cast %get3A_150 : vector<16xf32> to vector<1x16xf32>
      tpu.vector_store %arg13[%swap3A_151, %swap3A_152], %swap3A_155 {add = true, strides = array<i32>} : memref<160x512xf32, #tpu.memory_space<vmem>>, vector<1x16xf32>,
      %get3A_156 = arith.constant 0 : i32
      %get3A_157 = arith.index_cast %get3A_156 : i32 to index
      %get3A_158 = arith.constant 128 : index
      %get3A_159 = tpu.vector_load %arg11[%get3A_157, %get3A_158] {strides = array<i32>} : memref<32x512xf32, #tpu.memory_space<vmem>>, vector<1x16xf32>,
      %get3A_160 = vector.shape_cast %get3A_159 : vector<1x16xf32> to vector<16xf32>
      %swap3A_161 = arith.index_cast %squeeze3A_76 : i32 to index
      %swap3A_162 = arith.constant 128 : index
      %swap3A_163 = tpu.vector_load %arg13[%swap3A_161, %swap3A_162] {strides = array<i32>} : memref<160x512xf32, #tpu.memory_space<vmem>>, vector<1x16xf32>,
      %swap3A_164 = vector.shape_cast %swap3A_163 : vector<1x16xf32> to vector<16xf32>
      %swap3A_165 = vector.shape_cast %get3A_160 : vector<16xf32> to vector<1x16xf32>
      tpu.vector_store %arg13[%swap3A_161, %swap3A_162], %swap3A_165 {add = true, strides = array<i32>} : memref<160x512xf32, #tpu.memory_space<vmem>>, vector<1x16xf32>,
      %get3A_166 = arith.constant 0 : i32
      %get3A_167 = arith.index_cast %get3A_166 : i32 to index
      %get3A_168 = arith.constant 144 : index
      %get3A_169 = tpu.vector_load %arg11[%get3A_167, %get3A_168] {strides = array<i32>} : memref<32x512xf32, #tpu.memory_space<vmem>>, vector<1x16xf32>,
      %get3A_170 = vector.shape_cast %get3A_169 : vector<1x16xf32> to vector<16xf32>
      %swap3A_171 = arith.index_cast %squeeze3A_76 : i32 to index
      %swap3A_172 = arith.constant 144 : index
      %swap3A_173 = tpu.vector_load %arg13[%swap3A_171, %swap3A_172] {strides = array<i32>} : memref<160x512xf32, #tpu.memory_space<vmem>>, vector<1x16xf32>,
      %swap3A_174 = vector.shape_cast %swap3A_173 : vector<1x16xf32> to vector<16xf32>
      %swap3A_175 = vector.shape_cast %get3A_170 : vector<16xf32> to vector<1x16xf32>
      tpu.vector_store %arg13[%swap3A_171, %swap3A_172], %swap3A_175 {add = true, strides = array<i32>} : memref<160x512xf32, #tpu.memory_space<vmem>>, vector<1x16xf32>,
      %get3A_176 = arith.constant 0 : i32
      %get3A_177 = arith.index_cast %get3A_176 : i32 to index
      %get3A_178 = arith.constant 160 : index
      %get3A_179 = tpu.vector_load %arg11[%get3A_177, %get3A_178] {strides = array<i32>} : memref<32x512xf32, #tpu.memory_space<vmem>>, vector<1x16xf32>,
      %get3A_180 = vector.shape_cast %get3A_179 : vector<1x16xf32> to vector<16xf32>
      %swap3A_181 = arith.index_cast %squeeze3A_76 : i32 to index
      %swap3A_182 = arith.constant 160 : index
      %swap3A_183 = tpu.vector_load %arg13[%swap3A_181, %swap3A_182] {strides = array<i32>} : memref<160x512xf32, #tpu.memory_space<vmem>>, vector<1x16xf32>,
      %swap3A_184 = vector.shape_cast %swap3A_183 : vector<1x16xf32> to vector<16xf32>
      %swap3A_185 = vector.shape_cast %get3A_180 : vector<16xf32> to vector<1x16xf32>
      tpu.vector_store %arg13[%swap3A_181, %swap3A_182], %swap3A_185 {add = true, strides = array<i32>} : memref<160x512xf32, #tpu.memory_space<vmem>>, vector<1x16xf32>,
      %get3A_186 = arith.constant 0 : i32
      %get3A_187 = arith.index_cast %get3A_186 : i32 to index
      %get3A_188 = arith.constant 176 : index
      %get3A_189 = tpu.vector_load %arg11[%get3A_187, %get3A_188] {strides = array<i32>} : memref<32x512xf32, #tpu.memory_space<vmem>>, vector<1x16xf32>,
      %get3A_190 = vector.shape_cast %get3A_189 : vector<1x16xf32> to vector<16xf32>
      %swap3A_191 = arith.index_cast %squeeze3A_76 : i32 to index
      %swap3A_192 = arith.constant 176 : index
      %swap3A_193 = tpu.vector_load %arg13[%swap3A_191, %swap3A_192] {strides = array<i32>} : memref<160x512xf32, #tpu.memory_space<vmem>>, vector<1x16xf32>,
      %swap3A_194 = vector.shape_cast %swap3A_193 : vector<1x16xf32> to vector<16xf32>
      %swap3A_195 = vector.shape_cast %get3A_190 : vector<16xf32> to vector<1x16xf32>
      tpu.vector_store %arg13[%swap3A_191, %swap3A_192], %swap3A_195 {add = true, strides = array<i32>} : memref<160x512xf32, #tpu.memory_space<vmem>>, vector<1x16xf32>,
      %get3A_196 = arith.constant 0 : i32
      %get3A_197 = arith.index_cast %get3A_196 : i32 to index
      %get3A_198 = arith.constant 192 : index
      %get3A_199 = tpu.vector_load %arg11[%get3A_197, %get3A_198] {strides = array<i32>} : memref<32x512xf32, #tpu.memory_space<vmem>>, vector<1x16xf32>,
      %get3A_200 = vector.shape_cast %get3A_199 : vector<1x16xf32> to vector<16xf32>
      %swap3A_201 = arith.index_cast %squeeze3A_76 : i32 to index
      %swap3A_202 = arith.constant 192 : index
      %swap3A_203 = tpu.vector_load %arg13[%swap3A_201, %swap3A_202] {strides = array<i32>} : memref<160x512xf32, #tpu.memory_space<vmem>>, vector<1x16xf32>,
      %swap3A_204 = vector.shape_cast %swap3A_203 : vector<1x16xf32> to vector<16xf32>
      %swap3A_205 = vector.shape_cast %get3A_200 : vector<16xf32> to vector<1x16xf32>
      tpu.vector_store %arg13[%swap3A_201, %swap3A_202], %swap3A_205 {add = true, strides = array<i32>} : memref<160x512xf32, #tpu.memory_space<vmem>>, vector<1x16xf32>,
      %get3A_206 = arith.constant 0 : i32
      %get3A_207 = arith.index_cast %get3A_206 : i32 to index
      %get3A_208 = arith.constant 208 : index
      %get3A_209 = tpu.vector_load %arg11[%get3A_207, %get3A_208] {strides = array<i32>} : memref<32x512xf32, #tpu.memory_space<vmem>>, vector<1x16xf32>,
      %get3A_210 = vector.shape_cast %get3A_209 : vector<1x16xf32> to vector<16xf32>
      %swap3A_211 = arith.index_cast %squeeze3A_76 : i32 to index
      %swap3A_212 = arith.constant 208 : index
      %swap3A_213 = tpu.vector_load %arg13[%swap3A_211, %swap3A_212] {strides = array<i32>} : memref<160x512xf32, #tpu.memory_space<vmem>>, vector<1x16xf32>,
      %swap3A_214 = vector.shape_cast %swap3A_213 : vector<1x16xf32> to vector<16xf32>
      %swap3A_215 = vector.shape_cast %get3A_210 : vector<16xf32> to vector<1x16xf32>
      tpu.vector_store %arg13[%swap3A_211, %swap3A_212], %swap3A_215 {add = true, strides = array<i32>} : memref<160x512xf32, #tpu.memory_space<vmem>>, vector<1x16xf32>,
      %get3A_216 = arith.constant 0 : i32
      %get3A_217 = arith.index_cast %get3A_216 : i32 to index
      %get3A_218 = arith.constant 224 : index
      %get3A_219 = tpu.vector_load %arg11[%get3A_217, %get3A_218] {strides = array<i32>} : memref<32x512xf32, #tpu.memory_space<vmem>>, vector<1x16xf32>,
      %get3A_220 = vector.shape_cast %get3A_219 : vector<1x16xf32> to vector<16xf32>
      %swap3A_221 = arith.index_cast %squeeze3A_76 : i32 to index
      %swap3A_222 = arith.constant 224 : index
      %swap3A_223 = tpu.vector_load %arg13[%swap3A_221, %swap3A_222] {strides = array<i32>} : memref<160x512xf32, #tpu.memory_space<vmem>>, vector<1x16xf32>,
      %swap3A_224 = vector.shape_cast %swap3A_223 : vector<1x16xf32> to vector<16xf32>
      %swap3A_225 = vector.shape_cast %get3A_220 : vector<16xf32> to vector<1x16xf32>
      tpu.vector_store %arg13[%swap3A_221, %swap3A_222], %swap3A_225 {add = true, strides = array<i32>} : memref<160x512xf32, #tpu.memory_space<vmem>>, vector<1x16xf32>,
      %get3A_226 = arith.constant 0 : i32
      %get3A_227 = arith.index_cast %get3A_226 : i32 to index
      %get3A_228 = arith.constant 240 : index
      %get3A_229 = tpu.vector_load %arg11[%get3A_227, %get3A_228] {strides = array<i32>} : memref<32x512xf32, #tpu.memory_space<vmem>>, vector<1x16xf32>,
      %get3A_230 = vector.shape_cast %get3A_229 : vector<1x16xf32> to vector<16xf32>
      %swap3A_231 = arith.index_cast %squeeze3A_76 : i32 to index
      %swap3A_232 = arith.constant 240 : index
      %swap3A_233 = tpu.vector_load %arg13[%swap3A_231, %swap3A_232] {strides = array<i32>} : memref<160x512xf32, #tpu.memory_space<vmem>>, vector<1x16xf32>,
      %swap3A_234 = vector.shape_cast %swap3A_233 : vector<1x16xf32> to vector<16xf32>
      %swap3A_235 = vector.shape_cast %get3A_230 : vector<16xf32> to vector<1x16xf32>
      tpu.vector_store %arg13[%swap3A_231, %swap3A_232], %swap3A_235 {add = true, strides = array<i32>} : memref<160x512xf32, #tpu.memory_space<vmem>>, vector<1x16xf32>,
      %get3A_236 = arith.constant 0 : i32
      %get3A_237 = arith.index_cast %get3A_236 : i32 to index
      %get3A_238 = arith.constant 256 : index
      %get3A_239 = tpu.vector_load %arg11[%get3A_237, %get3A_238] {strides = array<i32>} : memref<32x512xf32, #tpu.memory_space<vmem>>, vector<1x16xf32>,
      %get3A_240 = vector.shape_cast %get3A_239 : vector<1x16xf32> to vector<16xf32>
      %swap3A_241 = arith.index_cast %squeeze3A_76 : i32 to index
      %swap3A_242 = arith.constant 256 : index
      %swap3A_243 = tpu.vector_load %arg13[%swap3A_241, %swap3A_242] {strides = array<i32>} : memref<160x512xf32, #tpu.memory_space<vmem>>, vector<1x16xf32>,
      %swap3A_244 = vector.shape_cast %swap3A_243 : vector<1x16xf32> to vector<16xf32>
      %swap3A_245 = vector.shape_cast %get3A_240 : vector<16xf32> to vector<1x16xf32>
      tpu.vector_store %arg13[%swap3A_241, %swap3A_242], %swap3A_245 {add = true, strides = array<i32>} : memref<160x512xf32, #tpu.memory_space<vmem>>, vector<1x16xf32>,
      %get3A_246 = arith.constant 0 : i32
      %get3A_247 = arith.index_cast %get3A_246 : i32 to index
      %get3A_248 = arith.constant 272 : index
      %get3A_249 = tpu.vector_load %arg11[%get3A_247, %get3A_248] {strides = array<i32>} : memref<32x512xf32, #tpu.memory_space<vmem>>, vector<1x16xf32>,
      %get3A_250 = vector.shape_cast %get3A_249 : vector<1x16xf32> to vector<16xf32>
      %swap3A_251 = arith.index_cast %squeeze3A_76 : i32 to index
      %swap3A_252 = arith.constant 272 : index
      %swap3A_253 = tpu.vector_load %arg13[%swap3A_251, %swap3A_252] {strides = array<i32>} : memref<160x512xf32, #tpu.memory_space<vmem>>, vector<1x16xf32>,
      %swap3A_254 = vector.shape_cast %swap3A_253 : vector<1x16xf32> to vector<16xf32>
      %swap3A_255 = vector.shape_cast %get3A_250 : vector<16xf32> to vector<1x16xf32>
      tpu.vector_store %arg13[%swap3A_251, %swap3A_252], %swap3A_255 {add = true, strides = array<i32>} : memref<160x512xf32, #tpu.memory_space<vmem>>, vector<1x16xf32>,
      %get3A_256 = arith.constant 0 : i32
      %get3A_257 = arith.index_cast %get3A_256 : i32 to index
      %get3A_258 = arith.constant 288 : index
      %get3A_259 = tpu.vector_load %arg11[%get3A_257, %get3A_258] {strides = array<i32>} : memref<32x512xf32, #tpu.memory_space<vmem>>, vector<1x16xf32>,
      %get3A_260 = vector.shape_cast %get3A_259 : vector<1x16xf32> to vector<16xf32>
      %swap3A_261 = arith.index_cast %squeeze3A_76 : i32 to index
      %swap3A_262 = arith.constant 288 : index
      %swap3A_263 = tpu.vector_load %arg13[%swap3A_261, %swap3A_262] {strides = array<i32>} : memref<160x512xf32, #tpu.memory_space<vmem>>, vector<1x16xf32>,
      %swap3A_264 = vector.shape_cast %swap3A_263 : vector<1x16xf32> to vector<16xf32>
      %swap3A_265 = vector.shape_cast %get3A_260 : vector<16xf32> to vector<1x16xf32>
      tpu.vector_store %arg13[%swap3A_261, %swap3A_262], %swap3A_265 {add = true, strides = array<i32>} : memref<160x512xf32, #tpu.memory_space<vmem>>, vector<1x16xf32>,
      %get3A_266 = arith.constant 0 : i32
      %get3A_267 = arith.index_cast %get3A_266 : i32 to index
      %get3A_268 = arith.constant 304 : index
      %get3A_269 = tpu.vector_load %arg11[%get3A_267, %get3A_268] {strides = array<i32>} : memref<32x512xf32, #tpu.memory_space<vmem>>, vector<1x16xf32>,
      %get3A_270 = vector.shape_cast %get3A_269 : vector<1x16xf32> to vector<16xf32>
      %swap3A_271 = arith.index_cast %squeeze3A_76 : i32 to index
      %swap3A_272 = arith.constant 304 : index
      %swap3A_273 = tpu.vector_load %arg13[%swap3A_271, %swap3A_272] {strides = array<i32>} : memref<160x512xf32, #tpu.memory_space<vmem>>, vector<1x16xf32>,
      %swap3A_274 = vector.shape_cast %swap3A_273 : vector<1x16xf32> to vector<16xf32>
      %swap3A_275 = vector.shape_cast %get3A_270 : vector<16xf32> to vector<1x16xf32>
      tpu.vector_store %arg13[%swap3A_271, %swap3A_272], %swap3A_275 {add = true, strides = array<i32>} : memref<160x512xf32, #tpu.memory_space<vmem>>, vector<1x16xf32>,
      %get3A_276 = arith.constant 0 : i32
      %get3A_277 = arith.index_cast %get3A_276 : i32 to index
      %get3A_278 = arith.constant 320 : index
      %get3A_279 = tpu.vector_load %arg11[%get3A_277, %get3A_278] {strides = array<i32>} : memref<32x512xf32, #tpu.memory_space<vmem>>, vector<1x16xf32>,
      %get3A_280 = vector.shape_cast %get3A_279 : vector<1x16xf32> to vector<16xf32>
      %swap3A_281 = arith.index_cast %squeeze3A_76 : i32 to index
      %swap3A_282 = arith.constant 320 : index
      %swap3A_283 = tpu.vector_load %arg13[%swap3A_281, %swap3A_282] {strides = array<i32>} : memref<160x512xf32, #tpu.memory_space<vmem>>, vector<1x16xf32>,
      %swap3A_284 = vector.shape_cast %swap3A_283 : vector<1x16xf32> to vector<16xf32>
      %swap3A_285 = vector.shape_cast %get3A_280 : vector<16xf32> to vector<1x16xf32>
      tpu.vector_store %arg13[%swap3A_281, %swap3A_282], %swap3A_285 {add = true, strides = array<i32>} : memref<160x512xf32, #tpu.memory_space<vmem>>, vector<1x16xf32>,
      %get3A_286 = arith.constant 0 : i32
      %get3A_287 = arith.index_cast %get3A_286 : i32 to index
      %get3A_288 = arith.constant 336 : index
      %get3A_289 = tpu.vector_load %arg11[%get3A_287, %get3A_288] {strides = array<i32>} : memref<32x512xf32, #tpu.memory_space<vmem>>, vector<1x16xf32>,
      %get3A_290 = vector.shape_cast %get3A_289 : vector<1x16xf32> to vector<16xf32>
      %swap3A_291 = arith.index_cast %squeeze3A_76 : i32 to index
      %swap3A_292 = arith.constant 336 : index
      %swap3A_293 = tpu.vector_load %arg13[%swap3A_291, %swap3A_292] {strides = array<i32>} : memref<160x512xf32, #tpu.memory_space<vmem>>, vector<1x16xf32>,
      %swap3A_294 = vector.shape_cast %swap3A_293 : vector<1x16xf32> to vector<16xf32>
      %swap3A_295 = vector.shape_cast %get3A_290 : vector<16xf32> to vector<1x16xf32>
      tpu.vector_store %arg13[%swap3A_291, %swap3A_292], %swap3A_295 {add = true, strides = array<i32>} : memref<160x512xf32, #tpu.memory_space<vmem>>, vector<1x16xf32>,
      %get3A_296 = arith.constant 0 : i32
      %get3A_297 = arith.index_cast %get3A_296 : i32 to index
      %get3A_298 = arith.constant 352 : index
      %get3A_299 = tpu.vector_load %arg11[%get3A_297, %get3A_298] {strides = array<i32>} : memref<32x512xf32, #tpu.memory_space<vmem>>, vector<1x16xf32>,
      %get3A_300 = vector.shape_cast %get3A_299 : vector<1x16xf32> to vector<16xf32>
      %swap3A_301 = arith.index_cast %squeeze3A_76 : i32 to index
      %swap3A_302 = arith.constant 352 : index
      %swap3A_303 = tpu.vector_load %arg13[%swap3A_301, %swap3A_302] {strides = array<i32>} : memref<160x512xf32, #tpu.memory_space<vmem>>, vector<1x16xf32>,
      %swap3A_304 = vector.shape_cast %swap3A_303 : vector<1x16xf32> to vector<16xf32>
      %swap3A_305 = vector.shape_cast %get3A_300 : vector<16xf32> to vector<1x16xf32>
      tpu.vector_store %arg13[%swap3A_301, %swap3A_302], %swap3A_305 {add = true, strides = array<i32>} : memref<160x512xf32, #tpu.memory_space<vmem>>, vector<1x16xf32>,
      %get3A_306 = arith.constant 0 : i32
      %get3A_307 = arith.index_cast %get3A_306 : i32 to index
      %get3A_308 = arith.constant 368 : index
      %get3A_309 = tpu.vector_load %arg11[%get3A_307, %get3A_308] {strides = array<i32>} : memref<32x512xf32, #tpu.memory_space<vmem>>, vector<1x16xf32>,
      %get3A_310 = vector.shape_cast %get3A_309 : vector<1x16xf32> to vector<16xf32>
      %swap3A_311 = arith.index_cast %squeeze3A_76 : i32 to index
      %swap3A_312 = arith.constant 368 : index
      %swap3A_313 = tpu.vector_load %arg13[%swap3A_311, %swap3A_312] {strides = array<i32>} : memref<160x512xf32, #tpu.memory_space<vmem>>, vector<1x16xf32>,
      %swap3A_314 = vector.shape_cast %swap3A_313 : vector<1x16xf32> to vector<16xf32>
      %swap3A_315 = vector.shape_cast %get3A_310 : vector<16xf32> to vector<1x16xf32>
      tpu.vector_store %arg13[%swap3A_311, %swap3A_312], %swap3A_315 {add = true, strides = array<i32>} : memref<160x512xf32, #tpu.memory_space<vmem>>, vector<1x16xf32>,
      %get3A_316 = arith.constant 0 : i32
      %get3A_317 = arith.index_cast %get3A_316 : i32 to index
      %get3A_318 = arith.constant 384 : index
      %get3A_319 = tpu.vector_load %arg11[%get3A_317, %get3A_318] {strides = array<i32>} : memref<32x512xf32, #tpu.memory_space<vmem>>, vector<1x16xf32>,
      %get3A_320 = vector.shape_cast %get3A_319 : vector<1x16xf32> to vector<16xf32>
      %swap3A_321 = arith.index_cast %squeeze3A_76 : i32 to index
      %swap3A_322 = arith.constant 384 : index
      %swap3A_323 = tpu.vector_load %arg13[%swap3A_321, %swap3A_322] {strides = array<i32>} : memref<160x512xf32, #tpu.memory_space<vmem>>, vector<1x16xf32>,
      %swap3A_324 = vector.shape_cast %swap3A_323 : vector<1x16xf32> to vector<16xf32>
      %swap3A_325 = vector.shape_cast %get3A_320 : vector<16xf32> to vector<1x16xf32>
      tpu.vector_store %arg13[%swap3A_321, %swap3A_322], %swap3A_325 {add = true, strides = array<i32>} : memref<160x512xf32, #tpu.memory_space<vmem>>, vector<1x16xf32>,
      %get3A_326 = arith.constant 0 : i32
      %get3A_327 = arith.index_cast %get3A_326 : i32 to index
      %get3A_328 = arith.constant 400 : index
      %get3A_329 = tpu.vector_load %arg11[%get3A_327, %get3A_328] {strides = array<i32>} : memref<32x512xf32, #tpu.memory_space<vmem>>, vector<1x16xf32>,
      %get3A_330 = vector.shape_cast %get3A_329 : vector<1x16xf32> to vector<16xf32>
      %swap3A_331 = arith.index_cast %squeeze3A_76 : i32 to index
      %swap3A_332 = arith.constant 400 : index
      %swap3A_333 = tpu.vector_load %arg13[%swap3A_331, %swap3A_332] {strides = array<i32>} : memref<160x512xf32, #tpu.memory_space<vmem>>, vector<1x16xf32>,
      %swap3A_334 = vector.shape_cast %swap3A_333 : vector<1x16xf32> to vector<16xf32>
      %swap3A_335 = vector.shape_cast %get3A_330 : vector<16xf32> to vector<1x16xf32>
      tpu.vector_store %arg13[%swap3A_331, %swap3A_332], %swap3A_335 {add = true, strides = array<i32>} : memref<160x512xf32, #tpu.memory_space<vmem>>, vector<1x16xf32>,
      %get3A_336 = arith.constant 0 : i32
      %get3A_337 = arith.index_cast %get3A_336 : i32 to index
      %get3A_338 = arith.constant 416 : index
      %get3A_339 = tpu.vector_load %arg11[%get3A_337, %get3A_338] {strides = array<i32>} : memref<32x512xf32, #tpu.memory_space<vmem>>, vector<1x16xf32>,
      %get3A_340 = vector.shape_cast %get3A_339 : vector<1x16xf32> to vector<16xf32>
      %swap3A_341 = arith.index_cast %squeeze3A_76 : i32 to index
      %swap3A_342 = arith.constant 416 : index
      %swap3A_343 = tpu.vector_load %arg13[%swap3A_341, %swap3A_342] {strides = array<i32>} : memref<160x512xf32, #tpu.memory_space<vmem>>, vector<1x16xf32>,
      %swap3A_344 = vector.shape_cast %swap3A_343 : vector<1x16xf32> to vector<16xf32>
      %swap3A_345 = vector.shape_cast %get3A_340 : vector<16xf32> to vector<1x16xf32>
      tpu.vector_store %arg13[%swap3A_341, %swap3A_342], %swap3A_345 {add = true, strides = array<i32>} : memref<160x512xf32, #tpu.memory_space<vmem>>, vector<1x16xf32>,
      %get3A_346 = arith.constant 0 : i32
      %get3A_347 = arith.index_cast %get3A_346 : i32 to index
      %get3A_348 = arith.constant 432 : index
      %get3A_349 = tpu.vector_load %arg11[%get3A_347, %get3A_348] {strides = array<i32>} : memref<32x512xf32, #tpu.memory_space<vmem>>, vector<1x16xf32>,
      %get3A_350 = vector.shape_cast %get3A_349 : vector<1x16xf32> to vector<16xf32>
      %swap3A_351 = arith.index_cast %squeeze3A_76 : i32 to index
      %swap3A_352 = arith.constant 432 : index
      %swap3A_353 = tpu.vector_load %arg13[%swap3A_351, %swap3A_352] {strides = array<i32>} : memref<160x512xf32, #tpu.memory_space<vmem>>, vector<1x16xf32>,
      %swap3A_354 = vector.shape_cast %swap3A_353 : vector<1x16xf32> to vector<16xf32>
      %swap3A_355 = vector.shape_cast %get3A_350 : vector<16xf32> to vector<1x16xf32>
      tpu.vector_store %arg13[%swap3A_351, %swap3A_352], %swap3A_355 {add = true, strides = array<i32>} : memref<160x512xf32, #tpu.memory_space<vmem>>, vector<1x16xf32>,
      %get3A_356 = arith.constant 0 : i32
      %get3A_357 = arith.index_cast %get3A_356 : i32 to index
      %get3A_358 = arith.constant 448 : index
      %get3A_359 = tpu.vector_load %arg11[%get3A_357, %get3A_358] {strides = array<i32>} : memref<32x512xf32, #tpu.memory_space<vmem>>, vector<1x16xf32>,
      %get3A_360 = vector.shape_cast %get3A_359 : vector<1x16xf32> to vector<16xf32>
      %swap3A_361 = arith.index_cast %squeeze3A_76 : i32 to index
      %swap3A_362 = arith.constant 448 : index
      %swap3A_363 = tpu.vector_load %arg13[%swap3A_361, %swap3A_362] {strides = array<i32>} : memref<160x512xf32, #tpu.memory_space<vmem>>, vector<1x16xf32>,
      %swap3A_364 = vector.shape_cast %swap3A_363 : vector<1x16xf32> to vector<16xf32>
      %swap3A_365 = vector.shape_cast %get3A_360 : vector<16xf32> to vector<1x16xf32>
      tpu.vector_store %arg13[%swap3A_361, %swap3A_362], %swap3A_365 {add = true, strides = array<i32>} : memref<160x512xf32, #tpu.memory_space<vmem>>, vector<1x16xf32>,
      %get3A_366 = arith.constant 0 : i32
      %get3A_367 = arith.index_cast %get3A_366 : i32 to index
      %get3A_368 = arith.constant 464 : index
      %get3A_369 = tpu.vector_load %arg11[%get3A_367, %get3A_368] {strides = array<i32>} : memref<32x512xf32, #tpu.memory_space<vmem>>, vector<1x16xf32>,
      %get3A_370 = vector.shape_cast %get3A_369 : vector<1x16xf32> to vector<16xf32>
      %swap3A_371 = arith.index_cast %squeeze3A_76 : i32 to index
      %swap3A_372 = arith.constant 464 : index
      %swap3A_373 = tpu.vector_load %arg13[%swap3A_371, %swap3A_372] {strides = array<i32>} : memref<160x512xf32, #tpu.memory_space<vmem>>, vector<1x16xf32>,
      %swap3A_374 = vector.shape_cast %swap3A_373 : vector<1x16xf32> to vector<16xf32>
      %swap3A_375 = vector.shape_cast %get3A_370 : vector<16xf32> to vector<1x16xf32>
      tpu.vector_store %arg13[%swap3A_371, %swap3A_372], %swap3A_375 {add = true, strides = array<i32>} : memref<160x512xf32, #tpu.memory_space<vmem>>, vector<1x16xf32>,
      %get3A_376 = arith.constant 0 : i32
      %get3A_377 = arith.index_cast %get3A_376 : i32 to index
      %get3A_378 = arith.constant 480 : index
      %get3A_379 = tpu.vector_load %arg11[%get3A_377, %get3A_378] {strides = array<i32>} : memref<32x512xf32, #tpu.memory_space<vmem>>, vector<1x16xf32>,
      %get3A_380 = vector.shape_cast %get3A_379 : vector<1x16xf32> to vector<16xf32>
      %swap3A_381 = arith.index_cast %squeeze3A_76 : i32 to index
      %swap3A_382 = arith.constant 480 : index
      %swap3A_383 = tpu.vector_load %arg13[%swap3A_381, %swap3A_382] {strides = array<i32>} : memref<160x512xf32, #tpu.memory_space<vmem>>, vector<1x16xf32>,
      %swap3A_384 = vector.shape_cast %swap3A_383 : vector<1x16xf32> to vector<16xf32>
      %swap3A_385 = vector.shape_cast %get3A_380 : vector<16xf32> to vector<1x16xf32>
      tpu.vector_store %arg13[%swap3A_381, %swap3A_382], %swap3A_385 {add = true, strides = array<i32>} : memref<160x512xf32, #tpu.memory_space<vmem>>, vector<1x16xf32>,
      %get3A_386 = arith.constant 0 : i32
      %get3A_387 = arith.index_cast %get3A_386 : i32 to index
      %get3A_388 = arith.constant 496 : index
      %get3A_389 = tpu.vector_load %arg11[%get3A_387, %get3A_388] {strides = array<i32>} : memref<32x512xf32, #tpu.memory_space<vmem>>, vector<1x16xf32>,
      %get3A_390 = vector.shape_cast %get3A_389 : vector<1x16xf32> to vector<16xf32>
      %swap3A_391 = arith.index_cast %squeeze3A_76 : i32 to index
      %swap3A_392 = arith.constant 496 : index
      %swap3A_393 = tpu.vector_load %arg13[%swap3A_391, %swap3A_392] {strides = array<i32>} : memref<160x512xf32, #tpu.memory_space<vmem>>, vector<1x16xf32>,
      %swap3A_394 = vector.shape_cast %swap3A_393 : vector<1x16xf32> to vector<16xf32>
      %swap3A_395 = vector.shape_cast %get3A_390 : vector<16xf32> to vector<1x16xf32>
      tpu.vector_store %arg13[%swap3A_391, %swap3A_392], %swap3A_395 {add = true, strides = array<i32>} : memref<160x512xf32, #tpu.memory_space<vmem>>, vector<1x16xf32>,
      %slice3A_396 = vector.extract_strided_slice %get3A_48 {offsets = [0], sizes = [1], strides = [1]} : vector<16xi32> to vector<1xi32>
      %squeeze3A_397 = vector.extract %slice3A_396[0] : i32 from vector<1xi32>
      %shift_right_logical3A = arith.constant 8 : i32
      %shift_right_logical3A_398 = arith.shrui %squeeze3A_397, %shift_right_logical3A : i32
      %sub3A_399 = arith.constant 1 : i32
      %sub3A_400 = arith.subi %shift_right_logical3A_398, %sub3A_399 : i32
      %ge3A = arith.constant 0 : i32
      %ge3A_401 = arith.cmpi sge, %sub3A_400, %ge3A : i32
      %convert_element_type3A_402 = arith.extui %ge3A_401 : i1 to i32
      %cond3A_403 = arith.constant 0 : i32
      %cond3A_404 = arith.cmpi ne, %convert_element_type3A_402, %cond3A_403 : i32
      scf.if %cond3A_404 {
        %multiple_of3A_749 = tpu.assume_multiple %sub3A_400, 32 : i32
        "tpu.region"() ({
          %run_scoped3A = tpu.sem_alloc : memref<!tpu.dma_semaphore, #tpu.memory_space<semaphore_mem>>
          %dma_start3A = arith.constant 0 : i32
          %dma_start3A_750 = tpu.memref_slice %arg7[%multiple_of3A_749, %dma_start3A] : memref<81920x512xf32, #tpu.memory_space<hbm>> -> memref<160x512xf32, #tpu.memory_space<hbm>>
          %dma_start3A_751 = arith.constant 0 : i32
          %dma_start3A_752 = tpu.memref_slice %arg7[%multiple_of3A_749, %dma_start3A_751] : memref<81920x512xf32, #tpu.memory_space<hbm>> -> memref<160x512xf32, #tpu.memory_space<hbm>>
          tpu.enqueue_dma source(%arg13 : memref<160x512xf32, #tpu.memory_space<vmem>>) target(%dma_start3A_752 : memref<160x512xf32, #tpu.memory_space<hbm>>) target_semaphore(%run_scoped3A : memref<!tpu.dma_semaphore, #tpu.memory_space<semaphore_mem>>)
          %dma_wait3A = arith.constant 0 : i32
          %dma_wait3A_753 = tpu.memref_slice %arg7[%multiple_of3A_749, %dma_wait3A] : memref<81920x512xf32, #tpu.memory_space<hbm>> -> memref<160x512xf32, #tpu.memory_space<hbm>>
          %dma_wait3A_754 = arith.constant 0 : i32
          %dma_wait3A_755 = tpu.memref_slice %arg7[%multiple_of3A_749, %dma_wait3A_754] : memref<81920x512xf32, #tpu.memory_space<hbm>> -> memref<160x512xf32, #tpu.memory_space<hbm>>
          tpu.wait_dma2 semaphore(%run_scoped3A : memref<!tpu.dma_semaphore, #tpu.memory_space<semaphore_mem>>) src(%arg13 : memref<160x512xf32, #tpu.memory_space<vmem>>) dst(%dma_wait3A_755 : memref<160x512xf32, #tpu.memory_space<hbm>>)
          tpu.yield
        }) : () -> ()
        "tpu.region"() ({
          %run_scoped3A = tpu.sem_alloc : memref<!tpu.dma_semaphore, #tpu.memory_space<semaphore_mem>>
          %dma_start3A = arith.constant 0 : i32
          %dma_start3A_750 = arith.constant 0 : i32
          %dma_start3A_751 = tpu.memref_slice %arg13[%dma_start3A, %dma_start3A_750] : memref<160x512xf32, #tpu.memory_space<vmem>> -> memref<40x512xf32, #tpu.memory_space<vmem>>
          %dma_start3A_752 = arith.constant 0 : i32
          %dma_start3A_753 = arith.constant 0 : i32
          %dma_start3A_754 = tpu.memref_slice %arg13[%dma_start3A_752, %dma_start3A_753] : memref<160x512xf32, #tpu.memory_space<vmem>> -> memref<40x512xf32, #tpu.memory_space<vmem>>
          tpu.enqueue_dma source(%arg14 : memref<40x512xf32, #tpu.memory_space<vmem_shared>>) target(%dma_start3A_754 : memref<40x512xf32, #tpu.memory_space<vmem>>) target_semaphore(%run_scoped3A : memref<!tpu.dma_semaphore, #tpu.memory_space<semaphore_mem>>)
          %dma_wait3A = arith.constant 0 : i32
          %dma_wait3A_755 = arith.constant 0 : i32
          %dma_wait3A_756 = tpu.memref_slice %arg13[%dma_wait3A, %dma_wait3A_755] : memref<160x512xf32, #tpu.memory_space<vmem>> -> memref<40x512xf32, #tpu.memory_space<vmem>>
          %dma_wait3A_757 = arith.constant 0 : i32
          %dma_wait3A_758 = arith.constant 0 : i32
          %dma_wait3A_759 = tpu.memref_slice %arg13[%dma_wait3A_757, %dma_wait3A_758] : memref<160x512xf32, #tpu.memory_space<vmem>> -> memref<40x512xf32, #tpu.memory_space<vmem>>
          tpu.wait_dma2 semaphore(%run_scoped3A : memref<!tpu.dma_semaphore, #tpu.memory_space<semaphore_mem>>) src(%arg14 : memref<40x512xf32, #tpu.memory_space<vmem_shared>>) dst(%dma_wait3A_759 : memref<40x512xf32, #tpu.memory_space<vmem>>)
          tpu.yield
        }) : () -> ()
        "tpu.region"() ({
          %run_scoped3A = tpu.sem_alloc : memref<!tpu.dma_semaphore, #tpu.memory_space<semaphore_mem>>
          %dma_start3A = arith.constant 40 : i32
          %dma_start3A_750 = arith.constant 0 : i32
          %dma_start3A_751 = tpu.memref_slice %arg13[%dma_start3A, %dma_start3A_750] : memref<160x512xf32, #tpu.memory_space<vmem>> -> memref<40x512xf32, #tpu.memory_space<vmem>>
          %dma_start3A_752 = arith.constant 40 : i32
          %dma_start3A_753 = arith.constant 0 : i32
          %dma_start3A_754 = tpu.memref_slice %arg13[%dma_start3A_752, %dma_start3A_753] : memref<160x512xf32, #tpu.memory_space<vmem>> -> memref<40x512xf32, #tpu.memory_space<vmem>>
          tpu.enqueue_dma source(%arg14 : memref<40x512xf32, #tpu.memory_space<vmem_shared>>) target(%dma_start3A_754 : memref<40x512xf32, #tpu.memory_space<vmem>>) target_semaphore(%run_scoped3A : memref<!tpu.dma_semaphore, #tpu.memory_space<semaphore_mem>>)
          %dma_wait3A = arith.constant 40 : i32
          %dma_wait3A_755 = arith.constant 0 : i32
          %dma_wait3A_756 = tpu.memref_slice %arg13[%dma_wait3A, %dma_wait3A_755] : memref<160x512xf32, #tpu.memory_space<vmem>> -> memref<40x512xf32, #tpu.memory_space<vmem>>
          %dma_wait3A_757 = arith.constant 40 : i32
          %dma_wait3A_758 = arith.constant 0 : i32
          %dma_wait3A_759 = tpu.memref_slice %arg13[%dma_wait3A_757, %dma_wait3A_758] : memref<160x512xf32, #tpu.memory_space<vmem>> -> memref<40x512xf32, #tpu.memory_space<vmem>>
          tpu.wait_dma2 semaphore(%run_scoped3A : memref<!tpu.dma_semaphore, #tpu.memory_space<semaphore_mem>>) src(%arg14 : memref<40x512xf32, #tpu.memory_space<vmem_shared>>) dst(%dma_wait3A_759 : memref<40x512xf32, #tpu.memory_space<vmem>>)
          tpu.yield
        }) : () -> ()
        "tpu.region"() ({
          %run_scoped3A = tpu.sem_alloc : memref<!tpu.dma_semaphore, #tpu.memory_space<semaphore_mem>>
          %dma_start3A = arith.constant 80 : i32
          %dma_start3A_750 = arith.constant 0 : i32
          %dma_start3A_751 = tpu.memref_slice %arg13[%dma_start3A, %dma_start3A_750] : memref<160x512xf32, #tpu.memory_space<vmem>> -> memref<40x512xf32, #tpu.memory_space<vmem>>
          %dma_start3A_752 = arith.constant 80 : i32
          %dma_start3A_753 = arith.constant 0 : i32
          %dma_start3A_754 = tpu.memref_slice %arg13[%dma_start3A_752, %dma_start3A_753] : memref<160x512xf32, #tpu.memory_space<vmem>> -> memref<40x512xf32, #tpu.memory_space<vmem>>
          tpu.enqueue_dma source(%arg14 : memref<40x512xf32, #tpu.memory_space<vmem_shared>>) target(%dma_start3A_754 : memref<40x512xf32, #tpu.memory_space<vmem>>) target_semaphore(%run_scoped3A : memref<!tpu.dma_semaphore, #tpu.memory_space<semaphore_mem>>)
          %dma_wait3A = arith.constant 80 : i32
          %dma_wait3A_755 = arith.constant 0 : i32
          %dma_wait3A_756 = tpu.memref_slice %arg13[%dma_wait3A, %dma_wait3A_755] : memref<160x512xf32, #tpu.memory_space<vmem>> -> memref<40x512xf32, #tpu.memory_space<vmem>>
          %dma_wait3A_757 = arith.constant 80 : i32
          %dma_wait3A_758 = arith.constant 0 : i32
          %dma_wait3A_759 = tpu.memref_slice %arg13[%dma_wait3A_757, %dma_wait3A_758] : memref<160x512xf32, #tpu.memory_space<vmem>> -> memref<40x512xf32, #tpu.memory_space<vmem>>
          tpu.wait_dma2 semaphore(%run_scoped3A : memref<!tpu.dma_semaphore, #tpu.memory_space<semaphore_mem>>) src(%arg14 : memref<40x512xf32, #tpu.memory_space<vmem_shared>>) dst(%dma_wait3A_759 : memref<40x512xf32, #tpu.memory_space<vmem>>)
          tpu.yield
        }) : () -> ()
        "tpu.region"() ({
          %run_scoped3A = tpu.sem_alloc : memref<!tpu.dma_semaphore, #tpu.memory_space<semaphore_mem>>
          %dma_start3A = arith.constant 120 : i32
          %dma_start3A_750 = arith.constant 0 : i32
          %dma_start3A_751 = tpu.memref_slice %arg13[%dma_start3A, %dma_start3A_750] : memref<160x512xf32, #tpu.memory_space<vmem>> -> memref<40x512xf32, #tpu.memory_space<vmem>>
          %dma_start3A_752 = arith.constant 120 : i32
          %dma_start3A_753 = arith.constant 0 : i32
          %dma_start3A_754 = tpu.memref_slice %arg13[%dma_start3A_752, %dma_start3A_753] : memref<160x512xf32, #tpu.memory_space<vmem>> -> memref<40x512xf32, #tpu.memory_space<vmem>>
          tpu.enqueue_dma source(%arg14 : memref<40x512xf32, #tpu.memory_space<vmem_shared>>) target(%dma_start3A_754 : memref<40x512xf32, #tpu.memory_space<vmem>>) target_semaphore(%run_scoped3A : memref<!tpu.dma_semaphore, #tpu.memory_space<semaphore_mem>>)
          %dma_wait3A = arith.constant 120 : i32
          %dma_wait3A_755 = arith.constant 0 : i32
          %dma_wait3A_756 = tpu.memref_slice %arg13[%dma_wait3A, %dma_wait3A_755] : memref<160x512xf32, #tpu.memory_space<vmem>> -> memref<40x512xf32, #tpu.memory_space<vmem>>
          %dma_wait3A_757 = arith.constant 120 : i32
          %dma_wait3A_758 = arith.constant 0 : i32
          %dma_wait3A_759 = tpu.memref_slice %arg13[%dma_wait3A_757, %dma_wait3A_758] : memref<160x512xf32, #tpu.memory_space<vmem>> -> memref<40x512xf32, #tpu.memory_space<vmem>>
          tpu.wait_dma2 semaphore(%run_scoped3A : memref<!tpu.dma_semaphore, #tpu.memory_space<semaphore_mem>>) src(%arg14 : memref<40x512xf32, #tpu.memory_space<vmem_shared>>) dst(%dma_wait3A_759 : memref<40x512xf32, #tpu.memory_space<vmem>>)
          tpu.yield
        }) : () -> ()
      } else {
      }
      %add3A_405 = arith.constant 1 : i32
      %add3A_406 = arith.addi %add3A_42, %add3A_405 : i32
      %lt3A = arith.cmpi slt, %add3A_406, %squeeze3A : i32
      %convert_element_type3A_407 = arith.extui %lt3A : i1 to i32
      %cond3A_408 = arith.constant 0 : i32
      %cond3A_409 = arith.cmpi ne, %convert_element_type3A_407, %cond3A_408 : i32
      scf.if %cond3A_409 {
        %add3A_749 = arith.constant 1 : i32
        %add3A_750 = arith.addi %add3A_42, %add3A_749 : i32
        %rem3A_751 = arith.constant 8 : i32
        %rem3A_752 = arith.remsi %add3A_750, %rem3A_751 : i32
        %eq3A = arith.constant 0 : i32
        %eq3A_753 = arith.cmpi eq, %rem3A_752, %eq3A : i32
        %convert_element_type3A_754 = arith.extui %eq3A_753 : i1 to i32
        %cond3A_755 = arith.constant 0 : i32
        %cond3A_756 = arith.cmpi ne, %convert_element_type3A_754, %cond3A_755 : i32
        scf.if %cond3A_756 {
          %add3A_759 = arith.constant 1 : i32
          %add3A_760 = arith.addi %add3A_42, %add3A_759 : i32
          %mul3A_761 = arith.constant 32 : i32
          %mul3A_762 = arith.muli %add3A_760, %mul3A_761 : i32
          %add3A_763 = arith.addi %squeeze3A_13, %mul3A_762 : i32
          %multiple_of3A_764 = tpu.assume_multiple %add3A_763, 32 : i32
          "tpu.region"() ({
            %run_scoped3A = tpu.sem_alloc : memref<!tpu.dma_semaphore, #tpu.memory_space<semaphore_mem>>
            %dma_start3A = tpu.memref_slice %arg3[%multiple_of3A_764] : memref<193024xi32, #tpu.memory_space<hbm>> -> memref<256xi32, #tpu.memory_space<hbm>>
            %dma_start3A_765 = tpu.memref_slice %arg3[%multiple_of3A_764] : memref<193024xi32, #tpu.memory_space<hbm>> -> memref<256xi32, #tpu.memory_space<hbm>>
            tpu.enqueue_dma source(%dma_start3A_765 : memref<256xi32, #tpu.memory_space<hbm>>) target(%arg9 : memref<256xi32, #tpu.memory_space<vmem>>) target_semaphore(%run_scoped3A : memref<!tpu.dma_semaphore, #tpu.memory_space<semaphore_mem>>)
            %dma_wait3A = tpu.memref_slice %arg3[%multiple_of3A_764] : memref<193024xi32, #tpu.memory_space<hbm>> -> memref<256xi32, #tpu.memory_space<hbm>>
            %dma_wait3A_766 = tpu.memref_slice %arg3[%multiple_of3A_764] : memref<193024xi32, #tpu.memory_space<hbm>> -> memref<256xi32, #tpu.memory_space<hbm>>
            tpu.wait_dma2 semaphore(%run_scoped3A : memref<!tpu.dma_semaphore, #tpu.memory_space<semaphore_mem>>) src(%dma_wait3A_766 : memref<256xi32, #tpu.memory_space<hbm>>) dst(%arg9 : memref<256xi32, #tpu.memory_space<vmem>>)
            tpu.yield
          }) : () -> ()
          "tpu.region"() ({
            %run_scoped3A = tpu.sem_alloc : memref<!tpu.dma_semaphore, #tpu.memory_space<semaphore_mem>>
            %dma_start3A = tpu.memref_slice %arg4[%multiple_of3A_764] : memref<193024xi32, #tpu.memory_space<hbm>> -> memref<256xi32, #tpu.memory_space<hbm>>
            %dma_start3A_765 = tpu.memref_slice %arg4[%multiple_of3A_764] : memref<193024xi32, #tpu.memory_space<hbm>> -> memref<256xi32, #tpu.memory_space<hbm>>
            tpu.enqueue_dma source(%dma_start3A_765 : memref<256xi32, #tpu.memory_space<hbm>>) target(%arg10 : memref<256xi32, #tpu.memory_space<vmem>>) target_semaphore(%run_scoped3A : memref<!tpu.dma_semaphore, #tpu.memory_space<semaphore_mem>>)
            %dma_wait3A = tpu.memref_slice %arg4[%multiple_of3A_764] : memref<193024xi32, #tpu.memory_space<hbm>> -> memref<256xi32, #tpu.memory_space<hbm>>
            %dma_wait3A_766 = tpu.memref_slice %arg4[%multiple_of3A_764] : memref<193024xi32, #tpu.memory_space<hbm>> -> memref<256xi32, #tpu.memory_space<hbm>>
            tpu.wait_dma2 semaphore(%run_scoped3A : memref<!tpu.dma_semaphore, #tpu.memory_space<semaphore_mem>>) src(%dma_wait3A_766 : memref<256xi32, #tpu.memory_space<hbm>>) dst(%arg10 : memref<256xi32, #tpu.memory_space<vmem>>)
            tpu.yield
          }) : () -> ()
        } else {
        }
        %add3A_757 = arith.constant 1 : i32
        %add3A_758 = arith.addi %add3A_42, %add3A_757 : i32
      } else {
      }
      %and3A_410 = arith.constant 255 : i32
      %and3A_411 = vector.broadcast %and3A_410 : i32 to vector<16xi32>
      %and3A_412 = arith.andi %get3A_62, %and3A_411 : vector<16xi32>
      %and3A_413 = arith.constant 255 : i32
      %and3A_414 = vector.broadcast %and3A_413 : i32 to vector<16xi32>
      %and3A_415 = arith.andi %get3A_69, %and3A_414 : vector<16xi32>
      %slice3A_416 = vector.extract_strided_slice %and3A_412 {offsets = [0], sizes = [1], strides = [1]} : vector<16xi32> to vector<1xi32>
      %squeeze3A_417 = vector.extract %slice3A_416[0] : i32 from vector<1xi32>
      %get3A_418 = arith.constant 0 : i32
      %get3A_419 = arith.index_cast %get3A_418 : i32 to index
      %get3A_420 = arith.constant 0 : index
      %get3A_421 = tpu.vector_load %arg12[%get3A_419, %get3A_420] {strides = array<i32>} : memref<32x512xf32, #tpu.memory_space<vmem>>, vector<1x16xf32>,
      %get3A_422 = vector.shape_cast %get3A_421 : vector<1x16xf32> to vector<16xf32>
      %swap3A_423 = arith.index_cast %squeeze3A_417 : i32 to index
      %swap3A_424 = arith.constant 0 : index
      %swap3A_425 = tpu.vector_load %arg13[%swap3A_423, %swap3A_424] {strides = array<i32>} : memref<160x512xf32, #tpu.memory_space<vmem>>, vector<1x16xf32>,
      %swap3A_426 = vector.shape_cast %swap3A_425 : vector<1x16xf32> to vector<16xf32>
      %swap3A_427 = vector.shape_cast %get3A_422 : vector<16xf32> to vector<1x16xf32>
      tpu.vector_store %arg13[%swap3A_423, %swap3A_424], %swap3A_427 {add = true, strides = array<i32>} : memref<160x512xf32, #tpu.memory_space<vmem>>, vector<1x16xf32>,
      %get3A_428 = arith.constant 0 : i32
      %get3A_429 = arith.index_cast %get3A_428 : i32 to index
      %get3A_430 = arith.constant 16 : index
      %get3A_431 = tpu.vector_load %arg12[%get3A_429, %get3A_430] {strides = array<i32>} : memref<32x512xf32, #tpu.memory_space<vmem>>, vector<1x16xf32>,
      %get3A_432 = vector.shape_cast %get3A_431 : vector<1x16xf32> to vector<16xf32>
      %swap3A_433 = arith.index_cast %squeeze3A_417 : i32 to index
      %swap3A_434 = arith.constant 16 : index
      %swap3A_435 = tpu.vector_load %arg13[%swap3A_433, %swap3A_434] {strides = array<i32>} : memref<160x512xf32, #tpu.memory_space<vmem>>, vector<1x16xf32>,
      %swap3A_436 = vector.shape_cast %swap3A_435 : vector<1x16xf32> to vector<16xf32>
      %swap3A_437 = vector.shape_cast %get3A_432 : vector<16xf32> to vector<1x16xf32>
      tpu.vector_store %arg13[%swap3A_433, %swap3A_434], %swap3A_437 {add = true, strides = array<i32>} : memref<160x512xf32, #tpu.memory_space<vmem>>, vector<1x16xf32>,
      %get3A_438 = arith.constant 0 : i32
      %get3A_439 = arith.index_cast %get3A_438 : i32 to index
      %get3A_440 = arith.constant 32 : index
      %get3A_441 = tpu.vector_load %arg12[%get3A_439, %get3A_440] {strides = array<i32>} : memref<32x512xf32, #tpu.memory_space<vmem>>, vector<1x16xf32>,
      %get3A_442 = vector.shape_cast %get3A_441 : vector<1x16xf32> to vector<16xf32>
      %swap3A_443 = arith.index_cast %squeeze3A_417 : i32 to index
      %swap3A_444 = arith.constant 32 : index
      %swap3A_445 = tpu.vector_load %arg13[%swap3A_443, %swap3A_444] {strides = array<i32>} : memref<160x512xf32, #tpu.memory_space<vmem>>, vector<1x16xf32>,
      %swap3A_446 = vector.shape_cast %swap3A_445 : vector<1x16xf32> to vector<16xf32>
      %swap3A_447 = vector.shape_cast %get3A_442 : vector<16xf32> to vector<1x16xf32>
      tpu.vector_store %arg13[%swap3A_443, %swap3A_444], %swap3A_447 {add = true, strides = array<i32>} : memref<160x512xf32, #tpu.memory_space<vmem>>, vector<1x16xf32>,
      %get3A_448 = arith.constant 0 : i32
      %get3A_449 = arith.index_cast %get3A_448 : i32 to index
      %get3A_450 = arith.constant 48 : index
      %get3A_451 = tpu.vector_load %arg12[%get3A_449, %get3A_450] {strides = array<i32>} : memref<32x512xf32, #tpu.memory_space<vmem>>, vector<1x16xf32>,
      %get3A_452 = vector.shape_cast %get3A_451 : vector<1x16xf32> to vector<16xf32>
      %swap3A_453 = arith.index_cast %squeeze3A_417 : i32 to index
      %swap3A_454 = arith.constant 48 : index
      %swap3A_455 = tpu.vector_load %arg13[%swap3A_453, %swap3A_454] {strides = array<i32>} : memref<160x512xf32, #tpu.memory_space<vmem>>, vector<1x16xf32>,
      %swap3A_456 = vector.shape_cast %swap3A_455 : vector<1x16xf32> to vector<16xf32>
      %swap3A_457 = vector.shape_cast %get3A_452 : vector<16xf32> to vector<1x16xf32>
      tpu.vector_store %arg13[%swap3A_453, %swap3A_454], %swap3A_457 {add = true, strides = array<i32>} : memref<160x512xf32, #tpu.memory_space<vmem>>, vector<1x16xf32>,
      %get3A_458 = arith.constant 0 : i32
      %get3A_459 = arith.index_cast %get3A_458 : i32 to index
      %get3A_460 = arith.constant 64 : index
      %get3A_461 = tpu.vector_load %arg12[%get3A_459, %get3A_460] {strides = array<i32>} : memref<32x512xf32, #tpu.memory_space<vmem>>, vector<1x16xf32>,
      %get3A_462 = vector.shape_cast %get3A_461 : vector<1x16xf32> to vector<16xf32>
      %swap3A_463 = arith.index_cast %squeeze3A_417 : i32 to index
      %swap3A_464 = arith.constant 64 : index
      %swap3A_465 = tpu.vector_load %arg13[%swap3A_463, %swap3A_464] {strides = array<i32>} : memref<160x512xf32, #tpu.memory_space<vmem>>, vector<1x16xf32>,
      %swap3A_466 = vector.shape_cast %swap3A_465 : vector<1x16xf32> to vector<16xf32>
      %swap3A_467 = vector.shape_cast %get3A_462 : vector<16xf32> to vector<1x16xf32>
      tpu.vector_store %arg13[%swap3A_463, %swap3A_464], %swap3A_467 {add = true, strides = array<i32>} : memref<160x512xf32, #tpu.memory_space<vmem>>, vector<1x16xf32>,
      %get3A_468 = arith.constant 0 : i32
      %get3A_469 = arith.index_cast %get3A_468 : i32 to index
      %get3A_470 = arith.constant 80 : index
      %get3A_471 = tpu.vector_load %arg12[%get3A_469, %get3A_470] {strides = array<i32>} : memref<32x512xf32, #tpu.memory_space<vmem>>, vector<1x16xf32>,
      %get3A_472 = vector.shape_cast %get3A_471 : vector<1x16xf32> to vector<16xf32>
      %swap3A_473 = arith.index_cast %squeeze3A_417 : i32 to index
      %swap3A_474 = arith.constant 80 : index
      %swap3A_475 = tpu.vector_load %arg13[%swap3A_473, %swap3A_474] {strides = array<i32>} : memref<160x512xf32, #tpu.memory_space<vmem>>, vector<1x16xf32>,
      %swap3A_476 = vector.shape_cast %swap3A_475 : vector<1x16xf32> to vector<16xf32>
      %swap3A_477 = vector.shape_cast %get3A_472 : vector<16xf32> to vector<1x16xf32>
      tpu.vector_store %arg13[%swap3A_473, %swap3A_474], %swap3A_477 {add = true, strides = array<i32>} : memref<160x512xf32, #tpu.memory_space<vmem>>, vector<1x16xf32>,
      %get3A_478 = arith.constant 0 : i32
      %get3A_479 = arith.index_cast %get3A_478 : i32 to index
      %get3A_480 = arith.constant 96 : index
      %get3A_481 = tpu.vector_load %arg12[%get3A_479, %get3A_480] {strides = array<i32>} : memref<32x512xf32, #tpu.memory_space<vmem>>, vector<1x16xf32>,
      %get3A_482 = vector.shape_cast %get3A_481 : vector<1x16xf32> to vector<16xf32>
      %swap3A_483 = arith.index_cast %squeeze3A_417 : i32 to index
      %swap3A_484 = arith.constant 96 : index
      %swap3A_485 = tpu.vector_load %arg13[%swap3A_483, %swap3A_484] {strides = array<i32>} : memref<160x512xf32, #tpu.memory_space<vmem>>, vector<1x16xf32>,
      %swap3A_486 = vector.shape_cast %swap3A_485 : vector<1x16xf32> to vector<16xf32>
      %swap3A_487 = vector.shape_cast %get3A_482 : vector<16xf32> to vector<1x16xf32>
      tpu.vector_store %arg13[%swap3A_483, %swap3A_484], %swap3A_487 {add = true, strides = array<i32>} : memref<160x512xf32, #tpu.memory_space<vmem>>, vector<1x16xf32>,
      %get3A_488 = arith.constant 0 : i32
      %get3A_489 = arith.index_cast %get3A_488 : i32 to index
      %get3A_490 = arith.constant 112 : index
      %get3A_491 = tpu.vector_load %arg12[%get3A_489, %get3A_490] {strides = array<i32>} : memref<32x512xf32, #tpu.memory_space<vmem>>, vector<1x16xf32>,
      %get3A_492 = vector.shape_cast %get3A_491 : vector<1x16xf32> to vector<16xf32>
      %swap3A_493 = arith.index_cast %squeeze3A_417 : i32 to index
      %swap3A_494 = arith.constant 112 : index
      %swap3A_495 = tpu.vector_load %arg13[%swap3A_493, %swap3A_494] {strides = array<i32>} : memref<160x512xf32, #tpu.memory_space<vmem>>, vector<1x16xf32>,
      %swap3A_496 = vector.shape_cast %swap3A_495 : vector<1x16xf32> to vector<16xf32>
      %swap3A_497 = vector.shape_cast %get3A_492 : vector<16xf32> to vector<1x16xf32>
      tpu.vector_store %arg13[%swap3A_493, %swap3A_494], %swap3A_497 {add = true, strides = array<i32>} : memref<160x512xf32, #tpu.memory_space<vmem>>, vector<1x16xf32>,
      %get3A_498 = arith.constant 0 : i32
      %get3A_499 = arith.index_cast %get3A_498 : i32 to index
      %get3A_500 = arith.constant 128 : index
      %get3A_501 = tpu.vector_load %arg12[%get3A_499, %get3A_500] {strides = array<i32>} : memref<32x512xf32, #tpu.memory_space<vmem>>, vector<1x16xf32>,
      %get3A_502 = vector.shape_cast %get3A_501 : vector<1x16xf32> to vector<16xf32>
      %swap3A_503 = arith.index_cast %squeeze3A_417 : i32 to index
      %swap3A_504 = arith.constant 128 : index
      %swap3A_505 = tpu.vector_load %arg13[%swap3A_503, %swap3A_504] {strides = array<i32>} : memref<160x512xf32, #tpu.memory_space<vmem>>, vector<1x16xf32>,
      %swap3A_506 = vector.shape_cast %swap3A_505 : vector<1x16xf32> to vector<16xf32>
      %swap3A_507 = vector.shape_cast %get3A_502 : vector<16xf32> to vector<1x16xf32>
      tpu.vector_store %arg13[%swap3A_503, %swap3A_504], %swap3A_507 {add = true, strides = array<i32>} : memref<160x512xf32, #tpu.memory_space<vmem>>, vector<1x16xf32>,
      %get3A_508 = arith.constant 0 : i32
      %get3A_509 = arith.index_cast %get3A_508 : i32 to index
      %get3A_510 = arith.constant 144 : index
      %get3A_511 = tpu.vector_load %arg12[%get3A_509, %get3A_510] {strides = array<i32>} : memref<32x512xf32, #tpu.memory_space<vmem>>, vector<1x16xf32>,
      %get3A_512 = vector.shape_cast %get3A_511 : vector<1x16xf32> to vector<16xf32>
      %swap3A_513 = arith.index_cast %squeeze3A_417 : i32 to index
      %swap3A_514 = arith.constant 144 : index
      %swap3A_515 = tpu.vector_load %arg13[%swap3A_513, %swap3A_514] {strides = array<i32>} : memref<160x512xf32, #tpu.memory_space<vmem>>, vector<1x16xf32>,
      %swap3A_516 = vector.shape_cast %swap3A_515 : vector<1x16xf32> to vector<16xf32>
      %swap3A_517 = vector.shape_cast %get3A_512 : vector<16xf32> to vector<1x16xf32>
      tpu.vector_store %arg13[%swap3A_513, %swap3A_514], %swap3A_517 {add = true, strides = array<i32>} : memref<160x512xf32, #tpu.memory_space<vmem>>, vector<1x16xf32>,
      %get3A_518 = arith.constant 0 : i32
      %get3A_519 = arith.index_cast %get3A_518 : i32 to index
      %get3A_520 = arith.constant 160 : index
      %get3A_521 = tpu.vector_load %arg12[%get3A_519, %get3A_520] {strides = array<i32>} : memref<32x512xf32, #tpu.memory_space<vmem>>, vector<1x16xf32>,
      %get3A_522 = vector.shape_cast %get3A_521 : vector<1x16xf32> to vector<16xf32>
      %swap3A_523 = arith.index_cast %squeeze3A_417 : i32 to index
      %swap3A_524 = arith.constant 160 : index
      %swap3A_525 = tpu.vector_load %arg13[%swap3A_523, %swap3A_524] {strides = array<i32>} : memref<160x512xf32, #tpu.memory_space<vmem>>, vector<1x16xf32>,
      %swap3A_526 = vector.shape_cast %swap3A_525 : vector<1x16xf32> to vector<16xf32>
      %swap3A_527 = vector.shape_cast %get3A_522 : vector<16xf32> to vector<1x16xf32>
      tpu.vector_store %arg13[%swap3A_523, %swap3A_524], %swap3A_527 {add = true, strides = array<i32>} : memref<160x512xf32, #tpu.memory_space<vmem>>, vector<1x16xf32>,
      %get3A_528 = arith.constant 0 : i32
      %get3A_529 = arith.index_cast %get3A_528 : i32 to index
      %get3A_530 = arith.constant 176 : index
      %get3A_531 = tpu.vector_load %arg12[%get3A_529, %get3A_530] {strides = array<i32>} : memref<32x512xf32, #tpu.memory_space<vmem>>, vector<1x16xf32>,
      %get3A_532 = vector.shape_cast %get3A_531 : vector<1x16xf32> to vector<16xf32>
      %swap3A_533 = arith.index_cast %squeeze3A_417 : i32 to index
      %swap3A_534 = arith.constant 176 : index
      %swap3A_535 = tpu.vector_load %arg13[%swap3A_533, %swap3A_534] {strides = array<i32>} : memref<160x512xf32, #tpu.memory_space<vmem>>, vector<1x16xf32>,
      %swap3A_536 = vector.shape_cast %swap3A_535 : vector<1x16xf32> to vector<16xf32>
      %swap3A_537 = vector.shape_cast %get3A_532 : vector<16xf32> to vector<1x16xf32>
      tpu.vector_store %arg13[%swap3A_533, %swap3A_534], %swap3A_537 {add = true, strides = array<i32>} : memref<160x512xf32, #tpu.memory_space<vmem>>, vector<1x16xf32>,
      %get3A_538 = arith.constant 0 : i32
      %get3A_539 = arith.index_cast %get3A_538 : i32 to index
      %get3A_540 = arith.constant 192 : index
      %get3A_541 = tpu.vector_load %arg12[%get3A_539, %get3A_540] {strides = array<i32>} : memref<32x512xf32, #tpu.memory_space<vmem>>, vector<1x16xf32>,
      %get3A_542 = vector.shape_cast %get3A_541 : vector<1x16xf32> to vector<16xf32>
      %swap3A_543 = arith.index_cast %squeeze3A_417 : i32 to index
      %swap3A_544 = arith.constant 192 : index
      %swap3A_545 = tpu.vector_load %arg13[%swap3A_543, %swap3A_544] {strides = array<i32>} : memref<160x512xf32, #tpu.memory_space<vmem>>, vector<1x16xf32>,
      %swap3A_546 = vector.shape_cast %swap3A_545 : vector<1x16xf32> to vector<16xf32>
      %swap3A_547 = vector.shape_cast %get3A_542 : vector<16xf32> to vector<1x16xf32>
      tpu.vector_store %arg13[%swap3A_543, %swap3A_544], %swap3A_547 {add = true, strides = array<i32>} : memref<160x512xf32, #tpu.memory_space<vmem>>, vector<1x16xf32>,
      %get3A_548 = arith.constant 0 : i32
      %get3A_549 = arith.index_cast %get3A_548 : i32 to index
      %get3A_550 = arith.constant 208 : index
      %get3A_551 = tpu.vector_load %arg12[%get3A_549, %get3A_550] {strides = array<i32>} : memref<32x512xf32, #tpu.memory_space<vmem>>, vector<1x16xf32>,
      %get3A_552 = vector.shape_cast %get3A_551 : vector<1x16xf32> to vector<16xf32>
      %swap3A_553 = arith.index_cast %squeeze3A_417 : i32 to index
      %swap3A_554 = arith.constant 208 : index
      %swap3A_555 = tpu.vector_load %arg13[%swap3A_553, %swap3A_554] {strides = array<i32>} : memref<160x512xf32, #tpu.memory_space<vmem>>, vector<1x16xf32>,
      %swap3A_556 = vector.shape_cast %swap3A_555 : vector<1x16xf32> to vector<16xf32>
      %swap3A_557 = vector.shape_cast %get3A_552 : vector<16xf32> to vector<1x16xf32>
      tpu.vector_store %arg13[%swap3A_553, %swap3A_554], %swap3A_557 {add = true, strides = array<i32>} : memref<160x512xf32, #tpu.memory_space<vmem>>, vector<1x16xf32>,
      %get3A_558 = arith.constant 0 : i32
      %get3A_559 = arith.index_cast %get3A_558 : i32 to index
      %get3A_560 = arith.constant 224 : index
      %get3A_561 = tpu.vector_load %arg12[%get3A_559, %get3A_560] {strides = array<i32>} : memref<32x512xf32, #tpu.memory_space<vmem>>, vector<1x16xf32>,
      %get3A_562 = vector.shape_cast %get3A_561 : vector<1x16xf32> to vector<16xf32>
      %swap3A_563 = arith.index_cast %squeeze3A_417 : i32 to index
      %swap3A_564 = arith.constant 224 : index
      %swap3A_565 = tpu.vector_load %arg13[%swap3A_563, %swap3A_564] {strides = array<i32>} : memref<160x512xf32, #tpu.memory_space<vmem>>, vector<1x16xf32>,
      %swap3A_566 = vector.shape_cast %swap3A_565 : vector<1x16xf32> to vector<16xf32>
      %swap3A_567 = vector.shape_cast %get3A_562 : vector<16xf32> to vector<1x16xf32>
      tpu.vector_store %arg13[%swap3A_563, %swap3A_564], %swap3A_567 {add = true, strides = array<i32>} : memref<160x512xf32, #tpu.memory_space<vmem>>, vector<1x16xf32>,
      %get3A_568 = arith.constant 0 : i32
      %get3A_569 = arith.index_cast %get3A_568 : i32 to index
      %get3A_570 = arith.constant 240 : index
      %get3A_571 = tpu.vector_load %arg12[%get3A_569, %get3A_570] {strides = array<i32>} : memref<32x512xf32, #tpu.memory_space<vmem>>, vector<1x16xf32>,
      %get3A_572 = vector.shape_cast %get3A_571 : vector<1x16xf32> to vector<16xf32>
      %swap3A_573 = arith.index_cast %squeeze3A_417 : i32 to index
      %swap3A_574 = arith.constant 240 : index
      %swap3A_575 = tpu.vector_load %arg13[%swap3A_573, %swap3A_574] {strides = array<i32>} : memref<160x512xf32, #tpu.memory_space<vmem>>, vector<1x16xf32>,
      %swap3A_576 = vector.shape_cast %swap3A_575 : vector<1x16xf32> to vector<16xf32>
      %swap3A_577 = vector.shape_cast %get3A_572 : vector<16xf32> to vector<1x16xf32>
      tpu.vector_store %arg13[%swap3A_573, %swap3A_574], %swap3A_577 {add = true, strides = array<i32>} : memref<160x512xf32, #tpu.memory_space<vmem>>, vector<1x16xf32>,
      %get3A_578 = arith.constant 0 : i32
      %get3A_579 = arith.index_cast %get3A_578 : i32 to index
      %get3A_580 = arith.constant 256 : index
      %get3A_581 = tpu.vector_load %arg12[%get3A_579, %get3A_580] {strides = array<i32>} : memref<32x512xf32, #tpu.memory_space<vmem>>, vector<1x16xf32>,
      %get3A_582 = vector.shape_cast %get3A_581 : vector<1x16xf32> to vector<16xf32>
      %swap3A_583 = arith.index_cast %squeeze3A_417 : i32 to index
      %swap3A_584 = arith.constant 256 : index
      %swap3A_585 = tpu.vector_load %arg13[%swap3A_583, %swap3A_584] {strides = array<i32>} : memref<160x512xf32, #tpu.memory_space<vmem>>, vector<1x16xf32>,
      %swap3A_586 = vector.shape_cast %swap3A_585 : vector<1x16xf32> to vector<16xf32>
      %swap3A_587 = vector.shape_cast %get3A_582 : vector<16xf32> to vector<1x16xf32>
      tpu.vector_store %arg13[%swap3A_583, %swap3A_584], %swap3A_587 {add = true, strides = array<i32>} : memref<160x512xf32, #tpu.memory_space<vmem>>, vector<1x16xf32>,
      %get3A_588 = arith.constant 0 : i32
      %get3A_589 = arith.index_cast %get3A_588 : i32 to index
      %get3A_590 = arith.constant 272 : index
      %get3A_591 = tpu.vector_load %arg12[%get3A_589, %get3A_590] {strides = array<i32>} : memref<32x512xf32, #tpu.memory_space<vmem>>, vector<1x16xf32>,
      %get3A_592 = vector.shape_cast %get3A_591 : vector<1x16xf32> to vector<16xf32>
      %swap3A_593 = arith.index_cast %squeeze3A_417 : i32 to index
      %swap3A_594 = arith.constant 272 : index
      %swap3A_595 = tpu.vector_load %arg13[%swap3A_593, %swap3A_594] {strides = array<i32>} : memref<160x512xf32, #tpu.memory_space<vmem>>, vector<1x16xf32>,
      %swap3A_596 = vector.shape_cast %swap3A_595 : vector<1x16xf32> to vector<16xf32>
      %swap3A_597 = vector.shape_cast %get3A_592 : vector<16xf32> to vector<1x16xf32>
      tpu.vector_store %arg13[%swap3A_593, %swap3A_594], %swap3A_597 {add = true, strides = array<i32>} : memref<160x512xf32, #tpu.memory_space<vmem>>, vector<1x16xf32>,
      %get3A_598 = arith.constant 0 : i32
      %get3A_599 = arith.index_cast %get3A_598 : i32 to index
      %get3A_600 = arith.constant 288 : index
      %get3A_601 = tpu.vector_load %arg12[%get3A_599, %get3A_600] {strides = array<i32>} : memref<32x512xf32, #tpu.memory_space<vmem>>, vector<1x16xf32>,
      %get3A_602 = vector.shape_cast %get3A_601 : vector<1x16xf32> to vector<16xf32>
      %swap3A_603 = arith.index_cast %squeeze3A_417 : i32 to index
      %swap3A_604 = arith.constant 288 : index
      %swap3A_605 = tpu.vector_load %arg13[%swap3A_603, %swap3A_604] {strides = array<i32>} : memref<160x512xf32, #tpu.memory_space<vmem>>, vector<1x16xf32>,
      %swap3A_606 = vector.shape_cast %swap3A_605 : vector<1x16xf32> to vector<16xf32>
      %swap3A_607 = vector.shape_cast %get3A_602 : vector<16xf32> to vector<1x16xf32>
      tpu.vector_store %arg13[%swap3A_603, %swap3A_604], %swap3A_607 {add = true, strides = array<i32>} : memref<160x512xf32, #tpu.memory_space<vmem>>, vector<1x16xf32>,
      %get3A_608 = arith.constant 0 : i32
      %get3A_609 = arith.index_cast %get3A_608 : i32 to index
      %get3A_610 = arith.constant 304 : index
      %get3A_611 = tpu.vector_load %arg12[%get3A_609, %get3A_610] {strides = array<i32>} : memref<32x512xf32, #tpu.memory_space<vmem>>, vector<1x16xf32>,
      %get3A_612 = vector.shape_cast %get3A_611 : vector<1x16xf32> to vector<16xf32>
      %swap3A_613 = arith.index_cast %squeeze3A_417 : i32 to index
      %swap3A_614 = arith.constant 304 : index
      %swap3A_615 = tpu.vector_load %arg13[%swap3A_613, %swap3A_614] {strides = array<i32>} : memref<160x512xf32, #tpu.memory_space<vmem>>, vector<1x16xf32>,
      %swap3A_616 = vector.shape_cast %swap3A_615 : vector<1x16xf32> to vector<16xf32>
      %swap3A_617 = vector.shape_cast %get3A_612 : vector<16xf32> to vector<1x16xf32>
      tpu.vector_store %arg13[%swap3A_613, %swap3A_614], %swap3A_617 {add = true, strides = array<i32>} : memref<160x512xf32, #tpu.memory_space<vmem>>, vector<1x16xf32>,
      %get3A_618 = arith.constant 0 : i32
      %get3A_619 = arith.index_cast %get3A_618 : i32 to index
      %get3A_620 = arith.constant 320 : index
      %get3A_621 = tpu.vector_load %arg12[%get3A_619, %get3A_620] {strides = array<i32>} : memref<32x512xf32, #tpu.memory_space<vmem>>, vector<1x16xf32>,
      %get3A_622 = vector.shape_cast %get3A_621 : vector<1x16xf32> to vector<16xf32>
      %swap3A_623 = arith.index_cast %squeeze3A_417 : i32 to index
      %swap3A_624 = arith.constant 320 : index
      %swap3A_625 = tpu.vector_load %arg13[%swap3A_623, %swap3A_624] {strides = array<i32>} : memref<160x512xf32, #tpu.memory_space<vmem>>, vector<1x16xf32>,
      %swap3A_626 = vector.shape_cast %swap3A_625 : vector<1x16xf32> to vector<16xf32>
      %swap3A_627 = vector.shape_cast %get3A_622 : vector<16xf32> to vector<1x16xf32>
      tpu.vector_store %arg13[%swap3A_623, %swap3A_624], %swap3A_627 {add = true, strides = array<i32>} : memref<160x512xf32, #tpu.memory_space<vmem>>, vector<1x16xf32>,
      %get3A_628 = arith.constant 0 : i32
      %get3A_629 = arith.index_cast %get3A_628 : i32 to index
      %get3A_630 = arith.constant 336 : index
      %get3A_631 = tpu.vector_load %arg12[%get3A_629, %get3A_630] {strides = array<i32>} : memref<32x512xf32, #tpu.memory_space<vmem>>, vector<1x16xf32>,
      %get3A_632 = vector.shape_cast %get3A_631 : vector<1x16xf32> to vector<16xf32>
      %swap3A_633 = arith.index_cast %squeeze3A_417 : i32 to index
      %swap3A_634 = arith.constant 336 : index
      %swap3A_635 = tpu.vector_load %arg13[%swap3A_633, %swap3A_634] {strides = array<i32>} : memref<160x512xf32, #tpu.memory_space<vmem>>, vector<1x16xf32>,
      %swap3A_636 = vector.shape_cast %swap3A_635 : vector<1x16xf32> to vector<16xf32>
      %swap3A_637 = vector.shape_cast %get3A_632 : vector<16xf32> to vector<1x16xf32>
      tpu.vector_store %arg13[%swap3A_633, %swap3A_634], %swap3A_637 {add = true, strides = array<i32>} : memref<160x512xf32, #tpu.memory_space<vmem>>, vector<1x16xf32>,
      %get3A_638 = arith.constant 0 : i32
      %get3A_639 = arith.index_cast %get3A_638 : i32 to index
      %get3A_640 = arith.constant 352 : index
      %get3A_641 = tpu.vector_load %arg12[%get3A_639, %get3A_640] {strides = array<i32>} : memref<32x512xf32, #tpu.memory_space<vmem>>, vector<1x16xf32>,
      %get3A_642 = vector.shape_cast %get3A_641 : vector<1x16xf32> to vector<16xf32>
      %swap3A_643 = arith.index_cast %squeeze3A_417 : i32 to index
      %swap3A_644 = arith.constant 352 : index
      %swap3A_645 = tpu.vector_load %arg13[%swap3A_643, %swap3A_644] {strides = array<i32>} : memref<160x512xf32, #tpu.memory_space<vmem>>, vector<1x16xf32>,
      %swap3A_646 = vector.shape_cast %swap3A_645 : vector<1x16xf32> to vector<16xf32>
      %swap3A_647 = vector.shape_cast %get3A_642 : vector<16xf32> to vector<1x16xf32>
      tpu.vector_store %arg13[%swap3A_643, %swap3A_644], %swap3A_647 {add = true, strides = array<i32>} : memref<160x512xf32, #tpu.memory_space<vmem>>, vector<1x16xf32>,
      %get3A_648 = arith.constant 0 : i32
      %get3A_649 = arith.index_cast %get3A_648 : i32 to index
      %get3A_650 = arith.constant 368 : index
      %get3A_651 = tpu.vector_load %arg12[%get3A_649, %get3A_650] {strides = array<i32>} : memref<32x512xf32, #tpu.memory_space<vmem>>, vector<1x16xf32>,
      %get3A_652 = vector.shape_cast %get3A_651 : vector<1x16xf32> to vector<16xf32>
      %swap3A_653 = arith.index_cast %squeeze3A_417 : i32 to index
      %swap3A_654 = arith.constant 368 : index
      %swap3A_655 = tpu.vector_load %arg13[%swap3A_653, %swap3A_654] {strides = array<i32>} : memref<160x512xf32, #tpu.memory_space<vmem>>, vector<1x16xf32>,
      %swap3A_656 = vector.shape_cast %swap3A_655 : vector<1x16xf32> to vector<16xf32>
      %swap3A_657 = vector.shape_cast %get3A_652 : vector<16xf32> to vector<1x16xf32>
      tpu.vector_store %arg13[%swap3A_653, %swap3A_654], %swap3A_657 {add = true, strides = array<i32>} : memref<160x512xf32, #tpu.memory_space<vmem>>, vector<1x16xf32>,
      %get3A_658 = arith.constant 0 : i32
      %get3A_659 = arith.index_cast %get3A_658 : i32 to index
      %get3A_660 = arith.constant 384 : index
      %get3A_661 = tpu.vector_load %arg12[%get3A_659, %get3A_660] {strides = array<i32>} : memref<32x512xf32, #tpu.memory_space<vmem>>, vector<1x16xf32>,
      %get3A_662 = vector.shape_cast %get3A_661 : vector<1x16xf32> to vector<16xf32>
      %swap3A_663 = arith.index_cast %squeeze3A_417 : i32 to index
      %swap3A_664 = arith.constant 384 : index
      %swap3A_665 = tpu.vector_load %arg13[%swap3A_663, %swap3A_664] {strides = array<i32>} : memref<160x512xf32, #tpu.memory_space<vmem>>, vector<1x16xf32>,
      %swap3A_666 = vector.shape_cast %swap3A_665 : vector<1x16xf32> to vector<16xf32>
      %swap3A_667 = vector.shape_cast %get3A_662 : vector<16xf32> to vector<1x16xf32>
      tpu.vector_store %arg13[%swap3A_663, %swap3A_664], %swap3A_667 {add = true, strides = array<i32>} : memref<160x512xf32, #tpu.memory_space<vmem>>, vector<1x16xf32>,
      %get3A_668 = arith.constant 0 : i32
      %get3A_669 = arith.index_cast %get3A_668 : i32 to index
      %get3A_670 = arith.constant 400 : index
      %get3A_671 = tpu.vector_load %arg12[%get3A_669, %get3A_670] {strides = array<i32>} : memref<32x512xf32, #tpu.memory_space<vmem>>, vector<1x16xf32>,
      %get3A_672 = vector.shape_cast %get3A_671 : vector<1x16xf32> to vector<16xf32>
      %swap3A_673 = arith.index_cast %squeeze3A_417 : i32 to index
      %swap3A_674 = arith.constant 400 : index
      %swap3A_675 = tpu.vector_load %arg13[%swap3A_673, %swap3A_674] {strides = array<i32>} : memref<160x512xf32, #tpu.memory_space<vmem>>, vector<1x16xf32>,
      %swap3A_676 = vector.shape_cast %swap3A_675 : vector<1x16xf32> to vector<16xf32>
      %swap3A_677 = vector.shape_cast %get3A_672 : vector<16xf32> to vector<1x16xf32>
      tpu.vector_store %arg13[%swap3A_673, %swap3A_674], %swap3A_677 {add = true, strides = array<i32>} : memref<160x512xf32, #tpu.memory_space<vmem>>, vector<1x16xf32>,
      %get3A_678 = arith.constant 0 : i32
      %get3A_679 = arith.index_cast %get3A_678 : i32 to index
      %get3A_680 = arith.constant 416 : index
      %get3A_681 = tpu.vector_load %arg12[%get3A_679, %get3A_680] {strides = array<i32>} : memref<32x512xf32, #tpu.memory_space<vmem>>, vector<1x16xf32>,
      %get3A_682 = vector.shape_cast %get3A_681 : vector<1x16xf32> to vector<16xf32>
      %swap3A_683 = arith.index_cast %squeeze3A_417 : i32 to index
      %swap3A_684 = arith.constant 416 : index
      %swap3A_685 = tpu.vector_load %arg13[%swap3A_683, %swap3A_684] {strides = array<i32>} : memref<160x512xf32, #tpu.memory_space<vmem>>, vector<1x16xf32>,
      %swap3A_686 = vector.shape_cast %swap3A_685 : vector<1x16xf32> to vector<16xf32>
      %swap3A_687 = vector.shape_cast %get3A_682 : vector<16xf32> to vector<1x16xf32>
      tpu.vector_store %arg13[%swap3A_683, %swap3A_684], %swap3A_687 {add = true, strides = array<i32>} : memref<160x512xf32, #tpu.memory_space<vmem>>, vector<1x16xf32>,
      %get3A_688 = arith.constant 0 : i32
      %get3A_689 = arith.index_cast %get3A_688 : i32 to index
      %get3A_690 = arith.constant 432 : index
      %get3A_691 = tpu.vector_load %arg12[%get3A_689, %get3A_690] {strides = array<i32>} : memref<32x512xf32, #tpu.memory_space<vmem>>, vector<1x16xf32>,
      %get3A_692 = vector.shape_cast %get3A_691 : vector<1x16xf32> to vector<16xf32>
      %swap3A_693 = arith.index_cast %squeeze3A_417 : i32 to index
      %swap3A_694 = arith.constant 432 : index
      %swap3A_695 = tpu.vector_load %arg13[%swap3A_693, %swap3A_694] {strides = array<i32>} : memref<160x512xf32, #tpu.memory_space<vmem>>, vector<1x16xf32>,
      %swap3A_696 = vector.shape_cast %swap3A_695 : vector<1x16xf32> to vector<16xf32>
      %swap3A_697 = vector.shape_cast %get3A_692 : vector<16xf32> to vector<1x16xf32>
      tpu.vector_store %arg13[%swap3A_693, %swap3A_694], %swap3A_697 {add = true, strides = array<i32>} : memref<160x512xf32, #tpu.memory_space<vmem>>, vector<1x16xf32>,
      %get3A_698 = arith.constant 0 : i32
      %get3A_699 = arith.index_cast %get3A_698 : i32 to index
      %get3A_700 = arith.constant 448 : index
      %get3A_701 = tpu.vector_load %arg12[%get3A_699, %get3A_700] {strides = array<i32>} : memref<32x512xf32, #tpu.memory_space<vmem>>, vector<1x16xf32>,
      %get3A_702 = vector.shape_cast %get3A_701 : vector<1x16xf32> to vector<16xf32>
      %swap3A_703 = arith.index_cast %squeeze3A_417 : i32 to index
      %swap3A_704 = arith.constant 448 : index
      %swap3A_705 = tpu.vector_load %arg13[%swap3A_703, %swap3A_704] {strides = array<i32>} : memref<160x512xf32, #tpu.memory_space<vmem>>, vector<1x16xf32>,
      %swap3A_706 = vector.shape_cast %swap3A_705 : vector<1x16xf32> to vector<16xf32>
      %swap3A_707 = vector.shape_cast %get3A_702 : vector<16xf32> to vector<1x16xf32>
      tpu.vector_store %arg13[%swap3A_703, %swap3A_704], %swap3A_707 {add = true, strides = array<i32>} : memref<160x512xf32, #tpu.memory_space<vmem>>, vector<1x16xf32>,
      %get3A_708 = arith.constant 0 : i32
      %get3A_709 = arith.index_cast %get3A_708 : i32 to index
      %get3A_710 = arith.constant 464 : index
      %get3A_711 = tpu.vector_load %arg12[%get3A_709, %get3A_710] {strides = array<i32>} : memref<32x512xf32, #tpu.memory_space<vmem>>, vector<1x16xf32>,
      %get3A_712 = vector.shape_cast %get3A_711 : vector<1x16xf32> to vector<16xf32>
      %swap3A_713 = arith.index_cast %squeeze3A_417 : i32 to index
      %swap3A_714 = arith.constant 464 : index
      %swap3A_715 = tpu.vector_load %arg13[%swap3A_713, %swap3A_714] {strides = array<i32>} : memref<160x512xf32, #tpu.memory_space<vmem>>, vector<1x16xf32>,
      %swap3A_716 = vector.shape_cast %swap3A_715 : vector<1x16xf32> to vector<16xf32>
      %swap3A_717 = vector.shape_cast %get3A_712 : vector<16xf32> to vector<1x16xf32>
      tpu.vector_store %arg13[%swap3A_713, %swap3A_714], %swap3A_717 {add = true, strides = array<i32>} : memref<160x512xf32, #tpu.memory_space<vmem>>, vector<1x16xf32>,
      %get3A_718 = arith.constant 0 : i32
      %get3A_719 = arith.index_cast %get3A_718 : i32 to index
      %get3A_720 = arith.constant 480 : index
      %get3A_721 = tpu.vector_load %arg12[%get3A_719, %get3A_720] {strides = array<i32>} : memref<32x512xf32, #tpu.memory_space<vmem>>, vector<1x16xf32>,
      %get3A_722 = vector.shape_cast %get3A_721 : vector<1x16xf32> to vector<16xf32>
      %swap3A_723 = arith.index_cast %squeeze3A_417 : i32 to index
      %swap3A_724 = arith.constant 480 : index
      %swap3A_725 = tpu.vector_load %arg13[%swap3A_723, %swap3A_724] {strides = array<i32>} : memref<160x512xf32, #tpu.memory_space<vmem>>, vector<1x16xf32>,
      %swap3A_726 = vector.shape_cast %swap3A_725 : vector<1x16xf32> to vector<16xf32>
      %swap3A_727 = vector.shape_cast %get3A_722 : vector<16xf32> to vector<1x16xf32>
      tpu.vector_store %arg13[%swap3A_723, %swap3A_724], %swap3A_727 {add = true, strides = array<i32>} : memref<160x512xf32, #tpu.memory_space<vmem>>, vector<1x16xf32>,
      %get3A_728 = arith.constant 0 : i32
      %get3A_729 = arith.index_cast %get3A_728 : i32 to index
      %get3A_730 = arith.constant 496 : index
      %get3A_731 = tpu.vector_load %arg12[%get3A_729, %get3A_730] {strides = array<i32>} : memref<32x512xf32, #tpu.memory_space<vmem>>, vector<1x16xf32>,
      %get3A_732 = vector.shape_cast %get3A_731 : vector<1x16xf32> to vector<16xf32>
      %swap3A_733 = arith.index_cast %squeeze3A_417 : i32 to index
      %swap3A_734 = arith.constant 496 : index
      %swap3A_735 = tpu.vector_load %arg13[%swap3A_733, %swap3A_734] {strides = array<i32>} : memref<160x512xf32, #tpu.memory_space<vmem>>, vector<1x16xf32>,
      %swap3A_736 = vector.shape_cast %swap3A_735 : vector<1x16xf32> to vector<16xf32>
      %swap3A_737 = vector.shape_cast %get3A_732 : vector<16xf32> to vector<1x16xf32>
      tpu.vector_store %arg13[%swap3A_733, %swap3A_734], %swap3A_737 {add = true, strides = array<i32>} : memref<160x512xf32, #tpu.memory_space<vmem>>, vector<1x16xf32>,
      %slice3A_738 = vector.extract_strided_slice %get3A_62 {offsets = [0], sizes = [1], strides = [1]} : vector<16xi32> to vector<1xi32>
      %squeeze3A_739 = vector.extract %slice3A_738[0] : i32 from vector<1xi32>
      %shift_right_logical3A_740 = arith.constant 8 : i32
      %shift_right_logical3A_741 = arith.shrui %squeeze3A_739, %shift_right_logical3A_740 : i32
      %sub3A_742 = arith.constant 1 : i32
      %sub3A_743 = arith.subi %shift_right_logical3A_741, %sub3A_742 : i32
      %ge3A_744 = arith.constant 0 : i32
      %ge3A_745 = arith.cmpi sge, %sub3A_743, %ge3A_744 : i32
      %convert_element_type3A_746 = arith.extui %ge3A_745 : i1 to i32
      %cond3A_747 = arith.constant 0 : i32
      %cond3A_748 = arith.cmpi ne, %convert_element_type3A_746, %cond3A_747 : i32
      scf.if %cond3A_748 {
        %multiple_of3A_749 = tpu.assume_multiple %sub3A_743, 32 : i32
        "tpu.region"() ({
          %run_scoped3A = tpu.sem_alloc : memref<!tpu.dma_semaphore, #tpu.memory_space<semaphore_mem>>
          %dma_start3A = arith.constant 0 : i32
          %dma_start3A_750 = tpu.memref_slice %arg7[%multiple_of3A_749, %dma_start3A] : memref<81920x512xf32, #tpu.memory_space<hbm>> -> memref<160x512xf32, #tpu.memory_space<hbm>>
          %dma_start3A_751 = arith.constant 0 : i32
          %dma_start3A_752 = tpu.memref_slice %arg7[%multiple_of3A_749, %dma_start3A_751] : memref<81920x512xf32, #tpu.memory_space<hbm>> -> memref<160x512xf32, #tpu.memory_space<hbm>>
          tpu.enqueue_dma source(%arg13 : memref<160x512xf32, #tpu.memory_space<vmem>>) target(%dma_start3A_752 : memref<160x512xf32, #tpu.memory_space<hbm>>) target_semaphore(%run_scoped3A : memref<!tpu.dma_semaphore, #tpu.memory_space<semaphore_mem>>)
          %dma_wait3A = arith.constant 0 : i32
          %dma_wait3A_753 = tpu.memref_slice %arg7[%multiple_of3A_749, %dma_wait3A] : memref<81920x512xf32, #tpu.memory_space<hbm>> -> memref<160x512xf32, #tpu.memory_space<hbm>>
          %dma_wait3A_754 = arith.constant 0 : i32
          %dma_wait3A_755 = tpu.memref_slice %arg7[%multiple_of3A_749, %dma_wait3A_754] : memref<81920x512xf32, #tpu.memory_space<hbm>> -> memref<160x512xf32, #tpu.memory_space<hbm>>
          tpu.wait_dma2 semaphore(%run_scoped3A : memref<!tpu.dma_semaphore, #tpu.memory_space<semaphore_mem>>) src(%arg13 : memref<160x512xf32, #tpu.memory_space<vmem>>) dst(%dma_wait3A_755 : memref<160x512xf32, #tpu.memory_space<hbm>>)
          tpu.yield
        }) : () -> ()
        "tpu.region"() ({
          %run_scoped3A = tpu.sem_alloc : memref<!tpu.dma_semaphore, #tpu.memory_space<semaphore_mem>>
          %dma_start3A = arith.constant 0 : i32
          %dma_start3A_750 = arith.constant 0 : i32
          %dma_start3A_751 = tpu.memref_slice %arg13[%dma_start3A, %dma_start3A_750] : memref<160x512xf32, #tpu.memory_space<vmem>> -> memref<40x512xf32, #tpu.memory_space<vmem>>
          %dma_start3A_752 = arith.constant 0 : i32
          %dma_start3A_753 = arith.constant 0 : i32
          %dma_start3A_754 = tpu.memref_slice %arg13[%dma_start3A_752, %dma_start3A_753] : memref<160x512xf32, #tpu.memory_space<vmem>> -> memref<40x512xf32, #tpu.memory_space<vmem>>
          tpu.enqueue_dma source(%arg14 : memref<40x512xf32, #tpu.memory_space<vmem_shared>>) target(%dma_start3A_754 : memref<40x512xf32, #tpu.memory_space<vmem>>) target_semaphore(%run_scoped3A : memref<!tpu.dma_semaphore, #tpu.memory_space<semaphore_mem>>)
          %dma_wait3A = arith.constant 0 : i32
          %dma_wait3A_755 = arith.constant 0 : i32
          %dma_wait3A_756 = tpu.memref_slice %arg13[%dma_wait3A, %dma_wait3A_755] : memref<160x512xf32, #tpu.memory_space<vmem>> -> memref<40x512xf32, #tpu.memory_space<vmem>>
          %dma_wait3A_757 = arith.constant 0 : i32
          %dma_wait3A_758 = arith.constant 0 : i32
          %dma_wait3A_759 = tpu.memref_slice %arg13[%dma_wait3A_757, %dma_wait3A_758] : memref<160x512xf32, #tpu.memory_space<vmem>> -> memref<40x512xf32, #tpu.memory_space<vmem>>
          tpu.wait_dma2 semaphore(%run_scoped3A : memref<!tpu.dma_semaphore, #tpu.memory_space<semaphore_mem>>) src(%arg14 : memref<40x512xf32, #tpu.memory_space<vmem_shared>>) dst(%dma_wait3A_759 : memref<40x512xf32, #tpu.memory_space<vmem>>)
          tpu.yield
        }) : () -> ()
        "tpu.region"() ({
          %run_scoped3A = tpu.sem_alloc : memref<!tpu.dma_semaphore, #tpu.memory_space<semaphore_mem>>
          %dma_start3A = arith.constant 40 : i32
          %dma_start3A_750 = arith.constant 0 : i32
          %dma_start3A_751 = tpu.memref_slice %arg13[%dma_start3A, %dma_start3A_750] : memref<160x512xf32, #tpu.memory_space<vmem>> -> memref<40x512xf32, #tpu.memory_space<vmem>>
          %dma_start3A_752 = arith.constant 40 : i32
          %dma_start3A_753 = arith.constant 0 : i32
          %dma_start3A_754 = tpu.memref_slice %arg13[%dma_start3A_752, %dma_start3A_753] : memref<160x512xf32, #tpu.memory_space<vmem>> -> memref<40x512xf32, #tpu.memory_space<vmem>>
          tpu.enqueue_dma source(%arg14 : memref<40x512xf32, #tpu.memory_space<vmem_shared>>) target(%dma_start3A_754 : memref<40x512xf32, #tpu.memory_space<vmem>>) target_semaphore(%run_scoped3A : memref<!tpu.dma_semaphore, #tpu.memory_space<semaphore_mem>>)
          %dma_wait3A = arith.constant 40 : i32
          %dma_wait3A_755 = arith.constant 0 : i32
          %dma_wait3A_756 = tpu.memref_slice %arg13[%dma_wait3A, %dma_wait3A_755] : memref<160x512xf32, #tpu.memory_space<vmem>> -> memref<40x512xf32, #tpu.memory_space<vmem>>
          %dma_wait3A_757 = arith.constant 40 : i32
          %dma_wait3A_758 = arith.constant 0 : i32
          %dma_wait3A_759 = tpu.memref_slice %arg13[%dma_wait3A_757, %dma_wait3A_758] : memref<160x512xf32, #tpu.memory_space<vmem>> -> memref<40x512xf32, #tpu.memory_space<vmem>>
          tpu.wait_dma2 semaphore(%run_scoped3A : memref<!tpu.dma_semaphore, #tpu.memory_space<semaphore_mem>>) src(%arg14 : memref<40x512xf32, #tpu.memory_space<vmem_shared>>) dst(%dma_wait3A_759 : memref<40x512xf32, #tpu.memory_space<vmem>>)
          tpu.yield
        }) : () -> ()
        "tpu.region"() ({
          %run_scoped3A = tpu.sem_alloc : memref<!tpu.dma_semaphore, #tpu.memory_space<semaphore_mem>>
          %dma_start3A = arith.constant 80 : i32
          %dma_start3A_750 = arith.constant 0 : i32
          %dma_start3A_751 = tpu.memref_slice %arg13[%dma_start3A, %dma_start3A_750] : memref<160x512xf32, #tpu.memory_space<vmem>> -> memref<40x512xf32, #tpu.memory_space<vmem>>
          %dma_start3A_752 = arith.constant 80 : i32
          %dma_start3A_753 = arith.constant 0 : i32
          %dma_start3A_754 = tpu.memref_slice %arg13[%dma_start3A_752, %dma_start3A_753] : memref<160x512xf32, #tpu.memory_space<vmem>> -> memref<40x512xf32, #tpu.memory_space<vmem>>
          tpu.enqueue_dma source(%arg14 : memref<40x512xf32, #tpu.memory_space<vmem_shared>>) target(%dma_start3A_754 : memref<40x512xf32, #tpu.memory_space<vmem>>) target_semaphore(%run_scoped3A : memref<!tpu.dma_semaphore, #tpu.memory_space<semaphore_mem>>)
          %dma_wait3A = arith.constant 80 : i32
          %dma_wait3A_755 = arith.constant 0 : i32
          %dma_wait3A_756 = tpu.memref_slice %arg13[%dma_wait3A, %dma_wait3A_755] : memref<160x512xf32, #tpu.memory_space<vmem>> -> memref<40x512xf32, #tpu.memory_space<vmem>>
          %dma_wait3A_757 = arith.constant 80 : i32
          %dma_wait3A_758 = arith.constant 0 : i32
          %dma_wait3A_759 = tpu.memref_slice %arg13[%dma_wait3A_757, %dma_wait3A_758] : memref<160x512xf32, #tpu.memory_space<vmem>> -> memref<40x512xf32, #tpu.memory_space<vmem>>
          tpu.wait_dma2 semaphore(%run_scoped3A : memref<!tpu.dma_semaphore, #tpu.memory_space<semaphore_mem>>) src(%arg14 : memref<40x512xf32, #tpu.memory_space<vmem_shared>>) dst(%dma_wait3A_759 : memref<40x512xf32, #tpu.memory_space<vmem>>)
          tpu.yield
        }) : () -> ()
        "tpu.region"() ({
          %run_scoped3A = tpu.sem_alloc : memref<!tpu.dma_semaphore, #tpu.memory_space<semaphore_mem>>
          %dma_start3A = arith.constant 120 : i32
          %dma_start3A_750 = arith.constant 0 : i32
          %dma_start3A_751 = tpu.memref_slice %arg13[%dma_start3A, %dma_start3A_750] : memref<160x512xf32, #tpu.memory_space<vmem>> -> memref<40x512xf32, #tpu.memory_space<vmem>>
          %dma_start3A_752 = arith.constant 120 : i32
          %dma_start3A_753 = arith.constant 0 : i32
          %dma_start3A_754 = tpu.memref_slice %arg13[%dma_start3A_752, %dma_start3A_753] : memref<160x512xf32, #tpu.memory_space<vmem>> -> memref<40x512xf32, #tpu.memory_space<vmem>>
          tpu.enqueue_dma source(%arg14 : memref<40x512xf32, #tpu.memory_space<vmem_shared>>) target(%dma_start3A_754 : memref<40x512xf32, #tpu.memory_space<vmem>>) target_semaphore(%run_scoped3A : memref<!tpu.dma_semaphore, #tpu.memory_space<semaphore_mem>>)
          %dma_wait3A = arith.constant 120 : i32
          %dma_wait3A_755 = arith.constant 0 : i32
          %dma_wait3A_756 = tpu.memref_slice %arg13[%dma_wait3A, %dma_wait3A_755] : memref<160x512xf32, #tpu.memory_space<vmem>> -> memref<40x512xf32, #tpu.memory_space<vmem>>
          %dma_wait3A_757 = arith.constant 120 : i32
          %dma_wait3A_758 = arith.constant 0 : i32
          %dma_wait3A_759 = tpu.memref_slice %arg13[%dma_wait3A_757, %dma_wait3A_758] : memref<160x512xf32, #tpu.memory_space<vmem>> -> memref<40x512xf32, #tpu.memory_space<vmem>>
          tpu.wait_dma2 semaphore(%run_scoped3A : memref<!tpu.dma_semaphore, #tpu.memory_space<semaphore_mem>>) src(%arg14 : memref<40x512xf32, #tpu.memory_space<vmem_shared>>) dst(%dma_wait3A_759 : memref<40x512xf32, #tpu.memory_space<vmem>>)
          tpu.yield
        }) : () -> ()
      } else {
      }
    }
    %while3A_35 = arith.constant 1 : i32
    scf.for %while3A_36 = %while3A_33 to %while3A_29 step %while3A_35  : i32 {
      %mul3A_37 = arith.muli %while3A_36, %while3A : i32
      %add3A_38 = arith.addi %while3A_26, %mul3A_37 : i32
      %mul3A_39 = arith.constant 2 : i32
      %mul3A_40 = arith.muli %add3A_38, %mul3A_39 : i32
      %add3A_41 = arith.constant 1 : i32
      %add3A_42 = arith.addi %mul3A_40, %add3A_41 : i32
      %rem3A = arith.constant 8 : i32
      %rem3A_43 = arith.remsi %mul3A_40, %rem3A : i32
      %mul3A_44 = arith.constant 32 : i32
      %mul3A_45 = arith.muli %rem3A_43, %mul3A_44 : i32
      %get3A_46 = arith.index_cast %mul3A_45 : i32 to index
      %get3A_47 = tpu.vector_load %arg10[%get3A_46] {strides = array<i32>} : memref<256xi32, #tpu.memory_space<vmem>>, vector<16xi32>,
      %get3A_48 = vector.shape_cast %get3A_47 : vector<16xi32> to vector<16xi32>
      %mul3A_49 = arith.constant 32 : i32
      %mul3A_50 = arith.muli %rem3A_43, %mul3A_49 : i32
      %add3A_51 = arith.constant 16 : i32
      %add3A_52 = arith.addi %mul3A_50, %add3A_51 : i32
      %get3A_53 = arith.index_cast %add3A_52 : i32 to index
      %get3A_54 = tpu.vector_load %arg10[%get3A_53] {strides = array<i32>} : memref<256xi32, #tpu.memory_space<vmem>>, vector<16xi32>,
      %get3A_55 = vector.shape_cast %get3A_54 : vector<16xi32> to vector<16xi32>
      %rem3A_56 = arith.constant 8 : i32
      %rem3A_57 = arith.remsi %add3A_42, %rem3A_56 : i32
      %mul3A_58 = arith.constant 32 : i32
      %mul3A_59 = arith.muli %rem3A_57, %mul3A_58 : i32
      %get3A_60 = arith.index_cast %mul3A_59 : i32 to index
      %get3A_61 = tpu.vector_load %arg10[%get3A_60] {strides = array<i32>} : memref<256xi32, #tpu.memory_space<vmem>>, vector<16xi32>,
      %get3A_62 = vector.shape_cast %get3A_61 : vector<16xi32> to vector<16xi32>
      %mul3A_63 = arith.constant 32 : i32
      %mul3A_64 = arith.muli %rem3A_57, %mul3A_63 : i32
      %add3A_65 = arith.constant 16 : i32
      %add3A_66 = arith.addi %mul3A_64, %add3A_65 : i32
      %get3A_67 = arith.index_cast %add3A_66 : i32 to index
      %get3A_68 = tpu.vector_load %arg10[%get3A_67] {strides = array<i32>} : memref<256xi32, #tpu.memory_space<vmem>>, vector<16xi32>,
      %get3A_69 = vector.shape_cast %get3A_68 : vector<16xi32> to vector<16xi32>
      %and3A = arith.constant 255 : i32
      %and3A_70 = vector.broadcast %and3A : i32 to vector<16xi32>
      %and3A_71 = arith.andi %get3A_48, %and3A_70 : vector<16xi32>
      %and3A_72 = arith.constant 255 : i32
      %and3A_73 = vector.broadcast %and3A_72 : i32 to vector<16xi32>
      %and3A_74 = arith.andi %get3A_55, %and3A_73 : vector<16xi32>
      %slice3A_75 = vector.extract_strided_slice %and3A_71 {offsets = [0], sizes = [1], strides = [1]} : vector<16xi32> to vector<1xi32>
      %squeeze3A_76 = vector.extract %slice3A_75[0] : i32 from vector<1xi32>
      %get3A_77 = arith.constant 0 : i32
      %get3A_78 = arith.index_cast %get3A_77 : i32 to index
      %get3A_79 = arith.constant 0 : index
      %get3A_80 = tpu.vector_load %arg11[%get3A_78, %get3A_79] {strides = array<i32>} : memref<32x512xf32, #tpu.memory_space<vmem>>, vector<1x16xf32>,
      %get3A_81 = vector.shape_cast %get3A_80 : vector<1x16xf32> to vector<16xf32>
      %swap3A = arith.index_cast %squeeze3A_76 : i32 to index
      %swap3A_82 = arith.constant 0 : index
      %swap3A_83 = tpu.vector_load %arg13[%swap3A, %swap3A_82] {strides = array<i32>} : memref<160x512xf32, #tpu.memory_space<vmem>>, vector<1x16xf32>,
      %swap3A_84 = vector.shape_cast %swap3A_83 : vector<1x16xf32> to vector<16xf32>
      %swap3A_85 = vector.shape_cast %get3A_81 : vector<16xf32> to vector<1x16xf32>
      tpu.vector_store %arg13[%swap3A, %swap3A_82], %swap3A_85 {add = true, strides = array<i32>} : memref<160x512xf32, #tpu.memory_space<vmem>>, vector<1x16xf32>,
      %get3A_86 = arith.constant 0 : i32
      %get3A_87 = arith.index_cast %get3A_86 : i32 to index
      %get3A_88 = arith.constant 16 : index
      %get3A_89 = tpu.vector_load %arg11[%get3A_87, %get3A_88] {strides = array<i32>} : memref<32x512xf32, #tpu.memory_space<vmem>>, vector<1x16xf32>,
      %get3A_90 = vector.shape_cast %get3A_89 : vector<1x16xf32> to vector<16xf32>
      %swap3A_91 = arith.index_cast %squeeze3A_76 : i32 to index
      %swap3A_92 = arith.constant 16 : index
      %swap3A_93 = tpu.vector_load %arg13[%swap3A_91, %swap3A_92] {strides = array<i32>} : memref<160x512xf32, #tpu.memory_space<vmem>>, vector<1x16xf32>,
      %swap3A_94 = vector.shape_cast %swap3A_93 : vector<1x16xf32> to vector<16xf32>
      %swap3A_95 = vector.shape_cast %get3A_90 : vector<16xf32> to vector<1x16xf32>
      tpu.vector_store %arg13[%swap3A_91, %swap3A_92], %swap3A_95 {add = true, strides = array<i32>} : memref<160x512xf32, #tpu.memory_space<vmem>>, vector<1x16xf32>,
      %get3A_96 = arith.constant 0 : i32
      %get3A_97 = arith.index_cast %get3A_96 : i32 to index
      %get3A_98 = arith.constant 32 : index
      %get3A_99 = tpu.vector_load %arg11[%get3A_97, %get3A_98] {strides = array<i32>} : memref<32x512xf32, #tpu.memory_space<vmem>>, vector<1x16xf32>,
      %get3A_100 = vector.shape_cast %get3A_99 : vector<1x16xf32> to vector<16xf32>
      %swap3A_101 = arith.index_cast %squeeze3A_76 : i32 to index
      %swap3A_102 = arith.constant 32 : index
      %swap3A_103 = tpu.vector_load %arg13[%swap3A_101, %swap3A_102] {strides = array<i32>} : memref<160x512xf32, #tpu.memory_space<vmem>>, vector<1x16xf32>,
      %swap3A_104 = vector.shape_cast %swap3A_103 : vector<1x16xf32> to vector<16xf32>
      %swap3A_105 = vector.shape_cast %get3A_100 : vector<16xf32> to vector<1x16xf32>
      tpu.vector_store %arg13[%swap3A_101, %swap3A_102], %swap3A_105 {add = true, strides = array<i32>} : memref<160x512xf32, #tpu.memory_space<vmem>>, vector<1x16xf32>,
      %get3A_106 = arith.constant 0 : i32
      %get3A_107 = arith.index_cast %get3A_106 : i32 to index
      %get3A_108 = arith.constant 48 : index
      %get3A_109 = tpu.vector_load %arg11[%get3A_107, %get3A_108] {strides = array<i32>} : memref<32x512xf32, #tpu.memory_space<vmem>>, vector<1x16xf32>,
      %get3A_110 = vector.shape_cast %get3A_109 : vector<1x16xf32> to vector<16xf32>
      %swap3A_111 = arith.index_cast %squeeze3A_76 : i32 to index
      %swap3A_112 = arith.constant 48 : index
      %swap3A_113 = tpu.vector_load %arg13[%swap3A_111, %swap3A_112] {strides = array<i32>} : memref<160x512xf32, #tpu.memory_space<vmem>>, vector<1x16xf32>,
      %swap3A_114 = vector.shape_cast %swap3A_113 : vector<1x16xf32> to vector<16xf32>
      %swap3A_115 = vector.shape_cast %get3A_110 : vector<16xf32> to vector<1x16xf32>
      tpu.vector_store %arg13[%swap3A_111, %swap3A_112], %swap3A_115 {add = true, strides = array<i32>} : memref<160x512xf32, #tpu.memory_space<vmem>>, vector<1x16xf32>,
      %get3A_116 = arith.constant 0 : i32
      %get3A_117 = arith.index_cast %get3A_116 : i32 to index
      %get3A_118 = arith.constant 64 : index
      %get3A_119 = tpu.vector_load %arg11[%get3A_117, %get3A_118] {strides = array<i32>} : memref<32x512xf32, #tpu.memory_space<vmem>>, vector<1x16xf32>,
      %get3A_120 = vector.shape_cast %get3A_119 : vector<1x16xf32> to vector<16xf32>
      %swap3A_121 = arith.index_cast %squeeze3A_76 : i32 to index
      %swap3A_122 = arith.constant 64 : index
      %swap3A_123 = tpu.vector_load %arg13[%swap3A_121, %swap3A_122] {strides = array<i32>} : memref<160x512xf32, #tpu.memory_space<vmem>>, vector<1x16xf32>,
      %swap3A_124 = vector.shape_cast %swap3A_123 : vector<1x16xf32> to vector<16xf32>
      %swap3A_125 = vector.shape_cast %get3A_120 : vector<16xf32> to vector<1x16xf32>
      tpu.vector_store %arg13[%swap3A_121, %swap3A_122], %swap3A_125 {add = true, strides = array<i32>} : memref<160x512xf32, #tpu.memory_space<vmem>>, vector<1x16xf32>,
      %get3A_126 = arith.constant 0 : i32
      %get3A_127 = arith.index_cast %get3A_126 : i32 to index
      %get3A_128 = arith.constant 80 : index
      %get3A_129 = tpu.vector_load %arg11[%get3A_127, %get3A_128] {strides = array<i32>} : memref<32x512xf32, #tpu.memory_space<vmem>>, vector<1x16xf32>,
      %get3A_130 = vector.shape_cast %get3A_129 : vector<1x16xf32> to vector<16xf32>
      %swap3A_131 = arith.index_cast %squeeze3A_76 : i32 to index
      %swap3A_132 = arith.constant 80 : index
      %swap3A_133 = tpu.vector_load %arg13[%swap3A_131, %swap3A_132] {strides = array<i32>} : memref<160x512xf32, #tpu.memory_space<vmem>>, vector<1x16xf32>,
      %swap3A_134 = vector.shape_cast %swap3A_133 : vector<1x16xf32> to vector<16xf32>
      %swap3A_135 = vector.shape_cast %get3A_130 : vector<16xf32> to vector<1x16xf32>
      tpu.vector_store %arg13[%swap3A_131, %swap3A_132], %swap3A_135 {add = true, strides = array<i32>} : memref<160x512xf32, #tpu.memory_space<vmem>>, vector<1x16xf32>,
      %get3A_136 = arith.constant 0 : i32
      %get3A_137 = arith.index_cast %get3A_136 : i32 to index
      %get3A_138 = arith.constant 96 : index
      %get3A_139 = tpu.vector_load %arg11[%get3A_137, %get3A_138] {strides = array<i32>} : memref<32x512xf32, #tpu.memory_space<vmem>>, vector<1x16xf32>,
      %get3A_140 = vector.shape_cast %get3A_139 : vector<1x16xf32> to vector<16xf32>
      %swap3A_141 = arith.index_cast %squeeze3A_76 : i32 to index
      %swap3A_142 = arith.constant 96 : index
      %swap3A_143 = tpu.vector_load %arg13[%swap3A_141, %swap3A_142] {strides = array<i32>} : memref<160x512xf32, #tpu.memory_space<vmem>>, vector<1x16xf32>,
      %swap3A_144 = vector.shape_cast %swap3A_143 : vector<1x16xf32> to vector<16xf32>
      %swap3A_145 = vector.shape_cast %get3A_140 : vector<16xf32> to vector<1x16xf32>
      tpu.vector_store %arg13[%swap3A_141, %swap3A_142], %swap3A_145 {add = true, strides = array<i32>} : memref<160x512xf32, #tpu.memory_space<vmem>>, vector<1x16xf32>,
      %get3A_146 = arith.constant 0 : i32
      %get3A_147 = arith.index_cast %get3A_146 : i32 to index
      %get3A_148 = arith.constant 112 : index
      %get3A_149 = tpu.vector_load %arg11[%get3A_147, %get3A_148] {strides = array<i32>} : memref<32x512xf32, #tpu.memory_space<vmem>>, vector<1x16xf32>,
      %get3A_150 = vector.shape_cast %get3A_149 : vector<1x16xf32> to vector<16xf32>
      %swap3A_151 = arith.index_cast %squeeze3A_76 : i32 to index
      %swap3A_152 = arith.constant 112 : index
      %swap3A_153 = tpu.vector_load %arg13[%swap3A_151, %swap3A_152] {strides = array<i32>} : memref<160x512xf32, #tpu.memory_space<vmem>>, vector<1x16xf32>,
      %swap3A_154 = vector.shape_cast %swap3A_153 : vector<1x16xf32> to vector<16xf32>
      %swap3A_155 = vector.shape_cast %get3A_150 : vector<16xf32> to vector<1x16xf32>
      tpu.vector_store %arg13[%swap3A_151, %swap3A_152], %swap3A_155 {add = true, strides = array<i32>} : memref<160x512xf32, #tpu.memory_space<vmem>>, vector<1x16xf32>,
      %get3A_156 = arith.constant 0 : i32
      %get3A_157 = arith.index_cast %get3A_156 : i32 to index
      %get3A_158 = arith.constant 128 : index
      %get3A_159 = tpu.vector_load %arg11[%get3A_157, %get3A_158] {strides = array<i32>} : memref<32x512xf32, #tpu.memory_space<vmem>>, vector<1x16xf32>,
      %get3A_160 = vector.shape_cast %get3A_159 : vector<1x16xf32> to vector<16xf32>
      %swap3A_161 = arith.index_cast %squeeze3A_76 : i32 to index
      %swap3A_162 = arith.constant 128 : index
      %swap3A_163 = tpu.vector_load %arg13[%swap3A_161, %swap3A_162] {strides = array<i32>} : memref<160x512xf32, #tpu.memory_space<vmem>>, vector<1x16xf32>,
      %swap3A_164 = vector.shape_cast %swap3A_163 : vector<1x16xf32> to vector<16xf32>
      %swap3A_165 = vector.shape_cast %get3A_160 : vector<16xf32> to vector<1x16xf32>
      tpu.vector_store %arg13[%swap3A_161, %swap3A_162], %swap3A_165 {add = true, strides = array<i32>} : memref<160x512xf32, #tpu.memory_space<vmem>>, vector<1x16xf32>,
      %get3A_166 = arith.constant 0 : i32
      %get3A_167 = arith.index_cast %get3A_166 : i32 to index
      %get3A_168 = arith.constant 144 : index
      %get3A_169 = tpu.vector_load %arg11[%get3A_167, %get3A_168] {strides = array<i32>} : memref<32x512xf32, #tpu.memory_space<vmem>>, vector<1x16xf32>,
      %get3A_170 = vector.shape_cast %get3A_169 : vector<1x16xf32> to vector<16xf32>
      %swap3A_171 = arith.index_cast %squeeze3A_76 : i32 to index
      %swap3A_172 = arith.constant 144 : index
      %swap3A_173 = tpu.vector_load %arg13[%swap3A_171, %swap3A_172] {strides = array<i32>} : memref<160x512xf32, #tpu.memory_space<vmem>>, vector<1x16xf32>,
      %swap3A_174 = vector.shape_cast %swap3A_173 : vector<1x16xf32> to vector<16xf32>
      %swap3A_175 = vector.shape_cast %get3A_170 : vector<16xf32> to vector<1x16xf32>
      tpu.vector_store %arg13[%swap3A_171, %swap3A_172], %swap3A_175 {add = true, strides = array<i32>} : memref<160x512xf32, #tpu.memory_space<vmem>>, vector<1x16xf32>,
      %get3A_176 = arith.constant 0 : i32
      %get3A_177 = arith.index_cast %get3A_176 : i32 to index
      %get3A_178 = arith.constant 160 : index
      %get3A_179 = tpu.vector_load %arg11[%get3A_177, %get3A_178] {strides = array<i32>} : memref<32x512xf32, #tpu.memory_space<vmem>>, vector<1x16xf32>,
      %get3A_180 = vector.shape_cast %get3A_179 : vector<1x16xf32> to vector<16xf32>
      %swap3A_181 = arith.index_cast %squeeze3A_76 : i32 to index
      %swap3A_182 = arith.constant 160 : index
      %swap3A_183 = tpu.vector_load %arg13[%swap3A_181, %swap3A_182] {strides = array<i32>} : memref<160x512xf32, #tpu.memory_space<vmem>>, vector<1x16xf32>,
      %swap3A_184 = vector.shape_cast %swap3A_183 : vector<1x16xf32> to vector<16xf32>
      %swap3A_185 = vector.shape_cast %get3A_180 : vector<16xf32> to vector<1x16xf32>
      tpu.vector_store %arg13[%swap3A_181, %swap3A_182], %swap3A_185 {add = true, strides = array<i32>} : memref<160x512xf32, #tpu.memory_space<vmem>>, vector<1x16xf32>,
      %get3A_186 = arith.constant 0 : i32
      %get3A_187 = arith.index_cast %get3A_186 : i32 to index
      %get3A_188 = arith.constant 176 : index
      %get3A_189 = tpu.vector_load %arg11[%get3A_187, %get3A_188] {strides = array<i32>} : memref<32x512xf32, #tpu.memory_space<vmem>>, vector<1x16xf32>,
      %get3A_190 = vector.shape_cast %get3A_189 : vector<1x16xf32> to vector<16xf32>
      %swap3A_191 = arith.index_cast %squeeze3A_76 : i32 to index
      %swap3A_192 = arith.constant 176 : index
      %swap3A_193 = tpu.vector_load %arg13[%swap3A_191, %swap3A_192] {strides = array<i32>} : memref<160x512xf32, #tpu.memory_space<vmem>>, vector<1x16xf32>,
      %swap3A_194 = vector.shape_cast %swap3A_193 : vector<1x16xf32> to vector<16xf32>
      %swap3A_195 = vector.shape_cast %get3A_190 : vector<16xf32> to vector<1x16xf32>
      tpu.vector_store %arg13[%swap3A_191, %swap3A_192], %swap3A_195 {add = true, strides = array<i32>} : memref<160x512xf32, #tpu.memory_space<vmem>>, vector<1x16xf32>,
      %get3A_196 = arith.constant 0 : i32
      %get3A_197 = arith.index_cast %get3A_196 : i32 to index
      %get3A_198 = arith.constant 192 : index
      %get3A_199 = tpu.vector_load %arg11[%get3A_197, %get3A_198] {strides = array<i32>} : memref<32x512xf32, #tpu.memory_space<vmem>>, vector<1x16xf32>,
      %get3A_200 = vector.shape_cast %get3A_199 : vector<1x16xf32> to vector<16xf32>
      %swap3A_201 = arith.index_cast %squeeze3A_76 : i32 to index
      %swap3A_202 = arith.constant 192 : index
      %swap3A_203 = tpu.vector_load %arg13[%swap3A_201, %swap3A_202] {strides = array<i32>} : memref<160x512xf32, #tpu.memory_space<vmem>>, vector<1x16xf32>,
      %swap3A_204 = vector.shape_cast %swap3A_203 : vector<1x16xf32> to vector<16xf32>
      %swap3A_205 = vector.shape_cast %get3A_200 : vector<16xf32> to vector<1x16xf32>
      tpu.vector_store %arg13[%swap3A_201, %swap3A_202], %swap3A_205 {add = true, strides = array<i32>} : memref<160x512xf32, #tpu.memory_space<vmem>>, vector<1x16xf32>,
      %get3A_206 = arith.constant 0 : i32
      %get3A_207 = arith.index_cast %get3A_206 : i32 to index
      %get3A_208 = arith.constant 208 : index
      %get3A_209 = tpu.vector_load %arg11[%get3A_207, %get3A_208] {strides = array<i32>} : memref<32x512xf32, #tpu.memory_space<vmem>>, vector<1x16xf32>,
      %get3A_210 = vector.shape_cast %get3A_209 : vector<1x16xf32> to vector<16xf32>
      %swap3A_211 = arith.index_cast %squeeze3A_76 : i32 to index
      %swap3A_212 = arith.constant 208 : index
      %swap3A_213 = tpu.vector_load %arg13[%swap3A_211, %swap3A_212] {strides = array<i32>} : memref<160x512xf32, #tpu.memory_space<vmem>>, vector<1x16xf32>,
      %swap3A_214 = vector.shape_cast %swap3A_213 : vector<1x16xf32> to vector<16xf32>
      %swap3A_215 = vector.shape_cast %get3A_210 : vector<16xf32> to vector<1x16xf32>
      tpu.vector_store %arg13[%swap3A_211, %swap3A_212], %swap3A_215 {add = true, strides = array<i32>} : memref<160x512xf32, #tpu.memory_space<vmem>>, vector<1x16xf32>,
      %get3A_216 = arith.constant 0 : i32
      %get3A_217 = arith.index_cast %get3A_216 : i32 to index
      %get3A_218 = arith.constant 224 : index
      %get3A_219 = tpu.vector_load %arg11[%get3A_217, %get3A_218] {strides = array<i32>} : memref<32x512xf32, #tpu.memory_space<vmem>>, vector<1x16xf32>,
      %get3A_220 = vector.shape_cast %get3A_219 : vector<1x16xf32> to vector<16xf32>
      %swap3A_221 = arith.index_cast %squeeze3A_76 : i32 to index
      %swap3A_222 = arith.constant 224 : index
      %swap3A_223 = tpu.vector_load %arg13[%swap3A_221, %swap3A_222] {strides = array<i32>} : memref<160x512xf32, #tpu.memory_space<vmem>>, vector<1x16xf32>,
      %swap3A_224 = vector.shape_cast %swap3A_223 : vector<1x16xf32> to vector<16xf32>
      %swap3A_225 = vector.shape_cast %get3A_220 : vector<16xf32> to vector<1x16xf32>
      tpu.vector_store %arg13[%swap3A_221, %swap3A_222], %swap3A_225 {add = true, strides = array<i32>} : memref<160x512xf32, #tpu.memory_space<vmem>>, vector<1x16xf32>,
      %get3A_226 = arith.constant 0 : i32
      %get3A_227 = arith.index_cast %get3A_226 : i32 to index
      %get3A_228 = arith.constant 240 : index
      %get3A_229 = tpu.vector_load %arg11[%get3A_227, %get3A_228] {strides = array<i32>} : memref<32x512xf32, #tpu.memory_space<vmem>>, vector<1x16xf32>,
      %get3A_230 = vector.shape_cast %get3A_229 : vector<1x16xf32> to vector<16xf32>
      %swap3A_231 = arith.index_cast %squeeze3A_76 : i32 to index
      %swap3A_232 = arith.constant 240 : index
      %swap3A_233 = tpu.vector_load %arg13[%swap3A_231, %swap3A_232] {strides = array<i32>} : memref<160x512xf32, #tpu.memory_space<vmem>>, vector<1x16xf32>,
      %swap3A_234 = vector.shape_cast %swap3A_233 : vector<1x16xf32> to vector<16xf32>
      %swap3A_235 = vector.shape_cast %get3A_230 : vector<16xf32> to vector<1x16xf32>
      tpu.vector_store %arg13[%swap3A_231, %swap3A_232], %swap3A_235 {add = true, strides = array<i32>} : memref<160x512xf32, #tpu.memory_space<vmem>>, vector<1x16xf32>,
      %get3A_236 = arith.constant 0 : i32
      %get3A_237 = arith.index_cast %get3A_236 : i32 to index
      %get3A_238 = arith.constant 256 : index
      %get3A_239 = tpu.vector_load %arg11[%get3A_237, %get3A_238] {strides = array<i32>} : memref<32x512xf32, #tpu.memory_space<vmem>>, vector<1x16xf32>,
      %get3A_240 = vector.shape_cast %get3A_239 : vector<1x16xf32> to vector<16xf32>
      %swap3A_241 = arith.index_cast %squeeze3A_76 : i32 to index
      %swap3A_242 = arith.constant 256 : index
      %swap3A_243 = tpu.vector_load %arg13[%swap3A_241, %swap3A_242] {strides = array<i32>} : memref<160x512xf32, #tpu.memory_space<vmem>>, vector<1x16xf32>,
      %swap3A_244 = vector.shape_cast %swap3A_243 : vector<1x16xf32> to vector<16xf32>
      %swap3A_245 = vector.shape_cast %get3A_240 : vector<16xf32> to vector<1x16xf32>
      tpu.vector_store %arg13[%swap3A_241, %swap3A_242], %swap3A_245 {add = true, strides = array<i32>} : memref<160x512xf32, #tpu.memory_space<vmem>>, vector<1x16xf32>,
      %get3A_246 = arith.constant 0 : i32
      %get3A_247 = arith.index_cast %get3A_246 : i32 to index
      %get3A_248 = arith.constant 272 : index
      %get3A_249 = tpu.vector_load %arg11[%get3A_247, %get3A_248] {strides = array<i32>} : memref<32x512xf32, #tpu.memory_space<vmem>>, vector<1x16xf32>,
      %get3A_250 = vector.shape_cast %get3A_249 : vector<1x16xf32> to vector<16xf32>
      %swap3A_251 = arith.index_cast %squeeze3A_76 : i32 to index
      %swap3A_252 = arith.constant 272 : index
      %swap3A_253 = tpu.vector_load %arg13[%swap3A_251, %swap3A_252] {strides = array<i32>} : memref<160x512xf32, #tpu.memory_space<vmem>>, vector<1x16xf32>,
      %swap3A_254 = vector.shape_cast %swap3A_253 : vector<1x16xf32> to vector<16xf32>
      %swap3A_255 = vector.shape_cast %get3A_250 : vector<16xf32> to vector<1x16xf32>
      tpu.vector_store %arg13[%swap3A_251, %swap3A_252], %swap3A_255 {add = true, strides = array<i32>} : memref<160x512xf32, #tpu.memory_space<vmem>>, vector<1x16xf32>,
      %get3A_256 = arith.constant 0 : i32
      %get3A_257 = arith.index_cast %get3A_256 : i32 to index
      %get3A_258 = arith.constant 288 : index
      %get3A_259 = tpu.vector_load %arg11[%get3A_257, %get3A_258] {strides = array<i32>} : memref<32x512xf32, #tpu.memory_space<vmem>>, vector<1x16xf32>,
      %get3A_260 = vector.shape_cast %get3A_259 : vector<1x16xf32> to vector<16xf32>
      %swap3A_261 = arith.index_cast %squeeze3A_76 : i32 to index
      %swap3A_262 = arith.constant 288 : index
      %swap3A_263 = tpu.vector_load %arg13[%swap3A_261, %swap3A_262] {strides = array<i32>} : memref<160x512xf32, #tpu.memory_space<vmem>>, vector<1x16xf32>,
      %swap3A_264 = vector.shape_cast %swap3A_263 : vector<1x16xf32> to vector<16xf32>
      %swap3A_265 = vector.shape_cast %get3A_260 : vector<16xf32> to vector<1x16xf32>
      tpu.vector_store %arg13[%swap3A_261, %swap3A_262], %swap3A_265 {add = true, strides = array<i32>} : memref<160x512xf32, #tpu.memory_space<vmem>>, vector<1x16xf32>,
      %get3A_266 = arith.constant 0 : i32
      %get3A_267 = arith.index_cast %get3A_266 : i32 to index
      %get3A_268 = arith.constant 304 : index
      %get3A_269 = tpu.vector_load %arg11[%get3A_267, %get3A_268] {strides = array<i32>} : memref<32x512xf32, #tpu.memory_space<vmem>>, vector<1x16xf32>,
      %get3A_270 = vector.shape_cast %get3A_269 : vector<1x16xf32> to vector<16xf32>
      %swap3A_271 = arith.index_cast %squeeze3A_76 : i32 to index
      %swap3A_272 = arith.constant 304 : index
      %swap3A_273 = tpu.vector_load %arg13[%swap3A_271, %swap3A_272] {strides = array<i32>} : memref<160x512xf32, #tpu.memory_space<vmem>>, vector<1x16xf32>,
      %swap3A_274 = vector.shape_cast %swap3A_273 : vector<1x16xf32> to vector<16xf32>
      %swap3A_275 = vector.shape_cast %get3A_270 : vector<16xf32> to vector<1x16xf32>
      tpu.vector_store %arg13[%swap3A_271, %swap3A_272], %swap3A_275 {add = true, strides = array<i32>} : memref<160x512xf32, #tpu.memory_space<vmem>>, vector<1x16xf32>,
      %get3A_276 = arith.constant 0 : i32
      %get3A_277 = arith.index_cast %get3A_276 : i32 to index
      %get3A_278 = arith.constant 320 : index
      %get3A_279 = tpu.vector_load %arg11[%get3A_277, %get3A_278] {strides = array<i32>} : memref<32x512xf32, #tpu.memory_space<vmem>>, vector<1x16xf32>,
      %get3A_280 = vector.shape_cast %get3A_279 : vector<1x16xf32> to vector<16xf32>
      %swap3A_281 = arith.index_cast %squeeze3A_76 : i32 to index
      %swap3A_282 = arith.constant 320 : index
      %swap3A_283 = tpu.vector_load %arg13[%swap3A_281, %swap3A_282] {strides = array<i32>} : memref<160x512xf32, #tpu.memory_space<vmem>>, vector<1x16xf32>,
      %swap3A_284 = vector.shape_cast %swap3A_283 : vector<1x16xf32> to vector<16xf32>
      %swap3A_285 = vector.shape_cast %get3A_280 : vector<16xf32> to vector<1x16xf32>
      tpu.vector_store %arg13[%swap3A_281, %swap3A_282], %swap3A_285 {add = true, strides = array<i32>} : memref<160x512xf32, #tpu.memory_space<vmem>>, vector<1x16xf32>,
      %get3A_286 = arith.constant 0 : i32
      %get3A_287 = arith.index_cast %get3A_286 : i32 to index
      %get3A_288 = arith.constant 336 : index
      %get3A_289 = tpu.vector_load %arg11[%get3A_287, %get3A_288] {strides = array<i32>} : memref<32x512xf32, #tpu.memory_space<vmem>>, vector<1x16xf32>,
      %get3A_290 = vector.shape_cast %get3A_289 : vector<1x16xf32> to vector<16xf32>
      %swap3A_291 = arith.index_cast %squeeze3A_76 : i32 to index
      %swap3A_292 = arith.constant 336 : index
      %swap3A_293 = tpu.vector_load %arg13[%swap3A_291, %swap3A_292] {strides = array<i32>} : memref<160x512xf32, #tpu.memory_space<vmem>>, vector<1x16xf32>,
      %swap3A_294 = vector.shape_cast %swap3A_293 : vector<1x16xf32> to vector<16xf32>
      %swap3A_295 = vector.shape_cast %get3A_290 : vector<16xf32> to vector<1x16xf32>
      tpu.vector_store %arg13[%swap3A_291, %swap3A_292], %swap3A_295 {add = true, strides = array<i32>} : memref<160x512xf32, #tpu.memory_space<vmem>>, vector<1x16xf32>,
      %get3A_296 = arith.constant 0 : i32
      %get3A_297 = arith.index_cast %get3A_296 : i32 to index
      %get3A_298 = arith.constant 352 : index
      %get3A_299 = tpu.vector_load %arg11[%get3A_297, %get3A_298] {strides = array<i32>} : memref<32x512xf32, #tpu.memory_space<vmem>>, vector<1x16xf32>,
      %get3A_300 = vector.shape_cast %get3A_299 : vector<1x16xf32> to vector<16xf32>
      %swap3A_301 = arith.index_cast %squeeze3A_76 : i32 to index
      %swap3A_302 = arith.constant 352 : index
      %swap3A_303 = tpu.vector_load %arg13[%swap3A_301, %swap3A_302] {strides = array<i32>} : memref<160x512xf32, #tpu.memory_space<vmem>>, vector<1x16xf32>,
      %swap3A_304 = vector.shape_cast %swap3A_303 : vector<1x16xf32> to vector<16xf32>
      %swap3A_305 = vector.shape_cast %get3A_300 : vector<16xf32> to vector<1x16xf32>
      tpu.vector_store %arg13[%swap3A_301, %swap3A_302], %swap3A_305 {add = true, strides = array<i32>} : memref<160x512xf32, #tpu.memory_space<vmem>>, vector<1x16xf32>,
      %get3A_306 = arith.constant 0 : i32
      %get3A_307 = arith.index_cast %get3A_306 : i32 to index
      %get3A_308 = arith.constant 368 : index
      %get3A_309 = tpu.vector_load %arg11[%get3A_307, %get3A_308] {strides = array<i32>} : memref<32x512xf32, #tpu.memory_space<vmem>>, vector<1x16xf32>,
      %get3A_310 = vector.shape_cast %get3A_309 : vector<1x16xf32> to vector<16xf32>
      %swap3A_311 = arith.index_cast %squeeze3A_76 : i32 to index
      %swap3A_312 = arith.constant 368 : index
      %swap3A_313 = tpu.vector_load %arg13[%swap3A_311, %swap3A_312] {strides = array<i32>} : memref<160x512xf32, #tpu.memory_space<vmem>>, vector<1x16xf32>,
      %swap3A_314 = vector.shape_cast %swap3A_313 : vector<1x16xf32> to vector<16xf32>
      %swap3A_315 = vector.shape_cast %get3A_310 : vector<16xf32> to vector<1x16xf32>
      tpu.vector_store %arg13[%swap3A_311, %swap3A_312], %swap3A_315 {add = true, strides = array<i32>} : memref<160x512xf32, #tpu.memory_space<vmem>>, vector<1x16xf32>,
      %get3A_316 = arith.constant 0 : i32
      %get3A_317 = arith.index_cast %get3A_316 : i32 to index
      %get3A_318 = arith.constant 384 : index
      %get3A_319 = tpu.vector_load %arg11[%get3A_317, %get3A_318] {strides = array<i32>} : memref<32x512xf32, #tpu.memory_space<vmem>>, vector<1x16xf32>,
      %get3A_320 = vector.shape_cast %get3A_319 : vector<1x16xf32> to vector<16xf32>
      %swap3A_321 = arith.index_cast %squeeze3A_76 : i32 to index
      %swap3A_322 = arith.constant 384 : index
      %swap3A_323 = tpu.vector_load %arg13[%swap3A_321, %swap3A_322] {strides = array<i32>} : memref<160x512xf32, #tpu.memory_space<vmem>>, vector<1x16xf32>,
      %swap3A_324 = vector.shape_cast %swap3A_323 : vector<1x16xf32> to vector<16xf32>
      %swap3A_325 = vector.shape_cast %get3A_320 : vector<16xf32> to vector<1x16xf32>
      tpu.vector_store %arg13[%swap3A_321, %swap3A_322], %swap3A_325 {add = true, strides = array<i32>} : memref<160x512xf32, #tpu.memory_space<vmem>>, vector<1x16xf32>,
      %get3A_326 = arith.constant 0 : i32
      %get3A_327 = arith.index_cast %get3A_326 : i32 to index
      %get3A_328 = arith.constant 400 : index
      %get3A_329 = tpu.vector_load %arg11[%get3A_327, %get3A_328] {strides = array<i32>} : memref<32x512xf32, #tpu.memory_space<vmem>>, vector<1x16xf32>,
      %get3A_330 = vector.shape_cast %get3A_329 : vector<1x16xf32> to vector<16xf32>
      %swap3A_331 = arith.index_cast %squeeze3A_76 : i32 to index
      %swap3A_332 = arith.constant 400 : index
      %swap3A_333 = tpu.vector_load %arg13[%swap3A_331, %swap3A_332] {strides = array<i32>} : memref<160x512xf32, #tpu.memory_space<vmem>>, vector<1x16xf32>,
      %swap3A_334 = vector.shape_cast %swap3A_333 : vector<1x16xf32> to vector<16xf32>
      %swap3A_335 = vector.shape_cast %get3A_330 : vector<16xf32> to vector<1x16xf32>
      tpu.vector_store %arg13[%swap3A_331, %swap3A_332], %swap3A_335 {add = true, strides = array<i32>} : memref<160x512xf32, #tpu.memory_space<vmem>>, vector<1x16xf32>,
      %get3A_336 = arith.constant 0 : i32
      %get3A_337 = arith.index_cast %get3A_336 : i32 to index
      %get3A_338 = arith.constant 416 : index
      %get3A_339 = tpu.vector_load %arg11[%get3A_337, %get3A_338] {strides = array<i32>} : memref<32x512xf32, #tpu.memory_space<vmem>>, vector<1x16xf32>,
      %get3A_340 = vector.shape_cast %get3A_339 : vector<1x16xf32> to vector<16xf32>
      %swap3A_341 = arith.index_cast %squeeze3A_76 : i32 to index
      %swap3A_342 = arith.constant 416 : index
      %swap3A_343 = tpu.vector_load %arg13[%swap3A_341, %swap3A_342] {strides = array<i32>} : memref<160x512xf32, #tpu.memory_space<vmem>>, vector<1x16xf32>,
      %swap3A_344 = vector.shape_cast %swap3A_343 : vector<1x16xf32> to vector<16xf32>
      %swap3A_345 = vector.shape_cast %get3A_340 : vector<16xf32> to vector<1x16xf32>
      tpu.vector_store %arg13[%swap3A_341, %swap3A_342], %swap3A_345 {add = true, strides = array<i32>} : memref<160x512xf32, #tpu.memory_space<vmem>>, vector<1x16xf32>,
      %get3A_346 = arith.constant 0 : i32
      %get3A_347 = arith.index_cast %get3A_346 : i32 to index
      %get3A_348 = arith.constant 432 : index
      %get3A_349 = tpu.vector_load %arg11[%get3A_347, %get3A_348] {strides = array<i32>} : memref<32x512xf32, #tpu.memory_space<vmem>>, vector<1x16xf32>,
      %get3A_350 = vector.shape_cast %get3A_349 : vector<1x16xf32> to vector<16xf32>
      %swap3A_351 = arith.index_cast %squeeze3A_76 : i32 to index
      %swap3A_352 = arith.constant 432 : index
      %swap3A_353 = tpu.vector_load %arg13[%swap3A_351, %swap3A_352] {strides = array<i32>} : memref<160x512xf32, #tpu.memory_space<vmem>>, vector<1x16xf32>,
      %swap3A_354 = vector.shape_cast %swap3A_353 : vector<1x16xf32> to vector<16xf32>
      %swap3A_355 = vector.shape_cast %get3A_350 : vector<16xf32> to vector<1x16xf32>
      tpu.vector_store %arg13[%swap3A_351, %swap3A_352], %swap3A_355 {add = true, strides = array<i32>} : memref<160x512xf32, #tpu.memory_space<vmem>>, vector<1x16xf32>,
      %get3A_356 = arith.constant 0 : i32
      %get3A_357 = arith.index_cast %get3A_356 : i32 to index
      %get3A_358 = arith.constant 448 : index
      %get3A_359 = tpu.vector_load %arg11[%get3A_357, %get3A_358] {strides = array<i32>} : memref<32x512xf32, #tpu.memory_space<vmem>>, vector<1x16xf32>,
      %get3A_360 = vector.shape_cast %get3A_359 : vector<1x16xf32> to vector<16xf32>
      %swap3A_361 = arith.index_cast %squeeze3A_76 : i32 to index
      %swap3A_362 = arith.constant 448 : index
      %swap3A_363 = tpu.vector_load %arg13[%swap3A_361, %swap3A_362] {strides = array<i32>} : memref<160x512xf32, #tpu.memory_space<vmem>>, vector<1x16xf32>,
      %swap3A_364 = vector.shape_cast %swap3A_363 : vector<1x16xf32> to vector<16xf32>
      %swap3A_365 = vector.shape_cast %get3A_360 : vector<16xf32> to vector<1x16xf32>
      tpu.vector_store %arg13[%swap3A_361, %swap3A_362], %swap3A_365 {add = true, strides = array<i32>} : memref<160x512xf32, #tpu.memory_space<vmem>>, vector<1x16xf32>,
      %get3A_366 = arith.constant 0 : i32
      %get3A_367 = arith.index_cast %get3A_366 : i32 to index
      %get3A_368 = arith.constant 464 : index
      %get3A_369 = tpu.vector_load %arg11[%get3A_367, %get3A_368] {strides = array<i32>} : memref<32x512xf32, #tpu.memory_space<vmem>>, vector<1x16xf32>,
      %get3A_370 = vector.shape_cast %get3A_369 : vector<1x16xf32> to vector<16xf32>
      %swap3A_371 = arith.index_cast %squeeze3A_76 : i32 to index
      %swap3A_372 = arith.constant 464 : index
      %swap3A_373 = tpu.vector_load %arg13[%swap3A_371, %swap3A_372] {strides = array<i32>} : memref<160x512xf32, #tpu.memory_space<vmem>>, vector<1x16xf32>,
      %swap3A_374 = vector.shape_cast %swap3A_373 : vector<1x16xf32> to vector<16xf32>
      %swap3A_375 = vector.shape_cast %get3A_370 : vector<16xf32> to vector<1x16xf32>
      tpu.vector_store %arg13[%swap3A_371, %swap3A_372], %swap3A_375 {add = true, strides = array<i32>} : memref<160x512xf32, #tpu.memory_space<vmem>>, vector<1x16xf32>,
      %get3A_376 = arith.constant 0 : i32
      %get3A_377 = arith.index_cast %get3A_376 : i32 to index
      %get3A_378 = arith.constant 480 : index
      %get3A_379 = tpu.vector_load %arg11[%get3A_377, %get3A_378] {strides = array<i32>} : memref<32x512xf32, #tpu.memory_space<vmem>>, vector<1x16xf32>,
      %get3A_380 = vector.shape_cast %get3A_379 : vector<1x16xf32> to vector<16xf32>
      %swap3A_381 = arith.index_cast %squeeze3A_76 : i32 to index
      %swap3A_382 = arith.constant 480 : index
      %swap3A_383 = tpu.vector_load %arg13[%swap3A_381, %swap3A_382] {strides = array<i32>} : memref<160x512xf32, #tpu.memory_space<vmem>>, vector<1x16xf32>,
      %swap3A_384 = vector.shape_cast %swap3A_383 : vector<1x16xf32> to vector<16xf32>
      %swap3A_385 = vector.shape_cast %get3A_380 : vector<16xf32> to vector<1x16xf32>
      tpu.vector_store %arg13[%swap3A_381, %swap3A_382], %swap3A_385 {add = true, strides = array<i32>} : memref<160x512xf32, #tpu.memory_space<vmem>>, vector<1x16xf32>,
      %get3A_386 = arith.constant 0 : i32
      %get3A_387 = arith.index_cast %get3A_386 : i32 to index
      %get3A_388 = arith.constant 496 : index
      %get3A_389 = tpu.vector_load %arg11[%get3A_387, %get3A_388] {strides = array<i32>} : memref<32x512xf32, #tpu.memory_space<vmem>>, vector<1x16xf32>,
      %get3A_390 = vector.shape_cast %get3A_389 : vector<1x16xf32> to vector<16xf32>
      %swap3A_391 = arith.index_cast %squeeze3A_76 : i32 to index
      %swap3A_392 = arith.constant 496 : index
      %swap3A_393 = tpu.vector_load %arg13[%swap3A_391, %swap3A_392] {strides = array<i32>} : memref<160x512xf32, #tpu.memory_space<vmem>>, vector<1x16xf32>,
      %swap3A_394 = vector.shape_cast %swap3A_393 : vector<1x16xf32> to vector<16xf32>
      %swap3A_395 = vector.shape_cast %get3A_390 : vector<16xf32> to vector<1x16xf32>
      tpu.vector_store %arg13[%swap3A_391, %swap3A_392], %swap3A_395 {add = true, strides = array<i32>} : memref<160x512xf32, #tpu.memory_space<vmem>>, vector<1x16xf32>,
      %slice3A_396 = vector.extract_strided_slice %get3A_48 {offsets = [0], sizes = [1], strides = [1]} : vector<16xi32> to vector<1xi32>
      %squeeze3A_397 = vector.extract %slice3A_396[0] : i32 from vector<1xi32>
      %shift_right_logical3A = arith.constant 8 : i32
      %shift_right_logical3A_398 = arith.shrui %squeeze3A_397, %shift_right_logical3A : i32
      %sub3A_399 = arith.constant 1 : i32
      %sub3A_400 = arith.subi %shift_right_logical3A_398, %sub3A_399 : i32
      %ge3A = arith.constant 0 : i32
      %ge3A_401 = arith.cmpi sge, %sub3A_400, %ge3A : i32
      %convert_element_type3A_402 = arith.extui %ge3A_401 : i1 to i32
      %cond3A_403 = arith.constant 0 : i32
      %cond3A_404 = arith.cmpi ne, %convert_element_type3A_402, %cond3A_403 : i32
      scf.if %cond3A_404 {
        %multiple_of3A_749 = tpu.assume_multiple %sub3A_400, 32 : i32
        "tpu.region"() ({
          %run_scoped3A = tpu.sem_alloc : memref<!tpu.dma_semaphore, #tpu.memory_space<semaphore_mem>>
          %dma_start3A = arith.constant 0 : i32
          %dma_start3A_750 = tpu.memref_slice %arg7[%multiple_of3A_749, %dma_start3A] : memref<81920x512xf32, #tpu.memory_space<hbm>> -> memref<160x512xf32, #tpu.memory_space<hbm>>
          %dma_start3A_751 = arith.constant 0 : i32
          %dma_start3A_752 = tpu.memref_slice %arg7[%multiple_of3A_749, %dma_start3A_751] : memref<81920x512xf32, #tpu.memory_space<hbm>> -> memref<160x512xf32, #tpu.memory_space<hbm>>
          tpu.enqueue_dma source(%arg13 : memref<160x512xf32, #tpu.memory_space<vmem>>) target(%dma_start3A_752 : memref<160x512xf32, #tpu.memory_space<hbm>>) target_semaphore(%run_scoped3A : memref<!tpu.dma_semaphore, #tpu.memory_space<semaphore_mem>>)
          %dma_wait3A = arith.constant 0 : i32
          %dma_wait3A_753 = tpu.memref_slice %arg7[%multiple_of3A_749, %dma_wait3A] : memref<81920x512xf32, #tpu.memory_space<hbm>> -> memref<160x512xf32, #tpu.memory_space<hbm>>
          %dma_wait3A_754 = arith.constant 0 : i32
          %dma_wait3A_755 = tpu.memref_slice %arg7[%multiple_of3A_749, %dma_wait3A_754] : memref<81920x512xf32, #tpu.memory_space<hbm>> -> memref<160x512xf32, #tpu.memory_space<hbm>>
          tpu.wait_dma2 semaphore(%run_scoped3A : memref<!tpu.dma_semaphore, #tpu.memory_space<semaphore_mem>>) src(%arg13 : memref<160x512xf32, #tpu.memory_space<vmem>>) dst(%dma_wait3A_755 : memref<160x512xf32, #tpu.memory_space<hbm>>)
          tpu.yield
        }) : () -> ()
        "tpu.region"() ({
          %run_scoped3A = tpu.sem_alloc : memref<!tpu.dma_semaphore, #tpu.memory_space<semaphore_mem>>
          %dma_start3A = arith.constant 0 : i32
          %dma_start3A_750 = arith.constant 0 : i32
          %dma_start3A_751 = tpu.memref_slice %arg13[%dma_start3A, %dma_start3A_750] : memref<160x512xf32, #tpu.memory_space<vmem>> -> memref<40x512xf32, #tpu.memory_space<vmem>>
          %dma_start3A_752 = arith.constant 0 : i32
          %dma_start3A_753 = arith.constant 0 : i32
          %dma_start3A_754 = tpu.memref_slice %arg13[%dma_start3A_752, %dma_start3A_753] : memref<160x512xf32, #tpu.memory_space<vmem>> -> memref<40x512xf32, #tpu.memory_space<vmem>>
          tpu.enqueue_dma source(%arg14 : memref<40x512xf32, #tpu.memory_space<vmem_shared>>) target(%dma_start3A_754 : memref<40x512xf32, #tpu.memory_space<vmem>>) target_semaphore(%run_scoped3A : memref<!tpu.dma_semaphore, #tpu.memory_space<semaphore_mem>>)
          %dma_wait3A = arith.constant 0 : i32
          %dma_wait3A_755 = arith.constant 0 : i32
          %dma_wait3A_756 = tpu.memref_slice %arg13[%dma_wait3A, %dma_wait3A_755] : memref<160x512xf32, #tpu.memory_space<vmem>> -> memref<40x512xf32, #tpu.memory_space<vmem>>
          %dma_wait3A_757 = arith.constant 0 : i32
          %dma_wait3A_758 = arith.constant 0 : i32
          %dma_wait3A_759 = tpu.memref_slice %arg13[%dma_wait3A_757, %dma_wait3A_758] : memref<160x512xf32, #tpu.memory_space<vmem>> -> memref<40x512xf32, #tpu.memory_space<vmem>>
          tpu.wait_dma2 semaphore(%run_scoped3A : memref<!tpu.dma_semaphore, #tpu.memory_space<semaphore_mem>>) src(%arg14 : memref<40x512xf32, #tpu.memory_space<vmem_shared>>) dst(%dma_wait3A_759 : memref<40x512xf32, #tpu.memory_space<vmem>>)
          tpu.yield
        }) : () -> ()
        "tpu.region"() ({
          %run_scoped3A = tpu.sem_alloc : memref<!tpu.dma_semaphore, #tpu.memory_space<semaphore_mem>>
          %dma_start3A = arith.constant 40 : i32
          %dma_start3A_750 = arith.constant 0 : i32
          %dma_start3A_751 = tpu.memref_slice %arg13[%dma_start3A, %dma_start3A_750] : memref<160x512xf32, #tpu.memory_space<vmem>> -> memref<40x512xf32, #tpu.memory_space<vmem>>
          %dma_start3A_752 = arith.constant 40 : i32
          %dma_start3A_753 = arith.constant 0 : i32
          %dma_start3A_754 = tpu.memref_slice %arg13[%dma_start3A_752, %dma_start3A_753] : memref<160x512xf32, #tpu.memory_space<vmem>> -> memref<40x512xf32, #tpu.memory_space<vmem>>
          tpu.enqueue_dma source(%arg14 : memref<40x512xf32, #tpu.memory_space<vmem_shared>>) target(%dma_start3A_754 : memref<40x512xf32, #tpu.memory_space<vmem>>) target_semaphore(%run_scoped3A : memref<!tpu.dma_semaphore, #tpu.memory_space<semaphore_mem>>)
          %dma_wait3A = arith.constant 40 : i32
          %dma_wait3A_755 = arith.constant 0 : i32
          %dma_wait3A_756 = tpu.memref_slice %arg13[%dma_wait3A, %dma_wait3A_755] : memref<160x512xf32, #tpu.memory_space<vmem>> -> memref<40x512xf32, #tpu.memory_space<vmem>>
          %dma_wait3A_757 = arith.constant 40 : i32
          %dma_wait3A_758 = arith.constant 0 : i32
          %dma_wait3A_759 = tpu.memref_slice %arg13[%dma_wait3A_757, %dma_wait3A_758] : memref<160x512xf32, #tpu.memory_space<vmem>> -> memref<40x512xf32, #tpu.memory_space<vmem>>
          tpu.wait_dma2 semaphore(%run_scoped3A : memref<!tpu.dma_semaphore, #tpu.memory_space<semaphore_mem>>) src(%arg14 : memref<40x512xf32, #tpu.memory_space<vmem_shared>>) dst(%dma_wait3A_759 : memref<40x512xf32, #tpu.memory_space<vmem>>)
          tpu.yield
        }) : () -> ()
        "tpu.region"() ({
          %run_scoped3A = tpu.sem_alloc : memref<!tpu.dma_semaphore, #tpu.memory_space<semaphore_mem>>
          %dma_start3A = arith.constant 80 : i32
          %dma_start3A_750 = arith.constant 0 : i32
          %dma_start3A_751 = tpu.memref_slice %arg13[%dma_start3A, %dma_start3A_750] : memref<160x512xf32, #tpu.memory_space<vmem>> -> memref<40x512xf32, #tpu.memory_space<vmem>>
          %dma_start3A_752 = arith.constant 80 : i32
          %dma_start3A_753 = arith.constant 0 : i32
          %dma_start3A_754 = tpu.memref_slice %arg13[%dma_start3A_752, %dma_start3A_753] : memref<160x512xf32, #tpu.memory_space<vmem>> -> memref<40x512xf32, #tpu.memory_space<vmem>>
          tpu.enqueue_dma source(%arg14 : memref<40x512xf32, #tpu.memory_space<vmem_shared>>) target(%dma_start3A_754 : memref<40x512xf32, #tpu.memory_space<vmem>>) target_semaphore(%run_scoped3A : memref<!tpu.dma_semaphore, #tpu.memory_space<semaphore_mem>>)
          %dma_wait3A = arith.constant 80 : i32
          %dma_wait3A_755 = arith.constant 0 : i32
          %dma_wait3A_756 = tpu.memref_slice %arg13[%dma_wait3A, %dma_wait3A_755] : memref<160x512xf32, #tpu.memory_space<vmem>> -> memref<40x512xf32, #tpu.memory_space<vmem>>
          %dma_wait3A_757 = arith.constant 80 : i32
          %dma_wait3A_758 = arith.constant 0 : i32
          %dma_wait3A_759 = tpu.memref_slice %arg13[%dma_wait3A_757, %dma_wait3A_758] : memref<160x512xf32, #tpu.memory_space<vmem>> -> memref<40x512xf32, #tpu.memory_space<vmem>>
          tpu.wait_dma2 semaphore(%run_scoped3A : memref<!tpu.dma_semaphore, #tpu.memory_space<semaphore_mem>>) src(%arg14 : memref<40x512xf32, #tpu.memory_space<vmem_shared>>) dst(%dma_wait3A_759 : memref<40x512xf32, #tpu.memory_space<vmem>>)
          tpu.yield
        }) : () -> ()
        "tpu.region"() ({
          %run_scoped3A = tpu.sem_alloc : memref<!tpu.dma_semaphore, #tpu.memory_space<semaphore_mem>>
          %dma_start3A = arith.constant 120 : i32
          %dma_start3A_750 = arith.constant 0 : i32
          %dma_start3A_751 = tpu.memref_slice %arg13[%dma_start3A, %dma_start3A_750] : memref<160x512xf32, #tpu.memory_space<vmem>> -> memref<40x512xf32, #tpu.memory_space<vmem>>
          %dma_start3A_752 = arith.constant 120 : i32
          %dma_start3A_753 = arith.constant 0 : i32
          %dma_start3A_754 = tpu.memref_slice %arg13[%dma_start3A_752, %dma_start3A_753] : memref<160x512xf32, #tpu.memory_space<vmem>> -> memref<40x512xf32, #tpu.memory_space<vmem>>
          tpu.enqueue_dma source(%arg14 : memref<40x512xf32, #tpu.memory_space<vmem_shared>>) target(%dma_start3A_754 : memref<40x512xf32, #tpu.memory_space<vmem>>) target_semaphore(%run_scoped3A : memref<!tpu.dma_semaphore, #tpu.memory_space<semaphore_mem>>)
          %dma_wait3A = arith.constant 120 : i32
          %dma_wait3A_755 = arith.constant 0 : i32
          %dma_wait3A_756 = tpu.memref_slice %arg13[%dma_wait3A, %dma_wait3A_755] : memref<160x512xf32, #tpu.memory_space<vmem>> -> memref<40x512xf32, #tpu.memory_space<vmem>>
          %dma_wait3A_757 = arith.constant 120 : i32
          %dma_wait3A_758 = arith.constant 0 : i32
          %dma_wait3A_759 = tpu.memref_slice %arg13[%dma_wait3A_757, %dma_wait3A_758] : memref<160x512xf32, #tpu.memory_space<vmem>> -> memref<40x512xf32, #tpu.memory_space<vmem>>
          tpu.wait_dma2 semaphore(%run_scoped3A : memref<!tpu.dma_semaphore, #tpu.memory_space<semaphore_mem>>) src(%arg14 : memref<40x512xf32, #tpu.memory_space<vmem_shared>>) dst(%dma_wait3A_759 : memref<40x512xf32, #tpu.memory_space<vmem>>)
          tpu.yield
        }) : () -> ()
      } else {
      }
      %add3A_405 = arith.constant 1 : i32
      %add3A_406 = arith.addi %add3A_42, %add3A_405 : i32
      %lt3A = arith.cmpi slt, %add3A_406, %squeeze3A : i32
      %convert_element_type3A_407 = arith.extui %lt3A : i1 to i32
      %cond3A_408 = arith.constant 0 : i32
      %cond3A_409 = arith.cmpi ne, %convert_element_type3A_407, %cond3A_408 : i32
      scf.if %cond3A_409 {
        %add3A_749 = arith.constant 1 : i32
        %add3A_750 = arith.addi %add3A_42, %add3A_749 : i32
        %rem3A_751 = arith.constant 8 : i32
        %rem3A_752 = arith.remsi %add3A_750, %rem3A_751 : i32
        %eq3A = arith.constant 0 : i32
        %eq3A_753 = arith.cmpi eq, %rem3A_752, %eq3A : i32
        %convert_element_type3A_754 = arith.extui %eq3A_753 : i1 to i32
        %cond3A_755 = arith.constant 0 : i32
        %cond3A_756 = arith.cmpi ne, %convert_element_type3A_754, %cond3A_755 : i32
        scf.if %cond3A_756 {
          %add3A_759 = arith.constant 1 : i32
          %add3A_760 = arith.addi %add3A_42, %add3A_759 : i32
          %mul3A_761 = arith.constant 32 : i32
          %mul3A_762 = arith.muli %add3A_760, %mul3A_761 : i32
          %add3A_763 = arith.addi %squeeze3A_13, %mul3A_762 : i32
          %multiple_of3A_764 = tpu.assume_multiple %add3A_763, 32 : i32
          "tpu.region"() ({
            %run_scoped3A = tpu.sem_alloc : memref<!tpu.dma_semaphore, #tpu.memory_space<semaphore_mem>>
            %dma_start3A = tpu.memref_slice %arg3[%multiple_of3A_764] : memref<193024xi32, #tpu.memory_space<hbm>> -> memref<256xi32, #tpu.memory_space<hbm>>
            %dma_start3A_765 = tpu.memref_slice %arg3[%multiple_of3A_764] : memref<193024xi32, #tpu.memory_space<hbm>> -> memref<256xi32, #tpu.memory_space<hbm>>
            tpu.enqueue_dma source(%dma_start3A_765 : memref<256xi32, #tpu.memory_space<hbm>>) target(%arg9 : memref<256xi32, #tpu.memory_space<vmem>>) target_semaphore(%run_scoped3A : memref<!tpu.dma_semaphore, #tpu.memory_space<semaphore_mem>>)
            %dma_wait3A = tpu.memref_slice %arg3[%multiple_of3A_764] : memref<193024xi32, #tpu.memory_space<hbm>> -> memref<256xi32, #tpu.memory_space<hbm>>
            %dma_wait3A_766 = tpu.memref_slice %arg3[%multiple_of3A_764] : memref<193024xi32, #tpu.memory_space<hbm>> -> memref<256xi32, #tpu.memory_space<hbm>>
            tpu.wait_dma2 semaphore(%run_scoped3A : memref<!tpu.dma_semaphore, #tpu.memory_space<semaphore_mem>>) src(%dma_wait3A_766 : memref<256xi32, #tpu.memory_space<hbm>>) dst(%arg9 : memref<256xi32, #tpu.memory_space<vmem>>)
            tpu.yield
          }) : () -> ()
          "tpu.region"() ({
            %run_scoped3A = tpu.sem_alloc : memref<!tpu.dma_semaphore, #tpu.memory_space<semaphore_mem>>
            %dma_start3A = tpu.memref_slice %arg4[%multiple_of3A_764] : memref<193024xi32, #tpu.memory_space<hbm>> -> memref<256xi32, #tpu.memory_space<hbm>>
            %dma_start3A_765 = tpu.memref_slice %arg4[%multiple_of3A_764] : memref<193024xi32, #tpu.memory_space<hbm>> -> memref<256xi32, #tpu.memory_space<hbm>>
            tpu.enqueue_dma source(%dma_start3A_765 : memref<256xi32, #tpu.memory_space<hbm>>) target(%arg10 : memref<256xi32, #tpu.memory_space<vmem>>) target_semaphore(%run_scoped3A : memref<!tpu.dma_semaphore, #tpu.memory_space<semaphore_mem>>)
            %dma_wait3A = tpu.memref_slice %arg4[%multiple_of3A_764] : memref<193024xi32, #tpu.memory_space<hbm>> -> memref<256xi32, #tpu.memory_space<hbm>>
            %dma_wait3A_766 = tpu.memref_slice %arg4[%multiple_of3A_764] : memref<193024xi32, #tpu.memory_space<hbm>> -> memref<256xi32, #tpu.memory_space<hbm>>
            tpu.wait_dma2 semaphore(%run_scoped3A : memref<!tpu.dma_semaphore, #tpu.memory_space<semaphore_mem>>) src(%dma_wait3A_766 : memref<256xi32, #tpu.memory_space<hbm>>) dst(%arg10 : memref<256xi32, #tpu.memory_space<vmem>>)
            tpu.yield
          }) : () -> ()
        } else {
        }
        %add3A_757 = arith.constant 1 : i32
        %add3A_758 = arith.addi %add3A_42, %add3A_757 : i32
      } else {
      }
      %and3A_410 = arith.constant 255 : i32
      %and3A_411 = vector.broadcast %and3A_410 : i32 to vector<16xi32>
      %and3A_412 = arith.andi %get3A_62, %and3A_411 : vector<16xi32>
      %and3A_413 = arith.constant 255 : i32
      %and3A_414 = vector.broadcast %and3A_413 : i32 to vector<16xi32>
      %and3A_415 = arith.andi %get3A_69, %and3A_414 : vector<16xi32>
      %slice3A_416 = vector.extract_strided_slice %and3A_412 {offsets = [0], sizes = [1], strides = [1]} : vector<16xi32> to vector<1xi32>
      %squeeze3A_417 = vector.extract %slice3A_416[0] : i32 from vector<1xi32>
      %get3A_418 = arith.constant 0 : i32
      %get3A_419 = arith.index_cast %get3A_418 : i32 to index
      %get3A_420 = arith.constant 0 : index
      %get3A_421 = tpu.vector_load %arg12[%get3A_419, %get3A_420] {strides = array<i32>} : memref<32x512xf32, #tpu.memory_space<vmem>>, vector<1x16xf32>,
      %get3A_422 = vector.shape_cast %get3A_421 : vector<1x16xf32> to vector<16xf32>
      %swap3A_423 = arith.index_cast %squeeze3A_417 : i32 to index
      %swap3A_424 = arith.constant 0 : index
      %swap3A_425 = tpu.vector_load %arg13[%swap3A_423, %swap3A_424] {strides = array<i32>} : memref<160x512xf32, #tpu.memory_space<vmem>>, vector<1x16xf32>,
      %swap3A_426 = vector.shape_cast %swap3A_425 : vector<1x16xf32> to vector<16xf32>
      %swap3A_427 = vector.shape_cast %get3A_422 : vector<16xf32> to vector<1x16xf32>
      tpu.vector_store %arg13[%swap3A_423, %swap3A_424], %swap3A_427 {add = true, strides = array<i32>} : memref<160x512xf32, #tpu.memory_space<vmem>>, vector<1x16xf32>,
      %get3A_428 = arith.constant 0 : i32
      %get3A_429 = arith.index_cast %get3A_428 : i32 to index
      %get3A_430 = arith.constant 16 : index
      %get3A_431 = tpu.vector_load %arg12[%get3A_429, %get3A_430] {strides = array<i32>} : memref<32x512xf32, #tpu.memory_space<vmem>>, vector<1x16xf32>,
      %get3A_432 = vector.shape_cast %get3A_431 : vector<1x16xf32> to vector<16xf32>
      %swap3A_433 = arith.index_cast %squeeze3A_417 : i32 to index
      %swap3A_434 = arith.constant 16 : index
      %swap3A_435 = tpu.vector_load %arg13[%swap3A_433, %swap3A_434] {strides = array<i32>} : memref<160x512xf32, #tpu.memory_space<vmem>>, vector<1x16xf32>,
      %swap3A_436 = vector.shape_cast %swap3A_435 : vector<1x16xf32> to vector<16xf32>
      %swap3A_437 = vector.shape_cast %get3A_432 : vector<16xf32> to vector<1x16xf32>
      tpu.vector_store %arg13[%swap3A_433, %swap3A_434], %swap3A_437 {add = true, strides = array<i32>} : memref<160x512xf32, #tpu.memory_space<vmem>>, vector<1x16xf32>,
      %get3A_438 = arith.constant 0 : i32
      %get3A_439 = arith.index_cast %get3A_438 : i32 to index
      %get3A_440 = arith.constant 32 : index
      %get3A_441 = tpu.vector_load %arg12[%get3A_439, %get3A_440] {strides = array<i32>} : memref<32x512xf32, #tpu.memory_space<vmem>>, vector<1x16xf32>,
      %get3A_442 = vector.shape_cast %get3A_441 : vector<1x16xf32> to vector<16xf32>
      %swap3A_443 = arith.index_cast %squeeze3A_417 : i32 to index
      %swap3A_444 = arith.constant 32 : index
      %swap3A_445 = tpu.vector_load %arg13[%swap3A_443, %swap3A_444] {strides = array<i32>} : memref<160x512xf32, #tpu.memory_space<vmem>>, vector<1x16xf32>,
      %swap3A_446 = vector.shape_cast %swap3A_445 : vector<1x16xf32> to vector<16xf32>
      %swap3A_447 = vector.shape_cast %get3A_442 : vector<16xf32> to vector<1x16xf32>
      tpu.vector_store %arg13[%swap3A_443, %swap3A_444], %swap3A_447 {add = true, strides = array<i32>} : memref<160x512xf32, #tpu.memory_space<vmem>>, vector<1x16xf32>,
      %get3A_448 = arith.constant 0 : i32
      %get3A_449 = arith.index_cast %get3A_448 : i32 to index
      %get3A_450 = arith.constant 48 : index
      %get3A_451 = tpu.vector_load %arg12[%get3A_449, %get3A_450] {strides = array<i32>} : memref<32x512xf32, #tpu.memory_space<vmem>>, vector<1x16xf32>,
      %get3A_452 = vector.shape_cast %get3A_451 : vector<1x16xf32> to vector<16xf32>
      %swap3A_453 = arith.index_cast %squeeze3A_417 : i32 to index
      %swap3A_454 = arith.constant 48 : index
      %swap3A_455 = tpu.vector_load %arg13[%swap3A_453, %swap3A_454] {strides = array<i32>} : memref<160x512xf32, #tpu.memory_space<vmem>>, vector<1x16xf32>,
      %swap3A_456 = vector.shape_cast %swap3A_455 : vector<1x16xf32> to vector<16xf32>
      %swap3A_457 = vector.shape_cast %get3A_452 : vector<16xf32> to vector<1x16xf32>
      tpu.vector_store %arg13[%swap3A_453, %swap3A_454], %swap3A_457 {add = true, strides = array<i32>} : memref<160x512xf32, #tpu.memory_space<vmem>>, vector<1x16xf32>,
      %get3A_458 = arith.constant 0 : i32
      %get3A_459 = arith.index_cast %get3A_458 : i32 to index
      %get3A_460 = arith.constant 64 : index
      %get3A_461 = tpu.vector_load %arg12[%get3A_459, %get3A_460] {strides = array<i32>} : memref<32x512xf32, #tpu.memory_space<vmem>>, vector<1x16xf32>,
      %get3A_462 = vector.shape_cast %get3A_461 : vector<1x16xf32> to vector<16xf32>
      %swap3A_463 = arith.index_cast %squeeze3A_417 : i32 to index
      %swap3A_464 = arith.constant 64 : index
      %swap3A_465 = tpu.vector_load %arg13[%swap3A_463, %swap3A_464] {strides = array<i32>} : memref<160x512xf32, #tpu.memory_space<vmem>>, vector<1x16xf32>,
      %swap3A_466 = vector.shape_cast %swap3A_465 : vector<1x16xf32> to vector<16xf32>
      %swap3A_467 = vector.shape_cast %get3A_462 : vector<16xf32> to vector<1x16xf32>
      tpu.vector_store %arg13[%swap3A_463, %swap3A_464], %swap3A_467 {add = true, strides = array<i32>} : memref<160x512xf32, #tpu.memory_space<vmem>>, vector<1x16xf32>,
      %get3A_468 = arith.constant 0 : i32
      %get3A_469 = arith.index_cast %get3A_468 : i32 to index
      %get3A_470 = arith.constant 80 : index
      %get3A_471 = tpu.vector_load %arg12[%get3A_469, %get3A_470] {strides = array<i32>} : memref<32x512xf32, #tpu.memory_space<vmem>>, vector<1x16xf32>,
      %get3A_472 = vector.shape_cast %get3A_471 : vector<1x16xf32> to vector<16xf32>
      %swap3A_473 = arith.index_cast %squeeze3A_417 : i32 to index
      %swap3A_474 = arith.constant 80 : index
      %swap3A_475 = tpu.vector_load %arg13[%swap3A_473, %swap3A_474] {strides = array<i32>} : memref<160x512xf32, #tpu.memory_space<vmem>>, vector<1x16xf32>,
      %swap3A_476 = vector.shape_cast %swap3A_475 : vector<1x16xf32> to vector<16xf32>
      %swap3A_477 = vector.shape_cast %get3A_472 : vector<16xf32> to vector<1x16xf32>
      tpu.vector_store %arg13[%swap3A_473, %swap3A_474], %swap3A_477 {add = true, strides = array<i32>} : memref<160x512xf32, #tpu.memory_space<vmem>>, vector<1x16xf32>,
      %get3A_478 = arith.constant 0 : i32
      %get3A_479 = arith.index_cast %get3A_478 : i32 to index
      %get3A_480 = arith.constant 96 : index
      %get3A_481 = tpu.vector_load %arg12[%get3A_479, %get3A_480] {strides = array<i32>} : memref<32x512xf32, #tpu.memory_space<vmem>>, vector<1x16xf32>,
      %get3A_482 = vector.shape_cast %get3A_481 : vector<1x16xf32> to vector<16xf32>
      %swap3A_483 = arith.index_cast %squeeze3A_417 : i32 to index
      %swap3A_484 = arith.constant 96 : index
      %swap3A_485 = tpu.vector_load %arg13[%swap3A_483, %swap3A_484] {strides = array<i32>} : memref<160x512xf32, #tpu.memory_space<vmem>>, vector<1x16xf32>,
      %swap3A_486 = vector.shape_cast %swap3A_485 : vector<1x16xf32> to vector<16xf32>
      %swap3A_487 = vector.shape_cast %get3A_482 : vector<16xf32> to vector<1x16xf32>
      tpu.vector_store %arg13[%swap3A_483, %swap3A_484], %swap3A_487 {add = true, strides = array<i32>} : memref<160x512xf32, #tpu.memory_space<vmem>>, vector<1x16xf32>,
      %get3A_488 = arith.constant 0 : i32
      %get3A_489 = arith.index_cast %get3A_488 : i32 to index
      %get3A_490 = arith.constant 112 : index
      %get3A_491 = tpu.vector_load %arg12[%get3A_489, %get3A_490] {strides = array<i32>} : memref<32x512xf32, #tpu.memory_space<vmem>>, vector<1x16xf32>,
      %get3A_492 = vector.shape_cast %get3A_491 : vector<1x16xf32> to vector<16xf32>
      %swap3A_493 = arith.index_cast %squeeze3A_417 : i32 to index
      %swap3A_494 = arith.constant 112 : index
      %swap3A_495 = tpu.vector_load %arg13[%swap3A_493, %swap3A_494] {strides = array<i32>} : memref<160x512xf32, #tpu.memory_space<vmem>>, vector<1x16xf32>,
      %swap3A_496 = vector.shape_cast %swap3A_495 : vector<1x16xf32> to vector<16xf32>
      %swap3A_497 = vector.shape_cast %get3A_492 : vector<16xf32> to vector<1x16xf32>
      tpu.vector_store %arg13[%swap3A_493, %swap3A_494], %swap3A_497 {add = true, strides = array<i32>} : memref<160x512xf32, #tpu.memory_space<vmem>>, vector<1x16xf32>,
      %get3A_498 = arith.constant 0 : i32
      %get3A_499 = arith.index_cast %get3A_498 : i32 to index
      %get3A_500 = arith.constant 128 : index
      %get3A_501 = tpu.vector_load %arg12[%get3A_499, %get3A_500] {strides = array<i32>} : memref<32x512xf32, #tpu.memory_space<vmem>>, vector<1x16xf32>,
      %get3A_502 = vector.shape_cast %get3A_501 : vector<1x16xf32> to vector<16xf32>
      %swap3A_503 = arith.index_cast %squeeze3A_417 : i32 to index
      %swap3A_504 = arith.constant 128 : index
      %swap3A_505 = tpu.vector_load %arg13[%swap3A_503, %swap3A_504] {strides = array<i32>} : memref<160x512xf32, #tpu.memory_space<vmem>>, vector<1x16xf32>,
      %swap3A_506 = vector.shape_cast %swap3A_505 : vector<1x16xf32> to vector<16xf32>
      %swap3A_507 = vector.shape_cast %get3A_502 : vector<16xf32> to vector<1x16xf32>
      tpu.vector_store %arg13[%swap3A_503, %swap3A_504], %swap3A_507 {add = true, strides = array<i32>} : memref<160x512xf32, #tpu.memory_space<vmem>>, vector<1x16xf32>,
      %get3A_508 = arith.constant 0 : i32
      %get3A_509 = arith.index_cast %get3A_508 : i32 to index
      %get3A_510 = arith.constant 144 : index
      %get3A_511 = tpu.vector_load %arg12[%get3A_509, %get3A_510] {strides = array<i32>} : memref<32x512xf32, #tpu.memory_space<vmem>>, vector<1x16xf32>,
      %get3A_512 = vector.shape_cast %get3A_511 : vector<1x16xf32> to vector<16xf32>
      %swap3A_513 = arith.index_cast %squeeze3A_417 : i32 to index
      %swap3A_514 = arith.constant 144 : index
      %swap3A_515 = tpu.vector_load %arg13[%swap3A_513, %swap3A_514] {strides = array<i32>} : memref<160x512xf32, #tpu.memory_space<vmem>>, vector<1x16xf32>,
      %swap3A_516 = vector.shape_cast %swap3A_515 : vector<1x16xf32> to vector<16xf32>
      %swap3A_517 = vector.shape_cast %get3A_512 : vector<16xf32> to vector<1x16xf32>
      tpu.vector_store %arg13[%swap3A_513, %swap3A_514], %swap3A_517 {add = true, strides = array<i32>} : memref<160x512xf32, #tpu.memory_space<vmem>>, vector<1x16xf32>,
      %get3A_518 = arith.constant 0 : i32
      %get3A_519 = arith.index_cast %get3A_518 : i32 to index
      %get3A_520 = arith.constant 160 : index
      %get3A_521 = tpu.vector_load %arg12[%get3A_519, %get3A_520] {strides = array<i32>} : memref<32x512xf32, #tpu.memory_space<vmem>>, vector<1x16xf32>,
      %get3A_522 = vector.shape_cast %get3A_521 : vector<1x16xf32> to vector<16xf32>
      %swap3A_523 = arith.index_cast %squeeze3A_417 : i32 to index
      %swap3A_524 = arith.constant 160 : index
      %swap3A_525 = tpu.vector_load %arg13[%swap3A_523, %swap3A_524] {strides = array<i32>} : memref<160x512xf32, #tpu.memory_space<vmem>>, vector<1x16xf32>,
      %swap3A_526 = vector.shape_cast %swap3A_525 : vector<1x16xf32> to vector<16xf32>
      %swap3A_527 = vector.shape_cast %get3A_522 : vector<16xf32> to vector<1x16xf32>
      tpu.vector_store %arg13[%swap3A_523, %swap3A_524], %swap3A_527 {add = true, strides = array<i32>} : memref<160x512xf32, #tpu.memory_space<vmem>>, vector<1x16xf32>,
      %get3A_528 = arith.constant 0 : i32
      %get3A_529 = arith.index_cast %get3A_528 : i32 to index
      %get3A_530 = arith.constant 176 : index
      %get3A_531 = tpu.vector_load %arg12[%get3A_529, %get3A_530] {strides = array<i32>} : memref<32x512xf32, #tpu.memory_space<vmem>>, vector<1x16xf32>,
      %get3A_532 = vector.shape_cast %get3A_531 : vector<1x16xf32> to vector<16xf32>
      %swap3A_533 = arith.index_cast %squeeze3A_417 : i32 to index
      %swap3A_534 = arith.constant 176 : index
      %swap3A_535 = tpu.vector_load %arg13[%swap3A_533, %swap3A_534] {strides = array<i32>} : memref<160x512xf32, #tpu.memory_space<vmem>>, vector<1x16xf32>,
      %swap3A_536 = vector.shape_cast %swap3A_535 : vector<1x16xf32> to vector<16xf32>
      %swap3A_537 = vector.shape_cast %get3A_532 : vector<16xf32> to vector<1x16xf32>
      tpu.vector_store %arg13[%swap3A_533, %swap3A_534], %swap3A_537 {add = true, strides = array<i32>} : memref<160x512xf32, #tpu.memory_space<vmem>>, vector<1x16xf32>,
      %get3A_538 = arith.constant 0 : i32
      %get3A_539 = arith.index_cast %get3A_538 : i32 to index
      %get3A_540 = arith.constant 192 : index
      %get3A_541 = tpu.vector_load %arg12[%get3A_539, %get3A_540] {strides = array<i32>} : memref<32x512xf32, #tpu.memory_space<vmem>>, vector<1x16xf32>,
      %get3A_542 = vector.shape_cast %get3A_541 : vector<1x16xf32> to vector<16xf32>
      %swap3A_543 = arith.index_cast %squeeze3A_417 : i32 to index
      %swap3A_544 = arith.constant 192 : index
      %swap3A_545 = tpu.vector_load %arg13[%swap3A_543, %swap3A_544] {strides = array<i32>} : memref<160x512xf32, #tpu.memory_space<vmem>>, vector<1x16xf32>,
      %swap3A_546 = vector.shape_cast %swap3A_545 : vector<1x16xf32> to vector<16xf32>
      %swap3A_547 = vector.shape_cast %get3A_542 : vector<16xf32> to vector<1x16xf32>
      tpu.vector_store %arg13[%swap3A_543, %swap3A_544], %swap3A_547 {add = true, strides = array<i32>} : memref<160x512xf32, #tpu.memory_space<vmem>>, vector<1x16xf32>,
      %get3A_548 = arith.constant 0 : i32
      %get3A_549 = arith.index_cast %get3A_548 : i32 to index
      %get3A_550 = arith.constant 208 : index
      %get3A_551 = tpu.vector_load %arg12[%get3A_549, %get3A_550] {strides = array<i32>} : memref<32x512xf32, #tpu.memory_space<vmem>>, vector<1x16xf32>,
      %get3A_552 = vector.shape_cast %get3A_551 : vector<1x16xf32> to vector<16xf32>
      %swap3A_553 = arith.index_cast %squeeze3A_417 : i32 to index
      %swap3A_554 = arith.constant 208 : index
      %swap3A_555 = tpu.vector_load %arg13[%swap3A_553, %swap3A_554] {strides = array<i32>} : memref<160x512xf32, #tpu.memory_space<vmem>>, vector<1x16xf32>,
      %swap3A_556 = vector.shape_cast %swap3A_555 : vector<1x16xf32> to vector<16xf32>
      %swap3A_557 = vector.shape_cast %get3A_552 : vector<16xf32> to vector<1x16xf32>
      tpu.vector_store %arg13[%swap3A_553, %swap3A_554], %swap3A_557 {add = true, strides = array<i32>} : memref<160x512xf32, #tpu.memory_space<vmem>>, vector<1x16xf32>,
      %get3A_558 = arith.constant 0 : i32
      %get3A_559 = arith.index_cast %get3A_558 : i32 to index
      %get3A_560 = arith.constant 224 : index
      %get3A_561 = tpu.vector_load %arg12[%get3A_559, %get3A_560] {strides = array<i32>} : memref<32x512xf32, #tpu.memory_space<vmem>>, vector<1x16xf32>,
      %get3A_562 = vector.shape_cast %get3A_561 : vector<1x16xf32> to vector<16xf32>
      %swap3A_563 = arith.index_cast %squeeze3A_417 : i32 to index
      %swap3A_564 = arith.constant 224 : index
      %swap3A_565 = tpu.vector_load %arg13[%swap3A_563, %swap3A_564] {strides = array<i32>} : memref<160x512xf32, #tpu.memory_space<vmem>>, vector<1x16xf32>,
      %swap3A_566 = vector.shape_cast %swap3A_565 : vector<1x16xf32> to vector<16xf32>
      %swap3A_567 = vector.shape_cast %get3A_562 : vector<16xf32> to vector<1x16xf32>
      tpu.vector_store %arg13[%swap3A_563, %swap3A_564], %swap3A_567 {add = true, strides = array<i32>} : memref<160x512xf32, #tpu.memory_space<vmem>>, vector<1x16xf32>,
      %get3A_568 = arith.constant 0 : i32
      %get3A_569 = arith.index_cast %get3A_568 : i32 to index
      %get3A_570 = arith.constant 240 : index
      %get3A_571 = tpu.vector_load %arg12[%get3A_569, %get3A_570] {strides = array<i32>} : memref<32x512xf32, #tpu.memory_space<vmem>>, vector<1x16xf32>,
      %get3A_572 = vector.shape_cast %get3A_571 : vector<1x16xf32> to vector<16xf32>
      %swap3A_573 = arith.index_cast %squeeze3A_417 : i32 to index
      %swap3A_574 = arith.constant 240 : index
      %swap3A_575 = tpu.vector_load %arg13[%swap3A_573, %swap3A_574] {strides = array<i32>} : memref<160x512xf32, #tpu.memory_space<vmem>>, vector<1x16xf32>,
      %swap3A_576 = vector.shape_cast %swap3A_575 : vector<1x16xf32> to vector<16xf32>
      %swap3A_577 = vector.shape_cast %get3A_572 : vector<16xf32> to vector<1x16xf32>
      tpu.vector_store %arg13[%swap3A_573, %swap3A_574], %swap3A_577 {add = true, strides = array<i32>} : memref<160x512xf32, #tpu.memory_space<vmem>>, vector<1x16xf32>,
      %get3A_578 = arith.constant 0 : i32
      %get3A_579 = arith.index_cast %get3A_578 : i32 to index
      %get3A_580 = arith.constant 256 : index
      %get3A_581 = tpu.vector_load %arg12[%get3A_579, %get3A_580] {strides = array<i32>} : memref<32x512xf32, #tpu.memory_space<vmem>>, vector<1x16xf32>,
      %get3A_582 = vector.shape_cast %get3A_581 : vector<1x16xf32> to vector<16xf32>
      %swap3A_583 = arith.index_cast %squeeze3A_417 : i32 to index
      %swap3A_584 = arith.constant 256 : index
      %swap3A_585 = tpu.vector_load %arg13[%swap3A_583, %swap3A_584] {strides = array<i32>} : memref<160x512xf32, #tpu.memory_space<vmem>>, vector<1x16xf32>,
      %swap3A_586 = vector.shape_cast %swap3A_585 : vector<1x16xf32> to vector<16xf32>
      %swap3A_587 = vector.shape_cast %get3A_582 : vector<16xf32> to vector<1x16xf32>
      tpu.vector_store %arg13[%swap3A_583, %swap3A_584], %swap3A_587 {add = true, strides = array<i32>} : memref<160x512xf32, #tpu.memory_space<vmem>>, vector<1x16xf32>,
      %get3A_588 = arith.constant 0 : i32
      %get3A_589 = arith.index_cast %get3A_588 : i32 to index
      %get3A_590 = arith.constant 272 : index
      %get3A_591 = tpu.vector_load %arg12[%get3A_589, %get3A_590] {strides = array<i32>} : memref<32x512xf32, #tpu.memory_space<vmem>>, vector<1x16xf32>,
      %get3A_592 = vector.shape_cast %get3A_591 : vector<1x16xf32> to vector<16xf32>
      %swap3A_593 = arith.index_cast %squeeze3A_417 : i32 to index
      %swap3A_594 = arith.constant 272 : index
      %swap3A_595 = tpu.vector_load %arg13[%swap3A_593, %swap3A_594] {strides = array<i32>} : memref<160x512xf32, #tpu.memory_space<vmem>>, vector<1x16xf32>,
      %swap3A_596 = vector.shape_cast %swap3A_595 : vector<1x16xf32> to vector<16xf32>
      %swap3A_597 = vector.shape_cast %get3A_592 : vector<16xf32> to vector<1x16xf32>
      tpu.vector_store %arg13[%swap3A_593, %swap3A_594], %swap3A_597 {add = true, strides = array<i32>} : memref<160x512xf32, #tpu.memory_space<vmem>>, vector<1x16xf32>,
      %get3A_598 = arith.constant 0 : i32
      %get3A_599 = arith.index_cast %get3A_598 : i32 to index
      %get3A_600 = arith.constant 288 : index
      %get3A_601 = tpu.vector_load %arg12[%get3A_599, %get3A_600] {strides = array<i32>} : memref<32x512xf32, #tpu.memory_space<vmem>>, vector<1x16xf32>,
      %get3A_602 = vector.shape_cast %get3A_601 : vector<1x16xf32> to vector<16xf32>
      %swap3A_603 = arith.index_cast %squeeze3A_417 : i32 to index
      %swap3A_604 = arith.constant 288 : index
      %swap3A_605 = tpu.vector_load %arg13[%swap3A_603, %swap3A_604] {strides = array<i32>} : memref<160x512xf32, #tpu.memory_space<vmem>>, vector<1x16xf32>,
      %swap3A_606 = vector.shape_cast %swap3A_605 : vector<1x16xf32> to vector<16xf32>
      %swap3A_607 = vector.shape_cast %get3A_602 : vector<16xf32> to vector<1x16xf32>
      tpu.vector_store %arg13[%swap3A_603, %swap3A_604], %swap3A_607 {add = true, strides = array<i32>} : memref<160x512xf32, #tpu.memory_space<vmem>>, vector<1x16xf32>,
      %get3A_608 = arith.constant 0 : i32
      %get3A_609 = arith.index_cast %get3A_608 : i32 to index
      %get3A_610 = arith.constant 304 : index
      %get3A_611 = tpu.vector_load %arg12[%get3A_609, %get3A_610] {strides = array<i32>} : memref<32x512xf32, #tpu.memory_space<vmem>>, vector<1x16xf32>,
      %get3A_612 = vector.shape_cast %get3A_611 : vector<1x16xf32> to vector<16xf32>
      %swap3A_613 = arith.index_cast %squeeze3A_417 : i32 to index
      %swap3A_614 = arith.constant 304 : index
      %swap3A_615 = tpu.vector_load %arg13[%swap3A_613, %swap3A_614] {strides = array<i32>} : memref<160x512xf32, #tpu.memory_space<vmem>>, vector<1x16xf32>,
      %swap3A_616 = vector.shape_cast %swap3A_615 : vector<1x16xf32> to vector<16xf32>
      %swap3A_617 = vector.shape_cast %get3A_612 : vector<16xf32> to vector<1x16xf32>
      tpu.vector_store %arg13[%swap3A_613, %swap3A_614], %swap3A_617 {add = true, strides = array<i32>} : memref<160x512xf32, #tpu.memory_space<vmem>>, vector<1x16xf32>,
      %get3A_618 = arith.constant 0 : i32
      %get3A_619 = arith.index_cast %get3A_618 : i32 to index
      %get3A_620 = arith.constant 320 : index
      %get3A_621 = tpu.vector_load %arg12[%get3A_619, %get3A_620] {strides = array<i32>} : memref<32x512xf32, #tpu.memory_space<vmem>>, vector<1x16xf32>,
      %get3A_622 = vector.shape_cast %get3A_621 : vector<1x16xf32> to vector<16xf32>
      %swap3A_623 = arith.index_cast %squeeze3A_417 : i32 to index
      %swap3A_624 = arith.constant 320 : index
      %swap3A_625 = tpu.vector_load %arg13[%swap3A_623, %swap3A_624] {strides = array<i32>} : memref<160x512xf32, #tpu.memory_space<vmem>>, vector<1x16xf32>,
      %swap3A_626 = vector.shape_cast %swap3A_625 : vector<1x16xf32> to vector<16xf32>
      %swap3A_627 = vector.shape_cast %get3A_622 : vector<16xf32> to vector<1x16xf32>
      tpu.vector_store %arg13[%swap3A_623, %swap3A_624], %swap3A_627 {add = true, strides = array<i32>} : memref<160x512xf32, #tpu.memory_space<vmem>>, vector<1x16xf32>,
      %get3A_628 = arith.constant 0 : i32
      %get3A_629 = arith.index_cast %get3A_628 : i32 to index
      %get3A_630 = arith.constant 336 : index
      %get3A_631 = tpu.vector_load %arg12[%get3A_629, %get3A_630] {strides = array<i32>} : memref<32x512xf32, #tpu.memory_space<vmem>>, vector<1x16xf32>,
      %get3A_632 = vector.shape_cast %get3A_631 : vector<1x16xf32> to vector<16xf32>
      %swap3A_633 = arith.index_cast %squeeze3A_417 : i32 to index
      %swap3A_634 = arith.constant 336 : index
      %swap3A_635 = tpu.vector_load %arg13[%swap3A_633, %swap3A_634] {strides = array<i32>} : memref<160x512xf32, #tpu.memory_space<vmem>>, vector<1x16xf32>,
      %swap3A_636 = vector.shape_cast %swap3A_635 : vector<1x16xf32> to vector<16xf32>
      %swap3A_637 = vector.shape_cast %get3A_632 : vector<16xf32> to vector<1x16xf32>
      tpu.vector_store %arg13[%swap3A_633, %swap3A_634], %swap3A_637 {add = true, strides = array<i32>} : memref<160x512xf32, #tpu.memory_space<vmem>>, vector<1x16xf32>,
      %get3A_638 = arith.constant 0 : i32
      %get3A_639 = arith.index_cast %get3A_638 : i32 to index
      %get3A_640 = arith.constant 352 : index
      %get3A_641 = tpu.vector_load %arg12[%get3A_639, %get3A_640] {strides = array<i32>} : memref<32x512xf32, #tpu.memory_space<vmem>>, vector<1x16xf32>,
      %get3A_642 = vector.shape_cast %get3A_641 : vector<1x16xf32> to vector<16xf32>
      %swap3A_643 = arith.index_cast %squeeze3A_417 : i32 to index
      %swap3A_644 = arith.constant 352 : index
      %swap3A_645 = tpu.vector_load %arg13[%swap3A_643, %swap3A_644] {strides = array<i32>} : memref<160x512xf32, #tpu.memory_space<vmem>>, vector<1x16xf32>,
      %swap3A_646 = vector.shape_cast %swap3A_645 : vector<1x16xf32> to vector<16xf32>
      %swap3A_647 = vector.shape_cast %get3A_642 : vector<16xf32> to vector<1x16xf32>
      tpu.vector_store %arg13[%swap3A_643, %swap3A_644], %swap3A_647 {add = true, strides = array<i32>} : memref<160x512xf32, #tpu.memory_space<vmem>>, vector<1x16xf32>,
      %get3A_648 = arith.constant 0 : i32
      %get3A_649 = arith.index_cast %get3A_648 : i32 to index
      %get3A_650 = arith.constant 368 : index
      %get3A_651 = tpu.vector_load %arg12[%get3A_649, %get3A_650] {strides = array<i32>} : memref<32x512xf32, #tpu.memory_space<vmem>>, vector<1x16xf32>,
      %get3A_652 = vector.shape_cast %get3A_651 : vector<1x16xf32> to vector<16xf32>
      %swap3A_653 = arith.index_cast %squeeze3A_417 : i32 to index
      %swap3A_654 = arith.constant 368 : index
      %swap3A_655 = tpu.vector_load %arg13[%swap3A_653, %swap3A_654] {strides = array<i32>} : memref<160x512xf32, #tpu.memory_space<vmem>>, vector<1x16xf32>,
      %swap3A_656 = vector.shape_cast %swap3A_655 : vector<1x16xf32> to vector<16xf32>
      %swap3A_657 = vector.shape_cast %get3A_652 : vector<16xf32> to vector<1x16xf32>
      tpu.vector_store %arg13[%swap3A_653, %swap3A_654], %swap3A_657 {add = true, strides = array<i32>} : memref<160x512xf32, #tpu.memory_space<vmem>>, vector<1x16xf32>,
      %get3A_658 = arith.constant 0 : i32
      %get3A_659 = arith.index_cast %get3A_658 : i32 to index
      %get3A_660 = arith.constant 384 : index
      %get3A_661 = tpu.vector_load %arg12[%get3A_659, %get3A_660] {strides = array<i32>} : memref<32x512xf32, #tpu.memory_space<vmem>>, vector<1x16xf32>,
      %get3A_662 = vector.shape_cast %get3A_661 : vector<1x16xf32> to vector<16xf32>
      %swap3A_663 = arith.index_cast %squeeze3A_417 : i32 to index
      %swap3A_664 = arith.constant 384 : index
      %swap3A_665 = tpu.vector_load %arg13[%swap3A_663, %swap3A_664] {strides = array<i32>} : memref<160x512xf32, #tpu.memory_space<vmem>>, vector<1x16xf32>,
      %swap3A_666 = vector.shape_cast %swap3A_665 : vector<1x16xf32> to vector<16xf32>
      %swap3A_667 = vector.shape_cast %get3A_662 : vector<16xf32> to vector<1x16xf32>
      tpu.vector_store %arg13[%swap3A_663, %swap3A_664], %swap3A_667 {add = true, strides = array<i32>} : memref<160x512xf32, #tpu.memory_space<vmem>>, vector<1x16xf32>,
      %get3A_668 = arith.constant 0 : i32
      %get3A_669 = arith.index_cast %get3A_668 : i32 to index
      %get3A_670 = arith.constant 400 : index
      %get3A_671 = tpu.vector_load %arg12[%get3A_669, %get3A_670] {strides = array<i32>} : memref<32x512xf32, #tpu.memory_space<vmem>>, vector<1x16xf32>,
      %get3A_672 = vector.shape_cast %get3A_671 : vector<1x16xf32> to vector<16xf32>
      %swap3A_673 = arith.index_cast %squeeze3A_417 : i32 to index
      %swap3A_674 = arith.constant 400 : index
      %swap3A_675 = tpu.vector_load %arg13[%swap3A_673, %swap3A_674] {strides = array<i32>} : memref<160x512xf32, #tpu.memory_space<vmem>>, vector<1x16xf32>,
      %swap3A_676 = vector.shape_cast %swap3A_675 : vector<1x16xf32> to vector<16xf32>
      %swap3A_677 = vector.shape_cast %get3A_672 : vector<16xf32> to vector<1x16xf32>
      tpu.vector_store %arg13[%swap3A_673, %swap3A_674], %swap3A_677 {add = true, strides = array<i32>} : memref<160x512xf32, #tpu.memory_space<vmem>>, vector<1x16xf32>,
      %get3A_678 = arith.constant 0 : i32
      %get3A_679 = arith.index_cast %get3A_678 : i32 to index
      %get3A_680 = arith.constant 416 : index
      %get3A_681 = tpu.vector_load %arg12[%get3A_679, %get3A_680] {strides = array<i32>} : memref<32x512xf32, #tpu.memory_space<vmem>>, vector<1x16xf32>,
      %get3A_682 = vector.shape_cast %get3A_681 : vector<1x16xf32> to vector<16xf32>
      %swap3A_683 = arith.index_cast %squeeze3A_417 : i32 to index
      %swap3A_684 = arith.constant 416 : index
      %swap3A_685 = tpu.vector_load %arg13[%swap3A_683, %swap3A_684] {strides = array<i32>} : memref<160x512xf32, #tpu.memory_space<vmem>>, vector<1x16xf32>,
      %swap3A_686 = vector.shape_cast %swap3A_685 : vector<1x16xf32> to vector<16xf32>
      %swap3A_687 = vector.shape_cast %get3A_682 : vector<16xf32> to vector<1x16xf32>
      tpu.vector_store %arg13[%swap3A_683, %swap3A_684], %swap3A_687 {add = true, strides = array<i32>} : memref<160x512xf32, #tpu.memory_space<vmem>>, vector<1x16xf32>,
      %get3A_688 = arith.constant 0 : i32
      %get3A_689 = arith.index_cast %get3A_688 : i32 to index
      %get3A_690 = arith.constant 432 : index
      %get3A_691 = tpu.vector_load %arg12[%get3A_689, %get3A_690] {strides = array<i32>} : memref<32x512xf32, #tpu.memory_space<vmem>>, vector<1x16xf32>,
      %get3A_692 = vector.shape_cast %get3A_691 : vector<1x16xf32> to vector<16xf32>
      %swap3A_693 = arith.index_cast %squeeze3A_417 : i32 to index
      %swap3A_694 = arith.constant 432 : index
      %swap3A_695 = tpu.vector_load %arg13[%swap3A_693, %swap3A_694] {strides = array<i32>} : memref<160x512xf32, #tpu.memory_space<vmem>>, vector<1x16xf32>,
      %swap3A_696 = vector.shape_cast %swap3A_695 : vector<1x16xf32> to vector<16xf32>
      %swap3A_697 = vector.shape_cast %get3A_692 : vector<16xf32> to vector<1x16xf32>
      tpu.vector_store %arg13[%swap3A_693, %swap3A_694], %swap3A_697 {add = true, strides = array<i32>} : memref<160x512xf32, #tpu.memory_space<vmem>>, vector<1x16xf32>,
      %get3A_698 = arith.constant 0 : i32
      %get3A_699 = arith.index_cast %get3A_698 : i32 to index
      %get3A_700 = arith.constant 448 : index
      %get3A_701 = tpu.vector_load %arg12[%get3A_699, %get3A_700] {strides = array<i32>} : memref<32x512xf32, #tpu.memory_space<vmem>>, vector<1x16xf32>,
      %get3A_702 = vector.shape_cast %get3A_701 : vector<1x16xf32> to vector<16xf32>
      %swap3A_703 = arith.index_cast %squeeze3A_417 : i32 to index
      %swap3A_704 = arith.constant 448 : index
      %swap3A_705 = tpu.vector_load %arg13[%swap3A_703, %swap3A_704] {strides = array<i32>} : memref<160x512xf32, #tpu.memory_space<vmem>>, vector<1x16xf32>,
      %swap3A_706 = vector.shape_cast %swap3A_705 : vector<1x16xf32> to vector<16xf32>
      %swap3A_707 = vector.shape_cast %get3A_702 : vector<16xf32> to vector<1x16xf32>
      tpu.vector_store %arg13[%swap3A_703, %swap3A_704], %swap3A_707 {add = true, strides = array<i32>} : memref<160x512xf32, #tpu.memory_space<vmem>>, vector<1x16xf32>,
      %get3A_708 = arith.constant 0 : i32
      %get3A_709 = arith.index_cast %get3A_708 : i32 to index
      %get3A_710 = arith.constant 464 : index
      %get3A_711 = tpu.vector_load %arg12[%get3A_709, %get3A_710] {strides = array<i32>} : memref<32x512xf32, #tpu.memory_space<vmem>>, vector<1x16xf32>,
      %get3A_712 = vector.shape_cast %get3A_711 : vector<1x16xf32> to vector<16xf32>
      %swap3A_713 = arith.index_cast %squeeze3A_417 : i32 to index
      %swap3A_714 = arith.constant 464 : index
      %swap3A_715 = tpu.vector_load %arg13[%swap3A_713, %swap3A_714] {strides = array<i32>} : memref<160x512xf32, #tpu.memory_space<vmem>>, vector<1x16xf32>,
      %swap3A_716 = vector.shape_cast %swap3A_715 : vector<1x16xf32> to vector<16xf32>
      %swap3A_717 = vector.shape_cast %get3A_712 : vector<16xf32> to vector<1x16xf32>
      tpu.vector_store %arg13[%swap3A_713, %swap3A_714], %swap3A_717 {add = true, strides = array<i32>} : memref<160x512xf32, #tpu.memory_space<vmem>>, vector<1x16xf32>,
      %get3A_718 = arith.constant 0 : i32
      %get3A_719 = arith.index_cast %get3A_718 : i32 to index
      %get3A_720 = arith.constant 480 : index
      %get3A_721 = tpu.vector_load %arg12[%get3A_719, %get3A_720] {strides = array<i32>} : memref<32x512xf32, #tpu.memory_space<vmem>>, vector<1x16xf32>,
      %get3A_722 = vector.shape_cast %get3A_721 : vector<1x16xf32> to vector<16xf32>
      %swap3A_723 = arith.index_cast %squeeze3A_417 : i32 to index
      %swap3A_724 = arith.constant 480 : index
      %swap3A_725 = tpu.vector_load %arg13[%swap3A_723, %swap3A_724] {strides = array<i32>} : memref<160x512xf32, #tpu.memory_space<vmem>>, vector<1x16xf32>,
      %swap3A_726 = vector.shape_cast %swap3A_725 : vector<1x16xf32> to vector<16xf32>
      %swap3A_727 = vector.shape_cast %get3A_722 : vector<16xf32> to vector<1x16xf32>
      tpu.vector_store %arg13[%swap3A_723, %swap3A_724], %swap3A_727 {add = true, strides = array<i32>} : memref<160x512xf32, #tpu.memory_space<vmem>>, vector<1x16xf32>,
      %get3A_728 = arith.constant 0 : i32
      %get3A_729 = arith.index_cast %get3A_728 : i32 to index
      %get3A_730 = arith.constant 496 : index
      %get3A_731 = tpu.vector_load %arg12[%get3A_729, %get3A_730] {strides = array<i32>} : memref<32x512xf32, #tpu.memory_space<vmem>>, vector<1x16xf32>,
      %get3A_732 = vector.shape_cast %get3A_731 : vector<1x16xf32> to vector<16xf32>
      %swap3A_733 = arith.index_cast %squeeze3A_417 : i32 to index
      %swap3A_734 = arith.constant 496 : index
      %swap3A_735 = tpu.vector_load %arg13[%swap3A_733, %swap3A_734] {strides = array<i32>} : memref<160x512xf32, #tpu.memory_space<vmem>>, vector<1x16xf32>,
      %swap3A_736 = vector.shape_cast %swap3A_735 : vector<1x16xf32> to vector<16xf32>
      %swap3A_737 = vector.shape_cast %get3A_732 : vector<16xf32> to vector<1x16xf32>
      tpu.vector_store %arg13[%swap3A_733, %swap3A_734], %swap3A_737 {add = true, strides = array<i32>} : memref<160x512xf32, #tpu.memory_space<vmem>>, vector<1x16xf32>,
      %slice3A_738 = vector.extract_strided_slice %get3A_62 {offsets = [0], sizes = [1], strides = [1]} : vector<16xi32> to vector<1xi32>
      %squeeze3A_739 = vector.extract %slice3A_738[0] : i32 from vector<1xi32>
      %shift_right_logical3A_740 = arith.constant 8 : i32
      %shift_right_logical3A_741 = arith.shrui %squeeze3A_739, %shift_right_logical3A_740 : i32
      %sub3A_742 = arith.constant 1 : i32
      %sub3A_743 = arith.subi %shift_right_logical3A_741, %sub3A_742 : i32
      %ge3A_744 = arith.constant 0 : i32
      %ge3A_745 = arith.cmpi sge, %sub3A_743, %ge3A_744 : i32
      %convert_element_type3A_746 = arith.extui %ge3A_745 : i1 to i32
      %cond3A_747 = arith.constant 0 : i32
      %cond3A_748 = arith.cmpi ne, %convert_element_type3A_746, %cond3A_747 : i32
      scf.if %cond3A_748 {
        %multiple_of3A_749 = tpu.assume_multiple %sub3A_743, 32 : i32
        "tpu.region"() ({
          %run_scoped3A = tpu.sem_alloc : memref<!tpu.dma_semaphore, #tpu.memory_space<semaphore_mem>>
          %dma_start3A = arith.constant 0 : i32
          %dma_start3A_750 = tpu.memref_slice %arg7[%multiple_of3A_749, %dma_start3A] : memref<81920x512xf32, #tpu.memory_space<hbm>> -> memref<160x512xf32, #tpu.memory_space<hbm>>
          %dma_start3A_751 = arith.constant 0 : i32
          %dma_start3A_752 = tpu.memref_slice %arg7[%multiple_of3A_749, %dma_start3A_751] : memref<81920x512xf32, #tpu.memory_space<hbm>> -> memref<160x512xf32, #tpu.memory_space<hbm>>
          tpu.enqueue_dma source(%arg13 : memref<160x512xf32, #tpu.memory_space<vmem>>) target(%dma_start3A_752 : memref<160x512xf32, #tpu.memory_space<hbm>>) target_semaphore(%run_scoped3A : memref<!tpu.dma_semaphore, #tpu.memory_space<semaphore_mem>>)
          %dma_wait3A = arith.constant 0 : i32
          %dma_wait3A_753 = tpu.memref_slice %arg7[%multiple_of3A_749, %dma_wait3A] : memref<81920x512xf32, #tpu.memory_space<hbm>> -> memref<160x512xf32, #tpu.memory_space<hbm>>
          %dma_wait3A_754 = arith.constant 0 : i32
          %dma_wait3A_755 = tpu.memref_slice %arg7[%multiple_of3A_749, %dma_wait3A_754] : memref<81920x512xf32, #tpu.memory_space<hbm>> -> memref<160x512xf32, #tpu.memory_space<hbm>>
          tpu.wait_dma2 semaphore(%run_scoped3A : memref<!tpu.dma_semaphore, #tpu.memory_space<semaphore_mem>>) src(%arg13 : memref<160x512xf32, #tpu.memory_space<vmem>>) dst(%dma_wait3A_755 : memref<160x512xf32, #tpu.memory_space<hbm>>)
          tpu.yield
        }) : () -> ()
        "tpu.region"() ({
          %run_scoped3A = tpu.sem_alloc : memref<!tpu.dma_semaphore, #tpu.memory_space<semaphore_mem>>
          %dma_start3A = arith.constant 0 : i32
          %dma_start3A_750 = arith.constant 0 : i32
          %dma_start3A_751 = tpu.memref_slice %arg13[%dma_start3A, %dma_start3A_750] : memref<160x512xf32, #tpu.memory_space<vmem>> -> memref<40x512xf32, #tpu.memory_space<vmem>>
          %dma_start3A_752 = arith.constant 0 : i32
          %dma_start3A_753 = arith.constant 0 : i32
          %dma_start3A_754 = tpu.memref_slice %arg13[%dma_start3A_752, %dma_start3A_753] : memref<160x512xf32, #tpu.memory_space<vmem>> -> memref<40x512xf32, #tpu.memory_space<vmem>>
          tpu.enqueue_dma source(%arg14 : memref<40x512xf32, #tpu.memory_space<vmem_shared>>) target(%dma_start3A_754 : memref<40x512xf32, #tpu.memory_space<vmem>>) target_semaphore(%run_scoped3A : memref<!tpu.dma_semaphore, #tpu.memory_space<semaphore_mem>>)
          %dma_wait3A = arith.constant 0 : i32
          %dma_wait3A_755 = arith.constant 0 : i32
          %dma_wait3A_756 = tpu.memref_slice %arg13[%dma_wait3A, %dma_wait3A_755] : memref<160x512xf32, #tpu.memory_space<vmem>> -> memref<40x512xf32, #tpu.memory_space<vmem>>
          %dma_wait3A_757 = arith.constant 0 : i32
          %dma_wait3A_758 = arith.constant 0 : i32
          %dma_wait3A_759 = tpu.memref_slice %arg13[%dma_wait3A_757, %dma_wait3A_758] : memref<160x512xf32, #tpu.memory_space<vmem>> -> memref<40x512xf32, #tpu.memory_space<vmem>>
          tpu.wait_dma2 semaphore(%run_scoped3A : memref<!tpu.dma_semaphore, #tpu.memory_space<semaphore_mem>>) src(%arg14 : memref<40x512xf32, #tpu.memory_space<vmem_shared>>) dst(%dma_wait3A_759 : memref<40x512xf32, #tpu.memory_space<vmem>>)
          tpu.yield
        }) : () -> ()
        "tpu.region"() ({
          %run_scoped3A = tpu.sem_alloc : memref<!tpu.dma_semaphore, #tpu.memory_space<semaphore_mem>>
          %dma_start3A = arith.constant 40 : i32
          %dma_start3A_750 = arith.constant 0 : i32
          %dma_start3A_751 = tpu.memref_slice %arg13[%dma_start3A, %dma_start3A_750] : memref<160x512xf32, #tpu.memory_space<vmem>> -> memref<40x512xf32, #tpu.memory_space<vmem>>
          %dma_start3A_752 = arith.constant 40 : i32
          %dma_start3A_753 = arith.constant 0 : i32
          %dma_start3A_754 = tpu.memref_slice %arg13[%dma_start3A_752, %dma_start3A_753] : memref<160x512xf32, #tpu.memory_space<vmem>> -> memref<40x512xf32, #tpu.memory_space<vmem>>
          tpu.enqueue_dma source(%arg14 : memref<40x512xf32, #tpu.memory_space<vmem_shared>>) target(%dma_start3A_754 : memref<40x512xf32, #tpu.memory_space<vmem>>) target_semaphore(%run_scoped3A : memref<!tpu.dma_semaphore, #tpu.memory_space<semaphore_mem>>)
          %dma_wait3A = arith.constant 40 : i32
          %dma_wait3A_755 = arith.constant 0 : i32
          %dma_wait3A_756 = tpu.memref_slice %arg13[%dma_wait3A, %dma_wait3A_755] : memref<160x512xf32, #tpu.memory_space<vmem>> -> memref<40x512xf32, #tpu.memory_space<vmem>>
          %dma_wait3A_757 = arith.constant 40 : i32
          %dma_wait3A_758 = arith.constant 0 : i32
          %dma_wait3A_759 = tpu.memref_slice %arg13[%dma_wait3A_757, %dma_wait3A_758] : memref<160x512xf32, #tpu.memory_space<vmem>> -> memref<40x512xf32, #tpu.memory_space<vmem>>
          tpu.wait_dma2 semaphore(%run_scoped3A : memref<!tpu.dma_semaphore, #tpu.memory_space<semaphore_mem>>) src(%arg14 : memref<40x512xf32, #tpu.memory_space<vmem_shared>>) dst(%dma_wait3A_759 : memref<40x512xf32, #tpu.memory_space<vmem>>)
          tpu.yield
        }) : () -> ()
        "tpu.region"() ({
          %run_scoped3A = tpu.sem_alloc : memref<!tpu.dma_semaphore, #tpu.memory_space<semaphore_mem>>
          %dma_start3A = arith.constant 80 : i32
          %dma_start3A_750 = arith.constant 0 : i32
          %dma_start3A_751 = tpu.memref_slice %arg13[%dma_start3A, %dma_start3A_750] : memref<160x512xf32, #tpu.memory_space<vmem>> -> memref<40x512xf32, #tpu.memory_space<vmem>>
          %dma_start3A_752 = arith.constant 80 : i32
          %dma_start3A_753 = arith.constant 0 : i32
          %dma_start3A_754 = tpu.memref_slice %arg13[%dma_start3A_752, %dma_start3A_753] : memref<160x512xf32, #tpu.memory_space<vmem>> -> memref<40x512xf32, #tpu.memory_space<vmem>>
          tpu.enqueue_dma source(%arg14 : memref<40x512xf32, #tpu.memory_space<vmem_shared>>) target(%dma_start3A_754 : memref<40x512xf32, #tpu.memory_space<vmem>>) target_semaphore(%run_scoped3A : memref<!tpu.dma_semaphore, #tpu.memory_space<semaphore_mem>>)
          %dma_wait3A = arith.constant 80 : i32
          %dma_wait3A_755 = arith.constant 0 : i32
          %dma_wait3A_756 = tpu.memref_slice %arg13[%dma_wait3A, %dma_wait3A_755] : memref<160x512xf32, #tpu.memory_space<vmem>> -> memref<40x512xf32, #tpu.memory_space<vmem>>
          %dma_wait3A_757 = arith.constant 80 : i32
          %dma_wait3A_758 = arith.constant 0 : i32
          %dma_wait3A_759 = tpu.memref_slice %arg13[%dma_wait3A_757, %dma_wait3A_758] : memref<160x512xf32, #tpu.memory_space<vmem>> -> memref<40x512xf32, #tpu.memory_space<vmem>>
          tpu.wait_dma2 semaphore(%run_scoped3A : memref<!tpu.dma_semaphore, #tpu.memory_space<semaphore_mem>>) src(%arg14 : memref<40x512xf32, #tpu.memory_space<vmem_shared>>) dst(%dma_wait3A_759 : memref<40x512xf32, #tpu.memory_space<vmem>>)
          tpu.yield
        }) : () -> ()
        "tpu.region"() ({
          %run_scoped3A = tpu.sem_alloc : memref<!tpu.dma_semaphore, #tpu.memory_space<semaphore_mem>>
          %dma_start3A = arith.constant 120 : i32
          %dma_start3A_750 = arith.constant 0 : i32
          %dma_start3A_751 = tpu.memref_slice %arg13[%dma_start3A, %dma_start3A_750] : memref<160x512xf32, #tpu.memory_space<vmem>> -> memref<40x512xf32, #tpu.memory_space<vmem>>
          %dma_start3A_752 = arith.constant 120 : i32
          %dma_start3A_753 = arith.constant 0 : i32
          %dma_start3A_754 = tpu.memref_slice %arg13[%dma_start3A_752, %dma_start3A_753] : memref<160x512xf32, #tpu.memory_space<vmem>> -> memref<40x512xf32, #tpu.memory_space<vmem>>
          tpu.enqueue_dma source(%arg14 : memref<40x512xf32, #tpu.memory_space<vmem_shared>>) target(%dma_start3A_754 : memref<40x512xf32, #tpu.memory_space<vmem>>) target_semaphore(%run_scoped3A : memref<!tpu.dma_semaphore, #tpu.memory_space<semaphore_mem>>)
          %dma_wait3A = arith.constant 120 : i32
          %dma_wait3A_755 = arith.constant 0 : i32
          %dma_wait3A_756 = tpu.memref_slice %arg13[%dma_wait3A, %dma_wait3A_755] : memref<160x512xf32, #tpu.memory_space<vmem>> -> memref<40x512xf32, #tpu.memory_space<vmem>>
          %dma_wait3A_757 = arith.constant 120 : i32
          %dma_wait3A_758 = arith.constant 0 : i32
          %dma_wait3A_759 = tpu.memref_slice %arg13[%dma_wait3A_757, %dma_wait3A_758] : memref<160x512xf32, #tpu.memory_space<vmem>> -> memref<40x512xf32, #tpu.memory_space<vmem>>
          tpu.wait_dma2 semaphore(%run_scoped3A : memref<!tpu.dma_semaphore, #tpu.memory_space<semaphore_mem>>) src(%arg14 : memref<40x512xf32, #tpu.memory_space<vmem_shared>>) dst(%dma_wait3A_759 : memref<40x512xf32, #tpu.memory_space<vmem>>)
          tpu.yield
        }) : () -> ()
      } else {
      }
    }
    return
  }
}

module attributes {stable_mosaic.version = 14 : i64} {
  func.func @_tc1_body(%arg0: i32, %arg1: memref<8x512x384xf32, #tpu.memory_space<vmem>>, %arg2: memref<512x384xf32, #tpu.memory_space<vmem>>, %arg3: memref<8x256x512xf32, #tpu.memory_space<vmem>>, %arg4: memref<256x512xf32, #tpu.memory_space<vmem>>, %arg5: memref<1x512xf32, #tpu.memory_space<vmem>>, %arg6: memref<512x512xf32, #tpu.memory_space<vmem>>, %arg7: memref<8x512x128xf32, #tpu.memory_space<vmem>>) attributes {dimension_semantics = [#tpu.dimension_semantics<arbitrary>], iteration_bounds = array<i64: 20>, scalar_prefetch = 0 : i64, scratch_operands = 0 : i64, tpu.core_type = #tpu.core_type<tc>, window_params = [{transform_indices = @transform_0, window_bounds = array<i64: 8, 512, 384>}, {transform_indices = @transform_1, window_bounds = array<i64: 512, 384>}, {pipeline_mode = #tpu.pipeline_mode<synchronous>, transform_indices = @transform_2, window_bounds = array<i64: 8, 256, 512>}, {pipeline_mode = #tpu.pipeline_mode<synchronous>, transform_indices = @transform_3, window_bounds = array<i64: 256, 512>}, {pipeline_mode = #tpu.pipeline_mode<synchronous>, transform_indices = @transform_4, window_bounds = array<i64: 1, 512>}, {transform_indices = @transform_5, window_bounds = array<i64: 512, 512>}, {transform_indices = @transform_6, window_bounds = array<i64: 8, 512, 128>}]} {
    %get3A = arith.constant 0 : index
    %get3A_0 = arith.constant 0 : index
    %get3A_1 = vector.load %arg2[%get3A, %get3A_0] : memref<512x384xf32, #tpu.memory_space<vmem>>, vector<512x256xf32>
    %get3A_2 = arith.constant 0 : index
    %get3A_3 = arith.constant 0 : index
    %get3A_4 = vector.load %arg4[%get3A_2, %get3A_3] : memref<256x512xf32, #tpu.memory_space<vmem>>, vector<256x512xf32>
    %dot_general3A = arith.constant dense<0.000000e+00> : vector<512x512xf32>
    %dot_general3A_5 = tpu.matmul %get3A_1, %get3A_4, %dot_general3A {dimension_numbers = #tpu.dot_dimension_numbers<[1], [0], [0], [1], [0, 0, 1, 1], [], []>, transpose_lhs_hint = false} : vector<512x256xf32>, vector<256x512xf32>, vector<512x512xf32> -> vector<512x512xf32>
    %get3A_6 = arith.constant 0 : index
    %get3A_7 = arith.constant 0 : index
    %get3A_8 = arith.constant 0 : index
    %get3A_9 = vector.load %arg1[%get3A_6, %get3A_7, %get3A_8] : memref<8x512x384xf32, #tpu.memory_space<vmem>>, vector<1x512x384xf32>
    %get3A_10 = vector.shape_cast %get3A_9 : vector<1x512x384xf32> to vector<512x384xf32>
    %slice3A = vector.extract_strided_slice %get3A_10 {offsets = [0, 256], sizes = [512, 128], strides = [1, 1]} : vector<512x384xf32> to vector<512x128xf32>
    %reduce_sum3A = arith.constant dense<0.000000e+00> : vector<512xf32>
    %reduce_sum3A_11 = vector.multi_reduction <add>, %slice3A, %reduce_sum3A [1] : vector<512x128xf32> to vector<512xf32>
    %broadcast_in_dim3A = vector.shape_cast %reduce_sum3A_11 : vector<512xf32> to vector<512x1xf32>
    %mul3A = arith.constant 7.812500e-03 : f32
    %mul3A_12 = vector.broadcast %mul3A : f32 to vector<512x1xf32>
    %mul3A_13 = arith.mulf %broadcast_in_dim3A, %mul3A_12 : vector<512x1xf32>
    %max3A = arith.constant 1.000000e+00 : f32
    %max3A_14 = vector.broadcast %max3A : f32 to vector<512x1xf32>
    %max3A_15 = arith.maximumf %mul3A_13, %max3A_14 : vector<512x1xf32>
    %div3A = arith.constant 1.000000e+00 : f32
    %div3A_16 = vector.broadcast %div3A : f32 to vector<512x1xf32>
    %div3A_17 = arith.divf %div3A_16, %max3A_15 : vector<512x1xf32>
    %slice3A_18 = vector.extract_strided_slice %get3A_10 {offsets = [0, 0], sizes = [512, 256], strides = [1, 1]} : vector<512x384xf32> to vector<512x256xf32>
    %mul3A_19 = vector.broadcast %div3A_17 : vector<512x1xf32> to vector<512x256xf32>
    %mul3A_20 = arith.mulf %slice3A_18, %mul3A_19 : vector<512x256xf32>
    %get3A_21 = arith.constant 0 : index
    %get3A_22 = arith.constant 0 : index
    %get3A_23 = arith.constant 0 : index
    %get3A_24 = vector.load %arg3[%get3A_21, %get3A_22, %get3A_23] : memref<8x256x512xf32, #tpu.memory_space<vmem>>, vector<1x256x512xf32>
    %get3A_25 = vector.shape_cast %get3A_24 : vector<1x256x512xf32> to vector<256x512xf32>
    %dot_general3A_26 = arith.constant dense<0.000000e+00> : vector<512x512xf32>
    %dot_general3A_27 = tpu.matmul %mul3A_20, %get3A_25, %dot_general3A_26 {dimension_numbers = #tpu.dot_dimension_numbers<[1], [0], [0], [1], [0, 0, 1, 1], [], []>, transpose_lhs_hint = false} : vector<512x256xf32>, vector<256x512xf32>, vector<512x512xf32> -> vector<512x512xf32>
    %add3A = arith.addf %dot_general3A_5, %dot_general3A_27 : vector<512x512xf32>
    %broadcast_in_dim3A_28 = vector.shape_cast %mul3A_13 : vector<512x1xf32> to vector<512x1xf32>
    %broadcast_in_dim3A_29 = vector.broadcast %broadcast_in_dim3A_28 : vector<512x1xf32> to vector<512x128xf32>
    %swap3A = arith.constant 0 : index
    %swap3A_30 = arith.constant 0 : index
    %swap3A_31 = arith.constant 0 : index
    %swap3A_32 = vector.load %arg7[%swap3A, %swap3A_30, %swap3A_31] : memref<8x512x128xf32, #tpu.memory_space<vmem>>, vector<1x512x128xf32>
    %swap3A_33 = vector.shape_cast %swap3A_32 : vector<1x512x128xf32> to vector<512x128xf32>
    %swap3A_34 = vector.shape_cast %broadcast_in_dim3A_29 : vector<512x128xf32> to vector<1x512x128xf32>
    tpu.vector_store %arg7[%swap3A, %swap3A_30, %swap3A_31], %swap3A_34 {strides = array<i32>} : memref<8x512x128xf32, #tpu.memory_space<vmem>>, vector<1x512x128xf32>,
    %get3A_35 = arith.constant 1 : index
    %get3A_36 = arith.constant 0 : index
    %get3A_37 = arith.constant 0 : index
    %get3A_38 = vector.load %arg1[%get3A_35, %get3A_36, %get3A_37] : memref<8x512x384xf32, #tpu.memory_space<vmem>>, vector<1x512x384xf32>
    %get3A_39 = vector.shape_cast %get3A_38 : vector<1x512x384xf32> to vector<512x384xf32>
    %slice3A_40 = vector.extract_strided_slice %get3A_39 {offsets = [0, 256], sizes = [512, 128], strides = [1, 1]} : vector<512x384xf32> to vector<512x128xf32>
    %reduce_sum3A_41 = arith.constant dense<0.000000e+00> : vector<512xf32>
    %reduce_sum3A_42 = vector.multi_reduction <add>, %slice3A_40, %reduce_sum3A_41 [1] : vector<512x128xf32> to vector<512xf32>
    %broadcast_in_dim3A_43 = vector.shape_cast %reduce_sum3A_42 : vector<512xf32> to vector<512x1xf32>
    %mul3A_44 = arith.constant 7.812500e-03 : f32
    %mul3A_45 = vector.broadcast %mul3A_44 : f32 to vector<512x1xf32>
    %mul3A_46 = arith.mulf %broadcast_in_dim3A_43, %mul3A_45 : vector<512x1xf32>
    %max3A_47 = arith.constant 1.000000e+00 : f32
    %max3A_48 = vector.broadcast %max3A_47 : f32 to vector<512x1xf32>
    %max3A_49 = arith.maximumf %mul3A_46, %max3A_48 : vector<512x1xf32>
    %div3A_50 = arith.constant 1.000000e+00 : f32
    %div3A_51 = vector.broadcast %div3A_50 : f32 to vector<512x1xf32>
    %div3A_52 = arith.divf %div3A_51, %max3A_49 : vector<512x1xf32>
    %slice3A_53 = vector.extract_strided_slice %get3A_39 {offsets = [0, 0], sizes = [512, 256], strides = [1, 1]} : vector<512x384xf32> to vector<512x256xf32>
    %mul3A_54 = vector.broadcast %div3A_52 : vector<512x1xf32> to vector<512x256xf32>
    %mul3A_55 = arith.mulf %slice3A_53, %mul3A_54 : vector<512x256xf32>
    %get3A_56 = arith.constant 1 : index
    %get3A_57 = arith.constant 0 : index
    %get3A_58 = arith.constant 0 : index
    %get3A_59 = vector.load %arg3[%get3A_56, %get3A_57, %get3A_58] : memref<8x256x512xf32, #tpu.memory_space<vmem>>, vector<1x256x512xf32>
    %get3A_60 = vector.shape_cast %get3A_59 : vector<1x256x512xf32> to vector<256x512xf32>
    %dot_general3A_61 = arith.constant dense<0.000000e+00> : vector<512x512xf32>
    %dot_general3A_62 = tpu.matmul %mul3A_55, %get3A_60, %dot_general3A_61 {dimension_numbers = #tpu.dot_dimension_numbers<[1], [0], [0], [1], [0, 0, 1, 1], [], []>, transpose_lhs_hint = false} : vector<512x256xf32>, vector<256x512xf32>, vector<512x512xf32> -> vector<512x512xf32>
    %add3A_63 = arith.addf %add3A, %dot_general3A_62 : vector<512x512xf32>
    %broadcast_in_dim3A_64 = vector.shape_cast %mul3A_46 : vector<512x1xf32> to vector<512x1xf32>
    %broadcast_in_dim3A_65 = vector.broadcast %broadcast_in_dim3A_64 : vector<512x1xf32> to vector<512x128xf32>
    %swap3A_66 = arith.constant 1 : index
    %swap3A_67 = arith.constant 0 : index
    %swap3A_68 = arith.constant 0 : index
    %swap3A_69 = vector.load %arg7[%swap3A_66, %swap3A_67, %swap3A_68] : memref<8x512x128xf32, #tpu.memory_space<vmem>>, vector<1x512x128xf32>
    %swap3A_70 = vector.shape_cast %swap3A_69 : vector<1x512x128xf32> to vector<512x128xf32>
    %swap3A_71 = vector.shape_cast %broadcast_in_dim3A_65 : vector<512x128xf32> to vector<1x512x128xf32>
    tpu.vector_store %arg7[%swap3A_66, %swap3A_67, %swap3A_68], %swap3A_71 {strides = array<i32>} : memref<8x512x128xf32, #tpu.memory_space<vmem>>, vector<1x512x128xf32>,
    %get3A_72 = arith.constant 2 : index
    %get3A_73 = arith.constant 0 : index
    %get3A_74 = arith.constant 0 : index
    %get3A_75 = vector.load %arg1[%get3A_72, %get3A_73, %get3A_74] : memref<8x512x384xf32, #tpu.memory_space<vmem>>, vector<1x512x384xf32>
    %get3A_76 = vector.shape_cast %get3A_75 : vector<1x512x384xf32> to vector<512x384xf32>
    %slice3A_77 = vector.extract_strided_slice %get3A_76 {offsets = [0, 256], sizes = [512, 128], strides = [1, 1]} : vector<512x384xf32> to vector<512x128xf32>
    %reduce_sum3A_78 = arith.constant dense<0.000000e+00> : vector<512xf32>
    %reduce_sum3A_79 = vector.multi_reduction <add>, %slice3A_77, %reduce_sum3A_78 [1] : vector<512x128xf32> to vector<512xf32>
    %broadcast_in_dim3A_80 = vector.shape_cast %reduce_sum3A_79 : vector<512xf32> to vector<512x1xf32>
    %mul3A_81 = arith.constant 7.812500e-03 : f32
    %mul3A_82 = vector.broadcast %mul3A_81 : f32 to vector<512x1xf32>
    %mul3A_83 = arith.mulf %broadcast_in_dim3A_80, %mul3A_82 : vector<512x1xf32>
    %max3A_84 = arith.constant 1.000000e+00 : f32
    %max3A_85 = vector.broadcast %max3A_84 : f32 to vector<512x1xf32>
    %max3A_86 = arith.maximumf %mul3A_83, %max3A_85 : vector<512x1xf32>
    %div3A_87 = arith.constant 1.000000e+00 : f32
    %div3A_88 = vector.broadcast %div3A_87 : f32 to vector<512x1xf32>
    %div3A_89 = arith.divf %div3A_88, %max3A_86 : vector<512x1xf32>
    %slice3A_90 = vector.extract_strided_slice %get3A_76 {offsets = [0, 0], sizes = [512, 256], strides = [1, 1]} : vector<512x384xf32> to vector<512x256xf32>
    %mul3A_91 = vector.broadcast %div3A_89 : vector<512x1xf32> to vector<512x256xf32>
    %mul3A_92 = arith.mulf %slice3A_90, %mul3A_91 : vector<512x256xf32>
    %get3A_93 = arith.constant 2 : index
    %get3A_94 = arith.constant 0 : index
    %get3A_95 = arith.constant 0 : index
    %get3A_96 = vector.load %arg3[%get3A_93, %get3A_94, %get3A_95] : memref<8x256x512xf32, #tpu.memory_space<vmem>>, vector<1x256x512xf32>
    %get3A_97 = vector.shape_cast %get3A_96 : vector<1x256x512xf32> to vector<256x512xf32>
    %dot_general3A_98 = arith.constant dense<0.000000e+00> : vector<512x512xf32>
    %dot_general3A_99 = tpu.matmul %mul3A_92, %get3A_97, %dot_general3A_98 {dimension_numbers = #tpu.dot_dimension_numbers<[1], [0], [0], [1], [0, 0, 1, 1], [], []>, transpose_lhs_hint = false} : vector<512x256xf32>, vector<256x512xf32>, vector<512x512xf32> -> vector<512x512xf32>
    %add3A_100 = arith.addf %add3A_63, %dot_general3A_99 : vector<512x512xf32>
    %broadcast_in_dim3A_101 = vector.shape_cast %mul3A_83 : vector<512x1xf32> to vector<512x1xf32>
    %broadcast_in_dim3A_102 = vector.broadcast %broadcast_in_dim3A_101 : vector<512x1xf32> to vector<512x128xf32>
    %swap3A_103 = arith.constant 2 : index
    %swap3A_104 = arith.constant 0 : index
    %swap3A_105 = arith.constant 0 : index
    %swap3A_106 = vector.load %arg7[%swap3A_103, %swap3A_104, %swap3A_105] : memref<8x512x128xf32, #tpu.memory_space<vmem>>, vector<1x512x128xf32>
    %swap3A_107 = vector.shape_cast %swap3A_106 : vector<1x512x128xf32> to vector<512x128xf32>
    %swap3A_108 = vector.shape_cast %broadcast_in_dim3A_102 : vector<512x128xf32> to vector<1x512x128xf32>
    tpu.vector_store %arg7[%swap3A_103, %swap3A_104, %swap3A_105], %swap3A_108 {strides = array<i32>} : memref<8x512x128xf32, #tpu.memory_space<vmem>>, vector<1x512x128xf32>,
    %get3A_109 = arith.constant 3 : index
    %get3A_110 = arith.constant 0 : index
    %get3A_111 = arith.constant 0 : index
    %get3A_112 = vector.load %arg1[%get3A_109, %get3A_110, %get3A_111] : memref<8x512x384xf32, #tpu.memory_space<vmem>>, vector<1x512x384xf32>
    %get3A_113 = vector.shape_cast %get3A_112 : vector<1x512x384xf32> to vector<512x384xf32>
    %slice3A_114 = vector.extract_strided_slice %get3A_113 {offsets = [0, 256], sizes = [512, 128], strides = [1, 1]} : vector<512x384xf32> to vector<512x128xf32>
    %reduce_sum3A_115 = arith.constant dense<0.000000e+00> : vector<512xf32>
    %reduce_sum3A_116 = vector.multi_reduction <add>, %slice3A_114, %reduce_sum3A_115 [1] : vector<512x128xf32> to vector<512xf32>
    %broadcast_in_dim3A_117 = vector.shape_cast %reduce_sum3A_116 : vector<512xf32> to vector<512x1xf32>
    %mul3A_118 = arith.constant 7.812500e-03 : f32
    %mul3A_119 = vector.broadcast %mul3A_118 : f32 to vector<512x1xf32>
    %mul3A_120 = arith.mulf %broadcast_in_dim3A_117, %mul3A_119 : vector<512x1xf32>
    %max3A_121 = arith.constant 1.000000e+00 : f32
    %max3A_122 = vector.broadcast %max3A_121 : f32 to vector<512x1xf32>
    %max3A_123 = arith.maximumf %mul3A_120, %max3A_122 : vector<512x1xf32>
    %div3A_124 = arith.constant 1.000000e+00 : f32
    %div3A_125 = vector.broadcast %div3A_124 : f32 to vector<512x1xf32>
    %div3A_126 = arith.divf %div3A_125, %max3A_123 : vector<512x1xf32>
    %slice3A_127 = vector.extract_strided_slice %get3A_113 {offsets = [0, 0], sizes = [512, 256], strides = [1, 1]} : vector<512x384xf32> to vector<512x256xf32>
    %mul3A_128 = vector.broadcast %div3A_126 : vector<512x1xf32> to vector<512x256xf32>
    %mul3A_129 = arith.mulf %slice3A_127, %mul3A_128 : vector<512x256xf32>
    %get3A_130 = arith.constant 3 : index
    %get3A_131 = arith.constant 0 : index
    %get3A_132 = arith.constant 0 : index
    %get3A_133 = vector.load %arg3[%get3A_130, %get3A_131, %get3A_132] : memref<8x256x512xf32, #tpu.memory_space<vmem>>, vector<1x256x512xf32>
    %get3A_134 = vector.shape_cast %get3A_133 : vector<1x256x512xf32> to vector<256x512xf32>
    %dot_general3A_135 = arith.constant dense<0.000000e+00> : vector<512x512xf32>
    %dot_general3A_136 = tpu.matmul %mul3A_129, %get3A_134, %dot_general3A_135 {dimension_numbers = #tpu.dot_dimension_numbers<[1], [0], [0], [1], [0, 0, 1, 1], [], []>, transpose_lhs_hint = false} : vector<512x256xf32>, vector<256x512xf32>, vector<512x512xf32> -> vector<512x512xf32>
    %add3A_137 = arith.addf %add3A_100, %dot_general3A_136 : vector<512x512xf32>
    %broadcast_in_dim3A_138 = vector.shape_cast %mul3A_120 : vector<512x1xf32> to vector<512x1xf32>
    %broadcast_in_dim3A_139 = vector.broadcast %broadcast_in_dim3A_138 : vector<512x1xf32> to vector<512x128xf32>
    %swap3A_140 = arith.constant 3 : index
    %swap3A_141 = arith.constant 0 : index
    %swap3A_142 = arith.constant 0 : index
    %swap3A_143 = vector.load %arg7[%swap3A_140, %swap3A_141, %swap3A_142] : memref<8x512x128xf32, #tpu.memory_space<vmem>>, vector<1x512x128xf32>
    %swap3A_144 = vector.shape_cast %swap3A_143 : vector<1x512x128xf32> to vector<512x128xf32>
    %swap3A_145 = vector.shape_cast %broadcast_in_dim3A_139 : vector<512x128xf32> to vector<1x512x128xf32>
    tpu.vector_store %arg7[%swap3A_140, %swap3A_141, %swap3A_142], %swap3A_145 {strides = array<i32>} : memref<8x512x128xf32, #tpu.memory_space<vmem>>, vector<1x512x128xf32>,
    %get3A_146 = arith.constant 4 : index
    %get3A_147 = arith.constant 0 : index
    %get3A_148 = arith.constant 0 : index
    %get3A_149 = vector.load %arg1[%get3A_146, %get3A_147, %get3A_148] : memref<8x512x384xf32, #tpu.memory_space<vmem>>, vector<1x512x384xf32>
    %get3A_150 = vector.shape_cast %get3A_149 : vector<1x512x384xf32> to vector<512x384xf32>
    %slice3A_151 = vector.extract_strided_slice %get3A_150 {offsets = [0, 256], sizes = [512, 128], strides = [1, 1]} : vector<512x384xf32> to vector<512x128xf32>
    %reduce_sum3A_152 = arith.constant dense<0.000000e+00> : vector<512xf32>
    %reduce_sum3A_153 = vector.multi_reduction <add>, %slice3A_151, %reduce_sum3A_152 [1] : vector<512x128xf32> to vector<512xf32>
    %broadcast_in_dim3A_154 = vector.shape_cast %reduce_sum3A_153 : vector<512xf32> to vector<512x1xf32>
    %mul3A_155 = arith.constant 7.812500e-03 : f32
    %mul3A_156 = vector.broadcast %mul3A_155 : f32 to vector<512x1xf32>
    %mul3A_157 = arith.mulf %broadcast_in_dim3A_154, %mul3A_156 : vector<512x1xf32>
    %max3A_158 = arith.constant 1.000000e+00 : f32
    %max3A_159 = vector.broadcast %max3A_158 : f32 to vector<512x1xf32>
    %max3A_160 = arith.maximumf %mul3A_157, %max3A_159 : vector<512x1xf32>
    %div3A_161 = arith.constant 1.000000e+00 : f32
    %div3A_162 = vector.broadcast %div3A_161 : f32 to vector<512x1xf32>
    %div3A_163 = arith.divf %div3A_162, %max3A_160 : vector<512x1xf32>
    %slice3A_164 = vector.extract_strided_slice %get3A_150 {offsets = [0, 0], sizes = [512, 256], strides = [1, 1]} : vector<512x384xf32> to vector<512x256xf32>
    %mul3A_165 = vector.broadcast %div3A_163 : vector<512x1xf32> to vector<512x256xf32>
    %mul3A_166 = arith.mulf %slice3A_164, %mul3A_165 : vector<512x256xf32>
    %get3A_167 = arith.constant 4 : index
    %get3A_168 = arith.constant 0 : index
    %get3A_169 = arith.constant 0 : index
    %get3A_170 = vector.load %arg3[%get3A_167, %get3A_168, %get3A_169] : memref<8x256x512xf32, #tpu.memory_space<vmem>>, vector<1x256x512xf32>
    %get3A_171 = vector.shape_cast %get3A_170 : vector<1x256x512xf32> to vector<256x512xf32>
    %dot_general3A_172 = arith.constant dense<0.000000e+00> : vector<512x512xf32>
    %dot_general3A_173 = tpu.matmul %mul3A_166, %get3A_171, %dot_general3A_172 {dimension_numbers = #tpu.dot_dimension_numbers<[1], [0], [0], [1], [0, 0, 1, 1], [], []>, transpose_lhs_hint = false} : vector<512x256xf32>, vector<256x512xf32>, vector<512x512xf32> -> vector<512x512xf32>
    %add3A_174 = arith.addf %add3A_137, %dot_general3A_173 : vector<512x512xf32>
    %broadcast_in_dim3A_175 = vector.shape_cast %mul3A_157 : vector<512x1xf32> to vector<512x1xf32>
    %broadcast_in_dim3A_176 = vector.broadcast %broadcast_in_dim3A_175 : vector<512x1xf32> to vector<512x128xf32>
    %swap3A_177 = arith.constant 4 : index
    %swap3A_178 = arith.constant 0 : index
    %swap3A_179 = arith.constant 0 : index
    %swap3A_180 = vector.load %arg7[%swap3A_177, %swap3A_178, %swap3A_179] : memref<8x512x128xf32, #tpu.memory_space<vmem>>, vector<1x512x128xf32>
    %swap3A_181 = vector.shape_cast %swap3A_180 : vector<1x512x128xf32> to vector<512x128xf32>
    %swap3A_182 = vector.shape_cast %broadcast_in_dim3A_176 : vector<512x128xf32> to vector<1x512x128xf32>
    tpu.vector_store %arg7[%swap3A_177, %swap3A_178, %swap3A_179], %swap3A_182 {strides = array<i32>} : memref<8x512x128xf32, #tpu.memory_space<vmem>>, vector<1x512x128xf32>,
    %get3A_183 = arith.constant 5 : index
    %get3A_184 = arith.constant 0 : index
    %get3A_185 = arith.constant 0 : index
    %get3A_186 = vector.load %arg1[%get3A_183, %get3A_184, %get3A_185] : memref<8x512x384xf32, #tpu.memory_space<vmem>>, vector<1x512x384xf32>
    %get3A_187 = vector.shape_cast %get3A_186 : vector<1x512x384xf32> to vector<512x384xf32>
    %slice3A_188 = vector.extract_strided_slice %get3A_187 {offsets = [0, 256], sizes = [512, 128], strides = [1, 1]} : vector<512x384xf32> to vector<512x128xf32>
    %reduce_sum3A_189 = arith.constant dense<0.000000e+00> : vector<512xf32>
    %reduce_sum3A_190 = vector.multi_reduction <add>, %slice3A_188, %reduce_sum3A_189 [1] : vector<512x128xf32> to vector<512xf32>
    %broadcast_in_dim3A_191 = vector.shape_cast %reduce_sum3A_190 : vector<512xf32> to vector<512x1xf32>
    %mul3A_192 = arith.constant 7.812500e-03 : f32
    %mul3A_193 = vector.broadcast %mul3A_192 : f32 to vector<512x1xf32>
    %mul3A_194 = arith.mulf %broadcast_in_dim3A_191, %mul3A_193 : vector<512x1xf32>
    %max3A_195 = arith.constant 1.000000e+00 : f32
    %max3A_196 = vector.broadcast %max3A_195 : f32 to vector<512x1xf32>
    %max3A_197 = arith.maximumf %mul3A_194, %max3A_196 : vector<512x1xf32>
    %div3A_198 = arith.constant 1.000000e+00 : f32
    %div3A_199 = vector.broadcast %div3A_198 : f32 to vector<512x1xf32>
    %div3A_200 = arith.divf %div3A_199, %max3A_197 : vector<512x1xf32>
    %slice3A_201 = vector.extract_strided_slice %get3A_187 {offsets = [0, 0], sizes = [512, 256], strides = [1, 1]} : vector<512x384xf32> to vector<512x256xf32>
    %mul3A_202 = vector.broadcast %div3A_200 : vector<512x1xf32> to vector<512x256xf32>
    %mul3A_203 = arith.mulf %slice3A_201, %mul3A_202 : vector<512x256xf32>
    %get3A_204 = arith.constant 5 : index
    %get3A_205 = arith.constant 0 : index
    %get3A_206 = arith.constant 0 : index
    %get3A_207 = vector.load %arg3[%get3A_204, %get3A_205, %get3A_206] : memref<8x256x512xf32, #tpu.memory_space<vmem>>, vector<1x256x512xf32>
    %get3A_208 = vector.shape_cast %get3A_207 : vector<1x256x512xf32> to vector<256x512xf32>
    %dot_general3A_209 = arith.constant dense<0.000000e+00> : vector<512x512xf32>
    %dot_general3A_210 = tpu.matmul %mul3A_203, %get3A_208, %dot_general3A_209 {dimension_numbers = #tpu.dot_dimension_numbers<[1], [0], [0], [1], [0, 0, 1, 1], [], []>, transpose_lhs_hint = false} : vector<512x256xf32>, vector<256x512xf32>, vector<512x512xf32> -> vector<512x512xf32>
    %add3A_211 = arith.addf %add3A_174, %dot_general3A_210 : vector<512x512xf32>
    %broadcast_in_dim3A_212 = vector.shape_cast %mul3A_194 : vector<512x1xf32> to vector<512x1xf32>
    %broadcast_in_dim3A_213 = vector.broadcast %broadcast_in_dim3A_212 : vector<512x1xf32> to vector<512x128xf32>
    %swap3A_214 = arith.constant 5 : index
    %swap3A_215 = arith.constant 0 : index
    %swap3A_216 = arith.constant 0 : index
    %swap3A_217 = vector.load %arg7[%swap3A_214, %swap3A_215, %swap3A_216] : memref<8x512x128xf32, #tpu.memory_space<vmem>>, vector<1x512x128xf32>
    %swap3A_218 = vector.shape_cast %swap3A_217 : vector<1x512x128xf32> to vector<512x128xf32>
    %swap3A_219 = vector.shape_cast %broadcast_in_dim3A_213 : vector<512x128xf32> to vector<1x512x128xf32>
    tpu.vector_store %arg7[%swap3A_214, %swap3A_215, %swap3A_216], %swap3A_219 {strides = array<i32>} : memref<8x512x128xf32, #tpu.memory_space<vmem>>, vector<1x512x128xf32>,
    %get3A_220 = arith.constant 6 : index
    %get3A_221 = arith.constant 0 : index
    %get3A_222 = arith.constant 0 : index
    %get3A_223 = vector.load %arg1[%get3A_220, %get3A_221, %get3A_222] : memref<8x512x384xf32, #tpu.memory_space<vmem>>, vector<1x512x384xf32>
    %get3A_224 = vector.shape_cast %get3A_223 : vector<1x512x384xf32> to vector<512x384xf32>
    %slice3A_225 = vector.extract_strided_slice %get3A_224 {offsets = [0, 256], sizes = [512, 128], strides = [1, 1]} : vector<512x384xf32> to vector<512x128xf32>
    %reduce_sum3A_226 = arith.constant dense<0.000000e+00> : vector<512xf32>
    %reduce_sum3A_227 = vector.multi_reduction <add>, %slice3A_225, %reduce_sum3A_226 [1] : vector<512x128xf32> to vector<512xf32>
    %broadcast_in_dim3A_228 = vector.shape_cast %reduce_sum3A_227 : vector<512xf32> to vector<512x1xf32>
    %mul3A_229 = arith.constant 7.812500e-03 : f32
    %mul3A_230 = vector.broadcast %mul3A_229 : f32 to vector<512x1xf32>
    %mul3A_231 = arith.mulf %broadcast_in_dim3A_228, %mul3A_230 : vector<512x1xf32>
    %max3A_232 = arith.constant 1.000000e+00 : f32
    %max3A_233 = vector.broadcast %max3A_232 : f32 to vector<512x1xf32>
    %max3A_234 = arith.maximumf %mul3A_231, %max3A_233 : vector<512x1xf32>
    %div3A_235 = arith.constant 1.000000e+00 : f32
    %div3A_236 = vector.broadcast %div3A_235 : f32 to vector<512x1xf32>
    %div3A_237 = arith.divf %div3A_236, %max3A_234 : vector<512x1xf32>
    %slice3A_238 = vector.extract_strided_slice %get3A_224 {offsets = [0, 0], sizes = [512, 256], strides = [1, 1]} : vector<512x384xf32> to vector<512x256xf32>
    %mul3A_239 = vector.broadcast %div3A_237 : vector<512x1xf32> to vector<512x256xf32>
    %mul3A_240 = arith.mulf %slice3A_238, %mul3A_239 : vector<512x256xf32>
    %get3A_241 = arith.constant 6 : index
    %get3A_242 = arith.constant 0 : index
    %get3A_243 = arith.constant 0 : index
    %get3A_244 = vector.load %arg3[%get3A_241, %get3A_242, %get3A_243] : memref<8x256x512xf32, #tpu.memory_space<vmem>>, vector<1x256x512xf32>
    %get3A_245 = vector.shape_cast %get3A_244 : vector<1x256x512xf32> to vector<256x512xf32>
    %dot_general3A_246 = arith.constant dense<0.000000e+00> : vector<512x512xf32>
    %dot_general3A_247 = tpu.matmul %mul3A_240, %get3A_245, %dot_general3A_246 {dimension_numbers = #tpu.dot_dimension_numbers<[1], [0], [0], [1], [0, 0, 1, 1], [], []>, transpose_lhs_hint = false} : vector<512x256xf32>, vector<256x512xf32>, vector<512x512xf32> -> vector<512x512xf32>
    %add3A_248 = arith.addf %add3A_211, %dot_general3A_247 : vector<512x512xf32>
    %broadcast_in_dim3A_249 = vector.shape_cast %mul3A_231 : vector<512x1xf32> to vector<512x1xf32>
    %broadcast_in_dim3A_250 = vector.broadcast %broadcast_in_dim3A_249 : vector<512x1xf32> to vector<512x128xf32>
    %swap3A_251 = arith.constant 6 : index
    %swap3A_252 = arith.constant 0 : index
    %swap3A_253 = arith.constant 0 : index
    %swap3A_254 = vector.load %arg7[%swap3A_251, %swap3A_252, %swap3A_253] : memref<8x512x128xf32, #tpu.memory_space<vmem>>, vector<1x512x128xf32>
    %swap3A_255 = vector.shape_cast %swap3A_254 : vector<1x512x128xf32> to vector<512x128xf32>
    %swap3A_256 = vector.shape_cast %broadcast_in_dim3A_250 : vector<512x128xf32> to vector<1x512x128xf32>
    tpu.vector_store %arg7[%swap3A_251, %swap3A_252, %swap3A_253], %swap3A_256 {strides = array<i32>} : memref<8x512x128xf32, #tpu.memory_space<vmem>>, vector<1x512x128xf32>,
    %get3A_257 = arith.constant 7 : index
    %get3A_258 = arith.constant 0 : index
    %get3A_259 = arith.constant 0 : index
    %get3A_260 = vector.load %arg1[%get3A_257, %get3A_258, %get3A_259] : memref<8x512x384xf32, #tpu.memory_space<vmem>>, vector<1x512x384xf32>
    %get3A_261 = vector.shape_cast %get3A_260 : vector<1x512x384xf32> to vector<512x384xf32>
    %slice3A_262 = vector.extract_strided_slice %get3A_261 {offsets = [0, 256], sizes = [512, 128], strides = [1, 1]} : vector<512x384xf32> to vector<512x128xf32>
    %reduce_sum3A_263 = arith.constant dense<0.000000e+00> : vector<512xf32>
    %reduce_sum3A_264 = vector.multi_reduction <add>, %slice3A_262, %reduce_sum3A_263 [1] : vector<512x128xf32> to vector<512xf32>
    %broadcast_in_dim3A_265 = vector.shape_cast %reduce_sum3A_264 : vector<512xf32> to vector<512x1xf32>
    %mul3A_266 = arith.constant 7.812500e-03 : f32
    %mul3A_267 = vector.broadcast %mul3A_266 : f32 to vector<512x1xf32>
    %mul3A_268 = arith.mulf %broadcast_in_dim3A_265, %mul3A_267 : vector<512x1xf32>
    %max3A_269 = arith.constant 1.000000e+00 : f32
    %max3A_270 = vector.broadcast %max3A_269 : f32 to vector<512x1xf32>
    %max3A_271 = arith.maximumf %mul3A_268, %max3A_270 : vector<512x1xf32>
    %div3A_272 = arith.constant 1.000000e+00 : f32
    %div3A_273 = vector.broadcast %div3A_272 : f32 to vector<512x1xf32>
    %div3A_274 = arith.divf %div3A_273, %max3A_271 : vector<512x1xf32>
    %slice3A_275 = vector.extract_strided_slice %get3A_261 {offsets = [0, 0], sizes = [512, 256], strides = [1, 1]} : vector<512x384xf32> to vector<512x256xf32>
    %mul3A_276 = vector.broadcast %div3A_274 : vector<512x1xf32> to vector<512x256xf32>
    %mul3A_277 = arith.mulf %slice3A_275, %mul3A_276 : vector<512x256xf32>
    %get3A_278 = arith.constant 7 : index
    %get3A_279 = arith.constant 0 : index
    %get3A_280 = arith.constant 0 : index
    %get3A_281 = vector.load %arg3[%get3A_278, %get3A_279, %get3A_280] : memref<8x256x512xf32, #tpu.memory_space<vmem>>, vector<1x256x512xf32>
    %get3A_282 = vector.shape_cast %get3A_281 : vector<1x256x512xf32> to vector<256x512xf32>
    %dot_general3A_283 = arith.constant dense<0.000000e+00> : vector<512x512xf32>
    %dot_general3A_284 = tpu.matmul %mul3A_277, %get3A_282, %dot_general3A_283 {dimension_numbers = #tpu.dot_dimension_numbers<[1], [0], [0], [1], [0, 0, 1, 1], [], []>, transpose_lhs_hint = false} : vector<512x256xf32>, vector<256x512xf32>, vector<512x512xf32> -> vector<512x512xf32>
    %add3A_285 = arith.addf %add3A_248, %dot_general3A_284 : vector<512x512xf32>
    %broadcast_in_dim3A_286 = vector.shape_cast %mul3A_268 : vector<512x1xf32> to vector<512x1xf32>
    %broadcast_in_dim3A_287 = vector.broadcast %broadcast_in_dim3A_286 : vector<512x1xf32> to vector<512x128xf32>
    %swap3A_288 = arith.constant 7 : index
    %swap3A_289 = arith.constant 0 : index
    %swap3A_290 = arith.constant 0 : index
    %swap3A_291 = vector.load %arg7[%swap3A_288, %swap3A_289, %swap3A_290] : memref<8x512x128xf32, #tpu.memory_space<vmem>>, vector<1x512x128xf32>
    %swap3A_292 = vector.shape_cast %swap3A_291 : vector<1x512x128xf32> to vector<512x128xf32>
    %swap3A_293 = vector.shape_cast %broadcast_in_dim3A_287 : vector<512x128xf32> to vector<1x512x128xf32>
    tpu.vector_store %arg7[%swap3A_288, %swap3A_289, %swap3A_290], %swap3A_293 {strides = array<i32>} : memref<8x512x128xf32, #tpu.memory_space<vmem>>, vector<1x512x128xf32>,
    %get3A_294 = arith.constant 0 : index
    %get3A_295 = arith.constant 0 : index
    %get3A_296 = vector.load %arg5[%get3A_294, %get3A_295] : memref<1x512xf32, #tpu.memory_space<vmem>>, vector<1x512xf32>
    %add3A_297 = vector.broadcast %get3A_296 : vector<1x512xf32> to vector<512x512xf32>
    %add3A_298 = arith.addf %add3A_285, %add3A_297 : vector<512x512xf32>
    %max3A_299 = arith.constant 0.000000e+00 : f32
    %max3A_300 = vector.broadcast %max3A_299 : f32 to vector<512x512xf32>
    %max3A_301 = arith.maximumf %add3A_298, %max3A_300 : vector<512x512xf32>
    %mul3A_302 = arith.constant 512 : i32
    %mul3A_303 = arith.muli %arg0, %mul3A_302 : i32
    %iota3A = tpu.iota {dimensions = array<i32: 0>} : vector<512x1xi32>
    %add3A_304 = vector.broadcast %mul3A_303 : i32 to vector<512x1xi32>
    %add3A_305 = arith.addi %add3A_304, %iota3A : vector<512x1xi32>
    %lt3A = arith.constant 10000 : i32
    %lt3A_306 = vector.broadcast %lt3A : i32 to vector<512x1xi32>
    %lt3A_307 = arith.cmpi slt, %add3A_305, %lt3A_306 : vector<512x1xi32>
    %jit3A = arith.constant 0.000000e+00 : f32
    %broadcast_in_dim3A_308 = vector.shape_cast %lt3A_307 : vector<512x1xi1> to vector<512x1xi1>
    %broadcast_in_dim3A_309 = vector.broadcast %broadcast_in_dim3A_308 : vector<512x1xi1> to vector<512x512xi1>
    %broadcast_in_dim3A_310 = vector.broadcast %jit3A : f32 to vector<512x512xf32>
    %select_n3A = arith.select %broadcast_in_dim3A_309, %max3A_301, %broadcast_in_dim3A_310 : vector<512x512xi1>, vector<512x512xf32>
    %swap3A_311 = arith.constant 0 : index
    %swap3A_312 = arith.constant 0 : index
    %swap3A_313 = vector.load %arg6[%swap3A_311, %swap3A_312] : memref<512x512xf32, #tpu.memory_space<vmem>>, vector<512x512xf32>
    tpu.vector_store %arg6[%swap3A_311, %swap3A_312], %select_n3A {strides = array<i32>} : memref<512x512xf32, #tpu.memory_space<vmem>>, vector<512x512xf32>,
    return
  }
  func.func @transform_0(%arg0: i32) -> (i32, i32, i32) {
    %c0_i32 = arith.constant 0 : i32
    %c0_i32_0 = arith.constant 0 : i32
    %c0_i32_1 = arith.constant 0 : i32
    return %c0_i32, %arg0, %c0_i32_0 : i32, i32, i32
  }
  func.func @transform_1(%arg0: i32) -> (i32, i32) {
    %c0_i32 = arith.constant 0 : i32
    %c0_i32_0 = arith.constant 0 : i32
    return %arg0, %c0_i32 : i32, i32
  }
  func.func @transform_2(%arg0: i32) -> (i32, i32, i32) {
    %c0_i32 = arith.constant 0 : i32
    %c0_i32_0 = arith.constant 0 : i32
    %c0_i32_1 = arith.constant 0 : i32
    %c0_i32_2 = arith.constant 0 : i32
    return %c0_i32, %c0_i32_0, %c0_i32_1 : i32, i32, i32
  }
  func.func @transform_3(%arg0: i32) -> (i32, i32) {
    %c0_i32 = arith.constant 0 : i32
    %c0_i32_0 = arith.constant 0 : i32
    %c0_i32_1 = arith.constant 0 : i32
    return %c0_i32, %c0_i32_0 : i32, i32
  }
  func.func @transform_4(%arg0: i32) -> (i32, i32) {
    %c0_i32 = arith.constant 0 : i32
    %c0_i32_0 = arith.constant 0 : i32
    %c0_i32_1 = arith.constant 0 : i32
    return %c0_i32, %c0_i32_0 : i32, i32
  }
  func.func @transform_5(%arg0: i32) -> (i32, i32) {
    %c0_i32 = arith.constant 0 : i32
    %c0_i32_0 = arith.constant 0 : i32
    return %arg0, %c0_i32 : i32, i32
  }
  func.func @transform_6(%arg0: i32) -> (i32, i32, i32) {
    %c0_i32 = arith.constant 0 : i32
    %c0_i32_0 = arith.constant 0 : i32
    %c0_i32_1 = arith.constant 0 : i32
    return %c0_i32, %arg0, %c0_i32_0 : i32, i32, i32
  }
}

module attributes {stable_mosaic.version = 14 : i64} {
  func.func @_tc2_body(%arg0: i32, %arg1: memref<8x512x512xf32, #tpu.memory_space<vmem>>, %arg2: memref<8x512x128xf32, #tpu.memory_space<vmem>>, %arg3: memref<512x512xf32, #tpu.memory_space<vmem>>, %arg4: memref<1x1x512xi32, #tpu.memory_space<vmem>>, %arg5: memref<8x512x512xf32, #tpu.memory_space<vmem>>, %arg6: memref<512x512xf32, #tpu.memory_space<vmem>>, %arg7: memref<1x512xf32, #tpu.memory_space<vmem>>, %arg8: memref<512x256xf32, #tpu.memory_space<vmem>>, %arg9: memref<1x256xf32, #tpu.memory_space<vmem>>, %arg10: memref<64x256xf32, #tpu.memory_space<vmem>>, %arg11: memref<64x512xf32, #tpu.memory_space<vmem>>, %arg12: memref<64x128xf32, #tpu.memory_space<vmem>>) attributes {dimension_semantics = [#tpu.dimension_semantics<arbitrary>], iteration_bounds = array<i64: 20>, scalar_prefetch = 0 : i64, scratch_operands = 2 : i64, tpu.core_type = #tpu.core_type<tc>, window_params = [{transform_indices = @transform_0, window_bounds = array<i64: 8, 512, 512>}, {transform_indices = @transform_1, window_bounds = array<i64: 8, 512, 128>}, {transform_indices = @transform_2, window_bounds = array<i64: 512, 512>}, {transform_indices = @transform_3, window_bounds = array<i64: 1, 1, 512>}, {pipeline_mode = #tpu.pipeline_mode<synchronous>, transform_indices = @transform_4, window_bounds = array<i64: 8, 512, 512>}, {pipeline_mode = #tpu.pipeline_mode<synchronous>, transform_indices = @transform_5, window_bounds = array<i64: 512, 512>}, {pipeline_mode = #tpu.pipeline_mode<synchronous>, transform_indices = @transform_6, window_bounds = array<i64: 1, 512>}, {pipeline_mode = #tpu.pipeline_mode<synchronous>, transform_indices = @transform_7, window_bounds = array<i64: 512, 256>}, {pipeline_mode = #tpu.pipeline_mode<synchronous>, transform_indices = @transform_8, window_bounds = array<i64: 1, 256>}, {pipeline_mode = #tpu.pipeline_mode<synchronous>, transform_indices = @transform_9, window_bounds = array<i64: 64, 256>}]} {
    %eq3A = arith.constant 0 : i32
    %eq3A_0 = arith.cmpi eq, %arg0, %eq3A : i32
    %convert_element_type3A = arith.extui %eq3A_0 : i1 to i32
    %cond3A = arith.constant 0 : i32
    %cond3A_1 = arith.cmpi ne, %convert_element_type3A, %cond3A : i32
    scf.if %cond3A_1 {
      %broadcast_in_dim3A_300 = arith.constant 0.000000e+00 : f32
      %broadcast_in_dim3A_301 = vector.broadcast %broadcast_in_dim3A_300 : f32 to vector<64x512xf32>
      %swap3A_302 = arith.constant 0 : index
      %swap3A_303 = arith.constant 0 : index
      %swap3A_304 = vector.load %arg11[%swap3A_302, %swap3A_303] : memref<64x512xf32, #tpu.memory_space<vmem>>, vector<64x512xf32>
      tpu.vector_store %arg11[%swap3A_302, %swap3A_303], %broadcast_in_dim3A_301 {strides = array<i32>} : memref<64x512xf32, #tpu.memory_space<vmem>>, vector<64x512xf32>,
      %broadcast_in_dim3A_305 = arith.constant 0.000000e+00 : f32
      %broadcast_in_dim3A_306 = vector.broadcast %broadcast_in_dim3A_305 : f32 to vector<64x128xf32>
      %swap3A_307 = arith.constant 0 : index
      %swap3A_308 = arith.constant 0 : index
      %swap3A_309 = vector.load %arg12[%swap3A_307, %swap3A_308] : memref<64x128xf32, #tpu.memory_space<vmem>>, vector<64x128xf32>
      tpu.vector_store %arg12[%swap3A_307, %swap3A_308], %broadcast_in_dim3A_306 {strides = array<i32>} : memref<64x128xf32, #tpu.memory_space<vmem>>, vector<64x128xf32>,
    } else {
    }
    %get3A = arith.constant 0 : index
    %get3A_2 = arith.constant 0 : index
    %get3A_3 = vector.load %arg3[%get3A, %get3A_2] : memref<512x512xf32, #tpu.memory_space<vmem>>, vector<512x512xf32>
    %get3A_4 = arith.constant 0 : index
    %get3A_5 = arith.constant 0 : index
    %get3A_6 = vector.load %arg6[%get3A_4, %get3A_5] : memref<512x512xf32, #tpu.memory_space<vmem>>, vector<512x512xf32>
    %dot_general3A = arith.constant dense<0.000000e+00> : vector<512x512xf32>
    %dot_general3A_7 = tpu.matmul %get3A_3, %get3A_6, %dot_general3A {dimension_numbers = #tpu.dot_dimension_numbers<[1], [0], [0], [1], [0, 0, 1, 1], [], []>, transpose_lhs_hint = false} : vector<512x512xf32>, vector<512x512xf32>, vector<512x512xf32> -> vector<512x512xf32>
    %get3A_8 = arith.constant 0 : index
    %get3A_9 = arith.constant 0 : index
    %get3A_10 = arith.constant 0 : index
    %get3A_11 = vector.load %arg2[%get3A_8, %get3A_9, %get3A_10] : memref<8x512x128xf32, #tpu.memory_space<vmem>>, vector<1x512x128xf32>
    %get3A_12 = vector.shape_cast %get3A_11 : vector<1x512x128xf32> to vector<512x128xf32>
    %reduce_sum3A = arith.constant dense<0.000000e+00> : vector<512xf32>
    %reduce_sum3A_13 = vector.multi_reduction <add>, %get3A_12, %reduce_sum3A [1] : vector<512x128xf32> to vector<512xf32>
    %broadcast_in_dim3A = vector.shape_cast %reduce_sum3A_13 : vector<512xf32> to vector<512x1xf32>
    %mul3A = arith.constant 7.812500e-03 : f32
    %mul3A_14 = vector.broadcast %mul3A : f32 to vector<512x1xf32>
    %mul3A_15 = arith.mulf %broadcast_in_dim3A, %mul3A_14 : vector<512x1xf32>
    %max3A = arith.constant 1.000000e+00 : f32
    %max3A_16 = vector.broadcast %max3A : f32 to vector<512x1xf32>
    %max3A_17 = arith.maximumf %mul3A_15, %max3A_16 : vector<512x1xf32>
    %div3A = arith.constant 1.000000e+00 : f32
    %div3A_18 = vector.broadcast %div3A : f32 to vector<512x1xf32>
    %div3A_19 = arith.divf %div3A_18, %max3A_17 : vector<512x1xf32>
    %get3A_20 = arith.constant 0 : index
    %get3A_21 = arith.constant 0 : index
    %get3A_22 = arith.constant 0 : index
    %get3A_23 = vector.load %arg1[%get3A_20, %get3A_21, %get3A_22] : memref<8x512x512xf32, #tpu.memory_space<vmem>>, vector<1x512x512xf32>
    %get3A_24 = vector.shape_cast %get3A_23 : vector<1x512x512xf32> to vector<512x512xf32>
    %mul3A_25 = vector.broadcast %div3A_19 : vector<512x1xf32> to vector<512x512xf32>
    %mul3A_26 = arith.mulf %get3A_24, %mul3A_25 : vector<512x512xf32>
    %get3A_27 = arith.constant 0 : index
    %get3A_28 = arith.constant 0 : index
    %get3A_29 = arith.constant 0 : index
    %get3A_30 = vector.load %arg5[%get3A_27, %get3A_28, %get3A_29] : memref<8x512x512xf32, #tpu.memory_space<vmem>>, vector<1x512x512xf32>
    %get3A_31 = vector.shape_cast %get3A_30 : vector<1x512x512xf32> to vector<512x512xf32>
    %dot_general3A_32 = arith.constant dense<0.000000e+00> : vector<512x512xf32>
    %dot_general3A_33 = tpu.matmul %mul3A_26, %get3A_31, %dot_general3A_32 {dimension_numbers = #tpu.dot_dimension_numbers<[1], [0], [0], [1], [0, 0, 1, 1], [], []>, transpose_lhs_hint = false} : vector<512x512xf32>, vector<512x512xf32>, vector<512x512xf32> -> vector<512x512xf32>
    %add3A = arith.addf %dot_general3A_7, %dot_general3A_33 : vector<512x512xf32>
    %get3A_34 = arith.constant 1 : index
    %get3A_35 = arith.constant 0 : index
    %get3A_36 = arith.constant 0 : index
    %get3A_37 = vector.load %arg2[%get3A_34, %get3A_35, %get3A_36] : memref<8x512x128xf32, #tpu.memory_space<vmem>>, vector<1x512x128xf32>
    %get3A_38 = vector.shape_cast %get3A_37 : vector<1x512x128xf32> to vector<512x128xf32>
    %reduce_sum3A_39 = arith.constant dense<0.000000e+00> : vector<512xf32>
    %reduce_sum3A_40 = vector.multi_reduction <add>, %get3A_38, %reduce_sum3A_39 [1] : vector<512x128xf32> to vector<512xf32>
    %broadcast_in_dim3A_41 = vector.shape_cast %reduce_sum3A_40 : vector<512xf32> to vector<512x1xf32>
    %mul3A_42 = arith.constant 7.812500e-03 : f32
    %mul3A_43 = vector.broadcast %mul3A_42 : f32 to vector<512x1xf32>
    %mul3A_44 = arith.mulf %broadcast_in_dim3A_41, %mul3A_43 : vector<512x1xf32>
    %max3A_45 = arith.constant 1.000000e+00 : f32
    %max3A_46 = vector.broadcast %max3A_45 : f32 to vector<512x1xf32>
    %max3A_47 = arith.maximumf %mul3A_44, %max3A_46 : vector<512x1xf32>
    %div3A_48 = arith.constant 1.000000e+00 : f32
    %div3A_49 = vector.broadcast %div3A_48 : f32 to vector<512x1xf32>
    %div3A_50 = arith.divf %div3A_49, %max3A_47 : vector<512x1xf32>
    %get3A_51 = arith.constant 1 : index
    %get3A_52 = arith.constant 0 : index
    %get3A_53 = arith.constant 0 : index
    %get3A_54 = vector.load %arg1[%get3A_51, %get3A_52, %get3A_53] : memref<8x512x512xf32, #tpu.memory_space<vmem>>, vector<1x512x512xf32>
    %get3A_55 = vector.shape_cast %get3A_54 : vector<1x512x512xf32> to vector<512x512xf32>
    %mul3A_56 = vector.broadcast %div3A_50 : vector<512x1xf32> to vector<512x512xf32>
    %mul3A_57 = arith.mulf %get3A_55, %mul3A_56 : vector<512x512xf32>
    %get3A_58 = arith.constant 1 : index
    %get3A_59 = arith.constant 0 : index
    %get3A_60 = arith.constant 0 : index
    %get3A_61 = vector.load %arg5[%get3A_58, %get3A_59, %get3A_60] : memref<8x512x512xf32, #tpu.memory_space<vmem>>, vector<1x512x512xf32>
    %get3A_62 = vector.shape_cast %get3A_61 : vector<1x512x512xf32> to vector<512x512xf32>
    %dot_general3A_63 = arith.constant dense<0.000000e+00> : vector<512x512xf32>
    %dot_general3A_64 = tpu.matmul %mul3A_57, %get3A_62, %dot_general3A_63 {dimension_numbers = #tpu.dot_dimension_numbers<[1], [0], [0], [1], [0, 0, 1, 1], [], []>, transpose_lhs_hint = false} : vector<512x512xf32>, vector<512x512xf32>, vector<512x512xf32> -> vector<512x512xf32>
    %add3A_65 = arith.addf %add3A, %dot_general3A_64 : vector<512x512xf32>
    %get3A_66 = arith.constant 2 : index
    %get3A_67 = arith.constant 0 : index
    %get3A_68 = arith.constant 0 : index
    %get3A_69 = vector.load %arg2[%get3A_66, %get3A_67, %get3A_68] : memref<8x512x128xf32, #tpu.memory_space<vmem>>, vector<1x512x128xf32>
    %get3A_70 = vector.shape_cast %get3A_69 : vector<1x512x128xf32> to vector<512x128xf32>
    %reduce_sum3A_71 = arith.constant dense<0.000000e+00> : vector<512xf32>
    %reduce_sum3A_72 = vector.multi_reduction <add>, %get3A_70, %reduce_sum3A_71 [1] : vector<512x128xf32> to vector<512xf32>
    %broadcast_in_dim3A_73 = vector.shape_cast %reduce_sum3A_72 : vector<512xf32> to vector<512x1xf32>
    %mul3A_74 = arith.constant 7.812500e-03 : f32
    %mul3A_75 = vector.broadcast %mul3A_74 : f32 to vector<512x1xf32>
    %mul3A_76 = arith.mulf %broadcast_in_dim3A_73, %mul3A_75 : vector<512x1xf32>
    %max3A_77 = arith.constant 1.000000e+00 : f32
    %max3A_78 = vector.broadcast %max3A_77 : f32 to vector<512x1xf32>
    %max3A_79 = arith.maximumf %mul3A_76, %max3A_78 : vector<512x1xf32>
    %div3A_80 = arith.constant 1.000000e+00 : f32
    %div3A_81 = vector.broadcast %div3A_80 : f32 to vector<512x1xf32>
    %div3A_82 = arith.divf %div3A_81, %max3A_79 : vector<512x1xf32>
    %get3A_83 = arith.constant 2 : index
    %get3A_84 = arith.constant 0 : index
    %get3A_85 = arith.constant 0 : index
    %get3A_86 = vector.load %arg1[%get3A_83, %get3A_84, %get3A_85] : memref<8x512x512xf32, #tpu.memory_space<vmem>>, vector<1x512x512xf32>
    %get3A_87 = vector.shape_cast %get3A_86 : vector<1x512x512xf32> to vector<512x512xf32>
    %mul3A_88 = vector.broadcast %div3A_82 : vector<512x1xf32> to vector<512x512xf32>
    %mul3A_89 = arith.mulf %get3A_87, %mul3A_88 : vector<512x512xf32>
    %get3A_90 = arith.constant 2 : index
    %get3A_91 = arith.constant 0 : index
    %get3A_92 = arith.constant 0 : index
    %get3A_93 = vector.load %arg5[%get3A_90, %get3A_91, %get3A_92] : memref<8x512x512xf32, #tpu.memory_space<vmem>>, vector<1x512x512xf32>
    %get3A_94 = vector.shape_cast %get3A_93 : vector<1x512x512xf32> to vector<512x512xf32>
    %dot_general3A_95 = arith.constant dense<0.000000e+00> : vector<512x512xf32>
    %dot_general3A_96 = tpu.matmul %mul3A_89, %get3A_94, %dot_general3A_95 {dimension_numbers = #tpu.dot_dimension_numbers<[1], [0], [0], [1], [0, 0, 1, 1], [], []>, transpose_lhs_hint = false} : vector<512x512xf32>, vector<512x512xf32>, vector<512x512xf32> -> vector<512x512xf32>
    %add3A_97 = arith.addf %add3A_65, %dot_general3A_96 : vector<512x512xf32>
    %get3A_98 = arith.constant 3 : index
    %get3A_99 = arith.constant 0 : index
    %get3A_100 = arith.constant 0 : index
    %get3A_101 = vector.load %arg2[%get3A_98, %get3A_99, %get3A_100] : memref<8x512x128xf32, #tpu.memory_space<vmem>>, vector<1x512x128xf32>
    %get3A_102 = vector.shape_cast %get3A_101 : vector<1x512x128xf32> to vector<512x128xf32>
    %reduce_sum3A_103 = arith.constant dense<0.000000e+00> : vector<512xf32>
    %reduce_sum3A_104 = vector.multi_reduction <add>, %get3A_102, %reduce_sum3A_103 [1] : vector<512x128xf32> to vector<512xf32>
    %broadcast_in_dim3A_105 = vector.shape_cast %reduce_sum3A_104 : vector<512xf32> to vector<512x1xf32>
    %mul3A_106 = arith.constant 7.812500e-03 : f32
    %mul3A_107 = vector.broadcast %mul3A_106 : f32 to vector<512x1xf32>
    %mul3A_108 = arith.mulf %broadcast_in_dim3A_105, %mul3A_107 : vector<512x1xf32>
    %max3A_109 = arith.constant 1.000000e+00 : f32
    %max3A_110 = vector.broadcast %max3A_109 : f32 to vector<512x1xf32>
    %max3A_111 = arith.maximumf %mul3A_108, %max3A_110 : vector<512x1xf32>
    %div3A_112 = arith.constant 1.000000e+00 : f32
    %div3A_113 = vector.broadcast %div3A_112 : f32 to vector<512x1xf32>
    %div3A_114 = arith.divf %div3A_113, %max3A_111 : vector<512x1xf32>
    %get3A_115 = arith.constant 3 : index
    %get3A_116 = arith.constant 0 : index
    %get3A_117 = arith.constant 0 : index
    %get3A_118 = vector.load %arg1[%get3A_115, %get3A_116, %get3A_117] : memref<8x512x512xf32, #tpu.memory_space<vmem>>, vector<1x512x512xf32>
    %get3A_119 = vector.shape_cast %get3A_118 : vector<1x512x512xf32> to vector<512x512xf32>
    %mul3A_120 = vector.broadcast %div3A_114 : vector<512x1xf32> to vector<512x512xf32>
    %mul3A_121 = arith.mulf %get3A_119, %mul3A_120 : vector<512x512xf32>
    %get3A_122 = arith.constant 3 : index
    %get3A_123 = arith.constant 0 : index
    %get3A_124 = arith.constant 0 : index
    %get3A_125 = vector.load %arg5[%get3A_122, %get3A_123, %get3A_124] : memref<8x512x512xf32, #tpu.memory_space<vmem>>, vector<1x512x512xf32>
    %get3A_126 = vector.shape_cast %get3A_125 : vector<1x512x512xf32> to vector<512x512xf32>
    %dot_general3A_127 = arith.constant dense<0.000000e+00> : vector<512x512xf32>
    %dot_general3A_128 = tpu.matmul %mul3A_121, %get3A_126, %dot_general3A_127 {dimension_numbers = #tpu.dot_dimension_numbers<[1], [0], [0], [1], [0, 0, 1, 1], [], []>, transpose_lhs_hint = false} : vector<512x512xf32>, vector<512x512xf32>, vector<512x512xf32> -> vector<512x512xf32>
    %add3A_129 = arith.addf %add3A_97, %dot_general3A_128 : vector<512x512xf32>
    %get3A_130 = arith.constant 4 : index
    %get3A_131 = arith.constant 0 : index
    %get3A_132 = arith.constant 0 : index
    %get3A_133 = vector.load %arg2[%get3A_130, %get3A_131, %get3A_132] : memref<8x512x128xf32, #tpu.memory_space<vmem>>, vector<1x512x128xf32>
    %get3A_134 = vector.shape_cast %get3A_133 : vector<1x512x128xf32> to vector<512x128xf32>
    %reduce_sum3A_135 = arith.constant dense<0.000000e+00> : vector<512xf32>
    %reduce_sum3A_136 = vector.multi_reduction <add>, %get3A_134, %reduce_sum3A_135 [1] : vector<512x128xf32> to vector<512xf32>
    %broadcast_in_dim3A_137 = vector.shape_cast %reduce_sum3A_136 : vector<512xf32> to vector<512x1xf32>
    %mul3A_138 = arith.constant 7.812500e-03 : f32
    %mul3A_139 = vector.broadcast %mul3A_138 : f32 to vector<512x1xf32>
    %mul3A_140 = arith.mulf %broadcast_in_dim3A_137, %mul3A_139 : vector<512x1xf32>
    %max3A_141 = arith.constant 1.000000e+00 : f32
    %max3A_142 = vector.broadcast %max3A_141 : f32 to vector<512x1xf32>
    %max3A_143 = arith.maximumf %mul3A_140, %max3A_142 : vector<512x1xf32>
    %div3A_144 = arith.constant 1.000000e+00 : f32
    %div3A_145 = vector.broadcast %div3A_144 : f32 to vector<512x1xf32>
    %div3A_146 = arith.divf %div3A_145, %max3A_143 : vector<512x1xf32>
    %get3A_147 = arith.constant 4 : index
    %get3A_148 = arith.constant 0 : index
    %get3A_149 = arith.constant 0 : index
    %get3A_150 = vector.load %arg1[%get3A_147, %get3A_148, %get3A_149] : memref<8x512x512xf32, #tpu.memory_space<vmem>>, vector<1x512x512xf32>
    %get3A_151 = vector.shape_cast %get3A_150 : vector<1x512x512xf32> to vector<512x512xf32>
    %mul3A_152 = vector.broadcast %div3A_146 : vector<512x1xf32> to vector<512x512xf32>
    %mul3A_153 = arith.mulf %get3A_151, %mul3A_152 : vector<512x512xf32>
    %get3A_154 = arith.constant 4 : index
    %get3A_155 = arith.constant 0 : index
    %get3A_156 = arith.constant 0 : index
    %get3A_157 = vector.load %arg5[%get3A_154, %get3A_155, %get3A_156] : memref<8x512x512xf32, #tpu.memory_space<vmem>>, vector<1x512x512xf32>
    %get3A_158 = vector.shape_cast %get3A_157 : vector<1x512x512xf32> to vector<512x512xf32>
    %dot_general3A_159 = arith.constant dense<0.000000e+00> : vector<512x512xf32>
    %dot_general3A_160 = tpu.matmul %mul3A_153, %get3A_158, %dot_general3A_159 {dimension_numbers = #tpu.dot_dimension_numbers<[1], [0], [0], [1], [0, 0, 1, 1], [], []>, transpose_lhs_hint = false} : vector<512x512xf32>, vector<512x512xf32>, vector<512x512xf32> -> vector<512x512xf32>
    %add3A_161 = arith.addf %add3A_129, %dot_general3A_160 : vector<512x512xf32>
    %get3A_162 = arith.constant 5 : index
    %get3A_163 = arith.constant 0 : index
    %get3A_164 = arith.constant 0 : index
    %get3A_165 = vector.load %arg2[%get3A_162, %get3A_163, %get3A_164] : memref<8x512x128xf32, #tpu.memory_space<vmem>>, vector<1x512x128xf32>
    %get3A_166 = vector.shape_cast %get3A_165 : vector<1x512x128xf32> to vector<512x128xf32>
    %reduce_sum3A_167 = arith.constant dense<0.000000e+00> : vector<512xf32>
    %reduce_sum3A_168 = vector.multi_reduction <add>, %get3A_166, %reduce_sum3A_167 [1] : vector<512x128xf32> to vector<512xf32>
    %broadcast_in_dim3A_169 = vector.shape_cast %reduce_sum3A_168 : vector<512xf32> to vector<512x1xf32>
    %mul3A_170 = arith.constant 7.812500e-03 : f32
    %mul3A_171 = vector.broadcast %mul3A_170 : f32 to vector<512x1xf32>
    %mul3A_172 = arith.mulf %broadcast_in_dim3A_169, %mul3A_171 : vector<512x1xf32>
    %max3A_173 = arith.constant 1.000000e+00 : f32
    %max3A_174 = vector.broadcast %max3A_173 : f32 to vector<512x1xf32>
    %max3A_175 = arith.maximumf %mul3A_172, %max3A_174 : vector<512x1xf32>
    %div3A_176 = arith.constant 1.000000e+00 : f32
    %div3A_177 = vector.broadcast %div3A_176 : f32 to vector<512x1xf32>
    %div3A_178 = arith.divf %div3A_177, %max3A_175 : vector<512x1xf32>
    %get3A_179 = arith.constant 5 : index
    %get3A_180 = arith.constant 0 : index
    %get3A_181 = arith.constant 0 : index
    %get3A_182 = vector.load %arg1[%get3A_179, %get3A_180, %get3A_181] : memref<8x512x512xf32, #tpu.memory_space<vmem>>, vector<1x512x512xf32>
    %get3A_183 = vector.shape_cast %get3A_182 : vector<1x512x512xf32> to vector<512x512xf32>
    %mul3A_184 = vector.broadcast %div3A_178 : vector<512x1xf32> to vector<512x512xf32>
    %mul3A_185 = arith.mulf %get3A_183, %mul3A_184 : vector<512x512xf32>
    %get3A_186 = arith.constant 5 : index
    %get3A_187 = arith.constant 0 : index
    %get3A_188 = arith.constant 0 : index
    %get3A_189 = vector.load %arg5[%get3A_186, %get3A_187, %get3A_188] : memref<8x512x512xf32, #tpu.memory_space<vmem>>, vector<1x512x512xf32>
    %get3A_190 = vector.shape_cast %get3A_189 : vector<1x512x512xf32> to vector<512x512xf32>
    %dot_general3A_191 = arith.constant dense<0.000000e+00> : vector<512x512xf32>
    %dot_general3A_192 = tpu.matmul %mul3A_185, %get3A_190, %dot_general3A_191 {dimension_numbers = #tpu.dot_dimension_numbers<[1], [0], [0], [1], [0, 0, 1, 1], [], []>, transpose_lhs_hint = false} : vector<512x512xf32>, vector<512x512xf32>, vector<512x512xf32> -> vector<512x512xf32>
    %add3A_193 = arith.addf %add3A_161, %dot_general3A_192 : vector<512x512xf32>
    %get3A_194 = arith.constant 6 : index
    %get3A_195 = arith.constant 0 : index
    %get3A_196 = arith.constant 0 : index
    %get3A_197 = vector.load %arg2[%get3A_194, %get3A_195, %get3A_196] : memref<8x512x128xf32, #tpu.memory_space<vmem>>, vector<1x512x128xf32>
    %get3A_198 = vector.shape_cast %get3A_197 : vector<1x512x128xf32> to vector<512x128xf32>
    %reduce_sum3A_199 = arith.constant dense<0.000000e+00> : vector<512xf32>
    %reduce_sum3A_200 = vector.multi_reduction <add>, %get3A_198, %reduce_sum3A_199 [1] : vector<512x128xf32> to vector<512xf32>
    %broadcast_in_dim3A_201 = vector.shape_cast %reduce_sum3A_200 : vector<512xf32> to vector<512x1xf32>
    %mul3A_202 = arith.constant 7.812500e-03 : f32
    %mul3A_203 = vector.broadcast %mul3A_202 : f32 to vector<512x1xf32>
    %mul3A_204 = arith.mulf %broadcast_in_dim3A_201, %mul3A_203 : vector<512x1xf32>
    %max3A_205 = arith.constant 1.000000e+00 : f32
    %max3A_206 = vector.broadcast %max3A_205 : f32 to vector<512x1xf32>
    %max3A_207 = arith.maximumf %mul3A_204, %max3A_206 : vector<512x1xf32>
    %div3A_208 = arith.constant 1.000000e+00 : f32
    %div3A_209 = vector.broadcast %div3A_208 : f32 to vector<512x1xf32>
    %div3A_210 = arith.divf %div3A_209, %max3A_207 : vector<512x1xf32>
    %get3A_211 = arith.constant 6 : index
    %get3A_212 = arith.constant 0 : index
    %get3A_213 = arith.constant 0 : index
    %get3A_214 = vector.load %arg1[%get3A_211, %get3A_212, %get3A_213] : memref<8x512x512xf32, #tpu.memory_space<vmem>>, vector<1x512x512xf32>
    %get3A_215 = vector.shape_cast %get3A_214 : vector<1x512x512xf32> to vector<512x512xf32>
    %mul3A_216 = vector.broadcast %div3A_210 : vector<512x1xf32> to vector<512x512xf32>
    %mul3A_217 = arith.mulf %get3A_215, %mul3A_216 : vector<512x512xf32>
    %get3A_218 = arith.constant 6 : index
    %get3A_219 = arith.constant 0 : index
    %get3A_220 = arith.constant 0 : index
    %get3A_221 = vector.load %arg5[%get3A_218, %get3A_219, %get3A_220] : memref<8x512x512xf32, #tpu.memory_space<vmem>>, vector<1x512x512xf32>
    %get3A_222 = vector.shape_cast %get3A_221 : vector<1x512x512xf32> to vector<512x512xf32>
    %dot_general3A_223 = arith.constant dense<0.000000e+00> : vector<512x512xf32>
    %dot_general3A_224 = tpu.matmul %mul3A_217, %get3A_222, %dot_general3A_223 {dimension_numbers = #tpu.dot_dimension_numbers<[1], [0], [0], [1], [0, 0, 1, 1], [], []>, transpose_lhs_hint = false} : vector<512x512xf32>, vector<512x512xf32>, vector<512x512xf32> -> vector<512x512xf32>
    %add3A_225 = arith.addf %add3A_193, %dot_general3A_224 : vector<512x512xf32>
    %get3A_226 = arith.constant 7 : index
    %get3A_227 = arith.constant 0 : index
    %get3A_228 = arith.constant 0 : index
    %get3A_229 = vector.load %arg2[%get3A_226, %get3A_227, %get3A_228] : memref<8x512x128xf32, #tpu.memory_space<vmem>>, vector<1x512x128xf32>
    %get3A_230 = vector.shape_cast %get3A_229 : vector<1x512x128xf32> to vector<512x128xf32>
    %reduce_sum3A_231 = arith.constant dense<0.000000e+00> : vector<512xf32>
    %reduce_sum3A_232 = vector.multi_reduction <add>, %get3A_230, %reduce_sum3A_231 [1] : vector<512x128xf32> to vector<512xf32>
    %broadcast_in_dim3A_233 = vector.shape_cast %reduce_sum3A_232 : vector<512xf32> to vector<512x1xf32>
    %mul3A_234 = arith.constant 7.812500e-03 : f32
    %mul3A_235 = vector.broadcast %mul3A_234 : f32 to vector<512x1xf32>
    %mul3A_236 = arith.mulf %broadcast_in_dim3A_233, %mul3A_235 : vector<512x1xf32>
    %max3A_237 = arith.constant 1.000000e+00 : f32
    %max3A_238 = vector.broadcast %max3A_237 : f32 to vector<512x1xf32>
    %max3A_239 = arith.maximumf %mul3A_236, %max3A_238 : vector<512x1xf32>
    %div3A_240 = arith.constant 1.000000e+00 : f32
    %div3A_241 = vector.broadcast %div3A_240 : f32 to vector<512x1xf32>
    %div3A_242 = arith.divf %div3A_241, %max3A_239 : vector<512x1xf32>
    %get3A_243 = arith.constant 7 : index
    %get3A_244 = arith.constant 0 : index
    %get3A_245 = arith.constant 0 : index
    %get3A_246 = vector.load %arg1[%get3A_243, %get3A_244, %get3A_245] : memref<8x512x512xf32, #tpu.memory_space<vmem>>, vector<1x512x512xf32>
    %get3A_247 = vector.shape_cast %get3A_246 : vector<1x512x512xf32> to vector<512x512xf32>
    %mul3A_248 = vector.broadcast %div3A_242 : vector<512x1xf32> to vector<512x512xf32>
    %mul3A_249 = arith.mulf %get3A_247, %mul3A_248 : vector<512x512xf32>
    %get3A_250 = arith.constant 7 : index
    %get3A_251 = arith.constant 0 : index
    %get3A_252 = arith.constant 0 : index
    %get3A_253 = vector.load %arg5[%get3A_250, %get3A_251, %get3A_252] : memref<8x512x512xf32, #tpu.memory_space<vmem>>, vector<1x512x512xf32>
    %get3A_254 = vector.shape_cast %get3A_253 : vector<1x512x512xf32> to vector<512x512xf32>
    %dot_general3A_255 = arith.constant dense<0.000000e+00> : vector<512x512xf32>
    %dot_general3A_256 = tpu.matmul %mul3A_249, %get3A_254, %dot_general3A_255 {dimension_numbers = #tpu.dot_dimension_numbers<[1], [0], [0], [1], [0, 0, 1, 1], [], []>, transpose_lhs_hint = false} : vector<512x512xf32>, vector<512x512xf32>, vector<512x512xf32> -> vector<512x512xf32>
    %add3A_257 = arith.addf %add3A_225, %dot_general3A_256 : vector<512x512xf32>
    %get3A_258 = arith.constant 0 : index
    %get3A_259 = arith.constant 0 : index
    %get3A_260 = vector.load %arg7[%get3A_258, %get3A_259] : memref<1x512xf32, #tpu.memory_space<vmem>>, vector<1x512xf32>
    %add3A_261 = vector.broadcast %get3A_260 : vector<1x512xf32> to vector<512x512xf32>
    %add3A_262 = arith.addf %add3A_257, %add3A_261 : vector<512x512xf32>
    %max3A_263 = arith.constant 0.000000e+00 : f32
    %max3A_264 = vector.broadcast %max3A_263 : f32 to vector<512x512xf32>
    %max3A_265 = arith.maximumf %add3A_262, %max3A_264 : vector<512x512xf32>
    %get3A_266 = arith.constant 0 : index
    %get3A_267 = arith.constant 0 : index
    %get3A_268 = arith.constant 0 : index
    %get3A_269 = vector.load %arg4[%get3A_266, %get3A_267, %get3A_268] : memref<1x1x512xi32, #tpu.memory_space<vmem>>, vector<1x1x512xi32>
    %reshape3A = vector.shape_cast %get3A_269 : vector<1x1x512xi32> to vector<1x512xi32>
    %broadcast_in_dim3A_270 = vector.shape_cast %reshape3A : vector<1x512xi32> to vector<1x512xi32>
    %broadcast_in_dim3A_271 = vector.broadcast %broadcast_in_dim3A_270 : vector<1x512xi32> to vector<64x512xi32>
    %iota3A = tpu.iota {dimensions = array<i32: 0>} : vector<64x512xi32>
    %eq3A_272 = arith.cmpi eq, %broadcast_in_dim3A_271, %iota3A : vector<64x512xi32>
    %convert_element_type3A_273 = arith.extui %eq3A_272 : vector<64x512xi1> to vector<64x512xi32>
    %convert_element_type3A_274 = arith.sitofp %convert_element_type3A_273 : vector<64x512xi32> to vector<64x512xf32>
    %get3A_275 = arith.constant 0 : index
    %get3A_276 = arith.constant 0 : index
    %get3A_277 = vector.load %arg11[%get3A_275, %get3A_276] : memref<64x512xf32, #tpu.memory_space<vmem>>, vector<64x512xf32>
    %dot_general3A_278 = arith.constant dense<0.000000e+00> : vector<64x512xf32>
    %dot_general3A_279 = tpu.matmul %convert_element_type3A_274, %max3A_265, %dot_general3A_278 {dimension_numbers = #tpu.dot_dimension_numbers<[1], [0], [0], [1], [0, 0, 1, 1], [], []>, transpose_lhs_hint = false} : vector<64x512xf32>, vector<512x512xf32>, vector<64x512xf32> -> vector<64x512xf32>
    %add3A_280 = arith.addf %get3A_277, %dot_general3A_279 : vector<64x512xf32>
    %swap3A = arith.constant 0 : index
    %swap3A_281 = arith.constant 0 : index
    %swap3A_282 = vector.load %arg11[%swap3A, %swap3A_281] : memref<64x512xf32, #tpu.memory_space<vmem>>, vector<64x512xf32>
    tpu.vector_store %arg11[%swap3A, %swap3A_281], %add3A_280 {strides = array<i32>} : memref<64x512xf32, #tpu.memory_space<vmem>>, vector<64x512xf32>,
    %get3A_283 = arith.constant 0 : index
    %get3A_284 = arith.constant 0 : index
    %get3A_285 = vector.load %arg12[%get3A_283, %get3A_284] : memref<64x128xf32, #tpu.memory_space<vmem>>, vector<64x128xf32>
    %reduce_sum3A_286 = arith.constant dense<0.000000e+00> : vector<64xf32>
    %reduce_sum3A_287 = vector.multi_reduction <add>, %convert_element_type3A_274, %reduce_sum3A_286 [1] : vector<64x512xf32> to vector<64xf32>
    %broadcast_in_dim3A_288 = vector.shape_cast %reduce_sum3A_287 : vector<64xf32> to vector<64x1xf32>
    %broadcast_in_dim3A_289 = vector.shape_cast %broadcast_in_dim3A_288 : vector<64x1xf32> to vector<64x1xf32>
    %broadcast_in_dim3A_290 = vector.broadcast %broadcast_in_dim3A_289 : vector<64x1xf32> to vector<64x128xf32>
    %add3A_291 = arith.addf %get3A_285, %broadcast_in_dim3A_290 : vector<64x128xf32>
    %swap3A_292 = arith.constant 0 : index
    %swap3A_293 = arith.constant 0 : index
    %swap3A_294 = vector.load %arg12[%swap3A_292, %swap3A_293] : memref<64x128xf32, #tpu.memory_space<vmem>>, vector<64x128xf32>
    tpu.vector_store %arg12[%swap3A_292, %swap3A_293], %add3A_291 {strides = array<i32>} : memref<64x128xf32, #tpu.memory_space<vmem>>, vector<64x128xf32>,
    %eq3A_295 = arith.constant 19 : i32
    %eq3A_296 = arith.cmpi eq, %arg0, %eq3A_295 : i32
    %convert_element_type3A_297 = arith.extui %eq3A_296 : i1 to i32
    %cond3A_298 = arith.constant 0 : i32
    %cond3A_299 = arith.cmpi ne, %convert_element_type3A_297, %cond3A_298 : i32
    scf.if %cond3A_299 {
      %get3A_300 = arith.constant 0 : index
      %get3A_301 = arith.constant 0 : index
      %get3A_302 = vector.load %arg11[%get3A_300, %get3A_301] : memref<64x512xf32, #tpu.memory_space<vmem>>, vector<64x512xf32>
      %get3A_303 = arith.constant 0 : index
      %get3A_304 = arith.constant 0 : index
      %get3A_305 = vector.load %arg12[%get3A_303, %get3A_304] : memref<64x128xf32, #tpu.memory_space<vmem>>, vector<64x128xf32>
      %slice3A = vector.extract_strided_slice %get3A_305 {offsets = [0, 0], sizes = [64, 1], strides = [1, 1]} : vector<64x128xf32> to vector<64x1xf32>
      %max3A_306 = arith.constant 1.000000e+00 : f32
      %max3A_307 = vector.broadcast %max3A_306 : f32 to vector<64x1xf32>
      %max3A_308 = arith.maximumf %slice3A, %max3A_307 : vector<64x1xf32>
      %div3A_309 = vector.broadcast %max3A_308 : vector<64x1xf32> to vector<64x512xf32>
      %div3A_310 = arith.divf %get3A_302, %div3A_309 : vector<64x512xf32>
      %get3A_311 = arith.constant 0 : index
      %get3A_312 = arith.constant 0 : index
      %get3A_313 = vector.load %arg8[%get3A_311, %get3A_312] : memref<512x256xf32, #tpu.memory_space<vmem>>, vector<512x256xf32>
      %dot_general3A_314 = arith.constant dense<0.000000e+00> : vector<64x256xf32>
      %dot_general3A_315 = tpu.matmul %div3A_310, %get3A_313, %dot_general3A_314 {dimension_numbers = #tpu.dot_dimension_numbers<[1], [0], [0], [1], [0, 0, 1, 1], [], []>, transpose_lhs_hint = false} : vector<64x512xf32>, vector<512x256xf32>, vector<64x256xf32> -> vector<64x256xf32>
      %get3A_316 = arith.constant 0 : index
      %get3A_317 = arith.constant 0 : index
      %get3A_318 = vector.load %arg9[%get3A_316, %get3A_317] : memref<1x256xf32, #tpu.memory_space<vmem>>, vector<1x256xf32>
      %add3A_319 = vector.broadcast %get3A_318 : vector<1x256xf32> to vector<64x256xf32>
      %add3A_320 = arith.addf %dot_general3A_315, %add3A_319 : vector<64x256xf32>
      %swap3A_321 = arith.constant 0 : index
      %swap3A_322 = arith.constant 0 : index
      %swap3A_323 = vector.load %arg10[%swap3A_321, %swap3A_322] : memref<64x256xf32, #tpu.memory_space<vmem>>, vector<64x256xf32>
      tpu.vector_store %arg10[%swap3A_321, %swap3A_322], %add3A_320 {strides = array<i32>} : memref<64x256xf32, #tpu.memory_space<vmem>>, vector<64x256xf32>,
    } else {
    }
    return
  }
  func.func @transform_0(%arg0: i32) -> (i32, i32, i32) {
    %c0_i32 = arith.constant 0 : i32
    %c0_i32_0 = arith.constant 0 : i32
    %c0_i32_1 = arith.constant 0 : i32
    return %c0_i32, %arg0, %c0_i32_0 : i32, i32, i32
  }
  func.func @transform_1(%arg0: i32) -> (i32, i32, i32) {
    %c0_i32 = arith.constant 0 : i32
    %c0_i32_0 = arith.constant 0 : i32
    %c0_i32_1 = arith.constant 0 : i32
    return %c0_i32, %arg0, %c0_i32_0 : i32, i32, i32
  }
  func.func @transform_2(%arg0: i32) -> (i32, i32) {
    %c0_i32 = arith.constant 0 : i32
    %c0_i32_0 = arith.constant 0 : i32
    return %arg0, %c0_i32 : i32, i32
  }
  func.func @transform_3(%arg0: i32) -> (i32, i32, i32) {
    %c0_i32 = arith.constant 0 : i32
    %c0_i32_0 = arith.constant 0 : i32
    %c0_i32_1 = arith.constant 0 : i32
    return %arg0, %c0_i32, %c0_i32_0 : i32, i32, i32
  }
  func.func @transform_4(%arg0: i32) -> (i32, i32, i32) {
    %c0_i32 = arith.constant 0 : i32
    %c0_i32_0 = arith.constant 0 : i32
    %c0_i32_1 = arith.constant 0 : i32
    %c0_i32_2 = arith.constant 0 : i32
    return %c0_i32, %c0_i32_0, %c0_i32_1 : i32, i32, i32
  }
  func.func @transform_5(%arg0: i32) -> (i32, i32) {
    %c0_i32 = arith.constant 0 : i32
    %c0_i32_0 = arith.constant 0 : i32
    %c0_i32_1 = arith.constant 0 : i32
    return %c0_i32, %c0_i32_0 : i32, i32
  }
  func.func @transform_6(%arg0: i32) -> (i32, i32) {
    %c0_i32 = arith.constant 0 : i32
    %c0_i32_0 = arith.constant 0 : i32
    %c0_i32_1 = arith.constant 0 : i32
    return %c0_i32, %c0_i32_0 : i32, i32
  }
  func.func @transform_7(%arg0: i32) -> (i32, i32) {
    %c0_i32 = arith.constant 0 : i32
    %c0_i32_0 = arith.constant 0 : i32
    %c0_i32_1 = arith.constant 0 : i32
    return %c0_i32, %c0_i32_0 : i32, i32
  }
  func.func @transform_8(%arg0: i32) -> (i32, i32) {
    %c0_i32 = arith.constant 0 : i32
    %c0_i32_0 = arith.constant 0 : i32
    %c0_i32_1 = arith.constant 0 : i32
    return %c0_i32, %c0_i32_0 : i32, i32
  }
  func.func @transform_9(%arg0: i32) -> (i32, i32) {
    %c0_i32 = arith.constant 0 : i32
    %c0_i32_0 = arith.constant 0 : i32
    %c0_i32_1 = arith.constant 0 : i32
    return %c0_i32, %c0_i32_0 : i32, i32
  }
}

</mosaic_0001>

<sc_bundles>
// kernel: gather_offload_async_start.1
scs
__scs_entry_jumppad:
0x0: {  	(pc) =	sbr.rel $0x88, $3  }
0x1: {  	(tag) =	ssettag $0x0;
	lr =	simm.s32 $0x1  }
0x2: {  	[smem:$0x3F95] =	sst lr;
	_ =	strace $0xD0000000  }
0x3: {  	_ = 	snop  }
0x4: {  	_ = 	snop  }
0x5: {  	_ = 	snop  }
0x6: {  	_ = 	snop  }
0x7: {  	_ = 	snop  }
__scs_overlays_trampoline_lowered:
0x8: {  	[smem:$0x3FA4] =	sst s0  }
0x9: {  	[smem:$0x3FA5] =	sst s1  }
0xa: {  	[smem:$0x3FA6] =	sst s2  }
0xb: {  	[smem:$0x3FA7] =	sst s3  }
0xc: {  	[smem:$0x3FA8] =	sst s4  }
0xd: {  	[smem:$0x3FA9] =	sst s5  }
0xe: {  	[smem:$0x3FAA] =	sst s6  }
0xf: {  	[smem:$0x3FAB] =	sst s7  }
0x10: {  	[smem:$0x3FAC] =	sst s8  }
0x11: {  	[smem:$0x3FAD] =	sst s9;
	s0 =	simm.s32 @!p0 $0x0  }
0x12: {  	s1 =	sld [smem:$0x3F93];
	s0 =	simm.s32 @p0 $0x1  }
0x13: {  	[smem:$0x3FAE] =	sst s0;
	s0 =	simm.s32 @!p1 $0x0  }
0x14: {  	s2 =	sld [smem:$0x3F92];
	s0 =	simm.s32 @p1 $0x1  }
0x15: {  	[smem:$0x3FAF] =	sst s0;
	s0 =	simm.s32 @!p2 $0x0  }
0x16: {  	s3 =	sld [smem:$0x3FDB];
	s0 =	simm.s32 @p2 $0x1  }
0x17: {  	s4 =	simm.s32 $0x1BF5;
	[smem:$0x3FB1] =	sst s0  }
0x18: {  	s0 =	sld [smem:$0x3F94];
	_ =	swait.ge [sflag:s4], $0x0  }
0x19: {  	s7 =	sld [smem:$0x3F95]  }
0x1a: {  	s8 =	sadd.s32 $0xFFFFE003, lr  }
0x1b: {  	s9 =	sadd.s32 $0xFFFFFEF7, lr;
	s5 =	simm.s32 $0xFFFFFFFF;
	p2 =	slt.u32 s8, $0xFFFFF086  }
0x1c: {  	p1 =	slt.u32 s9, $0xF7A;
	s5 =	simm.s32 @!p2 $0x0  }
0x1d: {  	s5 =	simm.s32 @p1 $0x1;
	p0 =	seq.s32 s7, s2  }
0x1e: {  	s7 =	smul.u32 @!p0 $0xF7A, s2;
	p2 =	seq.s32 @!p0 s5, $0x0  }
0x1f: {  	s9 =	smul.u32 $0xF7A, s1;
	s8 =	simm.s32 @!p0 $0x1BF5;
	p2 =	por !p2, p0  }
0x20: {  	[sflag:s8] =	ssyncset.s32 @!p0 $0xFFFFF086;
	s6 =	sadd.s32 @!p0 s3, s7;
	s7 =	simm.s32 @!p0 $0x108  }
0x21: {  	s3 =	sadd.s32 s3, s9;
	s6 =	sadd.s32 @!p0 $0x88, s6;
	s7 =	simm.s32 @p2 $0x1082  }
0x22: {  	[simem:s7], [sflag:s8] =	dma.local @!p0 [hbm:s6], $0xF7A  }
0x23: {  	s9 =	sor.u32 $0xD0000000, s2;
	s6 =	simm.s32 $0x108;
	_ =	swait.ge @!p0 [sflag:s8], $0x0  }
0x24: {  	s3 =	sadd.s32 $0x88, s3;
	s6 =	simm.s32 @!p1 $0x1082;
	[sflag:s4] =	ssyncset.s32 $0xFFFFF086  }
0x25: {  	[simem:s6], [sflag:s4] =	dma.local [hbm:s3], $0xF7A  }
0x26: {  	[smem:$0x3F95] =	sst s1;
	(tag) =	ssettag s2;
	_ =	strace s9  }
0x27: {  	s1 =	sld [smem:$0x3FA5]  }
0x28: {  	s2 =	sld [smem:$0x3FA6]  }
0x29: {  	s4 =	sld [smem:$0x3FA8]  }
0x2a: {  	p0 =	seq.s32 s5, $0x0;
	s5 =	sld [smem:$0x3FA9]  }
0x2b: {  	s6 =	sld [smem:$0x3FAA]  }
0x2c: {  	s7 =	sld [smem:$0x3FAB]  }
0x2d: {  	s3 =	simm.s32 $0x108;
	s8 =	sld [smem:$0x3FAC]  }
0x2e: {  	s3 =	simm.s32 @!p0 $0x1082;
	s9 =	sld [smem:$0x3FAD]  }
0x2f: {  	lr =	sadd.s32 s0, s3;
	s0 =	sld [smem:$0x3FA4]  }
0x30: {  	s3 =	sld [smem:$0x3FA7]  }
0x31: {  	[smem:$0x3FB0] =	sst s10  }
0x32: {  	s10 =	sld [smem:$0x3FAE];
	_ =	sdelay $0x3  }
0x33: {  	p0 =	seq.s32 s10, $0x1;
	s10 =	sld [smem:$0x3FB0];
	_ =	sdelay $0x3  }
0x34: {  	[smem:$0x3FB0] =	sst s10  }
0x35: {  	s10 =	sld [smem:$0x3FAF];
	_ =	sdelay $0x3  }
0x36: {  	p1 =	seq.s32 s10, $0x1;
	s10 =	sld [smem:$0x3FB0];
	_ =	sdelay $0x3  }
0x37: {  	[smem:$0x3FB0] =	sst s10  }
0x38: {  	s10 =	sld [smem:$0x3FB1]  }
0x39: {  	_ = 	snop;
	(pc) =	sbr.ind lr, $3  }
0x3a: {  	_ = 	snop  }
0x3b: {  	_ = 	snop  }
0x3c: {  	p2 =	seq.s32 s10, $0x1;
	s10 =	sld [smem:$0x3FB0]  }
0x3d: {  	_ =	shalt  }
0x3e: {  	_ =	shalt  }
0x3f: {  	_ =	shalt  }
0x40: {  	_ =	shalt  }
0x41: {  	_ =	shalt  }
0x42: {  	_ =	shalt  }
0x43: {  	_ =	shalt  }
0x44: {  	_ =	shalt  }
0x45: {  	_ =	shalt  }
0x46: {  	_ =	shalt  }
0x47: {  	_ =	shalt  }
0x48: {  	_ =	shalt  }
0x49: {  	_ =	shalt  }
0x4a: {  	_ =	shalt  }
0x4b: {  	_ =	shalt  }
0x4c: {  	_ =	shalt  }
0x4d: {  	_ =	shalt  }
0x4e: {  	_ =	shalt  }
0x4f: {  	_ =	shalt  }
0x50: {  	_ =	shalt  }
0x51: {  	_ =	shalt  }
0x52: {  	_ =	shalt  }
0x53: {  	_ =	shalt  }
0x54: {  	_ =	shalt  }
0x55: {  	_ =	shalt  }
0x56: {  	_ =	shalt  }
0x57: {  	_ =	shalt  }
0x58: {  	_ =	shalt  }
0x59: {  	_ =	shalt  }
0x5a: {  	_ =	shalt  }
0x5b: {  	_ =	shalt  }
0x5c: {  	_ =	shalt  }
0x5d: {  	_ =	shalt  }
0x5e: {  	_ =	shalt  }
0x5f: {  	_ =	shalt  }
0x60: {  	_ =	shalt  }
0x61: {  	_ =	shalt  }
0x62: {  	_ =	shalt  }
0x63: {  	_ =	shalt  }
0x64: {  	_ =	shalt  }
0x65: {  	_ =	shalt  }
0x66: {  	_ =	shalt  }
0x67: {  	_ =	shalt  }
0x68: {  	_ =	shalt  }
0x69: {  	_ =	shalt  }
0x6a: {  	_ =	shalt  }
0x6b: {  	_ =	shalt  }
0x6c: {  	_ =	shalt  }
0x6d: {  	_ =	shalt  }
0x6e: {  	_ =	shalt  }
0x6f: {  	_ =	shalt  }
0x70: {  	_ =	shalt  }
0x71: {  	_ =	shalt  }
0x72: {  	_ =	shalt  }
0x73: {  	_ =	shalt  }
0x74: {  	_ =	shalt  }
0x75: {  	_ =	shalt  }
0x76: {  	_ =	shalt  }
0x77: {  	_ =	shalt  }
0x78: {  	_ =	shalt  }
0x79: {  	_ =	shalt  }
0x7a: {  	_ =	shalt  }
0x7b: {  	_ =	shalt  }
0x7c: {  	_ =	shalt  }
0x7d: {  	_ =	shalt  }
0x7e: {  	_ =	shalt  }
0x7f: {  	_ =	shalt  }
0x80: {  	_ =	shalt  }
0x81: {  	_ =	shalt  }
0x82: {  	_ =	shalt  }
0x83: {  	_ =	shalt  }
0x84: {  	_ =	shalt  }
0x85: {  	_ =	shalt  }
0x86: {  	_ =	shalt  }
0x87: {  	_ =	shalt  }
.Lfunc_end0:
.L_simem_size_0:
called_computation.2_lowered:
.L_overlay_start_0:
0x88: {  	s2 =	sld [smem:$0x3FD9]  }
0x89: {  	s3 =	sld [smem:$0x3FFE];
	_ =	sdelay $0x1  }
0x8a: {  	s1 =	srdreg.scid  }
0x8b: {  	s0 =	sand.u32 $0x1, s1  }
0x8c: {  	s16 =	sshll.u32 s0, $0xA;
	s2 =	sadd.s32 s3, s2  }
0x8d: {  	s2 =	sadd.s32 s2, s16  }
0x8e: {  	[smem:$0x3FBC] =	sst s2  }
0x8f: {  	_ = 	snop  }
0x90: {  	(tm) =	ssettm $0x1  }
0x91: {  	s17 =	sld [smem:$0x3FFB];
	_ =	sdelay $0x3  }
0x92: {  	_ =	strace s17  }
0x93: {  	s2 =	sld [smem:$0x3FFC];
	_ =	sdelay $0x3  }
0x94: {  	_ =	strace s2  }
0x95: {  	s2 =	sld [smem:$0x3FFD];
	_ =	sdelay $0x3  }
0x96: {  	_ =	strace s2  }
0x97: {  	_ =	strace $0x8FFFFFFF  }
0x98: {  	s18 =	sld [smem:$0x3FDB];
	_ =	sdelay $0x1  }
0x99: {  	s19 =	simm.s32 $_scs_section_size  }
0x9a: {  	s4 =	simm.s32 $_size__tile_overlayer_lowered;
	s5 =	simm.s32 $_tile_overlayer_lowered  }
0x9b: {  	s22 =	simm.s32 $0x1BFF;
	s21 =	sshll.u32 s5, $0x1;
	s2 =	sadd.s32 s19, s18  }
0x9c: {  	s6 =	simm.s32 $0x0;
	s20 =	sshll.u32 s4, $0x1;
	s4 =	sadd.s32 s21, s2  }
0x9d: {  	[timem:s6], [sflag:s22] =	dma.local [hbm:s4], s20  }
0x9e: {  	_ =	swait.ge [sflag:s22], s20  }
0x9f: {  	s3 =	ssub.s32 $0x0, s20;
	[sflag:s22] =	ssyncset.done $0x0  }
0xa0: {  	[sflag:s22] =	ssyncadd.s32 s3;
	_ =	sdelay $0x1  }
0xa1: {  	s23 =	simm.s32 $0x1B8B  }
0xa2: {  	_ =	swait.ge [sflag:s23], $0x1  }
0xa3: {  	[sflag:s23] =	ssyncset.done $0x0  }
0xa4: {  	s25 =	simm.s32 $0x1B8E;
	s24 =	sld [smem:$0x3FFE];
	[sflag:s23] =	ssyncadd.s32 $0xFFFFFFFF  }
0xa5: {  	s26 =	simm.s32 $execute0_lowered;
	[smem:$0x3FD2] =	sst s25  }
0xa6: {  	s4 =	sshll.u32 s26, $0x1;
	_ =	strace $0x8000004C;
	[dreg:$0x1] =	wrdreg $0xFFFFFFFF  }
0xa7: {  	s28 =	simm.s32 $_size_execute0_lowered;
	s2 =	sadd.s32 s2, s4;
	[dreg:$0x0] =	wrdreg $0x0  }
0xa8: {  	s4 =	sshll.u32 s28, $0x1;
	[dreg:$0x2] =	wrdreg s2  }
0xa9: {  	[dreg:$0x3] =	wrdreg s4  }
0xaa: {  	[dreg:$0x4] =	wrdreg $0xC0  }
0xab: {  	_ =	task [dreg:s6], $0x5FFFF  }
0xac: {  	[dreg:$0x1] =	wrdreg $0xFFFFFFFF  }
0xad: {  	[dreg:$0x0] =	wrdreg $0x60  }
0xae: {  	[dreg:$0x2] =	wrdreg s24  }
0xaf: {  	[dreg:$0x3] =	wrdreg $0xA  }
0xb0: {  	_ =	task.clear_ibuf [dreg:s6], $0x4FFFF;
	_ =	strace $0x9000004C  }
0xb1: {  	s29 =	simm.s32 $0xA;
	_ =	strace $0x8000004E  }
0xb2: {  	_ =	swait.ge [sflag:s29], $0x1  }
0xb3: {  	[sflag:s29] =	ssyncadd.s32 $0xFFFFFFFF  }
0xb4: {  	_ =	strace $0x9000004E  }
0xb5: {  	_ =	sfence  }
0xb6: {  	s30 =	sld [smem:$0x0];
	_ =	sdelay $0x2  }
0xb7: {  	s31 =	sshll.u32 s1, $0xD;
	s1 =	sshrl.u32 s1, $0x2  }
0xb8: {  	s3 =	sand.u32 $0x4000, s31;
	s1 =	sadd.s32 s1, s30  }
0xb9: {  	s0 =	sor.u32 s3, s0;
	s1 =	sshll.u32 s1, $0x11  }
0xba: {  	s0 =	sor.u32 s1, s0  }
0xbb: {  	s0 =	sadd.s32 $0x8F2B, s0  }
0xbc: {  	[sflag:s0] =	ssyncadd.remote.s32 $0x1  }
0xbd: {  	_ =	sfence.sel $0xFFFF  }
0xbe: {  	[dreg:$0x0] =	wrdreg $0xFFFFFFFF;
	(pc) =	sbr.abs _section_cstart, $3  }
0xbf: {  	[dreg:$0x1] =	wrdreg $0xFFFFFFFF  }
0xc0: {  	_ =	task.clear_ibuf [dreg:s6], $0x2FFFF;
	_ =	strace $0x9FFFFFFF  }
0xc1: {  	(tm) =	ssettm $0x7FFFFFFF  }
tec
execute0_lowered:
.L_overlay_start_1:
0x0: {  	(tag) =	ssettag $0x1  }
0x1: {  	s8 =	rddreg [dreg:$0x0]  }
0x2: {  	s0 =	rddreg [dreg:$0x1];
	_ =	strace $0x8000004D;
	s1 =	stileid.u32  }
0x3: {  	s3 =	srdreg.scid;
	s4 =	simm.s32 $0x1;
	s7 =	simm.s32 $0x1  }
0x4: {  	s9 =	simm.s32 $0x1;
	s10 =	simm.s32 $0x3;
	s13 =	simm.s32 $0x0  }
0x5: {  	s12 =	simm.s32 $0x0;
	s5 =	sand.u32 $0x1, s3;
	s6 =	sshll.u32 s1, $0x1  }
0x6: {  	s2 =	sadd.s32 $0x1600, s8;
	s3 =	sadd.s32 $0xB600, s8;
	s5 =	sor.u32 s6, s5  }
.Ltmp0:
0x7: {  	[sflag:s4] =	ssyncpa.u1 $0x0;
	p0 =	slt.u32 s5, $0x9;
	(pc) =	sbr.rel .LBB2_1-.Ltmp0, $4  }
0x8: {  	s6 =	simm.s32 $0x2;
	s7 =	simm.s32 @!p0 $0x0;
	p0 =	sne.s32 s5, $0x8  }
0x9: {  	[sflag:s6] =	ssyncpa.u1 $0x0;
	s5 =	smul.u32 $0xFA0, s5;
	s9 =	simm.s32 @!p0 $0x0  }
0xa: {  	s8 =	sadd.s32 $0x6600, s8;
	[sflag:s10] =	ssyncpa.u1 $0x0;
	s7 =	sadd.s32 s9, s7  }
0xb: {  	vm0 =	vmmov $0xffff;
	s10 =	simm.s32 $0x0;
	s11 =	smov.u32 s5;
	s9 =	sadd.s32 $0x1, s7  }
.LBB2_4:
0xc: {  	v2 =	vnsel vm1, $0x0, v2  }
0xd: {  	vm1 =	vgt.s32 v0, $0x0;
	v2 =	vmin.u32 v2, $0x270FF  }
0xe: {  	v0 =	vnsel vm1, $0x0, v0  }
0xf: {  	v0 =	vmin.u32 v0, $0x270FF  }
0x10: {  	[tilespmem:s18], [sflag:$0x1] =	stream.indirect_vreg.gather [hbm4b:s2+s10], $0x1, v1, vm0, $0x4038;
	[tilespmem:$0x3E80] =	vst v63  }
0x11: {  	(ifvalue) =	ssetifvalue $0x7FFFFFFF  }
0x12: {  	[tilespmem:s15], [sflag:$0x1] =	stream.indirect_vreg.gather [hbm4b:s2+s10], $0x1, v2, vm0, $0x4038;
	[tilespmem:$0x3E80] =	vst v63  }
0x13: {  	s29 =	sadd.s32 $0x10, s15;
	(ifvalue) =	ssetifvalue $0x7FFFFFFF  }
0x14: {  	[tilespmem:s29], [sflag:$0x1] =	stream.indirect_vreg.gather [hbm4b:s2+s10], $0x1, v0, vm0, $0x4038;
	[tilespmem:$0x3E80] =	vst v63  }
0x15: {  	_ =	swait.ge [sflag:s4], $0xFA0  }
0x16: {  	s30 =	sshrl.u32 s13, $0x3;
	[sflag:s4] =	ssyncset.done $0x0  }
0x17: {  	s31 =	sand.u32 $0x7, s13;
	s15 =	sadd.s32 s8, s30;
	[sflag:s4] =	ssyncadd.s32 $0xFFFFF060  }
0x18: {  	[hbm4b:s15+s31] =	stream.linear.scatter [tilespmem:s14], [sflag:$0x3], $0xFA0, $0x38;
	[tilespmem:$0x3E80] =	vst v63  }
.LBB2_5:
0x19: {  	s15 =	sadd.s32 $0x1F400, s11  }
0x1a: {  	p1 =	sgt.s32 s15, $0x270FF  }
0x1b: {  	s15 =	smov.u32 @p1 s5;
	p1 =	sne.s32 s12, s9  }
.Ltmp1:
0x1c: {  	p0 =	slt.u32 s12, $0x2;
	(pc) =	sbr.rel @!p1 .LBB2_6-.Ltmp1, $4  }
0x1d: {  	s14 =	simm.s32 @!p0 $0x3  }
0x1e: {  	_ =	swait.ge @!p0 [sflag:s14], $0xFA0  }
0x1f: {  	s16 =	sadd.s32 $0x1, s12;
	s13 =	smov.u32 s11;
	[sflag:s14] =	ssyncset.done @!p0 $0x0  }
0x20: {  	s12 =	smov.u32 s16;
	s11 =	smov.u32 s15;
	[sflag:s14] =	ssyncadd.s32 @!p0 $0xFFFFF060  }
.LBB2_1:
0x21: {  	p0 =	sge.u32 s12, s7  }
0x22: {  	s14 =	sxor.u32 @!p0 $0x1, s12  }
0x23: {  	s14 =	smul.u32 @!p0 $0x3E80, s14  }
0x24: {  	s31 =	sadd.s32 $0xFFFFFFFF, s12;
	s15 =	sshrl.u32 @!p0 s11, $0x3  }
0x25: {  	s16 =	sand.u32 @!p0 $0x7, s11;
	s15 =	sadd.s32 @!p0 s3, s15;
	s14 =	sshra.s32 @!p0 s14, $0x2  }
0x26: {  	[tilespmem:s14], [sflag:$0x2] =	stream.linear.gather @!p0 [hbm4b:s15+s16], $0xFA0, $0x38;
	[tilespmem:$0x3E80] =	vst v63  }
0x27: {  	p0 =	sge.u32 s31, s7  }
.Ltmp2:
0x28: {  	_ = 	snop;
	(pc) =	sbr.rel @p0 .LBB2_5-.Ltmp2, $1  }
0x29: {  	_ =	sdelay $0x3  }
0x2a: {  	s14 =	sand.u32 $0x1, s12  }
0x2b: {  	_ =	swait.ge [sflag:s6], $0xFA0;
	p0 =	seq.s32 s14, $0x1;
	s14 =	simm.s32 $0xFA0  }
0x2c: {  	[sflag:s6] =	ssyncset.done $0x0;
	s14 =	simm.s32 @!p0 $0x0  }
0x2d: {  	[sflag:s6] =	ssyncadd.s32 $0xFFFFF060;
	(ifvalue) =	ssetifvalue $0x7FFFFFFF;
	v0 =	vld.msk [tilespmem:s14+$0x0 ss:$0x1], $0xffff;
	_ =	sdelay $0x4  }
0x2e: {  	s15 =	sadd.s32 $0x10, s14;
	vm1 =	vgt.s32 v0, $0x0  }
0x2f: {  	v2 =	vld.msk [tilespmem:s15+$0x0 ss:$0x1], $0xffff;
	v1 =	vnsel vm1, $0x0, v0  }
0x30: {  	v1 =	vmin.u32 v1, $0x270FF;
	_ =	sdelay $0x2  }
0x31: {  	s17 =	simm.s32 $0x20;
	s14 =	sadd.s32 $0x1F40, s14;
	s16 =	sadd.s32 $0x10, s15  }
0x32: {  	s15 =	sadd.s32 $0x10, s14;
	s18 =	smov.u32 s14;
	v0 =	vld.msk [tilespmem:s16+$0x0 ss:$0x1], $0xffff;
	vm1 =	vgt.s32 v2, $0x0;
	(ifvalue) =	ssetifvalue $0x7FFFFFFF  }
.LBB2_3:
0x33: {  	[tilespmem:s18], [sflag:$0x1] =	stream.indirect_vreg.gather [hbm4b:s2+s10], $0x1, v1, vm0, $0x4038;
	[tilespmem:$0x3E80] =	vst v63  }
0x34: {  	s17 =	sadd.s32 $0x10, s17  }
0x35: {  	v2 =	vnsel vm1, $0x0, v2;
	p0 =	slt.u32 s17, $0xF90  }
.Ltmp3:
0x36: {  	s18 =	smov.u32 s15;
	v1 =	vmin.u32 v2, $0x270FF;
	(pc) =	sbr.rel @p0 .LBB2_3-.Ltmp3, $3  }
0x37: {  	_ =	sdelay $0x1  }
0x38: {  	s16 =	sadd.s32 $0x10, s16  }
0x39: {  	vm1 =	vgt.s32 v0, $0x0;
	s15 =	sadd.s32 $0x10, s15;
	v2 =	vmov v0;
	(ifvalue) =	ssetifvalue $0x7FFFFFFF;
	v0 =	vld.msk [tilespmem:s16+$0x0 ss:$0x1], $0xffff  }
.Ltmp4:
0x3a: {  	_ = 	snop;
	(pc) =	sbr.rel .LBB2_4-.Ltmp4, $1  }
0x3b: {  	_ =	sdelay $0x3  }
.LBB2_6:
0x3c: {  	_ =	sfence.sel $0x180000  }
0x3d: {  	s2 =	simm.s32 $0x2;
	[bflag:$0x0] =	sbarrier.arrive $0xFFFF  }
0x3e: {  	s30 =	simm.s32 $0x3;
	[sflag:s2] =	ssyncpa.u1 $0x1  }
0x3f: {  	s31 =	simm.s32 $0x1;
	[sflag:s30] =	ssyncpa.u1 $0x1  }
0x40: {  	[sflag:s31] =	ssyncpa.u1 $0x1  }
0x41: {  	p0 =	sne.s32 s1, $0x0;
	_ =	strace $0x9000004D  }
0x42: {  	s0 =	sadd.s32 @!p0 $0x100000, s0;
	[bflag:$0x2] =	sbarrier.arrive $0xFFFF  }
0x43: {  	[sflag:s0] =	ssyncadd.tile.s32 @!p0 $0x1;
	_ =	shalt  }
.Lfunc_end2:
_tile_overlayer_lowered:
.L_overlay_start_2:
0x44: {  	(tag) =	ssettag $0x2  }
0x45: {  	s0 =	rddreg [dreg:$0x0];
	s2 =	stileid.u32  }
0x46: {  	s1 =	rddreg [dreg:$0x1];
	p0 =	sne.s32 s2, $0x0  }
0x47: {  	s3 =	rddreg [dreg:$0x2];
	[bflag:$0x3] =	sbarrier.arrive $0xFFFF;
	s2 =	simm.s32 @!p0 $0x1C01  }
0x48: {  	[timem:s3], [sflag:s2] =	dma.local @!p0 [hbm:s0], s1  }
0x49: {  	s0 =	simm.s32 @!p0 $0x1  }
0x4a: {  	_ =	swait.ge @!p0 [sflag:s0], s1  }
0x4b: {  	s1 =	ssub.s32 @!p0 $0x0, s1;
	[sflag:s0] =	ssyncset.done @!p0 $0x0  }
0x4c: {  	[sflag:s0] =	ssyncadd.s32 @!p0 s1  }
0x4d: {  	[bflag:$0x3] =	sbarrier.arrive $0xFFFF  }
0x4e: {  	_ =	shalt  }

// kernel: gather_offload_async_start.2
scs
__scs_entry_jumppad:
0x0: {  	(pc) =	sbr.rel $0x88, $3  }
0x1: {  	(tag) =	ssettag $0x0;
	lr =	simm.s32 $0x1  }
0x2: {  	[smem:$0x3F95] =	sst lr;
	_ =	strace $0xD0000000  }
0x3: {  	_ = 	snop  }
0x4: {  	_ = 	snop  }
0x5: {  	_ = 	snop  }
0x6: {  	_ = 	snop  }
0x7: {  	_ = 	snop  }
__scs_overlays_trampoline_lowered:
0x8: {  	[smem:$0x3FA4] =	sst s0  }
0x9: {  	[smem:$0x3FA5] =	sst s1  }
0xa: {  	[smem:$0x3FA6] =	sst s2  }
0xb: {  	[smem:$0x3FA7] =	sst s3  }
0xc: {  	[smem:$0x3FA8] =	sst s4  }
0xd: {  	[smem:$0x3FA9] =	sst s5  }
0xe: {  	[smem:$0x3FAA] =	sst s6  }
0xf: {  	[smem:$0x3FAB] =	sst s7  }
0x10: {  	[smem:$0x3FAC] =	sst s8  }
0x11: {  	[smem:$0x3FAD] =	sst s9;
	s0 =	simm.s32 @!p0 $0x0  }
0x12: {  	s1 =	sld [smem:$0x3F93];
	s0 =	simm.s32 @p0 $0x1  }
0x13: {  	[smem:$0x3FAE] =	sst s0;
	s0 =	simm.s32 @!p1 $0x0  }
0x14: {  	s2 =	sld [smem:$0x3F92];
	s0 =	simm.s32 @p1 $0x1  }
0x15: {  	[smem:$0x3FAF] =	sst s0;
	s0 =	simm.s32 @!p2 $0x0  }
0x16: {  	s3 =	sld [smem:$0x3FDB];
	s0 =	simm.s32 @p2 $0x1  }
0x17: {  	s4 =	simm.s32 $0x1BF5;
	[smem:$0x3FB1] =	sst s0  }
0x18: {  	s0 =	sld [smem:$0x3F94];
	_ =	swait.ge [sflag:s4], $0x0  }
0x19: {  	s7 =	sld [smem:$0x3F95]  }
0x1a: {  	s8 =	sadd.s32 $0xFFFFE003, lr  }
0x1b: {  	s9 =	sadd.s32 $0xFFFFFEF7, lr;
	s5 =	simm.s32 $0xFFFFFFFF;
	p2 =	slt.u32 s8, $0xFFFFF086  }
0x1c: {  	p1 =	slt.u32 s9, $0xF7A;
	s5 =	simm.s32 @!p2 $0x0  }
0x1d: {  	s5 =	simm.s32 @p1 $0x1;
	p0 =	seq.s32 s7, s2  }
0x1e: {  	s7 =	smul.u32 @!p0 $0xF7A, s2;
	p2 =	seq.s32 @!p0 s5, $0x0  }
0x1f: {  	s9 =	smul.u32 $0xF7A, s1;
	s8 =	simm.s32 @!p0 $0x1BF5;
	p2 =	por !p2, p0  }
0x20: {  	[sflag:s8] =	ssyncset.s32 @!p0 $0xFFFFF086;
	s6 =	sadd.s32 @!p0 s3, s7;
	s7 =	simm.s32 @!p0 $0x108  }
0x21: {  	s3 =	sadd.s32 s3, s9;
	s6 =	sadd.s32 @!p0 $0x88, s6;
	s7 =	simm.s32 @p2 $0x1082  }
0x22: {  	[simem:s7], [sflag:s8] =	dma.local @!p0 [hbm:s6], $0xF7A  }
0x23: {  	s9 =	sor.u32 $0xD0000000, s2;
	s6 =	simm.s32 $0x108;
	_ =	swait.ge @!p0 [sflag:s8], $0x0  }
0x24: {  	s3 =	sadd.s32 $0x88, s3;
	s6 =	simm.s32 @!p1 $0x1082;
	[sflag:s4] =	ssyncset.s32 $0xFFFFF086  }
0x25: {  	[simem:s6], [sflag:s4] =	dma.local [hbm:s3], $0xF7A  }
0x26: {  	[smem:$0x3F95] =	sst s1;
	(tag) =	ssettag s2;
	_ =	strace s9  }
0x27: {  	s1 =	sld [smem:$0x3FA5]  }
0x28: {  	s2 =	sld [smem:$0x3FA6]  }
0x29: {  	s4 =	sld [smem:$0x3FA8]  }
0x2a: {  	p0 =	seq.s32 s5, $0x0;
	s5 =	sld [smem:$0x3FA9]  }
0x2b: {  	s6 =	sld [smem:$0x3FAA]  }
0x2c: {  	s7 =	sld [smem:$0x3FAB]  }
0x2d: {  	s3 =	simm.s32 $0x108;
	s8 =	sld [smem:$0x3FAC]  }
0x2e: {  	s3 =	simm.s32 @!p0 $0x1082;
	s9 =	sld [smem:$0x3FAD]  }
0x2f: {  	lr =	sadd.s32 s0, s3;
	s0 =	sld [smem:$0x3FA4]  }
0x30: {  	s3 =	sld [smem:$0x3FA7]  }
0x31: {  	[smem:$0x3FB0] =	sst s10  }
0x32: {  	s10 =	sld [smem:$0x3FAE];
	_ =	sdelay $0x3  }
0x33: {  	p0 =	seq.s32 s10, $0x1;
	s10 =	sld [smem:$0x3FB0];
	_ =	sdelay $0x3  }
0x34: {  	[smem:$0x3FB0] =	sst s10  }
0x35: {  	s10 =	sld [smem:$0x3FAF];
	_ =	sdelay $0x3  }
0x36: {  	p1 =	seq.s32 s10, $0x1;
	s10 =	sld [smem:$0x3FB0];
	_ =	sdelay $0x3  }
0x37: {  	[smem:$0x3FB0] =	sst s10  }
0x38: {  	s10 =	sld [smem:$0x3FB1]  }
0x39: {  	_ = 	snop;
	(pc) =	sbr.ind lr, $3  }
0x3a: {  	_ = 	snop  }
0x3b: {  	_ = 	snop  }
0x3c: {  	p2 =	seq.s32 s10, $0x1;
	s10 =	sld [smem:$0x3FB0]  }
0x3d: {  	_ =	shalt  }
0x3e: {  	_ =	shalt  }
0x3f: {  	_ =	shalt  }
0x40: {  	_ =	shalt  }
0x41: {  	_ =	shalt  }
0x42: {  	_ =	shalt  }
0x43: {  	_ =	shalt  }
0x44: {  	_ =	shalt  }
0x45: {  	_ =	shalt  }
0x46: {  	_ =	shalt  }
0x47: {  	_ =	shalt  }
0x48: {  	_ =	shalt  }
0x49: {  	_ =	shalt  }
0x4a: {  	_ =	shalt  }
0x4b: {  	_ =	shalt  }
0x4c: {  	_ =	shalt  }
0x4d: {  	_ =	shalt  }
0x4e: {  	_ =	shalt  }
0x4f: {  	_ =	shalt  }
0x50: {  	_ =	shalt  }
0x51: {  	_ =	shalt  }
0x52: {  	_ =	shalt  }
0x53: {  	_ =	shalt  }
0x54: {  	_ =	shalt  }
0x55: {  	_ =	shalt  }
0x56: {  	_ =	shalt  }
0x57: {  	_ =	shalt  }
0x58: {  	_ =	shalt  }
0x59: {  	_ =	shalt  }
0x5a: {  	_ =	shalt  }
0x5b: {  	_ =	shalt  }
0x5c: {  	_ =	shalt  }
0x5d: {  	_ =	shalt  }
0x5e: {  	_ =	shalt  }
0x5f: {  	_ =	shalt  }
0x60: {  	_ =	shalt  }
0x61: {  	_ =	shalt  }
0x62: {  	_ =	shalt  }
0x63: {  	_ =	shalt  }
0x64: {  	_ =	shalt  }
0x65: {  	_ =	shalt  }
0x66: {  	_ =	shalt  }
0x67: {  	_ =	shalt  }
0x68: {  	_ =	shalt  }
0x69: {  	_ =	shalt  }
0x6a: {  	_ =	shalt  }
0x6b: {  	_ =	shalt  }
0x6c: {  	_ =	shalt  }
0x6d: {  	_ =	shalt  }
0x6e: {  	_ =	shalt  }
0x6f: {  	_ =	shalt  }
0x70: {  	_ =	shalt  }
0x71: {  	_ =	shalt  }
0x72: {  	_ =	shalt  }
0x73: {  	_ =	shalt  }
0x74: {  	_ =	shalt  }
0x75: {  	_ =	shalt  }
0x76: {  	_ =	shalt  }
0x77: {  	_ =	shalt  }
0x78: {  	_ =	shalt  }
0x79: {  	_ =	shalt  }
0x7a: {  	_ =	shalt  }
0x7b: {  	_ =	shalt  }
0x7c: {  	_ =	shalt  }
0x7d: {  	_ =	shalt  }
0x7e: {  	_ =	shalt  }
0x7f: {  	_ =	shalt  }
0x80: {  	_ =	shalt  }
0x81: {  	_ =	shalt  }
0x82: {  	_ =	shalt  }
0x83: {  	_ =	shalt  }
0x84: {  	_ =	shalt  }
0x85: {  	_ =	shalt  }
0x86: {  	_ =	shalt  }
0x87: {  	_ =	shalt  }
.Lfunc_end0:
.L_simem_size_0:
called_computation.3_lowered:
.L_overlay_start_0:
0x88: {  	s2 =	sld [smem:$0x3FD9]  }
0x89: {  	s3 =	sld [smem:$0x3FFE];
	_ =	sdelay $0x1  }
0x8a: {  	s1 =	srdreg.scid  }
0x8b: {  	s0 =	sand.u32 $0x1, s1  }
0x8c: {  	s16 =	sshll.u32 s0, $0xA;
	s2 =	sadd.s32 s3, s2  }
0x8d: {  	s2 =	sadd.s32 s2, s16  }
0x8e: {  	[smem:$0x3FBC] =	sst s2  }
0x8f: {  	_ = 	snop  }
0x90: {  	(tm) =	ssettm $0x1  }
0x91: {  	s17 =	sld [smem:$0x3FFB];
	_ =	sdelay $0x3  }
0x92: {  	_ =	strace s17  }
0x93: {  	s2 =	sld [smem:$0x3FFC];
	_ =	sdelay $0x3  }
0x94: {  	_ =	strace s2  }
0x95: {  	s2 =	sld [smem:$0x3FFD];
	_ =	sdelay $0x3  }
0x96: {  	_ =	strace s2  }
0x97: {  	_ =	strace $0x8FFFFFFF  }
0x98: {  	s18 =	sld [smem:$0x3FDB];
	_ =	sdelay $0x1  }
0x99: {  	s19 =	simm.s32 $_scs_section_size  }
0x9a: {  	s4 =	simm.s32 $_size__tile_overlayer_lowered;
	s5 =	simm.s32 $_tile_overlayer_lowered  }
0x9b: {  	s22 =	simm.s32 $0x1BFF;
	s21 =	sshll.u32 s5, $0x1;
	s2 =	sadd.s32 s19, s18  }
0x9c: {  	s6 =	simm.s32 $0x0;
	s20 =	sshll.u32 s4, $0x1;
	s4 =	sadd.s32 s21, s2  }
0x9d: {  	[timem:s6], [sflag:s22] =	dma.local [hbm:s4], s20  }
0x9e: {  	_ =	swait.ge [sflag:s22], s20  }
0x9f: {  	s3 =	ssub.s32 $0x0, s20;
	[sflag:s22] =	ssyncset.done $0x0  }
0xa0: {  	[sflag:s22] =	ssyncadd.s32 s3;
	_ =	sdelay $0x1  }
0xa1: {  	s23 =	simm.s32 $0x1B8B  }
0xa2: {  	_ =	swait.ge [sflag:s23], $0x1  }
0xa3: {  	[sflag:s23] =	ssyncset.done $0x0  }
0xa4: {  	s25 =	simm.s32 $0x1B8E;
	s24 =	sld [smem:$0x3FFE];
	[sflag:s23] =	ssyncadd.s32 $0xFFFFFFFF  }
0xa5: {  	s26 =	simm.s32 $execute0_lowered;
	[smem:$0x3FD2] =	sst s25  }
0xa6: {  	s4 =	sshll.u32 s26, $0x1;
	_ =	strace $0x80000049;
	[dreg:$0x1] =	wrdreg $0xFFFFFFFF  }
0xa7: {  	s28 =	simm.s32 $_size_execute0_lowered;
	s2 =	sadd.s32 s2, s4;
	[dreg:$0x0] =	wrdreg $0x0  }
0xa8: {  	s4 =	sshll.u32 s28, $0x1;
	[dreg:$0x2] =	wrdreg s2  }
0xa9: {  	[dreg:$0x3] =	wrdreg s4  }
0xaa: {  	[dreg:$0x4] =	wrdreg $0xC0  }
0xab: {  	_ =	task [dreg:s6], $0x5FFFF  }
0xac: {  	[dreg:$0x1] =	wrdreg $0xFFFFFFFF  }
0xad: {  	[dreg:$0x0] =	wrdreg $0x60  }
0xae: {  	[dreg:$0x2] =	wrdreg s24  }
0xaf: {  	[dreg:$0x3] =	wrdreg $0x9  }
0xb0: {  	_ =	task.clear_ibuf [dreg:s6], $0x4FFFF;
	_ =	strace $0x90000049  }
0xb1: {  	s29 =	simm.s32 $0x9;
	_ =	strace $0x8000004B  }
0xb2: {  	_ =	swait.ge [sflag:s29], $0x1  }
0xb3: {  	[sflag:s29] =	ssyncadd.s32 $0xFFFFFFFF  }
0xb4: {  	_ =	strace $0x9000004B  }
0xb5: {  	_ =	sfence  }
0xb6: {  	s30 =	sld [smem:$0x0];
	_ =	sdelay $0x2  }
0xb7: {  	s31 =	sshll.u32 s1, $0xD;
	s1 =	sshrl.u32 s1, $0x2  }
0xb8: {  	s3 =	sand.u32 $0x4000, s31;
	s1 =	sadd.s32 s1, s30  }
0xb9: {  	s0 =	sor.u32 s3, s0;
	s1 =	sshll.u32 s1, $0x11  }
0xba: {  	s0 =	sor.u32 s1, s0  }
0xbb: {  	s0 =	sadd.s32 $0x8F2B, s0  }
0xbc: {  	[sflag:s0] =	ssyncadd.remote.s32 $0x1  }
0xbd: {  	_ =	sfence.sel $0xFFFF  }
0xbe: {  	[dreg:$0x0] =	wrdreg $0xFFFFFFFF;
	(pc) =	sbr.abs _section_cstart, $3  }
0xbf: {  	[dreg:$0x1] =	wrdreg $0xFFFFFFFF  }
0xc0: {  	_ =	task.clear_ibuf [dreg:s6], $0x2FFFF;
	_ =	strace $0x9FFFFFFF  }
0xc1: {  	(tm) =	ssettm $0x7FFFFFFF  }
tec
execute0_lowered:
.L_overlay_start_1:
0x0: {  	(tag) =	ssettag $0x1  }
0x1: {  	s8 =	rddreg [dreg:$0x0]  }
0x2: {  	s0 =	rddreg [dreg:$0x1];
	_ =	strace $0x8000004A;
	s1 =	stileid.u32  }
0x3: {  	s3 =	srdreg.scid;
	s4 =	simm.s32 $0x1;
	s7 =	simm.s32 $0x1  }
0x4: {  	s9 =	simm.s32 $0x1;
	s10 =	simm.s32 $0x3;
	s13 =	simm.s32 $0x0  }
0x5: {  	s12 =	simm.s32 $0x0;
	s5 =	sand.u32 $0x1, s3;
	s6 =	sshll.u32 s1, $0x1  }
0x6: {  	s2 =	sadd.s32 $0x6600, s8;
	s3 =	sadd.s32 $0xB600, s8;
	s5 =	sor.u32 s6, s5  }
.Ltmp0:
0x7: {  	[sflag:s4] =	ssyncpa.u1 $0x0;
	p0 =	slt.u32 s5, $0x9;
	(pc) =	sbr.rel .LBB2_1-.Ltmp0, $4  }
0x8: {  	s6 =	simm.s32 $0x2;
	s7 =	simm.s32 @!p0 $0x0;
	p0 =	sne.s32 s5, $0x8  }
0x9: {  	[sflag:s6] =	ssyncpa.u1 $0x0;
	s5 =	smul.u32 $0xFA0, s5;
	s9 =	simm.s32 @!p0 $0x0  }
0xa: {  	s8 =	sadd.s32 $0x93200, s8;
	[sflag:s10] =	ssyncpa.u1 $0x0;
	s7 =	sadd.s32 s9, s7  }
0xb: {  	vm0 =	vmmov $0xffff;
	s10 =	simm.s32 $0x0;
	s11 =	smov.u32 s5;
	s9 =	sadd.s32 $0x1, s7  }
.LBB2_4:
0xc: {  	v2 =	vnsel vm1, $0x0, v2  }
0xd: {  	vm1 =	vgt.s32 v0, $0x0;
	v2 =	vmin.u32 v2, $0x270FF  }
0xe: {  	v0 =	vnsel vm1, $0x0, v0  }
0xf: {  	v0 =	vmin.u32 v0, $0x270FF  }
0x10: {  	[tilespmem:s18], [sflag:$0x1] =	stream.indirect_vreg.gather [hbm4b:s2+s10], $0x1, v1, vm0, $0x4038;
	[tilespmem:$0x3E80] =	vst v63  }
0x11: {  	(ifvalue) =	ssetifvalue $0x7FFFFFFF  }
0x12: {  	[tilespmem:s15], [sflag:$0x1] =	stream.indirect_vreg.gather [hbm4b:s2+s10], $0x1, v2, vm0, $0x4038;
	[tilespmem:$0x3E80] =	vst v63  }
0x13: {  	s29 =	sadd.s32 $0x10, s15;
	(ifvalue) =	ssetifvalue $0x7FFFFFFF  }
0x14: {  	[tilespmem:s29], [sflag:$0x1] =	stream.indirect_vreg.gather [hbm4b:s2+s10], $0x1, v0, vm0, $0x4038;
	[tilespmem:$0x3E80] =	vst v63  }
0x15: {  	_ =	swait.ge [sflag:s4], $0xFA0  }
0x16: {  	s30 =	sshrl.u32 s13, $0x3;
	[sflag:s4] =	ssyncset.done $0x0  }
0x17: {  	s31 =	sand.u32 $0x7, s13;
	s15 =	sadd.s32 s8, s30;
	[sflag:s4] =	ssyncadd.s32 $0xFFFFF060  }
0x18: {  	[hbm4b:s15+s31] =	stream.linear.scatter [tilespmem:s14], [sflag:$0x3], $0xFA0, $0x38;
	[tilespmem:$0x3E80] =	vst v63  }
.LBB2_5:
0x19: {  	s15 =	sadd.s32 $0x1F400, s11  }
0x1a: {  	p1 =	sgt.s32 s15, $0x270FF  }
0x1b: {  	s15 =	smov.u32 @p1 s5;
	p1 =	sne.s32 s12, s9  }
.Ltmp1:
0x1c: {  	p0 =	slt.u32 s12, $0x2;
	(pc) =	sbr.rel @!p1 .LBB2_6-.Ltmp1, $4  }
0x1d: {  	s14 =	simm.s32 @!p0 $0x3  }
0x1e: {  	_ =	swait.ge @!p0 [sflag:s14], $0xFA0  }
0x1f: {  	s16 =	sadd.s32 $0x1, s12;
	s13 =	smov.u32 s11;
	[sflag:s14] =	ssyncset.done @!p0 $0x0  }
0x20: {  	s12 =	smov.u32 s16;
	s11 =	smov.u32 s15;
	[sflag:s14] =	ssyncadd.s32 @!p0 $0xFFFFF060  }
.LBB2_1:
0x21: {  	p0 =	sge.u32 s12, s7  }
0x22: {  	s14 =	sxor.u32 @!p0 $0x1, s12  }
0x23: {  	s14 =	smul.u32 @!p0 $0x3E80, s14  }
0x24: {  	s31 =	sadd.s32 $0xFFFFFFFF, s12;
	s15 =	sshrl.u32 @!p0 s11, $0x3  }
0x25: {  	s16 =	sand.u32 @!p0 $0x7, s11;
	s15 =	sadd.s32 @!p0 s3, s15;
	s14 =	sshra.s32 @!p0 s14, $0x2  }
0x26: {  	[tilespmem:s14], [sflag:$0x2] =	stream.linear.gather @!p0 [hbm4b:s15+s16], $0xFA0, $0x38;
	[tilespmem:$0x3E80] =	vst v63  }
0x27: {  	p0 =	sge.u32 s31, s7  }
.Ltmp2:
0x28: {  	_ = 	snop;
	(pc) =	sbr.rel @p0 .LBB2_5-.Ltmp2, $1  }
0x29: {  	_ =	sdelay $0x3  }
0x2a: {  	s14 =	sand.u32 $0x1, s12  }
0x2b: {  	_ =	swait.ge [sflag:s6], $0xFA0;
	p0 =	seq.s32 s14, $0x1;
	s14 =	simm.s32 $0xFA0  }
0x2c: {  	[sflag:s6] =	ssyncset.done $0x0;
	s14 =	simm.s32 @!p0 $0x0  }
0x2d: {  	[sflag:s6] =	ssyncadd.s32 $0xFFFFF060;
	(ifvalue) =	ssetifvalue $0x7FFFFFFF;
	v0 =	vld.msk [tilespmem:s14+$0x0 ss:$0x1], $0xffff;
	_ =	sdelay $0x4  }
0x2e: {  	s15 =	sadd.s32 $0x10, s14;
	vm1 =	vgt.s32 v0, $0x0  }
0x2f: {  	v2 =	vld.msk [tilespmem:s15+$0x0 ss:$0x1], $0xffff;
	v1 =	vnsel vm1, $0x0, v0  }
0x30: {  	v1 =	vmin.u32 v1, $0x270FF;
	_ =	sdelay $0x2  }
0x31: {  	s17 =	simm.s32 $0x20;
	s14 =	sadd.s32 $0x1F40, s14;
	s16 =	sadd.s32 $0x10, s15  }
0x32: {  	s15 =	sadd.s32 $0x10, s14;
	s18 =	smov.u32 s14;
	v0 =	vld.msk [tilespmem:s16+$0x0 ss:$0x1], $0xffff;
	vm1 =	vgt.s32 v2, $0x0;
	(ifvalue) =	ssetifvalue $0x7FFFFFFF  }
.LBB2_3:
0x33: {  	[tilespmem:s18], [sflag:$0x1] =	stream.indirect_vreg.gather [hbm4b:s2+s10], $0x1, v1, vm0, $0x4038;
	[tilespmem:$0x3E80] =	vst v63  }
0x34: {  	s17 =	sadd.s32 $0x10, s17  }
0x35: {  	v2 =	vnsel vm1, $0x0, v2;
	p0 =	slt.u32 s17, $0xF90  }
.Ltmp3:
0x36: {  	s18 =	smov.u32 s15;
	v1 =	vmin.u32 v2, $0x270FF;
	(pc) =	sbr.rel @p0 .LBB2_3-.Ltmp3, $3  }
0x37: {  	_ =	sdelay $0x1  }
0x38: {  	s16 =	sadd.s32 $0x10, s16  }
0x39: {  	vm1 =	vgt.s32 v0, $0x0;
	s15 =	sadd.s32 $0x10, s15;
	v2 =	vmov v0;
	(ifvalue) =	ssetifvalue $0x7FFFFFFF;
	v0 =	vld.msk [tilespmem:s16+$0x0 ss:$0x1], $0xffff  }
.Ltmp4:
0x3a: {  	_ = 	snop;
	(pc) =	sbr.rel .LBB2_4-.Ltmp4, $1  }
0x3b: {  	_ =	sdelay $0x3  }
.LBB2_6:
0x3c: {  	_ =	sfence.sel $0x180000  }
0x3d: {  	s2 =	simm.s32 $0x2;
	[bflag:$0x0] =	sbarrier.arrive $0xFFFF  }
0x3e: {  	s30 =	simm.s32 $0x3;
	[sflag:s2] =	ssyncpa.u1 $0x1  }
0x3f: {  	s31 =	simm.s32 $0x1;
	[sflag:s30] =	ssyncpa.u1 $0x1  }
0x40: {  	[sflag:s31] =	ssyncpa.u1 $0x1  }
0x41: {  	p0 =	sne.s32 s1, $0x0;
	_ =	strace $0x9000004A  }
0x42: {  	s0 =	sadd.s32 @!p0 $0x100000, s0;
	[bflag:$0x2] =	sbarrier.arrive $0xFFFF  }
0x43: {  	[sflag:s0] =	ssyncadd.tile.s32 @!p0 $0x1;
	_ =	shalt  }
.Lfunc_end2:
_tile_overlayer_lowered:
.L_overlay_start_2:
0x44: {  	(tag) =	ssettag $0x2  }
0x45: {  	s0 =	rddreg [dreg:$0x0];
	s2 =	stileid.u32  }
0x46: {  	s1 =	rddreg [dreg:$0x1];
	p0 =	sne.s32 s2, $0x0  }
0x47: {  	s3 =	rddreg [dreg:$0x2];
	[bflag:$0x3] =	sbarrier.arrive $0xFFFF;
	s2 =	simm.s32 @!p0 $0x1C01  }
0x48: {  	[timem:s3], [sflag:s2] =	dma.local @!p0 [hbm:s0], s1  }
0x49: {  	s0 =	simm.s32 @!p0 $0x1  }
0x4a: {  	_ =	swait.ge @!p0 [sflag:s0], s1  }
0x4b: {  	s1 =	ssub.s32 @!p0 $0x0, s1;
	[sflag:s0] =	ssyncset.done @!p0 $0x0  }
0x4c: {  	[sflag:s0] =	ssyncadd.s32 @!p0 s1  }
0x4d: {  	[bflag:$0x3] =	sbarrier.arrive $0xFFFF  }
0x4e: {  	_ =	shalt  }

// kernel: gather_offload_async_start
scs
__scs_entry_jumppad:
0x0: {  	(pc) =	sbr.rel $0x88, $3  }
0x1: {  	(tag) =	ssettag $0x0;
	lr =	simm.s32 $0x1  }
0x2: {  	[smem:$0x3F95] =	sst lr;
	_ =	strace $0xD0000000  }
0x3: {  	_ = 	snop  }
0x4: {  	_ = 	snop  }
0x5: {  	_ = 	snop  }
0x6: {  	_ = 	snop  }
0x7: {  	_ = 	snop  }
__scs_overlays_trampoline_lowered:
0x8: {  	[smem:$0x3FA4] =	sst s0  }
0x9: {  	[smem:$0x3FA5] =	sst s1  }
0xa: {  	[smem:$0x3FA6] =	sst s2  }
0xb: {  	[smem:$0x3FA7] =	sst s3  }
0xc: {  	[smem:$0x3FA8] =	sst s4  }
0xd: {  	[smem:$0x3FA9] =	sst s5  }
0xe: {  	[smem:$0x3FAA] =	sst s6  }
0xf: {  	[smem:$0x3FAB] =	sst s7  }
0x10: {  	[smem:$0x3FAC] =	sst s8  }
0x11: {  	[smem:$0x3FAD] =	sst s9;
	s0 =	simm.s32 @!p0 $0x0  }
0x12: {  	s1 =	sld [smem:$0x3F93];
	s0 =	simm.s32 @p0 $0x1  }
0x13: {  	[smem:$0x3FAE] =	sst s0;
	s0 =	simm.s32 @!p1 $0x0  }
0x14: {  	s2 =	sld [smem:$0x3F92];
	s0 =	simm.s32 @p1 $0x1  }
0x15: {  	[smem:$0x3FAF] =	sst s0;
	s0 =	simm.s32 @!p2 $0x0  }
0x16: {  	s3 =	sld [smem:$0x3FDB];
	s0 =	simm.s32 @p2 $0x1  }
0x17: {  	s4 =	simm.s32 $0x1BF5;
	[smem:$0x3FB1] =	sst s0  }
0x18: {  	s0 =	sld [smem:$0x3F94];
	_ =	swait.ge [sflag:s4], $0x0  }
0x19: {  	s7 =	sld [smem:$0x3F95]  }
0x1a: {  	s8 =	sadd.s32 $0xFFFFE003, lr  }
0x1b: {  	s9 =	sadd.s32 $0xFFFFFEF7, lr;
	s5 =	simm.s32 $0xFFFFFFFF;
	p2 =	slt.u32 s8, $0xFFFFF086  }
0x1c: {  	p1 =	slt.u32 s9, $0xF7A;
	s5 =	simm.s32 @!p2 $0x0  }
0x1d: {  	s5 =	simm.s32 @p1 $0x1;
	p0 =	seq.s32 s7, s2  }
0x1e: {  	s7 =	smul.u32 @!p0 $0xF7A, s2;
	p2 =	seq.s32 @!p0 s5, $0x0  }
0x1f: {  	s9 =	smul.u32 $0xF7A, s1;
	s8 =	simm.s32 @!p0 $0x1BF5;
	p2 =	por !p2, p0  }
0x20: {  	[sflag:s8] =	ssyncset.s32 @!p0 $0xFFFFF086;
	s6 =	sadd.s32 @!p0 s3, s7;
	s7 =	simm.s32 @!p0 $0x108  }
0x21: {  	s3 =	sadd.s32 s3, s9;
	s6 =	sadd.s32 @!p0 $0x88, s6;
	s7 =	simm.s32 @p2 $0x1082  }
0x22: {  	[simem:s7], [sflag:s8] =	dma.local @!p0 [hbm:s6], $0xF7A  }
0x23: {  	s9 =	sor.u32 $0xD0000000, s2;
	s6 =	simm.s32 $0x108;
	_ =	swait.ge @!p0 [sflag:s8], $0x0  }
0x24: {  	s3 =	sadd.s32 $0x88, s3;
	s6 =	simm.s32 @!p1 $0x1082;
	[sflag:s4] =	ssyncset.s32 $0xFFFFF086  }
0x25: {  	[simem:s6], [sflag:s4] =	dma.local [hbm:s3], $0xF7A  }
0x26: {  	[smem:$0x3F95] =	sst s1;
	(tag) =	ssettag s2;
	_ =	strace s9  }
0x27: {  	s1 =	sld [smem:$0x3FA5]  }
0x28: {  	s2 =	sld [smem:$0x3FA6]  }
0x29: {  	s4 =	sld [smem:$0x3FA8]  }
0x2a: {  	p0 =	seq.s32 s5, $0x0;
	s5 =	sld [smem:$0x3FA9]  }
0x2b: {  	s6 =	sld [smem:$0x3FAA]  }
0x2c: {  	s7 =	sld [smem:$0x3FAB]  }
0x2d: {  	s3 =	simm.s32 $0x108;
	s8 =	sld [smem:$0x3FAC]  }
0x2e: {  	s3 =	simm.s32 @!p0 $0x1082;
	s9 =	sld [smem:$0x3FAD]  }
0x2f: {  	lr =	sadd.s32 s0, s3;
	s0 =	sld [smem:$0x3FA4]  }
0x30: {  	s3 =	sld [smem:$0x3FA7]  }
0x31: {  	[smem:$0x3FB0] =	sst s10  }
0x32: {  	s10 =	sld [smem:$0x3FAE];
	_ =	sdelay $0x3  }
0x33: {  	p0 =	seq.s32 s10, $0x1;
	s10 =	sld [smem:$0x3FB0];
	_ =	sdelay $0x3  }
0x34: {  	[smem:$0x3FB0] =	sst s10  }
0x35: {  	s10 =	sld [smem:$0x3FAF];
	_ =	sdelay $0x3  }
0x36: {  	p1 =	seq.s32 s10, $0x1;
	s10 =	sld [smem:$0x3FB0];
	_ =	sdelay $0x3  }
0x37: {  	[smem:$0x3FB0] =	sst s10  }
0x38: {  	s10 =	sld [smem:$0x3FB1]  }
0x39: {  	_ = 	snop;
	(pc) =	sbr.ind lr, $3  }
0x3a: {  	_ = 	snop  }
0x3b: {  	_ = 	snop  }
0x3c: {  	p2 =	seq.s32 s10, $0x1;
	s10 =	sld [smem:$0x3FB0]  }
0x3d: {  	_ =	shalt  }
0x3e: {  	_ =	shalt  }
0x3f: {  	_ =	shalt  }
0x40: {  	_ =	shalt  }
0x41: {  	_ =	shalt  }
0x42: {  	_ =	shalt  }
0x43: {  	_ =	shalt  }
0x44: {  	_ =	shalt  }
0x45: {  	_ =	shalt  }
0x46: {  	_ =	shalt  }
0x47: {  	_ =	shalt  }
0x48: {  	_ =	shalt  }
0x49: {  	_ =	shalt  }
0x4a: {  	_ =	shalt  }
0x4b: {  	_ =	shalt  }
0x4c: {  	_ =	shalt  }
0x4d: {  	_ =	shalt  }
0x4e: {  	_ =	shalt  }
0x4f: {  	_ =	shalt  }
0x50: {  	_ =	shalt  }
0x51: {  	_ =	shalt  }
0x52: {  	_ =	shalt  }
0x53: {  	_ =	shalt  }
0x54: {  	_ =	shalt  }
0x55: {  	_ =	shalt  }
0x56: {  	_ =	shalt  }
0x57: {  	_ =	shalt  }
0x58: {  	_ =	shalt  }
0x59: {  	_ =	shalt  }
0x5a: {  	_ =	shalt  }
0x5b: {  	_ =	shalt  }
0x5c: {  	_ =	shalt  }
0x5d: {  	_ =	shalt  }
0x5e: {  	_ =	shalt  }
0x5f: {  	_ =	shalt  }
0x60: {  	_ =	shalt  }
0x61: {  	_ =	shalt  }
0x62: {  	_ =	shalt  }
0x63: {  	_ =	shalt  }
0x64: {  	_ =	shalt  }
0x65: {  	_ =	shalt  }
0x66: {  	_ =	shalt  }
0x67: {  	_ =	shalt  }
0x68: {  	_ =	shalt  }
0x69: {  	_ =	shalt  }
0x6a: {  	_ =	shalt  }
0x6b: {  	_ =	shalt  }
0x6c: {  	_ =	shalt  }
0x6d: {  	_ =	shalt  }
0x6e: {  	_ =	shalt  }
0x6f: {  	_ =	shalt  }
0x70: {  	_ =	shalt  }
0x71: {  	_ =	shalt  }
0x72: {  	_ =	shalt  }
0x73: {  	_ =	shalt  }
0x74: {  	_ =	shalt  }
0x75: {  	_ =	shalt  }
0x76: {  	_ =	shalt  }
0x77: {  	_ =	shalt  }
0x78: {  	_ =	shalt  }
0x79: {  	_ =	shalt  }
0x7a: {  	_ =	shalt  }
0x7b: {  	_ =	shalt  }
0x7c: {  	_ =	shalt  }
0x7d: {  	_ =	shalt  }
0x7e: {  	_ =	shalt  }
0x7f: {  	_ =	shalt  }
0x80: {  	_ =	shalt  }
0x81: {  	_ =	shalt  }
0x82: {  	_ =	shalt  }
0x83: {  	_ =	shalt  }
0x84: {  	_ =	shalt  }
0x85: {  	_ =	shalt  }
0x86: {  	_ =	shalt  }
0x87: {  	_ =	shalt  }
.Lfunc_end0:
.L_simem_size_0:
called_computation.1_lowered:
.L_overlay_start_0:
0x88: {  	s2 =	sld [smem:$0x3FD9]  }
0x89: {  	s3 =	sld [smem:$0x3FFE];
	_ =	sdelay $0x1  }
0x8a: {  	s1 =	srdreg.scid  }
0x8b: {  	s0 =	sand.u32 $0x1, s1  }
0x8c: {  	s16 =	sshll.u32 s0, $0xA;
	s2 =	sadd.s32 s3, s2  }
0x8d: {  	s2 =	sadd.s32 s2, s16  }
0x8e: {  	[smem:$0x3FBC] =	sst s2  }
0x8f: {  	_ = 	snop  }
0x90: {  	(tm) =	ssettm $0x1  }
0x91: {  	s17 =	sld [smem:$0x3FFB];
	_ =	sdelay $0x3  }
0x92: {  	_ =	strace s17  }
0x93: {  	s2 =	sld [smem:$0x3FFC];
	_ =	sdelay $0x3  }
0x94: {  	_ =	strace s2  }
0x95: {  	s2 =	sld [smem:$0x3FFD];
	_ =	sdelay $0x3  }
0x96: {  	_ =	strace s2  }
0x97: {  	_ =	strace $0x8FFFFFFF  }
0x98: {  	s18 =	sld [smem:$0x3FDB];
	_ =	sdelay $0x1  }
0x99: {  	s19 =	simm.s32 $_scs_section_size  }
0x9a: {  	s4 =	simm.s32 $_size__tile_overlayer_lowered;
	s5 =	simm.s32 $_tile_overlayer_lowered  }
0x9b: {  	s22 =	simm.s32 $0x1BFF;
	s21 =	sshll.u32 s5, $0x1;
	s2 =	sadd.s32 s19, s18  }
0x9c: {  	s6 =	simm.s32 $0x0;
	s20 =	sshll.u32 s4, $0x1;
	s4 =	sadd.s32 s21, s2  }
0x9d: {  	[timem:s6], [sflag:s22] =	dma.local [hbm:s4], s20  }
0x9e: {  	_ =	swait.ge [sflag:s22], s20  }
0x9f: {  	s3 =	ssub.s32 $0x0, s20;
	[sflag:s22] =	ssyncset.done $0x0  }
0xa0: {  	[sflag:s22] =	ssyncadd.s32 s3;
	_ =	sdelay $0x1  }
0xa1: {  	s23 =	simm.s32 $0x1B8B  }
0xa2: {  	_ =	swait.ge [sflag:s23], $0x1  }
0xa3: {  	[sflag:s23] =	ssyncset.done $0x0  }
0xa4: {  	s25 =	simm.s32 $0x1B8E;
	s24 =	sld [smem:$0x3FFE];
	[sflag:s23] =	ssyncadd.s32 $0xFFFFFFFF  }
0xa5: {  	s26 =	simm.s32 $execute0_lowered;
	[smem:$0x3FD2] =	sst s25  }
0xa6: {  	s4 =	sshll.u32 s26, $0x1;
	_ =	strace $0x80000046;
	[dreg:$0x1] =	wrdreg $0xFFFFFFFF  }
0xa7: {  	s28 =	simm.s32 $_size_execute0_lowered;
	s2 =	sadd.s32 s2, s4;
	[dreg:$0x0] =	wrdreg $0x0  }
0xa8: {  	s4 =	sshll.u32 s28, $0x1;
	[dreg:$0x2] =	wrdreg s2  }
0xa9: {  	[dreg:$0x3] =	wrdreg s4  }
0xaa: {  	[dreg:$0x4] =	wrdreg $0xC0  }
0xab: {  	_ =	task [dreg:s6], $0x5FFFF  }
0xac: {  	[dreg:$0x1] =	wrdreg $0xFFFFFFFF  }
0xad: {  	[dreg:$0x0] =	wrdreg $0x60  }
0xae: {  	[dreg:$0x2] =	wrdreg s24  }
0xaf: {  	[dreg:$0x3] =	wrdreg $0x9  }
0xb0: {  	_ =	task.clear_ibuf [dreg:s6], $0x4FFFF;
	_ =	strace $0x90000046  }
0xb1: {  	s29 =	simm.s32 $0x9;
	_ =	strace $0x80000048  }
0xb2: {  	_ =	swait.ge [sflag:s29], $0x1  }
0xb3: {  	[sflag:s29] =	ssyncadd.s32 $0xFFFFFFFF  }
0xb4: {  	_ =	strace $0x90000048  }
0xb5: {  	_ =	sfence  }
0xb6: {  	s30 =	sld [smem:$0x0];
	_ =	sdelay $0x2  }
0xb7: {  	s31 =	sshll.u32 s1, $0xD;
	s1 =	sshrl.u32 s1, $0x2  }
0xb8: {  	s3 =	sand.u32 $0x4000, s31;
	s1 =	sadd.s32 s1, s30  }
0xb9: {  	s0 =	sor.u32 s3, s0;
	s1 =	sshll.u32 s1, $0x11  }
0xba: {  	s0 =	sor.u32 s1, s0  }
0xbb: {  	s0 =	sadd.s32 $0x8F2B, s0  }
0xbc: {  	[sflag:s0] =	ssyncadd.remote.s32 $0x1  }
0xbd: {  	_ =	sfence.sel $0xFFFF  }
0xbe: {  	[dreg:$0x0] =	wrdreg $0xFFFFFFFF;
	(pc) =	sbr.abs _section_cstart, $3  }
0xbf: {  	[dreg:$0x1] =	wrdreg $0xFFFFFFFF  }
0xc0: {  	_ =	task.clear_ibuf [dreg:s6], $0x2FFFF;
	_ =	strace $0x9FFFFFFF  }
0xc1: {  	(tm) =	ssettm $0x7FFFFFFF  }
tec
execute0_lowered:
.L_overlay_start_1:
0x0: {  	(tag) =	ssettag $0x1  }
0x1: {  	s8 =	rddreg [dreg:$0x0]  }
0x2: {  	s0 =	rddreg [dreg:$0x1];
	_ =	strace $0x80000047;
	s1 =	stileid.u32  }
0x3: {  	s3 =	srdreg.scid;
	s4 =	simm.s32 $0x1;
	s7 =	simm.s32 $0x1  }
0x4: {  	s9 =	simm.s32 $0x1;
	s10 =	simm.s32 $0x3;
	s13 =	simm.s32 $0x0  }
0x5: {  	s12 =	simm.s32 $0x0;
	s5 =	sand.u32 $0x1, s3;
	s6 =	sshll.u32 s1, $0x1  }
0x6: {  	s2 =	sadd.s32 $0x11200, s8;
	s3 =	sadd.s32 $0xB600, s8;
	s5 =	sor.u32 s6, s5  }
.Ltmp0:
0x7: {  	[sflag:s4] =	ssyncpa.u1 $0x0;
	p0 =	slt.u32 s5, $0x9;
	(pc) =	sbr.rel .LBB2_1-.Ltmp0, $4  }
0x8: {  	s6 =	simm.s32 $0x2;
	s7 =	simm.s32 @!p0 $0x0;
	p0 =	sne.s32 s5, $0x8  }
0x9: {  	[sflag:s6] =	ssyncpa.u1 $0x0;
	s5 =	smul.u32 $0xFA0, s5;
	s9 =	simm.s32 @!p0 $0x0  }
0xa: {  	s8 =	sadd.s32 $0xB5400, s8;
	[sflag:s10] =	ssyncpa.u1 $0x0;
	s7 =	sadd.s32 s9, s7  }
0xb: {  	vm0 =	vmmov $0xffff;
	s10 =	simm.s32 $0x0;
	s11 =	smov.u32 s5;
	s9 =	sadd.s32 $0x1, s7  }
.LBB2_4:
0xc: {  	v2 =	vnsel vm1, $0x0, v2  }
0xd: {  	vm1 =	vgt.s32 v0, $0x0;
	v2 =	vmin.u32 v2, $0x270FF  }
0xe: {  	v0 =	vnsel vm1, $0x0, v0  }
0xf: {  	v0 =	vmin.u32 v0, $0x270FF  }
0x10: {  	[tilespmem:s18], [sflag:$0x1] =	stream.indirect_vreg.gather [hbm4b:s2+s10], $0x1, v1, vm0, $0x4038;
	[tilespmem:$0x3E80] =	vst v63  }
0x11: {  	(ifvalue) =	ssetifvalue $0x7FFFFFFF  }
0x12: {  	[tilespmem:s15], [sflag:$0x1] =	stream.indirect_vreg.gather [hbm4b:s2+s10], $0x1, v2, vm0, $0x4038;
	[tilespmem:$0x3E80] =	vst v63  }
0x13: {  	s29 =	sadd.s32 $0x10, s15;
	(ifvalue) =	ssetifvalue $0x7FFFFFFF  }
0x14: {  	[tilespmem:s29], [sflag:$0x1] =	stream.indirect_vreg.gather [hbm4b:s2+s10], $0x1, v0, vm0, $0x4038;
	[tilespmem:$0x3E80] =	vst v63  }
0x15: {  	_ =	swait.ge [sflag:s4], $0xFA0  }
0x16: {  	s30 =	sshrl.u32 s13, $0x3;
	[sflag:s4] =	ssyncset.done $0x0  }
0x17: {  	s31 =	sand.u32 $0x7, s13;
	s15 =	sadd.s32 s8, s30;
	[sflag:s4] =	ssyncadd.s32 $0xFFFFF060  }
0x18: {  	[hbm4b:s15+s31] =	stream.linear.scatter [tilespmem:s14], [sflag:$0x3], $0xFA0, $0x38;
	[tilespmem:$0x3E80] =	vst v63  }
.LBB2_5:
0x19: {  	s15 =	sadd.s32 $0x1F400, s11  }
0x1a: {  	p1 =	sgt.s32 s15, $0x270FF  }
0x1b: {  	s15 =	smov.u32 @p1 s5;
	p1 =	sne.s32 s12, s9  }
.Ltmp1:
0x1c: {  	p0 =	slt.u32 s12, $0x2;
	(pc) =	sbr.rel @!p1 .LBB2_6-.Ltmp1, $4  }
0x1d: {  	s14 =	simm.s32 @!p0 $0x3  }
0x1e: {  	_ =	swait.ge @!p0 [sflag:s14], $0xFA0  }
0x1f: {  	s16 =	sadd.s32 $0x1, s12;
	s13 =	smov.u32 s11;
	[sflag:s14] =	ssyncset.done @!p0 $0x0  }
0x20: {  	s12 =	smov.u32 s16;
	s11 =	smov.u32 s15;
	[sflag:s14] =	ssyncadd.s32 @!p0 $0xFFFFF060  }
.LBB2_1:
0x21: {  	p0 =	sge.u32 s12, s7  }
0x22: {  	s14 =	sxor.u32 @!p0 $0x1, s12  }
0x23: {  	s14 =	smul.u32 @!p0 $0x3E80, s14  }
0x24: {  	s31 =	sadd.s32 $0xFFFFFFFF, s12;
	s15 =	sshrl.u32 @!p0 s11, $0x3  }
0x25: {  	s16 =	sand.u32 @!p0 $0x7, s11;
	s15 =	sadd.s32 @!p0 s3, s15;
	s14 =	sshra.s32 @!p0 s14, $0x2  }
0x26: {  	[tilespmem:s14], [sflag:$0x2] =	stream.linear.gather @!p0 [hbm4b:s15+s16], $0xFA0, $0x38;
	[tilespmem:$0x3E80] =	vst v63  }
0x27: {  	p0 =	sge.u32 s31, s7  }
.Ltmp2:
0x28: {  	_ = 	snop;
	(pc) =	sbr.rel @p0 .LBB2_5-.Ltmp2, $1  }
0x29: {  	_ =	sdelay $0x3  }
0x2a: {  	s14 =	sand.u32 $0x1, s12  }
0x2b: {  	_ =	swait.ge [sflag:s6], $0xFA0;
	p0 =	seq.s32 s14, $0x1;
	s14 =	simm.s32 $0xFA0  }
0x2c: {  	[sflag:s6] =	ssyncset.done $0x0;
	s14 =	simm.s32 @!p0 $0x0  }
0x2d: {  	[sflag:s6] =	ssyncadd.s32 $0xFFFFF060;
	(ifvalue) =	ssetifvalue $0x7FFFFFFF;
	v0 =	vld.msk [tilespmem:s14+$0x0 ss:$0x1], $0xffff;
	_ =	sdelay $0x4  }
0x2e: {  	s15 =	sadd.s32 $0x10, s14;
	vm1 =	vgt.s32 v0, $0x0  }
0x2f: {  	v2 =	vld.msk [tilespmem:s15+$0x0 ss:$0x1], $0xffff;
	v1 =	vnsel vm1, $0x0, v0  }
0x30: {  	v1 =	vmin.u32 v1, $0x270FF;
	_ =	sdelay $0x2  }
0x31: {  	s17 =	simm.s32 $0x20;
	s14 =	sadd.s32 $0x1F40, s14;
	s16 =	sadd.s32 $0x10, s15  }
0x32: {  	s15 =	sadd.s32 $0x10, s14;
	s18 =	smov.u32 s14;
	v0 =	vld.msk [tilespmem:s16+$0x0 ss:$0x1], $0xffff;
	vm1 =	vgt.s32 v2, $0x0;
	(ifvalue) =	ssetifvalue $0x7FFFFFFF  }
.LBB2_3:
0x33: {  	[tilespmem:s18], [sflag:$0x1] =	stream.indirect_vreg.gather [hbm4b:s2+s10], $0x1, v1, vm0, $0x4038;
	[tilespmem:$0x3E80] =	vst v63  }
0x34: {  	s17 =	sadd.s32 $0x10, s17  }
0x35: {  	v2 =	vnsel vm1, $0x0, v2;
	p0 =	slt.u32 s17, $0xF90  }
.Ltmp3:
0x36: {  	s18 =	smov.u32 s15;
	v1 =	vmin.u32 v2, $0x270FF;
	(pc) =	sbr.rel @p0 .LBB2_3-.Ltmp3, $3  }
0x37: {  	_ =	sdelay $0x1  }
0x38: {  	s16 =	sadd.s32 $0x10, s16  }
0x39: {  	vm1 =	vgt.s32 v0, $0x0;
	s15 =	sadd.s32 $0x10, s15;
	v2 =	vmov v0;
	(ifvalue) =	ssetifvalue $0x7FFFFFFF;
	v0 =	vld.msk [tilespmem:s16+$0x0 ss:$0x1], $0xffff  }
.Ltmp4:
0x3a: {  	_ = 	snop;
	(pc) =	sbr.rel .LBB2_4-.Ltmp4, $1  }
0x3b: {  	_ =	sdelay $0x3  }
.LBB2_6:
0x3c: {  	_ =	sfence.sel $0x180000  }
0x3d: {  	s2 =	simm.s32 $0x2;
	[bflag:$0x0] =	sbarrier.arrive $0xFFFF  }
0x3e: {  	s30 =	simm.s32 $0x3;
	[sflag:s2] =	ssyncpa.u1 $0x1  }
0x3f: {  	s31 =	simm.s32 $0x1;
	[sflag:s30] =	ssyncpa.u1 $0x1  }
0x40: {  	[sflag:s31] =	ssyncpa.u1 $0x1  }
0x41: {  	p0 =	sne.s32 s1, $0x0;
	_ =	strace $0x90000047  }
0x42: {  	s0 =	sadd.s32 @!p0 $0x100000, s0;
	[bflag:$0x2] =	sbarrier.arrive $0xFFFF  }
0x43: {  	[sflag:s0] =	ssyncadd.tile.s32 @!p0 $0x1;
	_ =	shalt  }
.Lfunc_end2:
_tile_overlayer_lowered:
.L_overlay_start_2:
0x44: {  	(tag) =	ssettag $0x2  }
0x45: {  	s0 =	rddreg [dreg:$0x0];
	s2 =	stileid.u32  }
0x46: {  	s1 =	rddreg [dreg:$0x1];
	p0 =	sne.s32 s2, $0x0  }
0x47: {  	s3 =	rddreg [dreg:$0x2];
	[bflag:$0x3] =	sbarrier.arrive $0xFFFF;
	s2 =	simm.s32 @!p0 $0x1C01  }
0x48: {  	[timem:s3], [sflag:s2] =	dma.local @!p0 [hbm:s0], s1  }
0x49: {  	s0 =	simm.s32 @!p0 $0x1  }
0x4a: {  	_ =	swait.ge @!p0 [sflag:s0], s1  }
0x4b: {  	s1 =	ssub.s32 @!p0 $0x0, s1;
	[sflag:s0] =	ssyncset.done @!p0 $0x0  }
0x4c: {  	[sflag:s0] =	ssyncadd.s32 @!p0 s1  }
0x4d: {  	[bflag:$0x3] =	sbarrier.arrive $0xFFFF  }
0x4e: {  	_ =	shalt  }

// kernel: kernel.6.cloned.1.call-start
scs
__scs_entry_jumppad:
0x0: {  	(pc) =	sbr.rel $0x88, $3  }
0x1: {  	(tag) =	ssettag $0x0;
	lr =	simm.s32 $0x1  }
0x2: {  	[smem:$0x3F95] =	sst lr;
	_ =	strace $0xD0000000  }
0x3: {  	_ = 	snop  }
0x4: {  	_ = 	snop  }
0x5: {  	_ = 	snop  }
0x6: {  	_ = 	snop  }
0x7: {  	_ = 	snop  }
__scs_overlays_trampoline_lowered:
0x8: {  	[smem:$0x3FA4] =	sst s0  }
0x9: {  	[smem:$0x3FA5] =	sst s1  }
0xa: {  	[smem:$0x3FA6] =	sst s2  }
0xb: {  	[smem:$0x3FA7] =	sst s3  }
0xc: {  	[smem:$0x3FA8] =	sst s4  }
0xd: {  	[smem:$0x3FA9] =	sst s5  }
0xe: {  	[smem:$0x3FAA] =	sst s6  }
0xf: {  	[smem:$0x3FAB] =	sst s7  }
0x10: {  	[smem:$0x3FAC] =	sst s8  }
0x11: {  	[smem:$0x3FAD] =	sst s9;
	s0 =	simm.s32 @!p0 $0x0  }
0x12: {  	s1 =	sld [smem:$0x3F93];
	s0 =	simm.s32 @p0 $0x1  }
0x13: {  	[smem:$0x3FAE] =	sst s0;
	s0 =	simm.s32 @!p1 $0x0  }
0x14: {  	s2 =	sld [smem:$0x3F92];
	s0 =	simm.s32 @p1 $0x1  }
0x15: {  	[smem:$0x3FAF] =	sst s0;
	s0 =	simm.s32 @!p2 $0x0  }
0x16: {  	s3 =	sld [smem:$0x3FDB];
	s0 =	simm.s32 @p2 $0x1  }
0x17: {  	s4 =	simm.s32 $0x1BF5;
	[smem:$0x3FB1] =	sst s0  }
0x18: {  	s0 =	sld [smem:$0x3F94];
	_ =	swait.ge [sflag:s4], $0x0  }
0x19: {  	s7 =	sld [smem:$0x3F95]  }
0x1a: {  	s8 =	sadd.s32 $0xFFFFE003, lr  }
0x1b: {  	s9 =	sadd.s32 $0xFFFFFEF7, lr;
	s5 =	simm.s32 $0xFFFFFFFF;
	p2 =	slt.u32 s8, $0xFFFFF086  }
0x1c: {  	p1 =	slt.u32 s9, $0xF7A;
	s5 =	simm.s32 @!p2 $0x0  }
0x1d: {  	s5 =	simm.s32 @p1 $0x1;
	p0 =	seq.s32 s7, s2  }
0x1e: {  	s7 =	smul.u32 @!p0 $0xF7A, s2;
	p2 =	seq.s32 @!p0 s5, $0x0  }
0x1f: {  	s9 =	smul.u32 $0xF7A, s1;
	s8 =	simm.s32 @!p0 $0x1BF5;
	p2 =	por !p2, p0  }
0x20: {  	[sflag:s8] =	ssyncset.s32 @!p0 $0xFFFFF086;
	s6 =	sadd.s32 @!p0 s3, s7;
	s7 =	simm.s32 @!p0 $0x108  }
0x21: {  	s3 =	sadd.s32 s3, s9;
	s6 =	sadd.s32 @!p0 $0x88, s6;
	s7 =	simm.s32 @p2 $0x1082  }
0x22: {  	[simem:s7], [sflag:s8] =	dma.local @!p0 [hbm:s6], $0xF7A  }
0x23: {  	s9 =	sor.u32 $0xD0000000, s2;
	s6 =	simm.s32 $0x108;
	_ =	swait.ge @!p0 [sflag:s8], $0x0  }
0x24: {  	s3 =	sadd.s32 $0x88, s3;
	s6 =	simm.s32 @!p1 $0x1082;
	[sflag:s4] =	ssyncset.s32 $0xFFFFF086  }
0x25: {  	[simem:s6], [sflag:s4] =	dma.local [hbm:s3], $0xF7A  }
0x26: {  	[smem:$0x3F95] =	sst s1;
	(tag) =	ssettag s2;
	_ =	strace s9  }
0x27: {  	s1 =	sld [smem:$0x3FA5]  }
0x28: {  	s2 =	sld [smem:$0x3FA6]  }
0x29: {  	s4 =	sld [smem:$0x3FA8]  }
0x2a: {  	p0 =	seq.s32 s5, $0x0;
	s5 =	sld [smem:$0x3FA9]  }
0x2b: {  	s6 =	sld [smem:$0x3FAA]  }
0x2c: {  	s7 =	sld [smem:$0x3FAB]  }
0x2d: {  	s3 =	simm.s32 $0x108;
	s8 =	sld [smem:$0x3FAC]  }
0x2e: {  	s3 =	simm.s32 @!p0 $0x1082;
	s9 =	sld [smem:$0x3FAD]  }
0x2f: {  	lr =	sadd.s32 s0, s3;
	s0 =	sld [smem:$0x3FA4]  }
0x30: {  	s3 =	sld [smem:$0x3FA7]  }
0x31: {  	[smem:$0x3FB0] =	sst s10  }
0x32: {  	s10 =	sld [smem:$0x3FAE];
	_ =	sdelay $0x3  }
0x33: {  	p0 =	seq.s32 s10, $0x1;
	s10 =	sld [smem:$0x3FB0];
	_ =	sdelay $0x3  }
0x34: {  	[smem:$0x3FB0] =	sst s10  }
0x35: {  	s10 =	sld [smem:$0x3FAF];
	_ =	sdelay $0x3  }
0x36: {  	p1 =	seq.s32 s10, $0x1;
	s10 =	sld [smem:$0x3FB0];
	_ =	sdelay $0x3  }
0x37: {  	[smem:$0x3FB0] =	sst s10  }
0x38: {  	s10 =	sld [smem:$0x3FB1]  }
0x39: {  	_ = 	snop;
	(pc) =	sbr.ind lr, $3  }
0x3a: {  	_ = 	snop  }
0x3b: {  	_ = 	snop  }
0x3c: {  	p2 =	seq.s32 s10, $0x1;
	s10 =	sld [smem:$0x3FB0]  }
0x3d: {  	_ =	shalt  }
0x3e: {  	_ =	shalt  }
0x3f: {  	_ =	shalt  }
0x40: {  	_ =	shalt  }
0x41: {  	_ =	shalt  }
0x42: {  	_ =	shalt  }
0x43: {  	_ =	shalt  }
0x44: {  	_ =	shalt  }
0x45: {  	_ =	shalt  }
0x46: {  	_ =	shalt  }
0x47: {  	_ =	shalt  }
0x48: {  	_ =	shalt  }
0x49: {  	_ =	shalt  }
0x4a: {  	_ =	shalt  }
0x4b: {  	_ =	shalt  }
0x4c: {  	_ =	shalt  }
0x4d: {  	_ =	shalt  }
0x4e: {  	_ =	shalt  }
0x4f: {  	_ =	shalt  }
0x50: {  	_ =	shalt  }
0x51: {  	_ =	shalt  }
0x52: {  	_ =	shalt  }
0x53: {  	_ =	shalt  }
0x54: {  	_ =	shalt  }
0x55: {  	_ =	shalt  }
0x56: {  	_ =	shalt  }
0x57: {  	_ =	shalt  }
0x58: {  	_ =	shalt  }
0x59: {  	_ =	shalt  }
0x5a: {  	_ =	shalt  }
0x5b: {  	_ =	shalt  }
0x5c: {  	_ =	shalt  }
0x5d: {  	_ =	shalt  }
0x5e: {  	_ =	shalt  }
0x5f: {  	_ =	shalt  }
0x60: {  	_ =	shalt  }
0x61: {  	_ =	shalt  }
0x62: {  	_ =	shalt  }
0x63: {  	_ =	shalt  }
0x64: {  	_ =	shalt  }
0x65: {  	_ =	shalt  }
0x66: {  	_ =	shalt  }
0x67: {  	_ =	shalt  }
0x68: {  	_ =	shalt  }
0x69: {  	_ =	shalt  }
0x6a: {  	_ =	shalt  }
0x6b: {  	_ =	shalt  }
0x6c: {  	_ =	shalt  }
0x6d: {  	_ =	shalt  }
0x6e: {  	_ =	shalt  }
0x6f: {  	_ =	shalt  }
0x70: {  	_ =	shalt  }
0x71: {  	_ =	shalt  }
0x72: {  	_ =	shalt  }
0x73: {  	_ =	shalt  }
0x74: {  	_ =	shalt  }
0x75: {  	_ =	shalt  }
0x76: {  	_ =	shalt  }
0x77: {  	_ =	shalt  }
0x78: {  	_ =	shalt  }
0x79: {  	_ =	shalt  }
0x7a: {  	_ =	shalt  }
0x7b: {  	_ =	shalt  }
0x7c: {  	_ =	shalt  }
0x7d: {  	_ =	shalt  }
0x7e: {  	_ =	shalt  }
0x7f: {  	_ =	shalt  }
0x80: {  	_ =	shalt  }
0x81: {  	_ =	shalt  }
0x82: {  	_ =	shalt  }
0x83: {  	_ =	shalt  }
0x84: {  	_ =	shalt  }
0x85: {  	_ =	shalt  }
0x86: {  	_ =	shalt  }
0x87: {  	_ =	shalt  }
.Lfunc_end0:
.L_simem_size_0:
called_computation.4_lowered:
.L_overlay_start_0:
0x88: {  	s2 =	sld [smem:$0x3FD9]  }
0x89: {  	s3 =	sld [smem:$0x3FFE];
	_ =	sdelay $0x1  }
0x8a: {  	s1 =	srdreg.scid  }
0x8b: {  	s0 =	sand.u32 $0x1, s1  }
0x8c: {  	s16 =	sshll.u32 s0, $0xA;
	s2 =	sadd.s32 s3, s2  }
0x8d: {  	s2 =	sadd.s32 s2, s16  }
0x8e: {  	[smem:$0x3FBC] =	sst s2  }
0x8f: {  	_ = 	snop  }
0x90: {  	(tm) =	ssettm $0x1  }
0x91: {  	s17 =	sld [smem:$0x3FFB];
	_ =	sdelay $0x3  }
0x92: {  	_ =	strace s17  }
0x93: {  	s2 =	sld [smem:$0x3FFC];
	_ =	sdelay $0x3  }
0x94: {  	_ =	strace s2  }
0x95: {  	s2 =	sld [smem:$0x3FFD];
	_ =	sdelay $0x3  }
0x96: {  	_ =	strace s2  }
0x97: {  	_ =	strace $0x8FFFFFFF  }
0x98: {  	s18 =	sld [smem:$0x3FDB];
	_ =	sdelay $0x1  }
0x99: {  	s19 =	simm.s32 $_scs_section_size  }
0x9a: {  	s4 =	simm.s32 $_size__tile_overlayer_lowered;
	s5 =	simm.s32 $_tile_overlayer_lowered  }
0x9b: {  	s22 =	simm.s32 $0x1BFF;
	s21 =	sshll.u32 s5, $0x1;
	s2 =	sadd.s32 s19, s18  }
0x9c: {  	s6 =	simm.s32 $0x0;
	s20 =	sshll.u32 s4, $0x1;
	s4 =	sadd.s32 s21, s2  }
0x9d: {  	[timem:s6], [sflag:s22] =	dma.local [hbm:s4], s20  }
0x9e: {  	_ =	swait.ge [sflag:s22], s20  }
0x9f: {  	s3 =	ssub.s32 $0x0, s20;
	[sflag:s22] =	ssyncset.done $0x0  }
0xa0: {  	[sflag:s22] =	ssyncadd.s32 s3;
	_ =	sdelay $0x1  }
0xa1: {  	s23 =	simm.s32 $0x1B8B  }
0xa2: {  	_ =	swait.ge [sflag:s23], $0x1  }
0xa3: {  	[sflag:s23] =	ssyncset.done $0x0  }
0xa4: {  	s25 =	simm.s32 $0x1B8E;
	s24 =	sld [smem:$0x3FFE];
	[sflag:s23] =	ssyncadd.s32 $0xFFFFFFFF  }
0xa5: {  	s26 =	simm.s32 $execute0_lowered;
	[smem:$0x3FD2] =	sst s25  }
0xa6: {  	s4 =	sshll.u32 s26, $0x1;
	_ =	strace $0x80000052;
	[dreg:$0x1] =	wrdreg $0xFFFFFFFF  }
0xa7: {  	s28 =	simm.s32 $_size_execute0_lowered;
	s2 =	sadd.s32 s2, s4;
	[dreg:$0x0] =	wrdreg $0x0  }
0xa8: {  	s4 =	sshll.u32 s28, $0x1;
	[dreg:$0x2] =	wrdreg s2  }
0xa9: {  	[dreg:$0x3] =	wrdreg s4  }
0xaa: {  	[dreg:$0x4] =	wrdreg $0xC0  }
0xab: {  	_ =	task [dreg:s6], $0x5FFFF  }
0xac: {  	[dreg:$0x1] =	wrdreg $0xFFFFFFFF  }
0xad: {  	[dreg:$0x0] =	wrdreg $0x60  }
0xae: {  	[dreg:$0x2] =	wrdreg s24  }
0xaf: {  	[dreg:$0x3] =	wrdreg $0xF2800  }
0xb0: {  	[dreg:$0x4] =	wrdreg $0x9  }
0xb1: {  	_ =	task.clear_ibuf [dreg:s6], $0x5FFFF;
	_ =	strace $0x90000052  }
0xb2: {  	s29 =	simm.s32 $0x9;
	_ =	strace $0x80000054  }
0xb3: {  	_ =	swait.ge [sflag:s29], $0x1  }
0xb4: {  	[sflag:s29] =	ssyncadd.s32 $0xFFFFFFFF  }
0xb5: {  	_ =	strace $0x90000054  }
0xb6: {  	_ =	sfence  }
0xb7: {  	s30 =	sld [smem:$0x0];
	_ =	sdelay $0x2  }
0xb8: {  	s31 =	sshll.u32 s1, $0xD;
	s1 =	sshrl.u32 s1, $0x2  }
0xb9: {  	s3 =	sand.u32 $0x4000, s31;
	s1 =	sadd.s32 s1, s30  }
0xba: {  	s0 =	sor.u32 s3, s0;
	s1 =	sshll.u32 s1, $0x11  }
0xbb: {  	s0 =	sor.u32 s1, s0  }
0xbc: {  	s0 =	sadd.s32 $0x8F2B, s0  }
0xbd: {  	[sflag:s0] =	ssyncadd.remote.s32 $0x1  }
0xbe: {  	_ =	sfence.sel $0xFFFF  }
0xbf: {  	[dreg:$0x0] =	wrdreg $0xFFFFFFFF;
	(pc) =	sbr.abs _section_cstart, $3  }
0xc0: {  	[dreg:$0x1] =	wrdreg $0xFFFFFFFF  }
0xc1: {  	_ =	task.clear_ibuf [dreg:s6], $0x2FFFF;
	_ =	strace $0x9FFFFFFF  }
0xc2: {  	(tm) =	ssettm $0x7FFFFFFF  }
0xc3: {  	_ =	shalt  }
tec
execute0_lowered:
.L_overlay_start_1:
0x0: {  	(tag) =	ssettag $0x1  }
0x1: {  	s6 =	rddreg [dreg:$0x0]  }
0x2: {  	s1 =	rddreg [dreg:$0x1]  }
0x3: {  	s0 =	rddreg [dreg:$0x2]  }
0x4: {  	s3 =	simm.s32 $0x0;
	s4 =	srdreg.scid;
	s2 =	stileid.u32  }
0x5: {  	s10 =	simm.s32 $0x1;
	s11 =	simm.s32 $0x0;
	[smem:$0x7FF] =	sst s3  }
0x6: {  	s4 =	sand.u32 $0x1, s4;
	s7 =	sshll.u32 s2, $0x1;
	_ =	strace $0x80000053  }
0x7: {  	s5 =	sshll.u32 s4, $0x5;
	s8 =	ssub.s32 $0x2, s4;
	s4 =	sadd.s32 $0x99200, s6  }
0x8: {  	s7 =	sor.u32 s7, s5;
	s9 =	sshrl.u32 s8, $0x1;
	s5 =	sadd.s32 $0x93200, s6  }
0x9: {  	s7 =	sadd.s32 s7, s6;
	s8 =	ssub.s32 s8, s9;
	s9 =	simm.s32 $0x280  }
0xa: {  	v0 =	vimm.f32 $0.0e+00;
	s6 =	sadd.s32 $0x10600, s7;
	s7 =	sadd.s32 $0x1000, s7;
	s8 =	smax.u32 s8, $0x1  }
.LBB2_1:
0xb: {  	s12 =	simm.s32 $0x0  }
.LBB2_2:
0xc: {  	s13 =	sshrl.u32 s12, $0x3  }
0xd: {  	s13 =	smul.u32 $0x3000, s13  }
0xe: {  	s14 =	sshll.u32 s12, $0x7  }
0xf: {  	s14 =	sand.u32 $0x380, s14;
	s13 =	sshra.s32 s13, $0x2  }
0x10: {  	s14 =	sor.u32 s14, s13;
	s13 =	simm.s32 $0x0  }
0x11: {  	s14 =	sadd.s32 $0x280, s14;
	s15 =	sand.u32 $0xC00, s13  }
0x12: {  	s16 =	sand.u32 $0x70, s13;
	s17 =	sadd.s32 s15, s14  }
0x13: {  	s15 =	simm.s32 $0x10;
	s16 =	sadd.s32 s16, s17  }
.LBB2_3:
0x14: {  	p0 =	sne.s32 s15, $0x170  }
0x15: {  	[tilespmem:s16+$0x0] =	vst v0;
	s13 =	sadd.s32 $0x80, s13;
	s16 =	smov.u32 s15;
	s15 =	sadd.s32 $0x10, s15  }
.Ltmp0:
0x16: {  	(pc) =	sbr.rel @p0 .LBB2_3-.Ltmp0, $4  }
0x17: {  	_ = 	snop  }
0x18: {  	s17 =	sand.u32 $0xC00, s13  }
0x19: {  	s16 =	sand.u32 $0x70, s16;
	s17 =	sadd.s32 s17, s14  }
0x1a: {  	s16 =	sadd.s32 s16, s17  }
0x1b: {  	s12 =	sadd.s32 $0x1, s12  }
0x1c: {  	p0 =	sne.s32 s12, $0xA0  }
.Ltmp1:
0x1d: {  	_ = 	snop;
	(pc) =	sbr.rel @p0 .LBB2_2-.Ltmp1, $2  }
0x1e: {  	_ =	sdelay $0x2  }
0x1f: {  	[tilespmem:s16+$0x0] =	vst v0  }
0x20: {  	[spmem:s1] =	stream.linear.scatter [tilespmem:s9], [sflag:$0x1], $0x3C00, $0x38;
	[tilespmem:$0xF640] =	vst v63  }
0x21: {  	_ =	swait.ge [sflag:s10], $0x3C00  }
0x22: {  	[sflag:s10] =	ssyncset.done $0x0  }
0x23: {  	[sflag:s10] =	ssyncadd.s32 $0xFFFFC400  }
0x24: {  	[bflag:$0x0] =	sbarrier.arrive $0xFFFF  }
0x25: {  	[tilespmem:s3], [sflag:$0x1] =	stream.linear.gather [hbm4b:s6+s3], $0x10, $0x38;
	[tilespmem:$0xF640] =	vst v63  }
0x26: {  	_ =	swait.ge [sflag:s10], $0x10  }
0x27: {  	[sflag:s10] =	ssyncset.done $0x0  }
0x28: {  	[sflag:s10] =	ssyncadd.s32 $0xFFFFFFF0  }
0x29: {  	v1 =	vld [tilespmem:$0x0];
	_ =	sdelay $0x4  }
0x2a: {  	(v2sf) =	vpush v1, $0x0;
	_ =	sdelay $0xd  }
0x2b: {  	[tilespmem:s3], [sflag:$0x1] =	stream.linear.gather [hbm4b:s7+s3], $0x10, $0x38;
	[tilespmem:$0xF640] =	vst v63  }
0x2c: {  	s12 =	spop (v2sf)  }
0x2d: {  	_ =	swait.ge [sflag:s10], $0x10  }
0x2e: {  	[sflag:s10] =	ssyncset.done $0x0  }
0x2f: {  	p0 =	slt.s32 s12, $0x1;
	[sflag:s10] =	ssyncadd.s32 $0xFFFFFFF0  }
0x30: {  	v1 =	vld @!p0 [tilespmem:$0x0];
	_ =	sdelay $0x4  }
0x31: {  	(v2sf) =	vpush @!p0 v1, $0x0;
	_ =	sdelay $0xe  }
0x32: {  	s12 =	spop @!p0 (v2sf)  }
0x33: {  	s12 =	sshrl.u32 @!p0 s12, $0x3  }
0x34: {  	s14 =	simm.s32 @!p0 $0x0;
	s15 =	simm.s32 @!p0 $0x80;
	s13 =	sadd.s32 @!p0 s4, s12  }
0x35: {  	[tilespmem:s15], [sflag:$0x1] =	stream.linear.gather @!p0 [hbm4b:s13+s14], $0x100, $0x38;
	[tilespmem:$0xF640] =	vst v63  }
0x36: {  	s13 =	simm.s32 @!p0 $0x1  }
0x37: {  	s11 =	sadd.s32 $0x1, s11;
	_ =	swait.ge @!p0 [sflag:s13], $0x100  }
0x38: {  	p1 =	sne.s32 s11, s8;
	s12 =	sadd.s32 @!p0 s5, s12;
	[sflag:s13] =	ssyncset.done @!p0 $0x0  }
.Ltmp2:
0x39: {  	s15 =	simm.s32 @!p0 $0x180;
	[sflag:s13] =	ssyncadd.s32 @!p0 $0xFFFFFF00;
	(pc) =	sbr.rel @p1 .LBB2_1-.Ltmp2, $4  }
0x3a: {  	[tilespmem:s15], [sflag:$0x1] =	stream.linear.gather @!p0 [hbm4b:s12+s14], $0x100, $0x38;
	[tilespmem:$0xF640] =	vst v63  }
0x3b: {  	_ =	swait.ge @!p0 [sflag:s13], $0x100  }
0x3c: {  	[sflag:s13] =	ssyncset.done @!p0 $0x0  }
0x3d: {  	[sflag:s13] =	ssyncadd.s32 @!p0 $0xFFFFFF00  }
0x3e: {  	_ =	sfence.sel $0x180000  }
0x3f: {  	[bflag:$0x0] =	sbarrier.arrive $0xFFFF  }
0x40: {  	p0 =	sne.s32 s2, $0x0;
	_ =	strace $0x90000053  }
0x41: {  	s0 =	sadd.s32 @!p0 $0x100000, s0;
	[bflag:$0x2] =	sbarrier.arrive $0xFFFF  }
0x42: {  	[sflag:s0] =	ssyncadd.tile.s32 @!p0 $0x1;
	_ =	shalt  }
.Lfunc_end2:
_tile_overlayer_lowered:
.L_overlay_start_2:
0x43: {  	(tag) =	ssettag $0x2  }
0x44: {  	s0 =	rddreg [dreg:$0x0];
	s2 =	stileid.u32  }
0x45: {  	s1 =	rddreg [dreg:$0x1];
	p0 =	sne.s32 s2, $0x0  }
0x46: {  	s3 =	rddreg [dreg:$0x2];
	[bflag:$0x3] =	sbarrier.arrive $0xFFFF;
	s2 =	simm.s32 @!p0 $0x1C01  }
0x47: {  	[timem:s3], [sflag:s2] =	dma.local @!p0 [hbm:s0], s1  }
0x48: {  	s0 =	simm.s32 @!p0 $0x1  }
0x49: {  	_ =	swait.ge @!p0 [sflag:s0], s1  }
0x4a: {  	s1 =	ssub.s32 @!p0 $0x0, s1;
	[sflag:s0] =	ssyncset.done @!p0 $0x0  }
0x4b: {  	[sflag:s0] =	ssyncadd.s32 @!p0 s1  }
0x4c: {  	[bflag:$0x3] =	sbarrier.arrive $0xFFFF  }
0x4d: {  	_ =	shalt  }

// kernel: kernel.9.cloned.1.call-start
scs
__scs_entry_jumppad:
0x0: {  	(pc) =	sbr.rel $0x88, $3  }
0x1: {  	(tag) =	ssettag $0x0;
	lr =	simm.s32 $0x1  }
0x2: {  	[smem:$0x3F95] =	sst lr;
	_ =	strace $0xD0000000  }
0x3: {  	_ = 	snop  }
0x4: {  	_ = 	snop  }
0x5: {  	_ = 	snop  }
0x6: {  	_ = 	snop  }
0x7: {  	_ = 	snop  }
__scs_overlays_trampoline_lowered:
0x8: {  	[smem:$0x3FA4] =	sst s0  }
0x9: {  	[smem:$0x3FA5] =	sst s1  }
0xa: {  	[smem:$0x3FA6] =	sst s2  }
0xb: {  	[smem:$0x3FA7] =	sst s3  }
0xc: {  	[smem:$0x3FA8] =	sst s4  }
0xd: {  	[smem:$0x3FA9] =	sst s5  }
0xe: {  	[smem:$0x3FAA] =	sst s6  }
0xf: {  	[smem:$0x3FAB] =	sst s7  }
0x10: {  	[smem:$0x3FAC] =	sst s8  }
0x11: {  	[smem:$0x3FAD] =	sst s9;
	s0 =	simm.s32 @!p0 $0x0  }
0x12: {  	s1 =	sld [smem:$0x3F93];
	s0 =	simm.s32 @p0 $0x1  }
0x13: {  	[smem:$0x3FAE] =	sst s0;
	s0 =	simm.s32 @!p1 $0x0  }
0x14: {  	s2 =	sld [smem:$0x3F92];
	s0 =	simm.s32 @p1 $0x1  }
0x15: {  	[smem:$0x3FAF] =	sst s0;
	s0 =	simm.s32 @!p2 $0x0  }
0x16: {  	s3 =	sld [smem:$0x3FDB];
	s0 =	simm.s32 @p2 $0x1  }
0x17: {  	s4 =	simm.s32 $0x1BF5;
	[smem:$0x3FB1] =	sst s0  }
0x18: {  	s0 =	sld [smem:$0x3F94];
	_ =	swait.ge [sflag:s4], $0x0  }
0x19: {  	s7 =	sld [smem:$0x3F95]  }
0x1a: {  	s8 =	sadd.s32 $0xFFFFE003, lr  }
0x1b: {  	s9 =	sadd.s32 $0xFFFFFEF7, lr;
	s5 =	simm.s32 $0xFFFFFFFF;
	p2 =	slt.u32 s8, $0xFFFFF086  }
0x1c: {  	p1 =	slt.u32 s9, $0xF7A;
	s5 =	simm.s32 @!p2 $0x0  }
0x1d: {  	s5 =	simm.s32 @p1 $0x1;
	p0 =	seq.s32 s7, s2  }
0x1e: {  	s7 =	smul.u32 @!p0 $0xF7A, s2;
	p2 =	seq.s32 @!p0 s5, $0x0  }
0x1f: {  	s9 =	smul.u32 $0xF7A, s1;
	s8 =	simm.s32 @!p0 $0x1BF5;
	p2 =	por !p2, p0  }
0x20: {  	[sflag:s8] =	ssyncset.s32 @!p0 $0xFFFFF086;
	s6 =	sadd.s32 @!p0 s3, s7;
	s7 =	simm.s32 @!p0 $0x108  }
0x21: {  	s3 =	sadd.s32 s3, s9;
	s6 =	sadd.s32 @!p0 $0x88, s6;
	s7 =	simm.s32 @p2 $0x1082  }
0x22: {  	[simem:s7], [sflag:s8] =	dma.local @!p0 [hbm:s6], $0xF7A  }
0x23: {  	s9 =	sor.u32 $0xD0000000, s2;
	s6 =	simm.s32 $0x108;
	_ =	swait.ge @!p0 [sflag:s8], $0x0  }
0x24: {  	s3 =	sadd.s32 $0x88, s3;
	s6 =	simm.s32 @!p1 $0x1082;
	[sflag:s4] =	ssyncset.s32 $0xFFFFF086  }
0x25: {  	[simem:s6], [sflag:s4] =	dma.local [hbm:s3], $0xF7A  }
0x26: {  	[smem:$0x3F95] =	sst s1;
	(tag) =	ssettag s2;
	_ =	strace s9  }
0x27: {  	s1 =	sld [smem:$0x3FA5]  }
0x28: {  	s2 =	sld [smem:$0x3FA6]  }
0x29: {  	s4 =	sld [smem:$0x3FA8]  }
0x2a: {  	p0 =	seq.s32 s5, $0x0;
	s5 =	sld [smem:$0x3FA9]  }
0x2b: {  	s6 =	sld [smem:$0x3FAA]  }
0x2c: {  	s7 =	sld [smem:$0x3FAB]  }
0x2d: {  	s3 =	simm.s32 $0x108;
	s8 =	sld [smem:$0x3FAC]  }
0x2e: {  	s3 =	simm.s32 @!p0 $0x1082;
	s9 =	sld [smem:$0x3FAD]  }
0x2f: {  	lr =	sadd.s32 s0, s3;
	s0 =	sld [smem:$0x3FA4]  }
0x30: {  	s3 =	sld [smem:$0x3FA7]  }
0x31: {  	[smem:$0x3FB0] =	sst s10  }
0x32: {  	s10 =	sld [smem:$0x3FAE];
	_ =	sdelay $0x3  }
0x33: {  	p0 =	seq.s32 s10, $0x1;
	s10 =	sld [smem:$0x3FB0];
	_ =	sdelay $0x3  }
0x34: {  	[smem:$0x3FB0] =	sst s10  }
0x35: {  	s10 =	sld [smem:$0x3FAF];
	_ =	sdelay $0x3  }
0x36: {  	p1 =	seq.s32 s10, $0x1;
	s10 =	sld [smem:$0x3FB0];
	_ =	sdelay $0x3  }
0x37: {  	[smem:$0x3FB0] =	sst s10  }
0x38: {  	s10 =	sld [smem:$0x3FB1]  }
0x39: {  	_ = 	snop;
	(pc) =	sbr.ind lr, $3  }
0x3a: {  	_ = 	snop  }
0x3b: {  	_ = 	snop  }
0x3c: {  	p2 =	seq.s32 s10, $0x1;
	s10 =	sld [smem:$0x3FB0]  }
0x3d: {  	_ =	shalt  }
0x3e: {  	_ =	shalt  }
0x3f: {  	_ =	shalt  }
0x40: {  	_ =	shalt  }
0x41: {  	_ =	shalt  }
0x42: {  	_ =	shalt  }
0x43: {  	_ =	shalt  }
0x44: {  	_ =	shalt  }
0x45: {  	_ =	shalt  }
0x46: {  	_ =	shalt  }
0x47: {  	_ =	shalt  }
0x48: {  	_ =	shalt  }
0x49: {  	_ =	shalt  }
0x4a: {  	_ =	shalt  }
0x4b: {  	_ =	shalt  }
0x4c: {  	_ =	shalt  }
0x4d: {  	_ =	shalt  }
0x4e: {  	_ =	shalt  }
0x4f: {  	_ =	shalt  }
0x50: {  	_ =	shalt  }
0x51: {  	_ =	shalt  }
0x52: {  	_ =	shalt  }
0x53: {  	_ =	shalt  }
0x54: {  	_ =	shalt  }
0x55: {  	_ =	shalt  }
0x56: {  	_ =	shalt  }
0x57: {  	_ =	shalt  }
0x58: {  	_ =	shalt  }
0x59: {  	_ =	shalt  }
0x5a: {  	_ =	shalt  }
0x5b: {  	_ =	shalt  }
0x5c: {  	_ =	shalt  }
0x5d: {  	_ =	shalt  }
0x5e: {  	_ =	shalt  }
0x5f: {  	_ =	shalt  }
0x60: {  	_ =	shalt  }
0x61: {  	_ =	shalt  }
0x62: {  	_ =	shalt  }
0x63: {  	_ =	shalt  }
0x64: {  	_ =	shalt  }
0x65: {  	_ =	shalt  }
0x66: {  	_ =	shalt  }
0x67: {  	_ =	shalt  }
0x68: {  	_ =	shalt  }
0x69: {  	_ =	shalt  }
0x6a: {  	_ =	shalt  }
0x6b: {  	_ =	shalt  }
0x6c: {  	_ =	shalt  }
0x6d: {  	_ =	shalt  }
0x6e: {  	_ =	shalt  }
0x6f: {  	_ =	shalt  }
0x70: {  	_ =	shalt  }
0x71: {  	_ =	shalt  }
0x72: {  	_ =	shalt  }
0x73: {  	_ =	shalt  }
0x74: {  	_ =	shalt  }
0x75: {  	_ =	shalt  }
0x76: {  	_ =	shalt  }
0x77: {  	_ =	shalt  }
0x78: {  	_ =	shalt  }
0x79: {  	_ =	shalt  }
0x7a: {  	_ =	shalt  }
0x7b: {  	_ =	shalt  }
0x7c: {  	_ =	shalt  }
0x7d: {  	_ =	shalt  }
0x7e: {  	_ =	shalt  }
0x7f: {  	_ =	shalt  }
0x80: {  	_ =	shalt  }
0x81: {  	_ =	shalt  }
0x82: {  	_ =	shalt  }
0x83: {  	_ =	shalt  }
0x84: {  	_ =	shalt  }
0x85: {  	_ =	shalt  }
0x86: {  	_ =	shalt  }
0x87: {  	_ =	shalt  }
.Lfunc_end0:
.L_simem_size_0:
called_computation.5_lowered:
.L_overlay_start_0:
0x88: {  	s2 =	sld [smem:$0x3FD9]  }
0x89: {  	s3 =	sld [smem:$0x3FFE];
	_ =	sdelay $0x1  }
0x8a: {  	s1 =	srdreg.scid  }
0x8b: {  	s0 =	sand.u32 $0x1, s1  }
0x8c: {  	s16 =	sshll.u32 s0, $0xA;
	s2 =	sadd.s32 s3, s2  }
0x8d: {  	s2 =	sadd.s32 s2, s16  }
0x8e: {  	[smem:$0x3FBC] =	sst s2  }
0x8f: {  	_ = 	snop  }
0x90: {  	(tm) =	ssettm $0x1  }
0x91: {  	s17 =	sld [smem:$0x3FFB];
	_ =	sdelay $0x3  }
0x92: {  	_ =	strace s17  }
0x93: {  	s2 =	sld [smem:$0x3FFC];
	_ =	sdelay $0x3  }
0x94: {  	_ =	strace s2  }
0x95: {  	s2 =	sld [smem:$0x3FFD];
	_ =	sdelay $0x3  }
0x96: {  	_ =	strace s2  }
0x97: {  	_ =	strace $0x8FFFFFFF  }
0x98: {  	s18 =	sld [smem:$0x3FDB];
	_ =	sdelay $0x1  }
0x99: {  	s19 =	simm.s32 $_scs_section_size  }
0x9a: {  	s4 =	simm.s32 $_size__tile_overlayer_lowered;
	s5 =	simm.s32 $_tile_overlayer_lowered  }
0x9b: {  	s22 =	simm.s32 $0x1BFF;
	s21 =	sshll.u32 s5, $0x1;
	s2 =	sadd.s32 s19, s18  }
0x9c: {  	s6 =	simm.s32 $0x0;
	s20 =	sshll.u32 s4, $0x1;
	s4 =	sadd.s32 s21, s2  }
0x9d: {  	[timem:s6], [sflag:s22] =	dma.local [hbm:s4], s20  }
0x9e: {  	_ =	swait.ge [sflag:s22], s20  }
0x9f: {  	s3 =	ssub.s32 $0x0, s20;
	[sflag:s22] =	ssyncset.done $0x0  }
0xa0: {  	[sflag:s22] =	ssyncadd.s32 s3;
	_ =	sdelay $0x1  }
0xa1: {  	s23 =	simm.s32 $0x1B8B  }
0xa2: {  	_ =	swait.ge [sflag:s23], $0x1  }
0xa3: {  	[sflag:s23] =	ssyncset.done $0x0  }
0xa4: {  	s25 =	simm.s32 $0x1B8E;
	s24 =	sld [smem:$0x3FFE];
	[sflag:s23] =	ssyncadd.s32 $0xFFFFFFFF  }
0xa5: {  	s26 =	simm.s32 $execute0_lowered;
	[smem:$0x3FD2] =	sst s25  }
0xa6: {  	s4 =	sshll.u32 s26, $0x1;
	_ =	strace $0x80000055;
	[dreg:$0x1] =	wrdreg $0xFFFFFFFF  }
0xa7: {  	s28 =	simm.s32 $_size_execute0_lowered;
	s2 =	sadd.s32 s2, s4;
	[dreg:$0x0] =	wrdreg $0x0  }
0xa8: {  	s4 =	sshll.u32 s28, $0x1;
	[dreg:$0x2] =	wrdreg s2  }
0xa9: {  	[dreg:$0x3] =	wrdreg s4  }
0xaa: {  	[dreg:$0x4] =	wrdreg $0xC0  }
0xab: {  	_ =	task [dreg:s6], $0x5FFFF  }
0xac: {  	[dreg:$0x1] =	wrdreg $0xFFFFFFFF  }
0xad: {  	[dreg:$0x0] =	wrdreg $0x60  }
0xae: {  	[dreg:$0x2] =	wrdreg s24  }
0xaf: {  	[dreg:$0x3] =	wrdreg $0x142800  }
0xb0: {  	[dreg:$0x4] =	wrdreg $0x9  }
0xb1: {  	_ =	task.clear_ibuf [dreg:s6], $0x5FFFF;
	_ =	strace $0x90000055  }
0xb2: {  	s29 =	simm.s32 $0x9;
	_ =	strace $0x80000057  }
0xb3: {  	_ =	swait.ge [sflag:s29], $0x1  }
0xb4: {  	[sflag:s29] =	ssyncadd.s32 $0xFFFFFFFF  }
0xb5: {  	_ =	strace $0x90000057  }
0xb6: {  	_ =	sfence  }
0xb7: {  	s30 =	sld [smem:$0x0];
	_ =	sdelay $0x2  }
0xb8: {  	s31 =	sshll.u32 s1, $0xD;
	s1 =	sshrl.u32 s1, $0x2  }
0xb9: {  	s3 =	sand.u32 $0x4000, s31;
	s1 =	sadd.s32 s1, s30  }
0xba: {  	s0 =	sor.u32 s3, s0;
	s1 =	sshll.u32 s1, $0x11  }
0xbb: {  	s0 =	sor.u32 s1, s0  }
0xbc: {  	s0 =	sadd.s32 $0x8F2B, s0  }
0xbd: {  	[sflag:s0] =	ssyncadd.remote.s32 $0x1  }
0xbe: {  	_ =	sfence.sel $0xFFFF  }
0xbf: {  	[dreg:$0x0] =	wrdreg $0xFFFFFFFF;
	(pc) =	sbr.abs _section_cstart, $3  }
0xc0: {  	[dreg:$0x1] =	wrdreg $0xFFFFFFFF  }
0xc1: {  	_ =	task.clear_ibuf [dreg:s6], $0x2FFFF;
	_ =	strace $0x9FFFFFFF  }
0xc2: {  	(tm) =	ssettm $0x7FFFFFFF  }
0xc3: {  	_ =	shalt  }
tec
execute0_lowered:
.L_overlay_start_1:
0x0: {  	(tag) =	ssettag $0x1  }
0x1: {  	s6 =	rddreg [dreg:$0x0]  }
0x2: {  	s1 =	rddreg [dreg:$0x1]  }
0x3: {  	s0 =	rddreg [dreg:$0x2]  }
0x4: {  	s3 =	simm.s32 $0x0;
	s4 =	srdreg.scid;
	s2 =	stileid.u32  }
0x5: {  	s10 =	simm.s32 $0x1;
	s11 =	simm.s32 $0x0;
	[smem:$0x7FF] =	sst s3  }
0x6: {  	s4 =	sand.u32 $0x1, s4;
	s7 =	sshll.u32 s2, $0x1;
	_ =	strace $0x80000056  }
0x7: {  	s5 =	sshll.u32 s4, $0x5;
	s8 =	ssub.s32 $0x2, s4;
	s4 =	sadd.s32 $0x99200, s6  }
0x8: {  	s7 =	sor.u32 s7, s5;
	s9 =	sshrl.u32 s8, $0x1;
	s5 =	sadd.s32 $0x93200, s6  }
0x9: {  	s7 =	sadd.s32 s7, s6;
	s8 =	ssub.s32 s8, s9;
	s9 =	simm.s32 $0x280  }
0xa: {  	v0 =	vimm.f32 $0.0e+00;
	s6 =	sadd.s32 $0x10600, s7;
	s7 =	sadd.s32 $0x1000, s7;
	s8 =	smax.u32 s8, $0x1  }
.LBB2_1:
0xb: {  	s12 =	simm.s32 $0x0  }
.LBB2_2:
0xc: {  	s13 =	sshll.u32 s12, $0x9;
	s14 =	sshll.u32 s12, $0x7  }
0xd: {  	s13 =	sand.u32 $0x1F000, s13;
	s14 =	sand.u32 $0x380, s14  }
0xe: {  	s14 =	sor.u32 s14, s13;
	s13 =	simm.s32 $0x0  }
0xf: {  	s14 =	sadd.s32 $0x280, s14;
	s15 =	sand.u32 $0xC00, s13  }
0x10: {  	s16 =	sand.u32 $0x70, s13;
	s17 =	sadd.s32 s15, s14  }
0x11: {  	s15 =	simm.s32 $0x10;
	s16 =	sadd.s32 s16, s17  }
.LBB2_3:
0x12: {  	p0 =	sne.s32 s15, $0x1F0  }
0x13: {  	[tilespmem:s16+$0x0] =	vst v0;
	s13 =	sadd.s32 $0x80, s13;
	s16 =	smov.u32 s15;
	s15 =	sadd.s32 $0x10, s15  }
.Ltmp0:
0x14: {  	(pc) =	sbr.rel @p0 .LBB2_3-.Ltmp0, $4  }
0x15: {  	_ = 	snop  }
0x16: {  	s17 =	sand.u32 $0xC00, s13  }
0x17: {  	s16 =	sand.u32 $0x70, s16;
	s17 =	sadd.s32 s17, s14  }
0x18: {  	s16 =	sadd.s32 s16, s17  }
0x19: {  	s12 =	sadd.s32 $0x1, s12  }
0x1a: {  	p0 =	sne.s32 s12, $0xA0  }
.Ltmp1:
0x1b: {  	_ = 	snop;
	(pc) =	sbr.rel @p0 .LBB2_2-.Ltmp1, $2  }
0x1c: {  	_ =	sdelay $0x2  }
0x1d: {  	[tilespmem:s16+$0x0] =	vst v0  }
0x1e: {  	[spmem:s1] =	stream.linear.scatter [tilespmem:s9], [sflag:$0x1], $0x5000, $0x38;
	[tilespmem:$0x14780] =	vst v63  }
0x1f: {  	_ =	swait.ge [sflag:s10], $0x5000  }
0x20: {  	[sflag:s10] =	ssyncset.done $0x0  }
0x21: {  	[sflag:s10] =	ssyncadd.s32 $0xFFFFB000  }
0x22: {  	[bflag:$0x0] =	sbarrier.arrive $0xFFFF  }
0x23: {  	[tilespmem:s3], [sflag:$0x1] =	stream.linear.gather [hbm4b:s6+s3], $0x10, $0x38;
	[tilespmem:$0x14780] =	vst v63  }
0x24: {  	_ =	swait.ge [sflag:s10], $0x10  }
0x25: {  	[sflag:s10] =	ssyncset.done $0x0  }
0x26: {  	[sflag:s10] =	ssyncadd.s32 $0xFFFFFFF0  }
0x27: {  	v1 =	vld [tilespmem:$0x0];
	_ =	sdelay $0x4  }
0x28: {  	(v2sf) =	vpush v1, $0x0;
	_ =	sdelay $0xd  }
0x29: {  	[tilespmem:s3], [sflag:$0x1] =	stream.linear.gather [hbm4b:s7+s3], $0x10, $0x38;
	[tilespmem:$0x14780] =	vst v63  }
0x2a: {  	s12 =	spop (v2sf)  }
0x2b: {  	_ =	swait.ge [sflag:s10], $0x10  }
0x2c: {  	[sflag:s10] =	ssyncset.done $0x0  }
0x2d: {  	p0 =	slt.s32 s12, $0x1;
	[sflag:s10] =	ssyncadd.s32 $0xFFFFFFF0  }
0x2e: {  	v1 =	vld @!p0 [tilespmem:$0x0];
	_ =	sdelay $0x4  }
0x2f: {  	(v2sf) =	vpush @!p0 v1, $0x0;
	_ =	sdelay $0xe  }
0x30: {  	s12 =	spop @!p0 (v2sf)  }
0x31: {  	s12 =	sshrl.u32 @!p0 s12, $0x3  }
0x32: {  	s14 =	simm.s32 @!p0 $0x0;
	s15 =	simm.s32 @!p0 $0x80;
	s13 =	sadd.s32 @!p0 s4, s12  }
0x33: {  	[tilespmem:s15], [sflag:$0x1] =	stream.linear.gather @!p0 [hbm4b:s13+s14], $0x100, $0x38;
	[tilespmem:$0x14780] =	vst v63  }
0x34: {  	s13 =	simm.s32 @!p0 $0x1  }
0x35: {  	s11 =	sadd.s32 $0x1, s11;
	_ =	swait.ge @!p0 [sflag:s13], $0x100  }
0x36: {  	p1 =	sne.s32 s11, s8;
	s12 =	sadd.s32 @!p0 s5, s12;
	[sflag:s13] =	ssyncset.done @!p0 $0x0  }
.Ltmp2:
0x37: {  	s15 =	simm.s32 @!p0 $0x180;
	[sflag:s13] =	ssyncadd.s32 @!p0 $0xFFFFFF00;
	(pc) =	sbr.rel @p1 .LBB2_1-.Ltmp2, $4  }
0x38: {  	[tilespmem:s15], [sflag:$0x1] =	stream.linear.gather @!p0 [hbm4b:s12+s14], $0x100, $0x38;
	[tilespmem:$0x14780] =	vst v63  }
0x39: {  	_ =	swait.ge @!p0 [sflag:s13], $0x100  }
0x3a: {  	[sflag:s13] =	ssyncset.done @!p0 $0x0  }
0x3b: {  	[sflag:s13] =	ssyncadd.s32 @!p0 $0xFFFFFF00  }
0x3c: {  	_ =	sfence.sel $0x180000  }
0x3d: {  	[bflag:$0x0] =	sbarrier.arrive $0xFFFF  }
0x3e: {  	p0 =	sne.s32 s2, $0x0;
	_ =	strace $0x90000056  }
0x3f: {  	s0 =	sadd.s32 @!p0 $0x100000, s0;
	[bflag:$0x2] =	sbarrier.arrive $0xFFFF  }
0x40: {  	[sflag:s0] =	ssyncadd.tile.s32 @!p0 $0x1;
	_ =	shalt  }
.Lfunc_end2:
_tile_overlayer_lowered:
.L_overlay_start_2:
0x41: {  	(tag) =	ssettag $0x2  }
0x42: {  	s0 =	rddreg [dreg:$0x0];
	s2 =	stileid.u32  }
0x43: {  	s1 =	rddreg [dreg:$0x1];
	p0 =	sne.s32 s2, $0x0  }
0x44: {  	s3 =	rddreg [dreg:$0x2];
	[bflag:$0x3] =	sbarrier.arrive $0xFFFF;
	s2 =	simm.s32 @!p0 $0x1C01  }
0x45: {  	[timem:s3], [sflag:s2] =	dma.local @!p0 [hbm:s0], s1  }
0x46: {  	s0 =	simm.s32 @!p0 $0x1  }
0x47: {  	_ =	swait.ge @!p0 [sflag:s0], s1  }
0x48: {  	s1 =	ssub.s32 @!p0 $0x0, s1;
	[sflag:s0] =	ssyncset.done @!p0 $0x0  }
0x49: {  	[sflag:s0] =	ssyncadd.s32 @!p0 s1  }
0x4a: {  	[bflag:$0x3] =	sbarrier.arrive $0xFFFF  }
0x4b: {  	_ =	shalt  }

// kernel: scatter_offload_async_start
scs
__scs_entry_jumppad:
0x0: {  	(pc) =	sbr.rel $0x88, $3  }
0x1: {  	(tag) =	ssettag $0x0;
	lr =	simm.s32 $0x1  }
0x2: {  	[smem:$0x3F95] =	sst lr;
	_ =	strace $0xD0000000  }
0x3: {  	_ = 	snop  }
0x4: {  	_ = 	snop  }
0x5: {  	_ = 	snop  }
0x6: {  	_ = 	snop  }
0x7: {  	_ = 	snop  }
__scs_overlays_trampoline_lowered:
0x8: {  	[smem:$0x3FA4] =	sst s0  }
0x9: {  	[smem:$0x3FA5] =	sst s1  }
0xa: {  	[smem:$0x3FA6] =	sst s2  }
0xb: {  	[smem:$0x3FA7] =	sst s3  }
0xc: {  	[smem:$0x3FA8] =	sst s4  }
0xd: {  	[smem:$0x3FA9] =	sst s5  }
0xe: {  	[smem:$0x3FAA] =	sst s6  }
0xf: {  	[smem:$0x3FAB] =	sst s7  }
0x10: {  	[smem:$0x3FAC] =	sst s8  }
0x11: {  	[smem:$0x3FAD] =	sst s9;
	s0 =	simm.s32 @!p0 $0x0  }
0x12: {  	s1 =	sld [smem:$0x3F93];
	s0 =	simm.s32 @p0 $0x1  }
0x13: {  	[smem:$0x3FAE] =	sst s0;
	s0 =	simm.s32 @!p1 $0x0  }
0x14: {  	s2 =	sld [smem:$0x3F92];
	s0 =	simm.s32 @p1 $0x1  }
0x15: {  	[smem:$0x3FAF] =	sst s0;
	s0 =	simm.s32 @!p2 $0x0  }
0x16: {  	s3 =	sld [smem:$0x3FDB];
	s0 =	simm.s32 @p2 $0x1  }
0x17: {  	s4 =	simm.s32 $0x1BF5;
	[smem:$0x3FB1] =	sst s0  }
0x18: {  	s0 =	sld [smem:$0x3F94];
	_ =	swait.ge [sflag:s4], $0x0  }
0x19: {  	s7 =	sld [smem:$0x3F95]  }
0x1a: {  	s8 =	sadd.s32 $0xFFFFE003, lr  }
0x1b: {  	s9 =	sadd.s32 $0xFFFFFEF7, lr;
	s5 =	simm.s32 $0xFFFFFFFF;
	p2 =	slt.u32 s8, $0xFFFFF086  }
0x1c: {  	p1 =	slt.u32 s9, $0xF7A;
	s5 =	simm.s32 @!p2 $0x0  }
0x1d: {  	s5 =	simm.s32 @p1 $0x1;
	p0 =	seq.s32 s7, s2  }
0x1e: {  	s7 =	smul.u32 @!p0 $0xF7A, s2;
	p2 =	seq.s32 @!p0 s5, $0x0  }
0x1f: {  	s9 =	smul.u32 $0xF7A, s1;
	s8 =	simm.s32 @!p0 $0x1BF5;
	p2 =	por !p2, p0  }
0x20: {  	[sflag:s8] =	ssyncset.s32 @!p0 $0xFFFFF086;
	s6 =	sadd.s32 @!p0 s3, s7;
	s7 =	simm.s32 @!p0 $0x108  }
0x21: {  	s3 =	sadd.s32 s3, s9;
	s6 =	sadd.s32 @!p0 $0x88, s6;
	s7 =	simm.s32 @p2 $0x1082  }
0x22: {  	[simem:s7], [sflag:s8] =	dma.local @!p0 [hbm:s6], $0xF7A  }
0x23: {  	s9 =	sor.u32 $0xD0000000, s2;
	s6 =	simm.s32 $0x108;
	_ =	swait.ge @!p0 [sflag:s8], $0x0  }
0x24: {  	s3 =	sadd.s32 $0x88, s3;
	s6 =	simm.s32 @!p1 $0x1082;
	[sflag:s4] =	ssyncset.s32 $0xFFFFF086  }
0x25: {  	[simem:s6], [sflag:s4] =	dma.local [hbm:s3], $0xF7A  }
0x26: {  	[smem:$0x3F95] =	sst s1;
	(tag) =	ssettag s2;
	_ =	strace s9  }
0x27: {  	s1 =	sld [smem:$0x3FA5]  }
0x28: {  	s2 =	sld [smem:$0x3FA6]  }
0x29: {  	s4 =	sld [smem:$0x3FA8]  }
0x2a: {  	p0 =	seq.s32 s5, $0x0;
	s5 =	sld [smem:$0x3FA9]  }
0x2b: {  	s6 =	sld [smem:$0x3FAA]  }
0x2c: {  	s7 =	sld [smem:$0x3FAB]  }
0x2d: {  	s3 =	simm.s32 $0x108;
	s8 =	sld [smem:$0x3FAC]  }
0x2e: {  	s3 =	simm.s32 @!p0 $0x1082;
	s9 =	sld [smem:$0x3FAD]  }
0x2f: {  	lr =	sadd.s32 s0, s3;
	s0 =	sld [smem:$0x3FA4]  }
0x30: {  	s3 =	sld [smem:$0x3FA7]  }
0x31: {  	[smem:$0x3FB0] =	sst s10  }
0x32: {  	s10 =	sld [smem:$0x3FAE];
	_ =	sdelay $0x3  }
0x33: {  	p0 =	seq.s32 s10, $0x1;
	s10 =	sld [smem:$0x3FB0];
	_ =	sdelay $0x3  }
0x34: {  	[smem:$0x3FB0] =	sst s10  }
0x35: {  	s10 =	sld [smem:$0x3FAF];
	_ =	sdelay $0x3  }
0x36: {  	p1 =	seq.s32 s10, $0x1;
	s10 =	sld [smem:$0x3FB0];
	_ =	sdelay $0x3  }
0x37: {  	[smem:$0x3FB0] =	sst s10  }
0x38: {  	s10 =	sld [smem:$0x3FB1]  }
0x39: {  	_ = 	snop;
	(pc) =	sbr.ind lr, $3  }
0x3a: {  	_ = 	snop  }
0x3b: {  	_ = 	snop  }
0x3c: {  	p2 =	seq.s32 s10, $0x1;
	s10 =	sld [smem:$0x3FB0]  }
0x3d: {  	_ =	shalt  }
0x3e: {  	_ =	shalt  }
0x3f: {  	_ =	shalt  }
0x40: {  	_ =	shalt  }
0x41: {  	_ =	shalt  }
0x42: {  	_ =	shalt  }
0x43: {  	_ =	shalt  }
0x44: {  	_ =	shalt  }
0x45: {  	_ =	shalt  }
0x46: {  	_ =	shalt  }
0x47: {  	_ =	shalt  }
0x48: {  	_ =	shalt  }
0x49: {  	_ =	shalt  }
0x4a: {  	_ =	shalt  }
0x4b: {  	_ =	shalt  }
0x4c: {  	_ =	shalt  }
0x4d: {  	_ =	shalt  }
0x4e: {  	_ =	shalt  }
0x4f: {  	_ =	shalt  }
0x50: {  	_ =	shalt  }
0x51: {  	_ =	shalt  }
0x52: {  	_ =	shalt  }
0x53: {  	_ =	shalt  }
0x54: {  	_ =	shalt  }
0x55: {  	_ =	shalt  }
0x56: {  	_ =	shalt  }
0x57: {  	_ =	shalt  }
0x58: {  	_ =	shalt  }
0x59: {  	_ =	shalt  }
0x5a: {  	_ =	shalt  }
0x5b: {  	_ =	shalt  }
0x5c: {  	_ =	shalt  }
0x5d: {  	_ =	shalt  }
0x5e: {  	_ =	shalt  }
0x5f: {  	_ =	shalt  }
0x60: {  	_ =	shalt  }
0x61: {  	_ =	shalt  }
0x62: {  	_ =	shalt  }
0x63: {  	_ =	shalt  }
0x64: {  	_ =	shalt  }
0x65: {  	_ =	shalt  }
0x66: {  	_ =	shalt  }
0x67: {  	_ =	shalt  }
0x68: {  	_ =	shalt  }
0x69: {  	_ =	shalt  }
0x6a: {  	_ =	shalt  }
0x6b: {  	_ =	shalt  }
0x6c: {  	_ =	shalt  }
0x6d: {  	_ =	shalt  }
0x6e: {  	_ =	shalt  }
0x6f: {  	_ =	shalt  }
0x70: {  	_ =	shalt  }
0x71: {  	_ =	shalt  }
0x72: {  	_ =	shalt  }
0x73: {  	_ =	shalt  }
0x74: {  	_ =	shalt  }
0x75: {  	_ =	shalt  }
0x76: {  	_ =	shalt  }
0x77: {  	_ =	shalt  }
0x78: {  	_ =	shalt  }
0x79: {  	_ =	shalt  }
0x7a: {  	_ =	shalt  }
0x7b: {  	_ =	shalt  }
0x7c: {  	_ =	shalt  }
0x7d: {  	_ =	shalt  }
0x7e: {  	_ =	shalt  }
0x7f: {  	_ =	shalt  }
0x80: {  	_ =	shalt  }
0x81: {  	_ =	shalt  }
0x82: {  	_ =	shalt  }
0x83: {  	_ =	shalt  }
0x84: {  	_ =	shalt  }
0x85: {  	_ =	shalt  }
0x86: {  	_ =	shalt  }
0x87: {  	_ =	shalt  }
.Lfunc_end0:
.L_simem_size_0:
called_computation_lowered:
.L_overlay_start_0:
0x88: {  	s0 =	sld [smem:$0x3FD9]  }
0x89: {  	s1 =	sld [smem:$0x3FFE];
	_ =	sdelay $0x3  }
0x8a: {  	s0 =	sadd.s32 s1, s0  }
0x8b: {  	[smem:$0x3FBC] =	sst s0  }
0x8c: {  	_ = 	snop  }
0x8d: {  	s0 =	sld [smem:$0x3FD0];
	(tm) =	ssettm $0x1  }
0x8e: {  	s16 =	sld [smem:$0x3FFB];
	_ =	sdelay $0x3  }
0x8f: {  	_ =	strace s16  }
0x90: {  	s1 =	sld [smem:$0x3FFC];
	_ =	sdelay $0x3  }
0x91: {  	_ =	strace s1  }
0x92: {  	s1 =	sld [smem:$0x3FFD];
	_ =	sdelay $0x3  }
0x93: {  	_ =	strace s1  }
0x94: {  	_ =	strace $0x8FFFFFFF  }
0x95: {  	s17 =	sld [smem:$0x3FDB];
	_ =	sdelay $0x1  }
0x96: {  	s2 =	simm.s32 $_scs_section_size  }
0x97: {  	s3 =	simm.s32 $_size__tile_overlayer_lowered;
	s4 =	simm.s32 $_tile_overlayer_lowered  }
0x98: {  	s20 =	simm.s32 $0x1BFF;
	s19 =	sshll.u32 s4, $0x1;
	s1 =	sadd.s32 s2, s17  }
0x99: {  	s5 =	simm.s32 $0x0;
	s18 =	sshll.u32 s3, $0x1;
	s3 =	sadd.s32 s19, s1  }
0x9a: {  	[timem:s5], [sflag:s20] =	dma.local [hbm:s3], s18  }
0x9b: {  	_ =	swait.ge [sflag:s20], s18  }
0x9c: {  	s2 =	ssub.s32 $0x0, s18;
	[sflag:s20] =	ssyncset.done $0x0  }
0x9d: {  	[sflag:s20] =	ssyncadd.s32 s2;
	_ =	sdelay $0x1  }
0x9e: {  	s21 =	simm.s32 $0x1B8B  }
0x9f: {  	_ =	swait.ge [sflag:s21], $0x1  }
0xa0: {  	[sflag:s21] =	ssyncset.done $0x0  }
0xa1: {  	s23 =	simm.s32 $0x1B8E;
	s22 =	sld [smem:$0x3FFE];
	[sflag:s21] =	ssyncadd.s32 $0xFFFFFFFF  }
0xa2: {  	s24 =	simm.s32 $execute0_lowered;
	[smem:$0x3FD2] =	sst s23  }
0xa3: {  	s3 =	sshll.u32 s24, $0x1;
	_ =	strace $0x8000004F;
	[dreg:$0x1] =	wrdreg $0xFFFFFFFF  }
0xa4: {  	s25 =	simm.s32 $_size_execute0_lowered;
	s1 =	sadd.s32 s1, s3;
	[dreg:$0x0] =	wrdreg $0x0  }
0xa5: {  	s3 =	sshll.u32 s25, $0x1;
	[dreg:$0x2] =	wrdreg s1  }
0xa6: {  	[dreg:$0x3] =	wrdreg s3  }
0xa7: {  	[dreg:$0x4] =	wrdreg $0xC0  }
0xa8: {  	_ =	task [dreg:s5], $0x5FFFF  }
0xa9: {  	[dreg:$0x1] =	wrdreg $0xFFFFFFFF  }
0xaa: {  	[dreg:$0x0] =	wrdreg $0x60  }
0xab: {  	[dreg:$0x2] =	wrdreg s22  }
0xac: {  	[dreg:$0x3] =	wrdreg s0  }
0xad: {  	[dreg:$0x4] =	wrdreg $0x9  }
0xae: {  	_ =	task.clear_ibuf [dreg:s5], $0x5FFFF;
	_ =	strace $0x9000004F  }
0xaf: {  	s26 =	simm.s32 $0x9;
	_ =	strace $0x80000051  }
0xb0: {  	_ =	swait.ge [sflag:s26], $0x1  }
0xb1: {  	[sflag:s26] =	ssyncadd.s32 $0xFFFFFFFF  }
0xb2: {  	_ =	strace $0x90000051  }
0xb3: {  	_ =	sfence  }
0xb4: {  	s28 =	sld [smem:$0x0];
	_ =	sdelay $0x1  }
0xb5: {  	s29 =	srdreg.scid  }
0xb6: {  	s30 =	sshll.u32 s29, $0xD;
	s31 =	sshrl.u32 s29, $0x2  }
0xb7: {  	s2 =	sand.u32 $0x4000, s30;
	s1 =	sand.u32 $0x1, s29;
	s0 =	sadd.s32 s31, s28  }
0xb8: {  	s1 =	sor.u32 s2, s1;
	s0 =	sshll.u32 s0, $0x11  }
0xb9: {  	s0 =	sor.u32 s0, s1  }
0xba: {  	s0 =	sadd.s32 $0x8F2B, s0  }
0xbb: {  	[sflag:s0] =	ssyncadd.remote.s32 $0x1  }
0xbc: {  	_ =	sfence.sel $0xFFFF  }
0xbd: {  	[dreg:$0x0] =	wrdreg $0xFFFFFFFF;
	(pc) =	sbr.abs _section_cstart, $3  }
0xbe: {  	[dreg:$0x1] =	wrdreg $0xFFFFFFFF  }
0xbf: {  	_ =	task.clear_ibuf [dreg:s5], $0x2FFFF;
	_ =	strace $0x9FFFFFFF  }
0xc0: {  	(tm) =	ssettm $0x7FFFFFFF  }
0xc1: {  	_ =	shalt  }
tec
execute0_lowered:
.L_overlay_start_1:
0x0: {  	(tag) =	ssettag $0x1  }
0x1: {  	s1 =	rddreg [dreg:$0x0]  }
0x2: {  	s2 =	rddreg [dreg:$0x1]  }
0x3: {  	s0 =	rddreg [dreg:$0x2];
	_ =	strace $0x80000050;
	s3 =	stileid.u32  }
0x4: {  	s5 =	simm.s32 $0x3E;
	s4 =	sadd.s32 $0x93200, s1;
	p0 =	sne.s32 s3, $0x0  }
0x5: {  	[sflag:s5] =	ssyncpa.u1 $0x0;
	s6 =	simm.s32 @!p0 $0x1C3E;
	s7 =	simm.s32 @!p0 $0x0  }
0x6: {  	[spmem:s7], [sflag:s6] =	dma.local @!p0 [hbm:s4], $0x5E80  }
0x7: {  	s6 =	simm.s32 @!p0 $0x3E  }
0x8: {  	_ =	swait.ge @!p0 [sflag:s6], $0x5E80  }
0x9: {  	[sflag:s6] =	ssyncset.done @!p0 $0x0  }
0xa: {  	[sflag:s6] =	ssyncadd.s32 @!p0 $0xFFFFA180  }
0xb: {  	s25 =	simm.s32 $0x1;
	s26 =	simm.s32 $0x2;
	[bflag:$0x0] =	sbarrier.arrive $0xFFFF  }
0xc: {  	s8 =	simm.s32 $0x0;
	s9 =	simm.s32 $0x2F60;
	[sflag:s5] =	ssyncpa.u1 $0x1  }
0xd: {  	s1 =	sadd.s32 $0x1200, s1;
	s3 =	sshll.u32 s3, $0x2;
	[sflag:s25] =	ssyncpa.u1 $0x0  }
0xe: {  	s2 =	sadd.s32 s2, s3;
	(ifvalue) =	ssetifvalue $0x2F400;
	[sflag:s26] =	ssyncpa.u1 $0x0  }
0xf: {  	[tilespmem:s9], [sflag:$0x2] =	stream.linear.gather [hbm4b:s2+s8], $0x20, $0x38;
	[tilespmem:$0x2FC0] =	vst v63  }
0x10: {  	s28 =	simm.s32 $0x2FA0;
	s1 =	sadd.s32 s1, s3  }
0x11: {  	[tilespmem:s28], [sflag:$0x2] =	stream.linear.gather [hbm4b:s1+s8], $0x20, $0x38;
	[tilespmem:$0x2FC0] =	vst v63  }
0x12: {  	_ =	swait.ge [sflag:s26], $0x40  }
0x13: {  	[sflag:s26] =	ssyncset.done $0x0  }
0x14: {  	[sflag:s26] =	ssyncadd.s32 $0xFFFFFFC0  }
0x15: {  	v0 =	vld.msk [tilespmem:s9+$0x0 ss:$0x1], $0xffff;
	_ =	sdelay $0x4  }
0x16: {  	v0 =	vmin.u32 v0, $0x2F400;
	_ =	sdelay $0x3  }
0x17: {  	vm0 =	vmmov $0xffff;
	s29 =	simm.s32 $0x2F70  }
0x18: {  	[spmem:s8] =	stream.indirect_vreg.scatter.add.s32 [tilespmem:s28], [sflag:$0x1], $0x1, v0, vm0, $0x4038;
	[tilespmem:$0x2FC0] =	vst v63  }
0x19: {  	v0 =	vld.msk [tilespmem:s29+$0x0 ss:$0x1], $0xffff;
	_ =	sdelay $0x4  }
0x1a: {  	v0 =	vmin.u32 v0, $0x2F400;
	_ =	sdelay $0x3  }
0x1b: {  	s30 =	simm.s32 $0x2FB0  }
0x1c: {  	[spmem:s8] =	stream.indirect_vreg.scatter.add.s32 [tilespmem:s30], [sflag:$0x1], $0x1, v0, vm0, $0x4038;
	[tilespmem:$0x2FC0] =	vst v63  }
0x1d: {  	_ =	swait.ge [sflag:s25], $0x20  }
0x1e: {  	[sflag:s25] =	ssyncset.done $0x0  }
0x1f: {  	[sflag:s25] =	ssyncadd.s32 $0xFFFFFFE0  }
0x20: {  	_ =	sfence.sel $0x180000  }
0x21: {  	[bflag:$0x0] =	sbarrier.arrive $0xFFFF  }
0x22: {  	[sflag:s26] =	ssyncpa.u1 $0x1  }
0x23: {  	[sflag:s25] =	ssyncpa.u1 $0x1  }
0x24: {  	_ =	sfence.stream.spmem  }
0x25: {  	s31 =	simm.s32 $0x3D;
	[bflag:$0x0] =	sbarrier.arrive $0xFFFF  }
0x26: {  	s1 =	simm.s32 @p0 $0x3D;
	[sflag:s31] =	ssyncpa.u1 $0x0  }
0x27: {  	[sflag:s1] =	ssyncpa.u1 @p0 $0x1  }
0x28: {  	[bflag:$0x0] =	sbarrier.arrive @p0 $0xFFFF  }
0x29: {  	_ =	strace @p0 $0x90000050  }
0x2a: {  	s1 =	simm.s32 @!p0 $0x1C3D;
	[bflag:$0x2] =	sbarrier.arrive @p0 $0xFFFF  }
0x2b: {  	[hbm:s4], [sflag:s1] =	dma.local @!p0 [spmem:s7], $0x5E80  }
0x2c: {  	s1 =	simm.s32 @!p0 $0x3D  }
0x2d: {  	_ =	swait.ge @!p0 [sflag:s1], $0x5E80  }
0x2e: {  	[sflag:s1] =	ssyncset.done @!p0 $0x0  }
0x2f: {  	[sflag:s1] =	ssyncadd.s32 @!p0 $0xFFFFA180  }
0x30: {  	[sflag:s1] =	ssyncpa.u1 @!p0 $0x1  }
0x31: {  	[bflag:$0x0] =	sbarrier.arrive @!p0 $0xFFFF  }
0x32: {  	_ =	strace @!p0 $0x90000050  }
0x33: {  	s0 =	sadd.s32 @!p0 $0x100000, s0;
	[bflag:$0x2] =	sbarrier.arrive @!p0 $0xFFFF  }
0x34: {  	[sflag:s0] =	ssyncadd.tile.s32 @!p0 $0x1;
	_ =	shalt  }
.Lfunc_end2:
_tile_overlayer_lowered:
.L_overlay_start_2:
0x35: {  	(tag) =	ssettag $0x2  }
0x36: {  	s0 =	rddreg [dreg:$0x0];
	s2 =	stileid.u32  }
0x37: {  	s1 =	rddreg [dreg:$0x1];
	p0 =	sne.s32 s2, $0x0  }
0x38: {  	s3 =	rddreg [dreg:$0x2];
	[bflag:$0x3] =	sbarrier.arrive $0xFFFF;
	s2 =	simm.s32 @!p0 $0x1C01  }
0x39: {  	[timem:s3], [sflag:s2] =	dma.local @!p0 [hbm:s0], s1  }
0x3a: {  	s0 =	simm.s32 @!p0 $0x1  }
0x3b: {  	_ =	swait.ge @!p0 [sflag:s0], s1  }
0x3c: {  	s1 =	ssub.s32 @!p0 $0x0, s1;
	[sflag:s0] =	ssyncset.done @!p0 $0x0  }
0x3d: {  	[sflag:s0] =	ssyncadd.s32 @!p0 s1  }
0x3e: {  	[bflag:$0x3] =	sbarrier.arrive $0xFFFF  }
0x3f: {  	_ =	shalt  }

</sc_bundles>
